<compile_context>
chip_gen: v7x
topology: tpu7x:2x2x1
jax: 0.10.2.dev20260603
libtpu: 0.0.44.dev20260713+nightly
codegen_flags: <defaults>
</compile_context>

<pallas_src>
import functools

import jax
import jax.numpy as jnp
from jax import lax
from jax.experimental import pallas as pl
from jax.experimental.pallas import tpu as pltpu
from jax.experimental.pallas import tpu_sc as plsc

N = 10000
NP = 10240
E = 160000
EP = 163840
NW = 32
NB = EP // NW // 128
CHK = 2048
NEG = -3.0e38

_MESH = plsc.VectorSubcoreMesh(core_axis_name="c", subcore_axis_name="s")
_DOT00 = (((0,), (0,)), ((), ()))
_DOT01 = (((0,), (1,)), ((), ()))



def _make_gather(D):
    @functools.partial(
        pl.kernel,
        out_type=jax.ShapeDtypeStruct((EP, D), jnp.float32),
        mesh=_MESH,
        scratch_types=[
            pltpu.VMEM((NB, 128), jnp.int32),
            pltpu.VMEM((128, D), jnp.float32),
            pltpu.VMEM_SHARED((NP, D), jnp.float32),
            pltpu.SemaphoreType.DMA,
        ],
    )
    def g(tab_hbm, idx_hbm, out_hbm, idxv, rowv, sp_tab, sem):
        s = lax.axis_index("s")
        w = lax.axis_index("c") * 16 + s
        rows = NP // 16
        pltpu.sync_copy(tab_hbm.at[pl.ds(s * rows, rows)],
                        sp_tab.at[pl.ds(s * rows, rows)])
        pltpu.sync_copy(idx_hbm.at[w], idxv)
        plsc.subcore_barrier()

        def body(j, carry):
            pltpu.async_copy(sp_tab.at[idxv.at[j]], rowv, sem).wait()
            pltpu.sync_copy(rowv, out_hbm.at[pl.ds(w * NB * 128 + j * 128, 128)])
            return carry

        lax.fori_loop(0, NB, body, 0)

    return g


def _make_scatter_add(D):
    @functools.partial(
        pl.kernel,
        out_type=jax.ShapeDtypeStruct((2, NP, D), jnp.float32),
        mesh=_MESH,
        scratch_types=[
            pltpu.VMEM((NB, 128), jnp.int32),
            pltpu.VMEM((128, D), jnp.float32),
            pltpu.VMEM_SHARED((NP, D), jnp.float32),
        ],
    )
    def g(val_hbm, idx_hbm, zero_hbm, out_hbm, idxv, valv, table):
        c = lax.axis_index("c")
        s = lax.axis_index("s")
        w = c * 16 + s
        rows = NP // 16
        pltpu.sync_copy(zero_hbm.at[pl.ds(s * rows, rows)],
                        table.at[pl.ds(s * rows, rows)])
        plsc.subcore_barrier()
        pltpu.sync_copy(idx_hbm.at[w], idxv)

        def body(j, carry):
            pltpu.sync_copy(val_hbm.at[w, j], valv)
            pltpu.sync_copy(valv, table.at[idxv.at[j]], add=True)
            return carry

        lax.fori_loop(0, NB, body, 0)
        plsc.subcore_barrier()
        pltpu.sync_copy(table.at[pl.ds(s * rows, rows)],
                        out_hbm.at[c, pl.ds(s * rows, rows)])

    return g


def _make_gather_scatter_add(D):
    @functools.partial(
        pl.kernel,
        out_type=jax.ShapeDtypeStruct((2, NP, D), jnp.float32),
        mesh=_MESH,
        scratch_types=[
            pltpu.VMEM((NB, 128), jnp.int32),
            pltpu.VMEM((NB, 128), jnp.int32),
            pltpu.VMEM((128, D), jnp.float32),
            pltpu.VMEM_SHARED((NP, D), jnp.float32),
            pltpu.VMEM_SHARED((NP, D), jnp.float32),
            pltpu.SemaphoreType.DMA,
        ],
    )
    def g(tab_hbm, src_hbm, dst_hbm, zero_hbm, out_hbm, idxs, idxd, rowv,
          table, sp_tab, sem):
        c = lax.axis_index("c")
        s = lax.axis_index("s")
        w = c * 16 + s
        rows = NP // 16
        pltpu.sync_copy(zero_hbm.at[pl.ds(s * rows, rows)],
                        table.at[pl.ds(s * rows, rows)])
        pltpu.sync_copy(tab_hbm.at[pl.ds(s * rows, rows)],
                        sp_tab.at[pl.ds(s * rows, rows)])
        plsc.subcore_barrier()
        pltpu.sync_copy(src_hbm.at[w], idxs)
        pltpu.sync_copy(dst_hbm.at[w], idxd)

        def body(j, carry):
            pltpu.async_copy(sp_tab.at[idxs.at[j]], rowv, sem).wait()
            pltpu.sync_copy(rowv, table.at[idxd.at[j]], add=True)
            return carry

        lax.fori_loop(0, NB, body, 0)
        plsc.subcore_barrier()
        pltpu.sync_copy(table.at[pl.ds(s * rows, rows)],
                        out_hbm.at[c, pl.ds(s * rows, rows)])

    return g


def _make_scatter_max():
    nq = EP // 4
    nchunk = nq // CHK

    @functools.partial(
        pl.kernel,
        out_type=jax.ShapeDtypeStruct((4, 64, NP), jnp.float32),
        mesh=_MESH,
        scratch_types=[
            pltpu.VMEM((8, CHK), jnp.float32),
            pltpu.VMEM((CHK,), jnp.int32),
            pltpu.VMEM((8, NP), jnp.float32),
        ],
        compiler_params=pltpu.CompilerParams(needs_layout_passes=False),
    )
    def g(mT_hbm, dst_hbm, neg_hbm, out_hbm, mbuf, dbuf, table):
        c = lax.axis_index("c")
        s = lax.axis_index("s")
        cg = s & 7
        q = c * 2 + (s >> 3)
        lane = lax.broadcasted_iota(jnp.int32, (16,), 0)
        half = (lane >= 8).astype(jnp.int32)
        lane7 = lane & 7

        pltpu.sync_copy(neg_hbm, table)

        def chunk(t, carry):
            off = q * nq + t * CHK
            pltpu.sync_copy(mT_hbm.at[pl.ds(cg * 8, 8), pl.ds(off, CHK)], mbuf)
            pltpu.sync_copy(dst_hbm.at[pl.ds(off, CHK)], dbuf)

            def pair(e2, carry2):
                e = e2 * 2
                ev = jnp.full((16,), e, jnp.int32)
                ia = ev + half
                ib = ev + (1 - half)
                dstv = plsc.load_gather(dbuf, [ia])
                dsw = plsc.load_gather(dbuf, [ib])
                v = plsc.load_gather(mbuf, [lane7, ia])
                vsw = plsc.load_gather(mbuf, [lane7, ib])
                v = jnp.where(dstv == dsw, jnp.maximum(v, vsw), v)
                t0 = plsc.load_gather(table, [lane7, dstv])
                plsc.store_scatter(table, [lane7, dstv], jnp.maximum(t0, v))
                return carry2

            lax.fori_loop(0, CHK // 2, pair, 0)
            return carry

        lax.fori_loop(0, nchunk, chunk, 0)
        pltpu.sync_copy(table, out_hbm.at[q, pl.ds(cg * 8, 8)])

    return g



def _t1_body(efT_ref, xs_ref, W1_ref, b1_ref, W2_ref, b2_ref, I512_ref,
             I32_ref, out_ref):
    hT = jnp.maximum(
        lax.dot_general(W1_ref[...], efT_ref[...], _DOT00,
                        preferred_element_type=jnp.float32) + b1_ref[...], 0.0)
    WeT = lax.dot_general(W2_ref[...], hT, _DOT00,
                          preferred_element_type=jnp.float32) + b2_ref[...]
    xsT = lax.dot_general(xs_ref[...], I512_ref[...], _DOT00,
                          preferred_element_type=jnp.float32)
    acc = WeT[0:32, :] * xsT[0:1, :]
    for i in range(1, 17):
        acc = acc + WeT[32 * i:32 * i + 32, :] * xsT[i:i + 1, :]
    out_ref[...] = lax.dot_general(acc, I32_ref[...], _DOT00,
                                   preferred_element_type=jnp.float32)


def _t2_body(s1_ref, x_ref, Wr_ref, br_ref, WA_ref, bA_ref, WB_ref,
             P_ref, Q_ref):
    x1 = jnp.maximum(
        s1_ref[0] + s1_ref[1]
        + jnp.dot(x_ref[...], Wr_ref[...], preferred_element_type=jnp.float32)
        + br_ref[...], 0.0)
    P_ref[...] = jnp.dot(x1, WA_ref[...],
                         preferred_element_type=jnp.float32) + bA_ref[...]
    Q_ref[...] = jnp.dot(x1, WB_ref[...], preferred_element_type=jnp.float32)


def _t3_body(uP_ref, uQ_ref, Wb_ref, bb_ref, out_ref):
    r = jnp.maximum(uP_ref[...] + uQ_ref[...], 0.0)
    out_ref[...] = lax.dot_general(Wb_ref[...], r, _DOT01,
                                   preferred_element_type=jnp.float32) + bb_ref[...]


def _t4_body(agg_ref, WA_ref, bA_ref, WB_ref, P_ref, Q_ref):
    xm = jnp.maximum(jnp.maximum(agg_ref[0], agg_ref[1]),
                     jnp.maximum(agg_ref[2], agg_ref[3]))
    x2T = jnp.maximum(xm, 0.0)
    P_ref[...] = lax.dot_general(x2T, WA_ref[...], _DOT00,
                                 preferred_element_type=jnp.float32) + bA_ref[...]
    Q_ref[...] = lax.dot_general(x2T, WB_ref[...], _DOT00,
                                 preferred_element_type=jnp.float32)


def _celu(v):
    return jnp.where(v > 0, v, jnp.exp(jnp.minimum(v, 0.0)) - 1.0)


def _t7_body(s4_ref, r4_ref, brel_ref, L1w_ref, L1b_ref, L2w_ref, L2b_ref,
             L3w_ref, L3b_ref, out_ref, acc_ref):
    i = pl.program_id(0)
    x4 = jnp.maximum(s4_ref[0] + s4_ref[1] + r4_ref[...] + brel_ref[...], 0.0)
    rowid = i * 256 + lax.broadcasted_iota(jnp.int32, (256, 1), 0)
    x4 = jnp.where(rowid < N, x4, 0.0)
    bs = jnp.sum(x4, axis=0, keepdims=True)

    @pl.when(i == 0)
    def _():
        acc_ref[...] = bs

    @pl.when(i > 0)
    def _():
        acc_ref[...] = acc_ref[...] + bs

    @pl.when(i == NP // 256 - 1)
    def _():
        pooled = acc_ref[...] * (1.0 / N)
        h1 = _celu(jnp.dot(pooled, L1w_ref[...],
                           preferred_element_type=jnp.float32) + L1b_ref[...])
        h2 = _celu(jnp.dot(h1, L2w_ref[...],
                           preferred_element_type=jnp.float32) + L2b_ref[...])
        out_ref[...] = jnp.dot(h2, L3w_ref[...],
                               preferred_element_type=jnp.float32) + L3b_ref[...]


def _full(shape):
    return pl.BlockSpec(shape, lambda i: tuple(0 for _ in shape))



_gather64 = _make_gather(64)
_gather32 = _make_gather(32)
_scatter_add32 = _make_scatter_add(32)
_scatter_add64 = _make_scatter_add(64)
_scatter_max = _make_scatter_max()


def kernel(x, edge_index, edge_features, W1, b1, W2, b2, Wroot1, broot1, Wa,
           ba, Wb, bb, Wc, bc, Wd, bd, Wrel, brel, Wroot4, L1w, L1b, L2w,
           L2b, L3w, L3b):
    f32 = jnp.float32
    src = edge_index[0]
    dst = edge_index[1]
    padi = (N + jnp.arange(EP - E, dtype=jnp.int32) % 240).astype(jnp.int32)
    srcp = jnp.concatenate([src, padi])
    dstp = jnp.concatenate([dst, padi])
    src_r = srcp.reshape(NW, NB, 128)
    dst_r = dstp.reshape(NW, NB, 128)

    xpad = jnp.pad(x, ((0, NP - N), (0, 32 - 17)))
    efT = jnp.pad(edge_features.T, ((0, 0), (0, EP - E)))

    zeros64 = jnp.zeros((NP, 64), f32)
    zeros32 = jnp.zeros((NP, 32), f32)
    neg8 = jnp.full((8, NP), NEG, f32)
    I512 = jnp.eye(512, dtype=f32)
    I32 = jnp.eye(32, dtype=f32)

    Wroot1p = jnp.zeros((32, 32), f32).at[:17, :].set(Wroot1)
    WaP = Wa[:32] - Wa[32:]
    Wa2 = Wa[32:]
    WcP = Wc[:64] - Wc[64:]
    Wc2 = Wc[64:]
    z64row = jnp.zeros((1, 64), f32)

    xs = jnp.take(xpad, srcp, axis=0)
    nt = EP // 512
    msg = pl.pallas_call(
        _t1_body,
        grid=(nt,),
        in_specs=[
            pl.BlockSpec((4, 512), lambda i: (0, i)),
            pl.BlockSpec((512, 32), lambda i: (i, 0)),
            _full((4, 200)), _full((200, 1)), _full((200, 544)),
            _full((544, 1)), _full((512, 512)), _full((32, 32)),
        ],
        out_specs=pl.BlockSpec((512, 32), lambda i: (i, 0)),
        out_shape=jax.ShapeDtypeStruct((EP, 32), f32),
    )(efT, xs, W1, b1.reshape(200, 1), W2, b2.reshape(544, 1), I512, I32)

    s1 = jnp.stack([jax.ops.segment_sum(msg, dstp, num_segments=NP),
                    zeros32])

    nn = NP // 256
    P2, Q2 = pl.pallas_call(
        _t2_body,
        grid=(nn,),
        in_specs=[
            pl.BlockSpec((2, 256, 32), lambda i: (0, i, 0)),
            pl.BlockSpec((256, 32), lambda i: (i, 0)),
            _full((32, 32)), _full((1, 32)), _full((32, 64)),
            _full((1, 64)), _full((32, 64)),
        ],
        out_specs=[pl.BlockSpec((256, 64), lambda i: (i, 0)),
                   pl.BlockSpec((256, 64), lambda i: (i, 0))],
        out_shape=[jax.ShapeDtypeStruct((NP, 64), f32),
                   jax.ShapeDtypeStruct((NP, 64), f32)],
    )(s1, xpad, Wroot1p, broot1.reshape(1, 32), WaP, ba.reshape(1, 64), Wa2)

    def edge_conv(P, Q, Wlin, blin, WAn, bAn, WBn):
        uP = jnp.take(P, dstp, axis=0)
        uQ = jnp.take(Q, srcp, axis=0)
        mT = pl.pallas_call(
            _t3_body,
            grid=(nt,),
            in_specs=[
                pl.BlockSpec((512, 64), lambda i: (i, 0)),
                pl.BlockSpec((512, 64), lambda i: (i, 0)),
                _full((64, 64)), _full((64, 1)),
            ],
            out_specs=pl.BlockSpec((64, 512), lambda i: (0, i)),
            out_shape=jax.ShapeDtypeStruct((64, EP), f32),
        )(uP, uQ, Wlin, blin.reshape(64, 1))
        aggx = jax.ops.segment_max(mT.T, dstp, num_segments=NP)
        aggx = jnp.where(jnp.isneginf(aggx), NEG, aggx)
        agg = jnp.stack([aggx.T, jnp.full((64, NP), NEG, jnp.float32),
                         jnp.full((64, NP), NEG, jnp.float32),
                         jnp.full((64, NP), NEG, jnp.float32)])
        return pl.pallas_call(
            _t4_body,
            grid=(nn,),
            in_specs=[
                pl.BlockSpec((4, 64, 256), lambda i: (0, 0, i)),
                _full((64, 64)), _full((1, 64)), _full((64, 64)),
            ],
            out_specs=[pl.BlockSpec((256, 64), lambda i: (i, 0)),
                       pl.BlockSpec((256, 64), lambda i: (i, 0))],
            out_shape=[jax.ShapeDtypeStruct((NP, 64), f32),
                       jax.ShapeDtypeStruct((NP, 64), f32)],
        )(agg, WAn, bAn, WBn)

    P3, Q3 = edge_conv(P2, Q2, Wb, bb, WcP, bc.reshape(1, 64), Wc2)
    y, r4 = edge_conv(P3, Q3, Wd, bd, Wrel, z64row, Wroot4)

    ys = jnp.take(y, srcp, axis=0)
    s4 = jnp.stack([jax.ops.segment_sum(ys, dstp, num_segments=NP),
                    zeros64])

    out = pl.pallas_call(
        _t7_body,
        grid=(nn,),
        in_specs=[
            pl.BlockSpec((2, 256, 64), lambda i: (0, i, 0)),
            pl.BlockSpec((256, 64), lambda i: (i, 0)),
            _full((1, 64)), _full((64, 1000)), _full((1, 1000)),
            _full((1000, 1000)), _full((1, 1000)), _full((1000, 1)),
            _full((1, 1)),
        ],
        out_specs=_full((1, 1)),
        out_shape=jax.ShapeDtypeStruct((1, 1), f32),
        scratch_shapes=[pltpu.VMEM((1, 64), f32)],
    )(s4, r4, brel.reshape(1, 64), L1w, L1b.reshape(1, 1000), L2w,
      L2b.reshape(1, 1000), L3w, L3b.reshape(1, 1))
    return out

# --- scband reference (transcript-rebuilt; emitter-appended) ---
"""Pipeline reference for scband-graph-net-1108101562668 (READ-ONLY COPY).

The authoritative reference and input builder live on the scoring server;
editing this copy changes nothing except your own understanding.
"""

import jax, jax.numpy as jnp
import numpy as np

N1, N2, N3, N4 = 32, 64, 64, 64
N_NODES = 10000
N_EDGES = 160000

def _lin(key, fan_in, fan_out):
    return (jax.random.normal(key, (fan_in, fan_out), dtype=jnp.float32) / np.sqrt(fan_in)).astype(jnp.float32)

def setup_inputs(seed: int = 0):
    key = jax.random.key(seed)
    ks = jax.random.split(key, 20)
    inp = {}
    inp['x'] = jax.random.normal(ks[0], (N_NODES, 17), dtype=jnp.float32)
    inp['edge_index'] = jax.random.randint(ks[1], (2, N_EDGES), 0, N_NODES, dtype=jnp.int32)
    inp['edge_features'] = jax.random.uniform(ks[2], (N_EDGES, 4), dtype=jnp.float32)
    inp['W1'] = _lin(ks[3], 4, 200); inp['b1'] = jnp.zeros((200,), jnp.float32)
    inp['W2'] = _lin(ks[4], 200, 17 * N1); inp['b2'] = jnp.zeros((17 * N1,), jnp.float32)
    inp['Wroot1'] = _lin(ks[5], 17, N1); inp['broot1'] = jnp.zeros((N1,), jnp.float32)
    inp['Wa'] = _lin(ks[6], 2 * N1, N2); inp['ba'] = jnp.zeros((N2,), jnp.float32)
    inp['Wb'] = _lin(ks[7], N2, N2); inp['bb'] = jnp.zeros((N2,), jnp.float32)
    inp['Wc'] = _lin(ks[8], 2 * N2, N3); inp['bc'] = jnp.zeros((N3,), jnp.float32)
    inp['Wd'] = _lin(ks[9], N3, N3); inp['bd'] = jnp.zeros((N3,), jnp.float32)
    inp['Wrel'] = _lin(ks[10], N3, N4); inp['brel'] = jnp.zeros((N4,), jnp.float32)
    inp['Wroot4'] = _lin(ks[11], N3, N4)
    inp['L1w'] = _lin(ks[12], N4, 1000); inp['L1b'] = jnp.zeros((1000,), jnp.float32)
    inp['L2w'] = _lin(ks[13], 1000, 1000); inp['L2b'] = jnp.zeros((1000,), jnp.float32)
    inp['L3w'] = _lin(ks[14], 1000, 1); inp['L3b'] = jnp.zeros((1,), jnp.float32)
    return inp

def _edge_conv(x, src, dst, Wa, ba, Wb, bb, n_nodes):
    # PyG EdgeConv: message = nn(cat([x_i, x_j - x_i])), aggr='max' at target i=dst
    xi = x[dst]
    xj = x[src]
    m = jnp.concatenate([xi, xj - xi], axis=-1)
    m = jax.nn.relu(m @ Wa + ba) @ Wb + bb
    agg = jax.ops.segment_max(m, dst, num_segments=n_nodes)
    return jnp.where(jnp.isneginf(agg), 0.0, agg)

def reference(x, edge_index, edge_features, W1, b1, W2, b2, Wroot1, broot1, Wa, ba, Wb, bb, Wc, bc, Wd, bd, Wrel, brel, Wroot4, L1w, L1b, L2w, L2b, L3w, L3b):
    src = edge_index[0]
    dst = edge_index[1]
    n = x.shape[0]
    # conv_1: NNConv(17 -> N1), aggr='add', root weight + bias
    h = jax.nn.relu(edge_features @ W1 + b1)
    We = (h @ W2 + b2).reshape(-1, 17, N1)
    msg = jnp.einsum('ei,eio->eo', x[src], We)
    x1 = jax.ops.segment_sum(msg, dst, num_segments=n) + x @ Wroot1 + broot1
    x1 = jax.nn.relu(x1)
    # conv_2 / conv_3: EdgeConv (max aggregation)
    x2 = jax.nn.relu(_edge_conv(x1, src, dst, Wa, ba, Wb, bb, n))
    x3 = jax.nn.relu(_edge_conv(x2, src, dst, Wc, bc, Wd, bd, n))
    # conv_4: GraphConv(N3 -> N4), aggr='add': lin_rel(sum_j x_j) + lin_root(x)
    aggr = jax.ops.segment_sum(x3[src], dst, num_segments=n)
    x4 = jax.nn.relu(aggr @ Wrel + brel + x3 @ Wroot4)
    # no batch attr -> mean over nodes, keepdim
    pooled = jnp.mean(x4, axis=0, keepdims=True)
    # dropout (eval mode -> identity)
    h1 = jax.nn.celu(pooled @ L1w + L1b)
    h2 = jax.nn.celu(h1 @ L2w + L2b)
    return h2 @ L3w + L3b

if __name__ == "__main__":
    import jax
    _d = setup_inputs()
    print(jax.jit(kernel)(*tuple(_d.values())))

</pallas_src>

<mosaic_0001>
module attributes {stable_mosaic.version = 14 : i64} {
  func.func @_t1_body(%arg0: i32, %arg1: memref<4x512xf32, #tpu.memory_space<vmem>>, %arg2: memref<512x32xf32, #tpu.memory_space<vmem>>, %arg3: memref<4x200xf32, #tpu.memory_space<vmem>>, %arg4: memref<200x1xf32, #tpu.memory_space<vmem>>, %arg5: memref<200x544xf32, #tpu.memory_space<vmem>>, %arg6: memref<544x1xf32, #tpu.memory_space<vmem>>, %arg7: memref<512x512xf32, #tpu.memory_space<vmem>>, %arg8: memref<32x32xf32, #tpu.memory_space<vmem>>, %arg9: memref<512x32xf32, #tpu.memory_space<vmem>>) attributes {dimension_semantics = [#tpu.dimension_semantics<arbitrary>], iteration_bounds = array<i64: 320>, scalar_prefetch = 0 : i64, scratch_operands = 0 : i64, tpu.core_type = #tpu.core_type<tc>, window_params = [{transform_indices = @transform_0, window_bounds = array<i64: 4, 512>}, {transform_indices = @transform_1, window_bounds = array<i64: 512, 32>}, {pipeline_mode = #tpu.pipeline_mode<synchronous>, transform_indices = @transform_2, window_bounds = array<i64: 4, 200>}, {pipeline_mode = #tpu.pipeline_mode<synchronous>, transform_indices = @transform_3, window_bounds = array<i64: 200, 1>}, {pipeline_mode = #tpu.pipeline_mode<synchronous>, transform_indices = @transform_4, window_bounds = array<i64: 200, 544>}, {pipeline_mode = #tpu.pipeline_mode<synchronous>, transform_indices = @transform_5, window_bounds = array<i64: 544, 1>}, {pipeline_mode = #tpu.pipeline_mode<synchronous>, transform_indices = @transform_6, window_bounds = array<i64: 512, 512>}, {pipeline_mode = #tpu.pipeline_mode<synchronous>, transform_indices = @transform_7, window_bounds = array<i64: 32, 32>}, {transform_indices = @transform_8, window_bounds = array<i64: 512, 32>}]} {
    %get3A = arith.constant 0 : index
    %get3A_0 = arith.constant 0 : index
    %get3A_1 = vector.load %arg3[%get3A, %get3A_0] : memref<4x200xf32, #tpu.memory_space<vmem>>, vector<4x200xf32>
    %get3A_2 = arith.constant 0 : index
    %get3A_3 = arith.constant 0 : index
    %get3A_4 = vector.load %arg1[%get3A_2, %get3A_3] : memref<4x512xf32, #tpu.memory_space<vmem>>, vector<4x512xf32>
    %dot_general3A = arith.constant dense<0.000000e+00> : vector<200x512xf32>
    %dot_general3A_5 = tpu.matmul %get3A_1, %get3A_4, %dot_general3A {dimension_numbers = #tpu.dot_dimension_numbers<[0], [0], [1], [1], [0, 1, 1, 1], [], []>, transpose_lhs_hint = false} : vector<4x200xf32>, vector<4x512xf32>, vector<200x512xf32> -> vector<200x512xf32>
    %get3A_6 = arith.constant 0 : index
    %get3A_7 = arith.constant 0 : index
    %get3A_8 = vector.load %arg4[%get3A_6, %get3A_7] : memref<200x1xf32, #tpu.memory_space<vmem>>, vector<200x1xf32>
    %add3A = vector.broadcast %get3A_8 : vector<200x1xf32> to vector<200x512xf32>
    %add3A_9 = arith.addf %dot_general3A_5, %add3A : vector<200x512xf32>
    %max3A = arith.constant 0.000000e+00 : f32
    %max3A_10 = vector.broadcast %max3A : f32 to vector<200x512xf32>
    %max3A_11 = arith.maximumf %add3A_9, %max3A_10 : vector<200x512xf32>
    %get3A_12 = arith.constant 0 : index
    %get3A_13 = arith.constant 0 : index
    %get3A_14 = vector.load %arg5[%get3A_12, %get3A_13] : memref<200x544xf32, #tpu.memory_space<vmem>>, vector<200x544xf32>
    %dot_general3A_15 = arith.constant dense<0.000000e+00> : vector<544x512xf32>
    %dot_general3A_16 = tpu.matmul %get3A_14, %max3A_11, %dot_general3A_15 {dimension_numbers = #tpu.dot_dimension_numbers<[0], [0], [1], [1], [0, 1, 1, 1], [], []>, transpose_lhs_hint = false} : vector<200x544xf32>, vector<200x512xf32>, vector<544x512xf32> -> vector<544x512xf32>
    %get3A_17 = arith.constant 0 : index
    %get3A_18 = arith.constant 0 : index
    %get3A_19 = vector.load %arg6[%get3A_17, %get3A_18] : memref<544x1xf32, #tpu.memory_space<vmem>>, vector<544x1xf32>
    %add3A_20 = vector.broadcast %get3A_19 : vector<544x1xf32> to vector<544x512xf32>
    %add3A_21 = arith.addf %dot_general3A_16, %add3A_20 : vector<544x512xf32>
    %get3A_22 = arith.constant 0 : index
    %get3A_23 = arith.constant 0 : index
    %get3A_24 = vector.load %arg2[%get3A_22, %get3A_23] : memref<512x32xf32, #tpu.memory_space<vmem>>, vector<512x32xf32>
    %get3A_25 = arith.constant 0 : index
    %get3A_26 = arith.constant 0 : index
    %get3A_27 = vector.load %arg7[%get3A_25, %get3A_26] : memref<512x512xf32, #tpu.memory_space<vmem>>, vector<512x512xf32>
    %dot_general3A_28 = arith.constant dense<0.000000e+00> : vector<32x512xf32>
    %dot_general3A_29 = tpu.matmul %get3A_24, %get3A_27, %dot_general3A_28 {dimension_numbers = #tpu.dot_dimension_numbers<[0], [0], [1], [1], [0, 1, 1, 1], [], []>, transpose_lhs_hint = false} : vector<512x32xf32>, vector<512x512xf32>, vector<32x512xf32> -> vector<32x512xf32>
    %slice3A = vector.extract_strided_slice %add3A_21 {offsets = [0, 0], sizes = [32, 512], strides = [1, 1]} : vector<544x512xf32> to vector<32x512xf32>
    %slice3A_30 = vector.extract_strided_slice %dot_general3A_29 {offsets = [0, 0], sizes = [1, 512], strides = [1, 1]} : vector<32x512xf32> to vector<1x512xf32>
    %mul3A = vector.broadcast %slice3A_30 : vector<1x512xf32> to vector<32x512xf32>
    %mul3A_31 = arith.mulf %slice3A, %mul3A : vector<32x512xf32>
    %slice3A_32 = vector.extract_strided_slice %add3A_21 {offsets = [32, 0], sizes = [32, 512], strides = [1, 1]} : vector<544x512xf32> to vector<32x512xf32>
    %slice3A_33 = vector.extract_strided_slice %dot_general3A_29 {offsets = [1, 0], sizes = [1, 512], strides = [1, 1]} : vector<32x512xf32> to vector<1x512xf32>
    %mul3A_34 = vector.broadcast %slice3A_33 : vector<1x512xf32> to vector<32x512xf32>
    %mul3A_35 = arith.mulf %slice3A_32, %mul3A_34 : vector<32x512xf32>
    %add3A_36 = arith.addf %mul3A_31, %mul3A_35 : vector<32x512xf32>
    %slice3A_37 = vector.extract_strided_slice %add3A_21 {offsets = [64, 0], sizes = [32, 512], strides = [1, 1]} : vector<544x512xf32> to vector<32x512xf32>
    %slice3A_38 = vector.extract_strided_slice %dot_general3A_29 {offsets = [2, 0], sizes = [1, 512], strides = [1, 1]} : vector<32x512xf32> to vector<1x512xf32>
    %mul3A_39 = vector.broadcast %slice3A_38 : vector<1x512xf32> to vector<32x512xf32>
    %mul3A_40 = arith.mulf %slice3A_37, %mul3A_39 : vector<32x512xf32>
    %add3A_41 = arith.addf %add3A_36, %mul3A_40 : vector<32x512xf32>
    %slice3A_42 = vector.extract_strided_slice %add3A_21 {offsets = [96, 0], sizes = [32, 512], strides = [1, 1]} : vector<544x512xf32> to vector<32x512xf32>
    %slice3A_43 = vector.extract_strided_slice %dot_general3A_29 {offsets = [3, 0], sizes = [1, 512], strides = [1, 1]} : vector<32x512xf32> to vector<1x512xf32>
    %mul3A_44 = vector.broadcast %slice3A_43 : vector<1x512xf32> to vector<32x512xf32>
    %mul3A_45 = arith.mulf %slice3A_42, %mul3A_44 : vector<32x512xf32>
    %add3A_46 = arith.addf %add3A_41, %mul3A_45 : vector<32x512xf32>
    %slice3A_47 = vector.extract_strided_slice %add3A_21 {offsets = [128, 0], sizes = [32, 512], strides = [1, 1]} : vector<544x512xf32> to vector<32x512xf32>
    %slice3A_48 = vector.extract_strided_slice %dot_general3A_29 {offsets = [4, 0], sizes = [1, 512], strides = [1, 1]} : vector<32x512xf32> to vector<1x512xf32>
    %mul3A_49 = vector.broadcast %slice3A_48 : vector<1x512xf32> to vector<32x512xf32>
    %mul3A_50 = arith.mulf %slice3A_47, %mul3A_49 : vector<32x512xf32>
    %add3A_51 = arith.addf %add3A_46, %mul3A_50 : vector<32x512xf32>
    %slice3A_52 = vector.extract_strided_slice %add3A_21 {offsets = [160, 0], sizes = [32, 512], strides = [1, 1]} : vector<544x512xf32> to vector<32x512xf32>
    %slice3A_53 = vector.extract_strided_slice %dot_general3A_29 {offsets = [5, 0], sizes = [1, 512], strides = [1, 1]} : vector<32x512xf32> to vector<1x512xf32>
    %mul3A_54 = vector.broadcast %slice3A_53 : vector<1x512xf32> to vector<32x512xf32>
    %mul3A_55 = arith.mulf %slice3A_52, %mul3A_54 : vector<32x512xf32>
    %add3A_56 = arith.addf %add3A_51, %mul3A_55 : vector<32x512xf32>
    %slice3A_57 = vector.extract_strided_slice %add3A_21 {offsets = [192, 0], sizes = [32, 512], strides = [1, 1]} : vector<544x512xf32> to vector<32x512xf32>
    %slice3A_58 = vector.extract_strided_slice %dot_general3A_29 {offsets = [6, 0], sizes = [1, 512], strides = [1, 1]} : vector<32x512xf32> to vector<1x512xf32>
    %mul3A_59 = vector.broadcast %slice3A_58 : vector<1x512xf32> to vector<32x512xf32>
    %mul3A_60 = arith.mulf %slice3A_57, %mul3A_59 : vector<32x512xf32>
    %add3A_61 = arith.addf %add3A_56, %mul3A_60 : vector<32x512xf32>
    %slice3A_62 = vector.extract_strided_slice %add3A_21 {offsets = [224, 0], sizes = [32, 512], strides = [1, 1]} : vector<544x512xf32> to vector<32x512xf32>
    %slice3A_63 = vector.extract_strided_slice %dot_general3A_29 {offsets = [7, 0], sizes = [1, 512], strides = [1, 1]} : vector<32x512xf32> to vector<1x512xf32>
    %mul3A_64 = vector.broadcast %slice3A_63 : vector<1x512xf32> to vector<32x512xf32>
    %mul3A_65 = arith.mulf %slice3A_62, %mul3A_64 : vector<32x512xf32>
    %add3A_66 = arith.addf %add3A_61, %mul3A_65 : vector<32x512xf32>
    %slice3A_67 = vector.extract_strided_slice %add3A_21 {offsets = [256, 0], sizes = [32, 512], strides = [1, 1]} : vector<544x512xf32> to vector<32x512xf32>
    %slice3A_68 = vector.extract_strided_slice %dot_general3A_29 {offsets = [8, 0], sizes = [1, 512], strides = [1, 1]} : vector<32x512xf32> to vector<1x512xf32>
    %mul3A_69 = vector.broadcast %slice3A_68 : vector<1x512xf32> to vector<32x512xf32>
    %mul3A_70 = arith.mulf %slice3A_67, %mul3A_69 : vector<32x512xf32>
    %add3A_71 = arith.addf %add3A_66, %mul3A_70 : vector<32x512xf32>
    %slice3A_72 = vector.extract_strided_slice %add3A_21 {offsets = [288, 0], sizes = [32, 512], strides = [1, 1]} : vector<544x512xf32> to vector<32x512xf32>
    %slice3A_73 = vector.extract_strided_slice %dot_general3A_29 {offsets = [9, 0], sizes = [1, 512], strides = [1, 1]} : vector<32x512xf32> to vector<1x512xf32>
    %mul3A_74 = vector.broadcast %slice3A_73 : vector<1x512xf32> to vector<32x512xf32>
    %mul3A_75 = arith.mulf %slice3A_72, %mul3A_74 : vector<32x512xf32>
    %add3A_76 = arith.addf %add3A_71, %mul3A_75 : vector<32x512xf32>
    %slice3A_77 = vector.extract_strided_slice %add3A_21 {offsets = [320, 0], sizes = [32, 512], strides = [1, 1]} : vector<544x512xf32> to vector<32x512xf32>
    %slice3A_78 = vector.extract_strided_slice %dot_general3A_29 {offsets = [10, 0], sizes = [1, 512], strides = [1, 1]} : vector<32x512xf32> to vector<1x512xf32>
    %mul3A_79 = vector.broadcast %slice3A_78 : vector<1x512xf32> to vector<32x512xf32>
    %mul3A_80 = arith.mulf %slice3A_77, %mul3A_79 : vector<32x512xf32>
    %add3A_81 = arith.addf %add3A_76, %mul3A_80 : vector<32x512xf32>
    %slice3A_82 = vector.extract_strided_slice %add3A_21 {offsets = [352, 0], sizes = [32, 512], strides = [1, 1]} : vector<544x512xf32> to vector<32x512xf32>
    %slice3A_83 = vector.extract_strided_slice %dot_general3A_29 {offsets = [11, 0], sizes = [1, 512], strides = [1, 1]} : vector<32x512xf32> to vector<1x512xf32>
    %mul3A_84 = vector.broadcast %slice3A_83 : vector<1x512xf32> to vector<32x512xf32>
    %mul3A_85 = arith.mulf %slice3A_82, %mul3A_84 : vector<32x512xf32>
    %add3A_86 = arith.addf %add3A_81, %mul3A_85 : vector<32x512xf32>
    %slice3A_87 = vector.extract_strided_slice %add3A_21 {offsets = [384, 0], sizes = [32, 512], strides = [1, 1]} : vector<544x512xf32> to vector<32x512xf32>
    %slice3A_88 = vector.extract_strided_slice %dot_general3A_29 {offsets = [12, 0], sizes = [1, 512], strides = [1, 1]} : vector<32x512xf32> to vector<1x512xf32>
    %mul3A_89 = vector.broadcast %slice3A_88 : vector<1x512xf32> to vector<32x512xf32>
    %mul3A_90 = arith.mulf %slice3A_87, %mul3A_89 : vector<32x512xf32>
    %add3A_91 = arith.addf %add3A_86, %mul3A_90 : vector<32x512xf32>
    %slice3A_92 = vector.extract_strided_slice %add3A_21 {offsets = [416, 0], sizes = [32, 512], strides = [1, 1]} : vector<544x512xf32> to vector<32x512xf32>
    %slice3A_93 = vector.extract_strided_slice %dot_general3A_29 {offsets = [13, 0], sizes = [1, 512], strides = [1, 1]} : vector<32x512xf32> to vector<1x512xf32>
    %mul3A_94 = vector.broadcast %slice3A_93 : vector<1x512xf32> to vector<32x512xf32>
    %mul3A_95 = arith.mulf %slice3A_92, %mul3A_94 : vector<32x512xf32>
    %add3A_96 = arith.addf %add3A_91, %mul3A_95 : vector<32x512xf32>
    %slice3A_97 = vector.extract_strided_slice %add3A_21 {offsets = [448, 0], sizes = [32, 512], strides = [1, 1]} : vector<544x512xf32> to vector<32x512xf32>
    %slice3A_98 = vector.extract_strided_slice %dot_general3A_29 {offsets = [14, 0], sizes = [1, 512], strides = [1, 1]} : vector<32x512xf32> to vector<1x512xf32>
    %mul3A_99 = vector.broadcast %slice3A_98 : vector<1x512xf32> to vector<32x512xf32>
    %mul3A_100 = arith.mulf %slice3A_97, %mul3A_99 : vector<32x512xf32>
    %add3A_101 = arith.addf %add3A_96, %mul3A_100 : vector<32x512xf32>
    %slice3A_102 = vector.extract_strided_slice %add3A_21 {offsets = [480, 0], sizes = [32, 512], strides = [1, 1]} : vector<544x512xf32> to vector<32x512xf32>
    %slice3A_103 = vector.extract_strided_slice %dot_general3A_29 {offsets = [15, 0], sizes = [1, 512], strides = [1, 1]} : vector<32x512xf32> to vector<1x512xf32>
    %mul3A_104 = vector.broadcast %slice3A_103 : vector<1x512xf32> to vector<32x512xf32>
    %mul3A_105 = arith.mulf %slice3A_102, %mul3A_104 : vector<32x512xf32>
    %add3A_106 = arith.addf %add3A_101, %mul3A_105 : vector<32x512xf32>
    %slice3A_107 = vector.extract_strided_slice %add3A_21 {offsets = [512, 0], sizes = [32, 512], strides = [1, 1]} : vector<544x512xf32> to vector<32x512xf32>
    %slice3A_108 = vector.extract_strided_slice %dot_general3A_29 {offsets = [16, 0], sizes = [1, 512], strides = [1, 1]} : vector<32x512xf32> to vector<1x512xf32>
    %mul3A_109 = vector.broadcast %slice3A_108 : vector<1x512xf32> to vector<32x512xf32>
    %mul3A_110 = arith.mulf %slice3A_107, %mul3A_109 : vector<32x512xf32>
    %add3A_111 = arith.addf %add3A_106, %mul3A_110 : vector<32x512xf32>
    %get3A_112 = arith.constant 0 : index
    %get3A_113 = arith.constant 0 : index
    %get3A_114 = vector.load %arg8[%get3A_112, %get3A_113] : memref<32x32xf32, #tpu.memory_space<vmem>>, vector<32x32xf32>
    %dot_general3A_115 = arith.constant dense<0.000000e+00> : vector<512x32xf32>
    %dot_general3A_116 = tpu.matmul %add3A_111, %get3A_114, %dot_general3A_115 {dimension_numbers = #tpu.dot_dimension_numbers<[0], [0], [1], [1], [0, 1, 1, 1], [], []>, transpose_lhs_hint = false} : vector<32x512xf32>, vector<32x32xf32>, vector<512x32xf32> -> vector<512x32xf32>
    %swap3A = arith.constant 0 : index
    %swap3A_117 = arith.constant 0 : index
    %swap3A_118 = vector.load %arg9[%swap3A, %swap3A_117] : memref<512x32xf32, #tpu.memory_space<vmem>>, vector<512x32xf32>
    tpu.vector_store %arg9[%swap3A, %swap3A_117], %dot_general3A_116 {strides = array<i32>} : memref<512x32xf32, #tpu.memory_space<vmem>>, vector<512x32xf32>,
    return
  }
  func.func @transform_0(%arg0: i32) -> (i32, i32) {
    %c0_i32 = arith.constant 0 : i32
    %c0_i32_0 = arith.constant 0 : i32
    return %c0_i32, %arg0 : i32, i32
  }
  func.func @transform_1(%arg0: i32) -> (i32, i32) {
    %c0_i32 = arith.constant 0 : i32
    %c0_i32_0 = arith.constant 0 : i32
    return %arg0, %c0_i32 : i32, i32
  }
  func.func @transform_2(%arg0: i32) -> (i32, i32) {
    %c0_i32 = arith.constant 0 : i32
    %c0_i32_0 = arith.constant 0 : i32
    %c0_i32_1 = arith.constant 0 : i32
    return %c0_i32, %c0_i32_0 : i32, i32
  }
  func.func @transform_3(%arg0: i32) -> (i32, i32) {
    %c0_i32 = arith.constant 0 : i32
    %c0_i32_0 = arith.constant 0 : i32
    %c0_i32_1 = arith.constant 0 : i32
    return %c0_i32, %c0_i32_0 : i32, i32
  }
  func.func @transform_4(%arg0: i32) -> (i32, i32) {
    %c0_i32 = arith.constant 0 : i32
    %c0_i32_0 = arith.constant 0 : i32
    %c0_i32_1 = arith.constant 0 : i32
    return %c0_i32, %c0_i32_0 : i32, i32
  }
  func.func @transform_5(%arg0: i32) -> (i32, i32) {
    %c0_i32 = arith.constant 0 : i32
    %c0_i32_0 = arith.constant 0 : i32
    %c0_i32_1 = arith.constant 0 : i32
    return %c0_i32, %c0_i32_0 : i32, i32
  }
  func.func @transform_6(%arg0: i32) -> (i32, i32) {
    %c0_i32 = arith.constant 0 : i32
    %c0_i32_0 = arith.constant 0 : i32
    %c0_i32_1 = arith.constant 0 : i32
    return %c0_i32, %c0_i32_0 : i32, i32
  }
  func.func @transform_7(%arg0: i32) -> (i32, i32) {
    %c0_i32 = arith.constant 0 : i32
    %c0_i32_0 = arith.constant 0 : i32
    %c0_i32_1 = arith.constant 0 : i32
    return %c0_i32, %c0_i32_0 : i32, i32
  }
  func.func @transform_8(%arg0: i32) -> (i32, i32) {
    %c0_i32 = arith.constant 0 : i32
    %c0_i32_0 = arith.constant 0 : i32
    return %arg0, %c0_i32 : i32, i32
  }
}

module attributes {stable_mosaic.version = 14 : i64} {
  func.func @_t2_body(%arg0: i32, %arg1: memref<2x256x32xf32, #tpu.memory_space<vmem>>, %arg2: memref<256x32xf32, #tpu.memory_space<vmem>>, %arg3: memref<32x32xf32, #tpu.memory_space<vmem>>, %arg4: memref<1x32xf32, #tpu.memory_space<vmem>>, %arg5: memref<32x64xf32, #tpu.memory_space<vmem>>, %arg6: memref<1x64xf32, #tpu.memory_space<vmem>>, %arg7: memref<32x64xf32, #tpu.memory_space<vmem>>, %arg8: memref<256x64xf32, #tpu.memory_space<vmem>>, %arg9: memref<256x64xf32, #tpu.memory_space<vmem>>) attributes {dimension_semantics = [#tpu.dimension_semantics<arbitrary>], iteration_bounds = array<i64: 40>, scalar_prefetch = 0 : i64, scratch_operands = 0 : i64, tpu.core_type = #tpu.core_type<tc>, window_params = [{transform_indices = @transform_0, window_bounds = array<i64: 2, 256, 32>}, {transform_indices = @transform_1, window_bounds = array<i64: 256, 32>}, {pipeline_mode = #tpu.pipeline_mode<synchronous>, transform_indices = @transform_2, window_bounds = array<i64: 32, 32>}, {pipeline_mode = #tpu.pipeline_mode<synchronous>, transform_indices = @transform_3, window_bounds = array<i64: 1, 32>}, {pipeline_mode = #tpu.pipeline_mode<synchronous>, transform_indices = @transform_4, window_bounds = array<i64: 32, 64>}, {pipeline_mode = #tpu.pipeline_mode<synchronous>, transform_indices = @transform_5, window_bounds = array<i64: 1, 64>}, {pipeline_mode = #tpu.pipeline_mode<synchronous>, transform_indices = @transform_6, window_bounds = array<i64: 32, 64>}, {transform_indices = @transform_7, window_bounds = array<i64: 256, 64>}, {transform_indices = @transform_8, window_bounds = array<i64: 256, 64>}]} {
    %get3A = arith.constant 0 : index
    %get3A_0 = arith.constant 0 : index
    %get3A_1 = arith.constant 0 : index
    %get3A_2 = vector.load %arg1[%get3A, %get3A_0, %get3A_1] : memref<2x256x32xf32, #tpu.memory_space<vmem>>, vector<1x256x32xf32>
    %get3A_3 = vector.shape_cast %get3A_2 : vector<1x256x32xf32> to vector<256x32xf32>
    %get3A_4 = arith.constant 1 : index
    %get3A_5 = arith.constant 0 : index
    %get3A_6 = arith.constant 0 : index
    %get3A_7 = vector.load %arg1[%get3A_4, %get3A_5, %get3A_6] : memref<2x256x32xf32, #tpu.memory_space<vmem>>, vector<1x256x32xf32>
    %get3A_8 = vector.shape_cast %get3A_7 : vector<1x256x32xf32> to vector<256x32xf32>
    %add3A = arith.addf %get3A_3, %get3A_8 : vector<256x32xf32>
    %get3A_9 = arith.constant 0 : index
    %get3A_10 = arith.constant 0 : index
    %get3A_11 = vector.load %arg2[%get3A_9, %get3A_10] : memref<256x32xf32, #tpu.memory_space<vmem>>, vector<256x32xf32>
    %get3A_12 = arith.constant 0 : index
    %get3A_13 = arith.constant 0 : index
    %get3A_14 = vector.load %arg3[%get3A_12, %get3A_13] : memref<32x32xf32, #tpu.memory_space<vmem>>, vector<32x32xf32>
    %dot_general3A = arith.constant dense<0.000000e+00> : vector<256x32xf32>
    %dot_general3A_15 = tpu.matmul %get3A_11, %get3A_14, %dot_general3A {dimension_numbers = #tpu.dot_dimension_numbers<[1], [0], [0], [1], [0, 0, 1, 1], [], []>, transpose_lhs_hint = false} : vector<256x32xf32>, vector<32x32xf32>, vector<256x32xf32> -> vector<256x32xf32>
    %add3A_16 = arith.addf %add3A, %dot_general3A_15 : vector<256x32xf32>
    %get3A_17 = arith.constant 0 : index
    %get3A_18 = arith.constant 0 : index
    %get3A_19 = vector.load %arg4[%get3A_17, %get3A_18] : memref<1x32xf32, #tpu.memory_space<vmem>>, vector<1x32xf32>
    %add3A_20 = vector.broadcast %get3A_19 : vector<1x32xf32> to vector<256x32xf32>
    %add3A_21 = arith.addf %add3A_16, %add3A_20 : vector<256x32xf32>
    %max3A = arith.constant 0.000000e+00 : f32
    %max3A_22 = vector.broadcast %max3A : f32 to vector<256x32xf32>
    %max3A_23 = arith.maximumf %add3A_21, %max3A_22 : vector<256x32xf32>
    %get3A_24 = arith.constant 0 : index
    %get3A_25 = arith.constant 0 : index
    %get3A_26 = vector.load %arg5[%get3A_24, %get3A_25] : memref<32x64xf32, #tpu.memory_space<vmem>>, vector<32x64xf32>
    %dot_general3A_27 = arith.constant dense<0.000000e+00> : vector<256x64xf32>
    %dot_general3A_28 = tpu.matmul %max3A_23, %get3A_26, %dot_general3A_27 {dimension_numbers = #tpu.dot_dimension_numbers<[1], [0], [0], [1], [0, 0, 1, 1], [], []>, transpose_lhs_hint = false} : vector<256x32xf32>, vector<32x64xf32>, vector<256x64xf32> -> vector<256x64xf32>
    %get3A_29 = arith.constant 0 : index
    %get3A_30 = arith.constant 0 : index
    %get3A_31 = vector.load %arg6[%get3A_29, %get3A_30] : memref<1x64xf32, #tpu.memory_space<vmem>>, vector<1x64xf32>
    %add3A_32 = vector.broadcast %get3A_31 : vector<1x64xf32> to vector<256x64xf32>
    %add3A_33 = arith.addf %dot_general3A_28, %add3A_32 : vector<256x64xf32>
    %swap3A = arith.constant 0 : index
    %swap3A_34 = arith.constant 0 : index
    %swap3A_35 = vector.load %arg8[%swap3A, %swap3A_34] : memref<256x64xf32, #tpu.memory_space<vmem>>, vector<256x64xf32>
    tpu.vector_store %arg8[%swap3A, %swap3A_34], %add3A_33 {strides = array<i32>} : memref<256x64xf32, #tpu.memory_space<vmem>>, vector<256x64xf32>,
    %get3A_36 = arith.constant 0 : index
    %get3A_37 = arith.constant 0 : index
    %get3A_38 = vector.load %arg7[%get3A_36, %get3A_37] : memref<32x64xf32, #tpu.memory_space<vmem>>, vector<32x64xf32>
    %dot_general3A_39 = arith.constant dense<0.000000e+00> : vector<256x64xf32>
    %dot_general3A_40 = tpu.matmul %max3A_23, %get3A_38, %dot_general3A_39 {dimension_numbers = #tpu.dot_dimension_numbers<[1], [0], [0], [1], [0, 0, 1, 1], [], []>, transpose_lhs_hint = false} : vector<256x32xf32>, vector<32x64xf32>, vector<256x64xf32> -> vector<256x64xf32>
    %swap3A_41 = arith.constant 0 : index
    %swap3A_42 = arith.constant 0 : index
    %swap3A_43 = vector.load %arg9[%swap3A_41, %swap3A_42] : memref<256x64xf32, #tpu.memory_space<vmem>>, vector<256x64xf32>
    tpu.vector_store %arg9[%swap3A_41, %swap3A_42], %dot_general3A_40 {strides = array<i32>} : memref<256x64xf32, #tpu.memory_space<vmem>>, vector<256x64xf32>,
    return
  }
  func.func @transform_0(%arg0: i32) -> (i32, i32, i32) {
    %c0_i32 = arith.constant 0 : i32
    %c0_i32_0 = arith.constant 0 : i32
    %c0_i32_1 = arith.constant 0 : i32
    return %c0_i32, %arg0, %c0_i32_0 : i32, i32, i32
  }
  func.func @transform_1(%arg0: i32) -> (i32, i32) {
    %c0_i32 = arith.constant 0 : i32
    %c0_i32_0 = arith.constant 0 : i32
    return %arg0, %c0_i32 : i32, i32
  }
  func.func @transform_2(%arg0: i32) -> (i32, i32) {
    %c0_i32 = arith.constant 0 : i32
    %c0_i32_0 = arith.constant 0 : i32
    %c0_i32_1 = arith.constant 0 : i32
    return %c0_i32, %c0_i32_0 : i32, i32
  }
  func.func @transform_3(%arg0: i32) -> (i32, i32) {
    %c0_i32 = arith.constant 0 : i32
    %c0_i32_0 = arith.constant 0 : i32
    %c0_i32_1 = arith.constant 0 : i32
    return %c0_i32, %c0_i32_0 : i32, i32
  }
  func.func @transform_4(%arg0: i32) -> (i32, i32) {
    %c0_i32 = arith.constant 0 : i32
    %c0_i32_0 = arith.constant 0 : i32
    %c0_i32_1 = arith.constant 0 : i32
    return %c0_i32, %c0_i32_0 : i32, i32
  }
  func.func @transform_5(%arg0: i32) -> (i32, i32) {
    %c0_i32 = arith.constant 0 : i32
    %c0_i32_0 = arith.constant 0 : i32
    %c0_i32_1 = arith.constant 0 : i32
    return %c0_i32, %c0_i32_0 : i32, i32
  }
  func.func @transform_6(%arg0: i32) -> (i32, i32) {
    %c0_i32 = arith.constant 0 : i32
    %c0_i32_0 = arith.constant 0 : i32
    %c0_i32_1 = arith.constant 0 : i32
    return %c0_i32, %c0_i32_0 : i32, i32
  }
  func.func @transform_7(%arg0: i32) -> (i32, i32) {
    %c0_i32 = arith.constant 0 : i32
    %c0_i32_0 = arith.constant 0 : i32
    return %arg0, %c0_i32 : i32, i32
  }
  func.func @transform_8(%arg0: i32) -> (i32, i32) {
    %c0_i32 = arith.constant 0 : i32
    %c0_i32_0 = arith.constant 0 : i32
    return %arg0, %c0_i32 : i32, i32
  }
}

module attributes {stable_mosaic.version = 14 : i64} {
  func.func @_t3_body(%arg0: i32, %arg1: memref<512x64xf32, #tpu.memory_space<vmem>>, %arg2: memref<512x64xf32, #tpu.memory_space<vmem>>, %arg3: memref<64x64xf32, #tpu.memory_space<vmem>>, %arg4: memref<64x1xf32, #tpu.memory_space<vmem>>, %arg5: memref<64x512xf32, #tpu.memory_space<vmem>>) attributes {dimension_semantics = [#tpu.dimension_semantics<arbitrary>], iteration_bounds = array<i64: 320>, scalar_prefetch = 0 : i64, scratch_operands = 0 : i64, tpu.core_type = #tpu.core_type<tc>, window_params = [{transform_indices = @transform_0, window_bounds = array<i64: 512, 64>}, {transform_indices = @transform_1, window_bounds = array<i64: 512, 64>}, {pipeline_mode = #tpu.pipeline_mode<synchronous>, transform_indices = @transform_2, window_bounds = array<i64: 64, 64>}, {pipeline_mode = #tpu.pipeline_mode<synchronous>, transform_indices = @transform_3, window_bounds = array<i64: 64, 1>}, {transform_indices = @transform_4, window_bounds = array<i64: 64, 512>}]} {
    %get3A = arith.constant 0 : index
    %get3A_0 = arith.constant 0 : index
    %get3A_1 = vector.load %arg1[%get3A, %get3A_0] : memref<512x64xf32, #tpu.memory_space<vmem>>, vector<512x64xf32>
    %get3A_2 = arith.constant 0 : index
    %get3A_3 = arith.constant 0 : index
    %get3A_4 = vector.load %arg2[%get3A_2, %get3A_3] : memref<512x64xf32, #tpu.memory_space<vmem>>, vector<512x64xf32>
    %add3A = arith.addf %get3A_1, %get3A_4 : vector<512x64xf32>
    %max3A = arith.constant 0.000000e+00 : f32
    %max3A_5 = vector.broadcast %max3A : f32 to vector<512x64xf32>
    %max3A_6 = arith.maximumf %add3A, %max3A_5 : vector<512x64xf32>
    %get3A_7 = arith.constant 0 : index
    %get3A_8 = arith.constant 0 : index
    %get3A_9 = vector.load %arg3[%get3A_7, %get3A_8] : memref<64x64xf32, #tpu.memory_space<vmem>>, vector<64x64xf32>
    %dot_general3A = arith.constant dense<0.000000e+00> : vector<64x512xf32>
    %dot_general3A_10 = tpu.matmul %get3A_9, %max3A_6, %dot_general3A {dimension_numbers = #tpu.dot_dimension_numbers<[0], [1], [1], [0], [0, 1, 1, 0], [], []>, transpose_lhs_hint = false} : vector<64x64xf32>, vector<512x64xf32>, vector<64x512xf32> -> vector<64x512xf32>
    %get3A_11 = arith.constant 0 : index
    %get3A_12 = arith.constant 0 : index
    %get3A_13 = vector.load %arg4[%get3A_11, %get3A_12] : memref<64x1xf32, #tpu.memory_space<vmem>>, vector<64x1xf32>
    %add3A_14 = vector.broadcast %get3A_13 : vector<64x1xf32> to vector<64x512xf32>
    %add3A_15 = arith.addf %dot_general3A_10, %add3A_14 : vector<64x512xf32>
    %swap3A = arith.constant 0 : index
    %swap3A_16 = arith.constant 0 : index
    %swap3A_17 = vector.load %arg5[%swap3A, %swap3A_16] : memref<64x512xf32, #tpu.memory_space<vmem>>, vector<64x512xf32>
    tpu.vector_store %arg5[%swap3A, %swap3A_16], %add3A_15 {strides = array<i32>} : memref<64x512xf32, #tpu.memory_space<vmem>>, vector<64x512xf32>,
    return
  }
  func.func @transform_0(%arg0: i32) -> (i32, i32) {
    %c0_i32 = arith.constant 0 : i32
    %c0_i32_0 = arith.constant 0 : i32
    return %arg0, %c0_i32 : i32, i32
  }
  func.func @transform_1(%arg0: i32) -> (i32, i32) {
    %c0_i32 = arith.constant 0 : i32
    %c0_i32_0 = arith.constant 0 : i32
    return %arg0, %c0_i32 : i32, i32
  }
  func.func @transform_2(%arg0: i32) -> (i32, i32) {
    %c0_i32 = arith.constant 0 : i32
    %c0_i32_0 = arith.constant 0 : i32
    %c0_i32_1 = arith.constant 0 : i32
    return %c0_i32, %c0_i32_0 : i32, i32
  }
  func.func @transform_3(%arg0: i32) -> (i32, i32) {
    %c0_i32 = arith.constant 0 : i32
    %c0_i32_0 = arith.constant 0 : i32
    %c0_i32_1 = arith.constant 0 : i32
    return %c0_i32, %c0_i32_0 : i32, i32
  }
  func.func @transform_4(%arg0: i32) -> (i32, i32) {
    %c0_i32 = arith.constant 0 : i32
    %c0_i32_0 = arith.constant 0 : i32
    return %c0_i32, %arg0 : i32, i32
  }
}

module attributes {stable_mosaic.version = 14 : i64} {
  func.func @_t4_body(%arg0: i32, %arg1: memref<4x64x256xf32, #tpu.memory_space<vmem>>, %arg2: memref<64x64xf32, #tpu.memory_space<vmem>>, %arg3: memref<1x64xf32, #tpu.memory_space<vmem>>, %arg4: memref<64x64xf32, #tpu.memory_space<vmem>>, %arg5: memref<256x64xf32, #tpu.memory_space<vmem>>, %arg6: memref<256x64xf32, #tpu.memory_space<vmem>>) attributes {dimension_semantics = [#tpu.dimension_semantics<arbitrary>], iteration_bounds = array<i64: 40>, scalar_prefetch = 0 : i64, scratch_operands = 0 : i64, tpu.core_type = #tpu.core_type<tc>, window_params = [{transform_indices = @transform_0, window_bounds = array<i64: 4, 64, 256>}, {pipeline_mode = #tpu.pipeline_mode<synchronous>, transform_indices = @transform_1, window_bounds = array<i64: 64, 64>}, {pipeline_mode = #tpu.pipeline_mode<synchronous>, transform_indices = @transform_2, window_bounds = array<i64: 1, 64>}, {pipeline_mode = #tpu.pipeline_mode<synchronous>, transform_indices = @transform_3, window_bounds = array<i64: 64, 64>}, {transform_indices = @transform_4, window_bounds = array<i64: 256, 64>}, {transform_indices = @transform_5, window_bounds = array<i64: 256, 64>}]} {
    %get3A = arith.constant 0 : index
    %get3A_0 = arith.constant 0 : index
    %get3A_1 = arith.constant 0 : index
    %get3A_2 = vector.load %arg1[%get3A, %get3A_0, %get3A_1] : memref<4x64x256xf32, #tpu.memory_space<vmem>>, vector<1x64x256xf32>
    %get3A_3 = vector.shape_cast %get3A_2 : vector<1x64x256xf32> to vector<64x256xf32>
    %get3A_4 = arith.constant 1 : index
    %get3A_5 = arith.constant 0 : index
    %get3A_6 = arith.constant 0 : index
    %get3A_7 = vector.load %arg1[%get3A_4, %get3A_5, %get3A_6] : memref<4x64x256xf32, #tpu.memory_space<vmem>>, vector<1x64x256xf32>
    %get3A_8 = vector.shape_cast %get3A_7 : vector<1x64x256xf32> to vector<64x256xf32>
    %max3A = arith.maximumf %get3A_3, %get3A_8 : vector<64x256xf32>
    %get3A_9 = arith.constant 2 : index
    %get3A_10 = arith.constant 0 : index
    %get3A_11 = arith.constant 0 : index
    %get3A_12 = vector.load %arg1[%get3A_9, %get3A_10, %get3A_11] : memref<4x64x256xf32, #tpu.memory_space<vmem>>, vector<1x64x256xf32>
    %get3A_13 = vector.shape_cast %get3A_12 : vector<1x64x256xf32> to vector<64x256xf32>
    %get3A_14 = arith.constant 3 : index
    %get3A_15 = arith.constant 0 : index
    %get3A_16 = arith.constant 0 : index
    %get3A_17 = vector.load %arg1[%get3A_14, %get3A_15, %get3A_16] : memref<4x64x256xf32, #tpu.memory_space<vmem>>, vector<1x64x256xf32>
    %get3A_18 = vector.shape_cast %get3A_17 : vector<1x64x256xf32> to vector<64x256xf32>
    %max3A_19 = arith.maximumf %get3A_13, %get3A_18 : vector<64x256xf32>
    %max3A_20 = arith.maximumf %max3A, %max3A_19 : vector<64x256xf32>
    %max3A_21 = arith.constant 0.000000e+00 : f32
    %max3A_22 = vector.broadcast %max3A_21 : f32 to vector<64x256xf32>
    %max3A_23 = arith.maximumf %max3A_20, %max3A_22 : vector<64x256xf32>
    %get3A_24 = arith.constant 0 : index
    %get3A_25 = arith.constant 0 : index
    %get3A_26 = vector.load %arg2[%get3A_24, %get3A_25] : memref<64x64xf32, #tpu.memory_space<vmem>>, vector<64x64xf32>
    %dot_general3A = arith.constant dense<0.000000e+00> : vector<256x64xf32>
    %dot_general3A_27 = tpu.matmul %max3A_23, %get3A_26, %dot_general3A {dimension_numbers = #tpu.dot_dimension_numbers<[0], [0], [1], [1], [0, 1, 1, 1], [], []>, transpose_lhs_hint = false} : vector<64x256xf32>, vector<64x64xf32>, vector<256x64xf32> -> vector<256x64xf32>
    %get3A_28 = arith.constant 0 : index
    %get3A_29 = arith.constant 0 : index
    %get3A_30 = vector.load %arg3[%get3A_28, %get3A_29] : memref<1x64xf32, #tpu.memory_space<vmem>>, vector<1x64xf32>
    %add3A = vector.broadcast %get3A_30 : vector<1x64xf32> to vector<256x64xf32>
    %add3A_31 = arith.addf %dot_general3A_27, %add3A : vector<256x64xf32>
    %swap3A = arith.constant 0 : index
    %swap3A_32 = arith.constant 0 : index
    %swap3A_33 = vector.load %arg5[%swap3A, %swap3A_32] : memref<256x64xf32, #tpu.memory_space<vmem>>, vector<256x64xf32>
    tpu.vector_store %arg5[%swap3A, %swap3A_32], %add3A_31 {strides = array<i32>} : memref<256x64xf32, #tpu.memory_space<vmem>>, vector<256x64xf32>,
    %get3A_34 = arith.constant 0 : index
    %get3A_35 = arith.constant 0 : index
    %get3A_36 = vector.load %arg4[%get3A_34, %get3A_35] : memref<64x64xf32, #tpu.memory_space<vmem>>, vector<64x64xf32>
    %dot_general3A_37 = arith.constant dense<0.000000e+00> : vector<256x64xf32>
    %dot_general3A_38 = tpu.matmul %max3A_23, %get3A_36, %dot_general3A_37 {dimension_numbers = #tpu.dot_dimension_numbers<[0], [0], [1], [1], [0, 1, 1, 1], [], []>, transpose_lhs_hint = false} : vector<64x256xf32>, vector<64x64xf32>, vector<256x64xf32> -> vector<256x64xf32>
    %swap3A_39 = arith.constant 0 : index
    %swap3A_40 = arith.constant 0 : index
    %swap3A_41 = vector.load %arg6[%swap3A_39, %swap3A_40] : memref<256x64xf32, #tpu.memory_space<vmem>>, vector<256x64xf32>
    tpu.vector_store %arg6[%swap3A_39, %swap3A_40], %dot_general3A_38 {strides = array<i32>} : memref<256x64xf32, #tpu.memory_space<vmem>>, vector<256x64xf32>,
    return
  }
  func.func @transform_0(%arg0: i32) -> (i32, i32, i32) {
    %c0_i32 = arith.constant 0 : i32
    %c0_i32_0 = arith.constant 0 : i32
    %c0_i32_1 = arith.constant 0 : i32
    return %c0_i32, %c0_i32_0, %arg0 : i32, i32, i32
  }
  func.func @transform_1(%arg0: i32) -> (i32, i32) {
    %c0_i32 = arith.constant 0 : i32
    %c0_i32_0 = arith.constant 0 : i32
    %c0_i32_1 = arith.constant 0 : i32
    return %c0_i32, %c0_i32_0 : i32, i32
  }
  func.func @transform_2(%arg0: i32) -> (i32, i32) {
    %c0_i32 = arith.constant 0 : i32
    %c0_i32_0 = arith.constant 0 : i32
    %c0_i32_1 = arith.constant 0 : i32
    return %c0_i32, %c0_i32_0 : i32, i32
  }
  func.func @transform_3(%arg0: i32) -> (i32, i32) {
    %c0_i32 = arith.constant 0 : i32
    %c0_i32_0 = arith.constant 0 : i32
    %c0_i32_1 = arith.constant 0 : i32
    return %c0_i32, %c0_i32_0 : i32, i32
  }
  func.func @transform_4(%arg0: i32) -> (i32, i32) {
    %c0_i32 = arith.constant 0 : i32
    %c0_i32_0 = arith.constant 0 : i32
    return %arg0, %c0_i32 : i32, i32
  }
  func.func @transform_5(%arg0: i32) -> (i32, i32) {
    %c0_i32 = arith.constant 0 : i32
    %c0_i32_0 = arith.constant 0 : i32
    return %arg0, %c0_i32 : i32, i32
  }
}

module attributes {stable_mosaic.version = 14 : i64} {
  func.func @_t7_body(%arg0: i32, %arg1: memref<2x256x64xf32, #tpu.memory_space<vmem>>, %arg2: memref<256x64xf32, #tpu.memory_space<vmem>>, %arg3: memref<1x64xf32, #tpu.memory_space<vmem>>, %arg4: memref<64x1000xf32, #tpu.memory_space<vmem>>, %arg5: memref<1x1000xf32, #tpu.memory_space<vmem>>, %arg6: memref<1000x1000xf32, #tpu.memory_space<vmem>>, %arg7: memref<1x1000xf32, #tpu.memory_space<vmem>>, %arg8: memref<1000x1xf32, #tpu.memory_space<vmem>>, %arg9: memref<1x1xf32, #tpu.memory_space<vmem>>, %arg10: memref<1x1xf32, #tpu.memory_space<vmem>>, %arg11: memref<1x64xf32, #tpu.memory_space<vmem>>) attributes {dimension_semantics = [#tpu.dimension_semantics<arbitrary>], iteration_bounds = array<i64: 40>, scalar_prefetch = 0 : i64, scratch_operands = 1 : i64, tpu.core_type = #tpu.core_type<tc>, window_params = [{transform_indices = @transform_0, window_bounds = array<i64: 2, 256, 64>}, {transform_indices = @transform_1, window_bounds = array<i64: 256, 64>}, {pipeline_mode = #tpu.pipeline_mode<synchronous>, transform_indices = @transform_2, window_bounds = array<i64: 1, 64>}, {pipeline_mode = #tpu.pipeline_mode<synchronous>, transform_indices = @transform_3, window_bounds = array<i64: 64, 1000>}, {pipeline_mode = #tpu.pipeline_mode<synchronous>, transform_indices = @transform_4, window_bounds = array<i64: 1, 1000>}, {pipeline_mode = #tpu.pipeline_mode<synchronous>, transform_indices = @transform_5, window_bounds = array<i64: 1000, 1000>}, {pipeline_mode = #tpu.pipeline_mode<synchronous>, transform_indices = @transform_6, window_bounds = array<i64: 1, 1000>}, {pipeline_mode = #tpu.pipeline_mode<synchronous>, transform_indices = @transform_7, window_bounds = array<i64: 1000, 1>}, {pipeline_mode = #tpu.pipeline_mode<synchronous>, transform_indices = @transform_8, window_bounds = array<i64: 1, 1>}, {pipeline_mode = #tpu.pipeline_mode<synchronous>, transform_indices = @transform_9, window_bounds = array<i64: 1, 1>}]} {
    %get3A = arith.constant 0 : index
    %get3A_0 = arith.constant 0 : index
    %get3A_1 = arith.constant 0 : index
    %get3A_2 = vector.load %arg1[%get3A, %get3A_0, %get3A_1] : memref<2x256x64xf32, #tpu.memory_space<vmem>>, vector<1x256x64xf32>
    %get3A_3 = vector.shape_cast %get3A_2 : vector<1x256x64xf32> to vector<256x64xf32>
    %get3A_4 = arith.constant 1 : index
    %get3A_5 = arith.constant 0 : index
    %get3A_6 = arith.constant 0 : index
    %get3A_7 = vector.load %arg1[%get3A_4, %get3A_5, %get3A_6] : memref<2x256x64xf32, #tpu.memory_space<vmem>>, vector<1x256x64xf32>
    %get3A_8 = vector.shape_cast %get3A_7 : vector<1x256x64xf32> to vector<256x64xf32>
    %add3A = arith.addf %get3A_3, %get3A_8 : vector<256x64xf32>
    %get3A_9 = arith.constant 0 : index
    %get3A_10 = arith.constant 0 : index
    %get3A_11 = vector.load %arg2[%get3A_9, %get3A_10] : memref<256x64xf32, #tpu.memory_space<vmem>>, vector<256x64xf32>
    %add3A_12 = arith.addf %add3A, %get3A_11 : vector<256x64xf32>
    %get3A_13 = arith.constant 0 : index
    %get3A_14 = arith.constant 0 : index
    %get3A_15 = vector.load %arg3[%get3A_13, %get3A_14] : memref<1x64xf32, #tpu.memory_space<vmem>>, vector<1x64xf32>
    %add3A_16 = vector.broadcast %get3A_15 : vector<1x64xf32> to vector<256x64xf32>
    %add3A_17 = arith.addf %add3A_12, %add3A_16 : vector<256x64xf32>
    %max3A = arith.constant 0.000000e+00 : f32
    %max3A_18 = vector.broadcast %max3A : f32 to vector<256x64xf32>
    %max3A_19 = arith.maximumf %add3A_17, %max3A_18 : vector<256x64xf32>
    %mul3A = arith.constant 256 : i32
    %mul3A_20 = arith.muli %arg0, %mul3A : i32
    %iota3A = tpu.iota {dimensions = array<i32: 0>} : vector<256x1xi32>
    %add3A_21 = vector.broadcast %mul3A_20 : i32 to vector<256x1xi32>
    %add3A_22 = arith.addi %add3A_21, %iota3A : vector<256x1xi32>
    %lt3A = arith.constant 10000 : i32
    %lt3A_23 = vector.broadcast %lt3A : i32 to vector<256x1xi32>
    %lt3A_24 = arith.cmpi slt, %add3A_22, %lt3A_23 : vector<256x1xi32>
    %jit3A = arith.constant 0.000000e+00 : f32
    %broadcast_in_dim3A = vector.shape_cast %lt3A_24 : vector<256x1xi1> to vector<256x1xi1>
    %broadcast_in_dim3A_25 = vector.broadcast %broadcast_in_dim3A : vector<256x1xi1> to vector<256x64xi1>
    %broadcast_in_dim3A_26 = vector.broadcast %jit3A : f32 to vector<256x64xf32>
    %select_n3A = arith.select %broadcast_in_dim3A_25, %max3A_19, %broadcast_in_dim3A_26 : vector<256x64xi1>, vector<256x64xf32>
    %reduce_sum3A = arith.constant dense<0.000000e+00> : vector<64xf32>
    %reduce_sum3A_27 = vector.multi_reduction <add>, %select_n3A, %reduce_sum3A [0] : vector<256x64xf32> to vector<64xf32>
    %broadcast_in_dim3A_28 = vector.shape_cast %reduce_sum3A_27 : vector<64xf32> to vector<1x64xf32>
    %eq3A = arith.constant 0 : i32
    %eq3A_29 = arith.cmpi eq, %arg0, %eq3A : i32
    %convert_element_type3A = arith.extui %eq3A_29 : i1 to i32
    %cond3A = arith.constant 0 : i32
    %cond3A_30 = arith.cmpi ne, %convert_element_type3A, %cond3A : i32
    scf.if %cond3A_30 {
      %swap3A = arith.constant 0 : index
      %swap3A_40 = arith.constant 0 : index
      %swap3A_41 = vector.load %arg11[%swap3A, %swap3A_40] : memref<1x64xf32, #tpu.memory_space<vmem>>, vector<1x64xf32>
      tpu.vector_store %arg11[%swap3A, %swap3A_40], %broadcast_in_dim3A_28 {strides = array<i32>} : memref<1x64xf32, #tpu.memory_space<vmem>>, vector<1x64xf32>,
    } else {
    }
    %gt3A = arith.constant 0 : i32
    %gt3A_31 = arith.cmpi sgt, %arg0, %gt3A : i32
    %convert_element_type3A_32 = arith.extui %gt3A_31 : i1 to i32
    %cond3A_33 = arith.constant 0 : i32
    %cond3A_34 = arith.cmpi ne, %convert_element_type3A_32, %cond3A_33 : i32
    scf.if %cond3A_34 {
      %get3A_40 = arith.constant 0 : index
      %get3A_41 = arith.constant 0 : index
      %get3A_42 = vector.load %arg11[%get3A_40, %get3A_41] : memref<1x64xf32, #tpu.memory_space<vmem>>, vector<1x64xf32>
      %add3A_43 = arith.addf %get3A_42, %broadcast_in_dim3A_28 : vector<1x64xf32>
      %swap3A = arith.constant 0 : index
      %swap3A_44 = arith.constant 0 : index
      %swap3A_45 = vector.load %arg11[%swap3A, %swap3A_44] : memref<1x64xf32, #tpu.memory_space<vmem>>, vector<1x64xf32>
      tpu.vector_store %arg11[%swap3A, %swap3A_44], %add3A_43 {strides = array<i32>} : memref<1x64xf32, #tpu.memory_space<vmem>>, vector<1x64xf32>,
    } else {
    }
    %eq3A_35 = arith.constant 39 : i32
    %eq3A_36 = arith.cmpi eq, %arg0, %eq3A_35 : i32
    %convert_element_type3A_37 = arith.extui %eq3A_36 : i1 to i32
    %cond3A_38 = arith.constant 0 : i32
    %cond3A_39 = arith.cmpi ne, %convert_element_type3A_37, %cond3A_38 : i32
    scf.if %cond3A_39 {
      %get3A_40 = arith.constant 0 : index
      %get3A_41 = arith.constant 0 : index
      %get3A_42 = vector.load %arg11[%get3A_40, %get3A_41] : memref<1x64xf32, #tpu.memory_space<vmem>>, vector<1x64xf32>
      %mul3A_43 = arith.constant 9.99999974E-5 : f32
      %mul3A_44 = vector.broadcast %mul3A_43 : f32 to vector<1x64xf32>
      %mul3A_45 = arith.mulf %get3A_42, %mul3A_44 : vector<1x64xf32>
      %get3A_46 = arith.constant 0 : index
      %get3A_47 = arith.constant 0 : index
      %get3A_48 = vector.load %arg4[%get3A_46, %get3A_47] : memref<64x1000xf32, #tpu.memory_space<vmem>>, vector<64x1000xf32>
      %dot_general3A = arith.constant dense<0.000000e+00> : vector<1x1000xf32>
      %dot_general3A_49 = tpu.matmul %mul3A_45, %get3A_48, %dot_general3A {dimension_numbers = #tpu.dot_dimension_numbers<[1], [0], [0], [1], [0, 0, 1, 1], [], []>, transpose_lhs_hint = false} : vector<1x64xf32>, vector<64x1000xf32>, vector<1x1000xf32> -> vector<1x1000xf32>
      %get3A_50 = arith.constant 0 : index
      %get3A_51 = arith.constant 0 : index
      %get3A_52 = vector.load %arg5[%get3A_50, %get3A_51] : memref<1x1000xf32, #tpu.memory_space<vmem>>, vector<1x1000xf32>
      %add3A_53 = arith.addf %dot_general3A_49, %get3A_52 : vector<1x1000xf32>
      %gt3A_54 = arith.constant 0.000000e+00 : f32
      %gt3A_55 = vector.broadcast %gt3A_54 : f32 to vector<1x1000xf32>
      %gt3A_56 = arith.cmpf ogt, %add3A_53, %gt3A_55 : vector<1x1000xf32>
      %min3A = arith.constant 0.000000e+00 : f32
      %min3A_57 = vector.broadcast %min3A : f32 to vector<1x1000xf32>
      %min3A_58 = arith.minimumf %add3A_53, %min3A_57 : vector<1x1000xf32>
      %exp3A = math.exp %min3A_58 : vector<1x1000xf32>
      %sub3A = arith.constant 1.000000e+00 : f32
      %sub3A_59 = vector.broadcast %sub3A : f32 to vector<1x1000xf32>
      %sub3A_60 = arith.subf %exp3A, %sub3A_59 : vector<1x1000xf32>
      %select_n3A_61 = arith.select %gt3A_56, %add3A_53, %sub3A_60 : vector<1x1000xi1>, vector<1x1000xf32>
      %get3A_62 = arith.constant 0 : index
      %get3A_63 = arith.constant 0 : index
      %get3A_64 = vector.load %arg6[%get3A_62, %get3A_63] : memref<1000x1000xf32, #tpu.memory_space<vmem>>, vector<1000x1000xf32>
      %dot_general3A_65 = arith.constant dense<0.000000e+00> : vector<1x1000xf32>
      %dot_general3A_66 = tpu.matmul %select_n3A_61, %get3A_64, %dot_general3A_65 {dimension_numbers = #tpu.dot_dimension_numbers<[1], [0], [0], [1], [0, 0, 1, 1], [], []>, transpose_lhs_hint = false} : vector<1x1000xf32>, vector<1000x1000xf32>, vector<1x1000xf32> -> vector<1x1000xf32>
      %get3A_67 = arith.constant 0 : index
      %get3A_68 = arith.constant 0 : index
      %get3A_69 = vector.load %arg7[%get3A_67, %get3A_68] : memref<1x1000xf32, #tpu.memory_space<vmem>>, vector<1x1000xf32>
      %add3A_70 = arith.addf %dot_general3A_66, %get3A_69 : vector<1x1000xf32>
      %gt3A_71 = arith.constant 0.000000e+00 : f32
      %gt3A_72 = vector.broadcast %gt3A_71 : f32 to vector<1x1000xf32>
      %gt3A_73 = arith.cmpf ogt, %add3A_70, %gt3A_72 : vector<1x1000xf32>
      %min3A_74 = arith.constant 0.000000e+00 : f32
      %min3A_75 = vector.broadcast %min3A_74 : f32 to vector<1x1000xf32>
      %min3A_76 = arith.minimumf %add3A_70, %min3A_75 : vector<1x1000xf32>
      %exp3A_77 = math.exp %min3A_76 : vector<1x1000xf32>
      %sub3A_78 = arith.constant 1.000000e+00 : f32
      %sub3A_79 = vector.broadcast %sub3A_78 : f32 to vector<1x1000xf32>
      %sub3A_80 = arith.subf %exp3A_77, %sub3A_79 : vector<1x1000xf32>
      %select_n3A_81 = arith.select %gt3A_73, %add3A_70, %sub3A_80 : vector<1x1000xi1>, vector<1x1000xf32>
      %get3A_82 = arith.constant 0 : index
      %get3A_83 = arith.constant 0 : index
      %get3A_84 = vector.load %arg8[%get3A_82, %get3A_83] : memref<1000x1xf32, #tpu.memory_space<vmem>>, vector<1000x1xf32>
      %dot_general3A_85 = arith.constant dense<0.000000e+00> : vector<1x1xf32>
      %dot_general3A_86 = tpu.matmul %select_n3A_81, %get3A_84, %dot_general3A_85 {dimension_numbers = #tpu.dot_dimension_numbers<[1], [0], [0], [1], [0, 0, 1, 1], [], []>, transpose_lhs_hint = false} : vector<1x1000xf32>, vector<1000x1xf32>, vector<1x1xf32> -> vector<1x1xf32>
      %get3A_87 = arith.constant 0 : index
      %get3A_88 = arith.constant 0 : index
      %get3A_89 = vector.load %arg9[%get3A_87, %get3A_88] : memref<1x1xf32, #tpu.memory_space<vmem>>, vector<1x1xf32>
      %add3A_90 = arith.addf %dot_general3A_86, %get3A_89 : vector<1x1xf32>
      %swap3A = arith.constant 0 : index
      %swap3A_91 = arith.constant 0 : index
      %swap3A_92 = vector.load %arg10[%swap3A, %swap3A_91] : memref<1x1xf32, #tpu.memory_space<vmem>>, vector<1x1xf32>
      tpu.vector_store %arg10[%swap3A, %swap3A_91], %add3A_90 {strides = array<i32>} : memref<1x1xf32, #tpu.memory_space<vmem>>, vector<1x1xf32>,
    } else {
    }
    return
  }
  func.func @transform_0(%arg0: i32) -> (i32, i32, i32) {
    %c0_i32 = arith.constant 0 : i32
    %c0_i32_0 = arith.constant 0 : i32
    %c0_i32_1 = arith.constant 0 : i32
    return %c0_i32, %arg0, %c0_i32_0 : i32, i32, i32
  }
  func.func @transform_1(%arg0: i32) -> (i32, i32) {
    %c0_i32 = arith.constant 0 : i32
    %c0_i32_0 = arith.constant 0 : i32
    return %arg0, %c0_i32 : i32, i32
  }
  func.func @transform_2(%arg0: i32) -> (i32, i32) {
    %c0_i32 = arith.constant 0 : i32
    %c0_i32_0 = arith.constant 0 : i32
    %c0_i32_1 = arith.constant 0 : i32
    return %c0_i32, %c0_i32_0 : i32, i32
  }
  func.func @transform_3(%arg0: i32) -> (i32, i32) {
    %c0_i32 = arith.constant 0 : i32
    %c0_i32_0 = arith.constant 0 : i32
    %c0_i32_1 = arith.constant 0 : i32
    return %c0_i32, %c0_i32_0 : i32, i32
  }
  func.func @transform_4(%arg0: i32) -> (i32, i32) {
    %c0_i32 = arith.constant 0 : i32
    %c0_i32_0 = arith.constant 0 : i32
    %c0_i32_1 = arith.constant 0 : i32
    return %c0_i32, %c0_i32_0 : i32, i32
  }
  func.func @transform_5(%arg0: i32) -> (i32, i32) {
    %c0_i32 = arith.constant 0 : i32
    %c0_i32_0 = arith.constant 0 : i32
    %c0_i32_1 = arith.constant 0 : i32
    return %c0_i32, %c0_i32_0 : i32, i32
  }
  func.func @transform_6(%arg0: i32) -> (i32, i32) {
    %c0_i32 = arith.constant 0 : i32
    %c0_i32_0 = arith.constant 0 : i32
    %c0_i32_1 = arith.constant 0 : i32
    return %c0_i32, %c0_i32_0 : i32, i32
  }
  func.func @transform_7(%arg0: i32) -> (i32, i32) {
    %c0_i32 = arith.constant 0 : i32
    %c0_i32_0 = arith.constant 0 : i32
    %c0_i32_1 = arith.constant 0 : i32
    return %c0_i32, %c0_i32_0 : i32, i32
  }
  func.func @transform_8(%arg0: i32) -> (i32, i32) {
    %c0_i32 = arith.constant 0 : i32
    %c0_i32_0 = arith.constant 0 : i32
    %c0_i32_1 = arith.constant 0 : i32
    return %c0_i32, %c0_i32_0 : i32, i32
  }
  func.func @transform_9(%arg0: i32) -> (i32, i32) {
    %c0_i32 = arith.constant 0 : i32
    %c0_i32_0 = arith.constant 0 : i32
    %c0_i32_1 = arith.constant 0 : i32
    return %c0_i32, %c0_i32_0 : i32, i32
  }
}

</mosaic_0001>

<sc_bundles>
// kernel: scatter_offload_async_start.1
scs
__scs_entry_jumppad:
0x0: {  	(pc) =	sbr.rel $0x88, $3  }
0x1: {  	(tag) =	ssettag $0x0;
	lr =	simm.s32 $0x1  }
0x2: {  	[smem:$0x3F87] =	sst lr;
	_ =	strace $0xD0000000  }
0x3: {  	_ = 	snop  }
0x4: {  	_ = 	snop  }
0x5: {  	_ = 	snop  }
0x6: {  	_ = 	snop  }
0x7: {  	_ = 	snop  }
__scs_overlays_trampoline_lowered:
0x8: {  	[smem:$0x3F96] =	sst s0  }
0x9: {  	[smem:$0x3F97] =	sst s1  }
0xa: {  	[smem:$0x3F98] =	sst s2  }
0xb: {  	[smem:$0x3F99] =	sst s3  }
0xc: {  	[smem:$0x3F9A] =	sst s4  }
0xd: {  	[smem:$0x3F9B] =	sst s5  }
0xe: {  	[smem:$0x3F9C] =	sst s6  }
0xf: {  	[smem:$0x3F9D] =	sst s7  }
0x10: {  	[smem:$0x3F9E] =	sst s8  }
0x11: {  	[smem:$0x3F9F] =	sst s9;
	s0 =	simm.s32 @!p0 $0x0  }
0x12: {  	s1 =	sld [smem:$0x3F85];
	s0 =	simm.s32 @p0 $0x1  }
0x13: {  	[smem:$0x3FA0] =	sst s0;
	s0 =	simm.s32 @!p1 $0x0  }
0x14: {  	s2 =	sld [smem:$0x3F84];
	s0 =	simm.s32 @p1 $0x1  }
0x15: {  	[smem:$0x3FA1] =	sst s0;
	s0 =	simm.s32 @!p2 $0x0  }
0x16: {  	s3 =	sld [smem:$0x3FDB];
	s0 =	simm.s32 @p2 $0x1  }
0x17: {  	s4 =	simm.s32 $0x1BF5;
	[smem:$0x3FA3] =	sst s0  }
0x18: {  	s0 =	sld [smem:$0x3F86];
	_ =	swait.ge [sflag:s4], $0x0  }
0x19: {  	s7 =	sld [smem:$0x3F87]  }
0x1a: {  	s8 =	sadd.s32 $0xFFFFE003, lr  }
0x1b: {  	s9 =	sadd.s32 $0xFFFFFEF7, lr;
	s5 =	simm.s32 $0xFFFFFFFF;
	p2 =	slt.u32 s8, $0xFFFFF086  }
0x1c: {  	p1 =	slt.u32 s9, $0xF7A;
	s5 =	simm.s32 @!p2 $0x0  }
0x1d: {  	s5 =	simm.s32 @p1 $0x1;
	p0 =	seq.s32 s7, s2  }
0x1e: {  	s7 =	smul.u32 @!p0 $0xF7A, s2;
	p2 =	seq.s32 @!p0 s5, $0x0  }
0x1f: {  	s9 =	smul.u32 $0xF7A, s1;
	s8 =	simm.s32 @!p0 $0x1BF5;
	p2 =	por !p2, p0  }
0x20: {  	[sflag:s8] =	ssyncset.s32 @!p0 $0xFFFFF086;
	s6 =	sadd.s32 @!p0 s3, s7;
	s7 =	simm.s32 @!p0 $0x108  }
0x21: {  	s3 =	sadd.s32 s3, s9;
	s6 =	sadd.s32 @!p0 $0x88, s6;
	s7 =	simm.s32 @p2 $0x1082  }
0x22: {  	[simem:s7], [sflag:s8] =	dma.local @!p0 [hbm:s6], $0xF7A  }
0x23: {  	s9 =	sor.u32 $0xD0000000, s2;
	s6 =	simm.s32 $0x108;
	_ =	swait.ge @!p0 [sflag:s8], $0x0  }
0x24: {  	s3 =	sadd.s32 $0x88, s3;
	s6 =	simm.s32 @!p1 $0x1082;
	[sflag:s4] =	ssyncset.s32 $0xFFFFF086  }
0x25: {  	[simem:s6], [sflag:s4] =	dma.local [hbm:s3], $0xF7A  }
0x26: {  	[smem:$0x3F87] =	sst s1;
	(tag) =	ssettag s2;
	_ =	strace s9  }
0x27: {  	s1 =	sld [smem:$0x3F97]  }
0x28: {  	s2 =	sld [smem:$0x3F98]  }
0x29: {  	s4 =	sld [smem:$0x3F9A]  }
0x2a: {  	p0 =	seq.s32 s5, $0x0;
	s5 =	sld [smem:$0x3F9B]  }
0x2b: {  	s6 =	sld [smem:$0x3F9C]  }
0x2c: {  	s7 =	sld [smem:$0x3F9D]  }
0x2d: {  	s3 =	simm.s32 $0x108;
	s8 =	sld [smem:$0x3F9E]  }
0x2e: {  	s3 =	simm.s32 @!p0 $0x1082;
	s9 =	sld [smem:$0x3F9F]  }
0x2f: {  	lr =	sadd.s32 s0, s3;
	s0 =	sld [smem:$0x3F96]  }
0x30: {  	s3 =	sld [smem:$0x3F99]  }
0x31: {  	[smem:$0x3FA2] =	sst s10  }
0x32: {  	s10 =	sld [smem:$0x3FA0];
	_ =	sdelay $0x3  }
0x33: {  	p0 =	seq.s32 s10, $0x1;
	s10 =	sld [smem:$0x3FA2];
	_ =	sdelay $0x3  }
0x34: {  	[smem:$0x3FA2] =	sst s10  }
0x35: {  	s10 =	sld [smem:$0x3FA1];
	_ =	sdelay $0x3  }
0x36: {  	p1 =	seq.s32 s10, $0x1;
	s10 =	sld [smem:$0x3FA2];
	_ =	sdelay $0x3  }
0x37: {  	[smem:$0x3FA2] =	sst s10  }
0x38: {  	s10 =	sld [smem:$0x3FA3]  }
0x39: {  	_ = 	snop;
	(pc) =	sbr.ind lr, $3  }
0x3a: {  	_ = 	snop  }
0x3b: {  	_ = 	snop  }
0x3c: {  	p2 =	seq.s32 s10, $0x1;
	s10 =	sld [smem:$0x3FA2]  }
0x3d: {  	_ =	shalt  }
0x3e: {  	_ =	shalt  }
0x3f: {  	_ =	shalt  }
0x40: {  	_ =	shalt  }
0x41: {  	_ =	shalt  }
0x42: {  	_ =	shalt  }
0x43: {  	_ =	shalt  }
0x44: {  	_ =	shalt  }
0x45: {  	_ =	shalt  }
0x46: {  	_ =	shalt  }
0x47: {  	_ =	shalt  }
0x48: {  	_ =	shalt  }
0x49: {  	_ =	shalt  }
0x4a: {  	_ =	shalt  }
0x4b: {  	_ =	shalt  }
0x4c: {  	_ =	shalt  }
0x4d: {  	_ =	shalt  }
0x4e: {  	_ =	shalt  }
0x4f: {  	_ =	shalt  }
0x50: {  	_ =	shalt  }
0x51: {  	_ =	shalt  }
0x52: {  	_ =	shalt  }
0x53: {  	_ =	shalt  }
0x54: {  	_ =	shalt  }
0x55: {  	_ =	shalt  }
0x56: {  	_ =	shalt  }
0x57: {  	_ =	shalt  }
0x58: {  	_ =	shalt  }
0x59: {  	_ =	shalt  }
0x5a: {  	_ =	shalt  }
0x5b: {  	_ =	shalt  }
0x5c: {  	_ =	shalt  }
0x5d: {  	_ =	shalt  }
0x5e: {  	_ =	shalt  }
0x5f: {  	_ =	shalt  }
0x60: {  	_ =	shalt  }
0x61: {  	_ =	shalt  }
0x62: {  	_ =	shalt  }
0x63: {  	_ =	shalt  }
0x64: {  	_ =	shalt  }
0x65: {  	_ =	shalt  }
0x66: {  	_ =	shalt  }
0x67: {  	_ =	shalt  }
0x68: {  	_ =	shalt  }
0x69: {  	_ =	shalt  }
0x6a: {  	_ =	shalt  }
0x6b: {  	_ =	shalt  }
0x6c: {  	_ =	shalt  }
0x6d: {  	_ =	shalt  }
0x6e: {  	_ =	shalt  }
0x6f: {  	_ =	shalt  }
0x70: {  	_ =	shalt  }
0x71: {  	_ =	shalt  }
0x72: {  	_ =	shalt  }
0x73: {  	_ =	shalt  }
0x74: {  	_ =	shalt  }
0x75: {  	_ =	shalt  }
0x76: {  	_ =	shalt  }
0x77: {  	_ =	shalt  }
0x78: {  	_ =	shalt  }
0x79: {  	_ =	shalt  }
0x7a: {  	_ =	shalt  }
0x7b: {  	_ =	shalt  }
0x7c: {  	_ =	shalt  }
0x7d: {  	_ =	shalt  }
0x7e: {  	_ =	shalt  }
0x7f: {  	_ =	shalt  }
0x80: {  	_ =	shalt  }
0x81: {  	_ =	shalt  }
0x82: {  	_ =	shalt  }
0x83: {  	_ =	shalt  }
0x84: {  	_ =	shalt  }
0x85: {  	_ =	shalt  }
0x86: {  	_ =	shalt  }
0x87: {  	_ =	shalt  }
.Lfunc_end0:
.L_simem_size_0:
called_computation.1_lowered:
.L_overlay_start_0:
0x88: {  	s2 =	sld [smem:$0x3FD9]  }
0x89: {  	s3 =	sld [smem:$0x3FFE];
	_ =	sdelay $0x1  }
0x8a: {  	s1 =	srdreg.scid  }
0x8b: {  	s0 =	sand.u32 $0x1, s1  }
0x8c: {  	s15 =	sshll.u32 s0, $0xA;
	s2 =	sadd.s32 s3, s2  }
0x8d: {  	s2 =	sadd.s32 s2, s15  }
0x8e: {  	[smem:$0x3FAE] =	sst s2  }
0x8f: {  	_ = 	snop  }
0x90: {  	(tm) =	ssettm $0x1  }
0x91: {  	s16 =	sld [smem:$0x3FFB];
	_ =	sdelay $0x3  }
0x92: {  	_ =	strace s16  }
0x93: {  	s2 =	sld [smem:$0x3FFC];
	_ =	sdelay $0x3  }
0x94: {  	_ =	strace s2  }
0x95: {  	s2 =	sld [smem:$0x3FFD];
	_ =	sdelay $0x3  }
0x96: {  	_ =	strace s2  }
0x97: {  	_ =	strace $0x8FFFFFFF  }
0x98: {  	s17 =	sld [smem:$0x3FDB];
	_ =	sdelay $0x1  }
0x99: {  	s18 =	simm.s32 $_scs_section_size  }
0x9a: {  	s4 =	simm.s32 $_size__tile_overlayer_lowered;
	s5 =	simm.s32 $_tile_overlayer_lowered  }
0x9b: {  	s6 =	simm.s32 $0x1BFF;
	s19 =	sshll.u32 s5, $0x1;
	s3 =	sadd.s32 s18, s17  }
0x9c: {  	s20 =	simm.s32 $0x0;
	s4 =	sshll.u32 s4, $0x1;
	s5 =	sadd.s32 s19, s3  }
0x9d: {  	[timem:s20], [sflag:s6] =	dma.local [hbm:s5], s4  }
0x9e: {  	_ =	swait.ge [sflag:s6], s4  }
0x9f: {  	s4 =	ssub.s32 $0x0, s4;
	[sflag:s6] =	ssyncset.done $0x0  }
0xa0: {  	[sflag:s6] =	ssyncadd.s32 s4;
	_ =	sdelay $0x1  }
0xa1: {  	s21 =	simm.s32 $0x1B8B  }
0xa2: {  	_ =	swait.ge [sflag:s21], $0x1  }
0xa3: {  	[sflag:s21] =	ssyncset.done $0x0  }
0xa4: {  	s22 =	sld [smem:$0x3FFE];
	[sflag:s21] =	ssyncadd.s32 $0xFFFFFFFF  }
0xa5: {  	s24 =	simm.s32 $0x1B8E;
	s23 =	sld [smem:$0x0]  }
0xa6: {  	s25 =	simm.s32 $execute0_lowered;
	[smem:$0x3FD2] =	sst s24  }
0xa7: {  	s6 =	sshll.u32 s25, $0x1;
	_ =	strace $0x8000004C;
	[dreg:$0x1] =	wrdreg $0xFFFFFFFF  }
0xa8: {  	s7 =	simm.s32 $_size_execute0_lowered;
	s6 =	sadd.s32 s3, s6;
	[dreg:$0x0] =	wrdreg $0x0  }
0xa9: {  	s7 =	sshll.u32 s7, $0x1;
	[dreg:$0x2] =	wrdreg s6  }
0xaa: {  	[dreg:$0x3] =	wrdreg s7  }
0xab: {  	[dreg:$0x4] =	wrdreg $0xC0  }
0xac: {  	s26 =	simm.s32 $execute1_lowered;
	_ =	task [dreg:s20], $0x5FFFF  }
0xad: {  	s6 =	sshll.u32 s26, $0x1;
	[dreg:$0x1] =	wrdreg $0xFFFFFFFF  }
0xae: {  	s3 =	sadd.s32 s3, s6;
	[dreg:$0x0] =	wrdreg $0x60  }
0xaf: {  	[dreg:$0x2] =	wrdreg s3  }
0xb0: {  	[dreg:$0x3] =	wrdreg s22  }
0xb1: {  	[dreg:$0x4] =	wrdreg $0x9  }
0xb2: {  	_ =	task.clear_ibuf [dreg:s20], $0x5FFFF;
	_ =	strace $0x9000004C  }
0xb3: {  	s28 =	simm.s32 $0x9;
	_ =	strace $0x8000004E  }
0xb4: {  	_ =	swait.ge [sflag:s28], $0x1  }
0xb5: {  	[sflag:s28] =	ssyncadd.s32 $0xFFFFFFFF  }
0xb6: {  	_ =	strace $0x9000004E  }
0xb7: {  	s3 =	sld [smem:$0x0]  }
0xb8: {  	s6 =	sand.u32 $0xFFFFFFFE, s1  }
0xb9: {  	p0 =	sne.s32 s1, s6  }
0xba: {  	s6 =	sshll.u32 @p0 s6, $0xE  }
0xbb: {  	s6 =	sadd.s32 @p0 $0x11BF3, s6;
	s7 =	sshll.u32 @p0 s3, $0x11  }
0xbc: {  	s6 =	sor.u32 @p0 s7, s6  }
0xbd: {  	[sflag:s6] =	ssyncadd.remote.s32 @p0 $0x1;
	_ =	sdelay $0x1  }
0xbe: {  	s6 =	simm.s32 @p0 $0x1BF3  }
0xbf: {  	_ =	swait.eq @p0 [sflag:s6], $0x1  }
0xc0: {  	[sflag:s6] =	ssyncadd.s32 @p0 $0xFFFFFFFF  }
0xc1: {  	s7 =	sshll.u32 @!p0 s1, $0xE  }
0xc2: {  	s7 =	sor.u32 @!p0 $0x4000, s7;
	s6 =	simm.s32 @!p0 $0x1BF3  }
0xc3: {  	s3 =	sshll.u32 @!p0 s3, $0x11;
	s7 =	sadd.s32 @!p0 $0x11BF3, s7;
	_ =	swait.eq @!p0 [sflag:s6], $0x1  }
0xc4: {  	s3 =	sor.u32 @!p0 s3, s7;
	[sflag:s6] =	ssyncadd.s32 @!p0 $0xFFFFFFFF  }
0xc5: {  	[sflag:s3] =	ssyncadd.remote.s32 @!p0 $0x1  }
0xc6: {  	_ =	strace $0x8000004F;
	[dreg:$0x1] =	wrdreg $0xFFFFFFFF  }
0xc7: {  	[dreg:$0x0] =	wrdreg $0x2030  }
0xc8: {  	[dreg:$0x2] =	wrdreg s22  }
0xc9: {  	[dreg:$0x3] =	wrdreg s1  }
0xca: {  	[dreg:$0x4] =	wrdreg s23  }
0xcb: {  	[dreg:$0x5] =	wrdreg $0xA  }
0xcc: {  	_ =	task.clear_ibuf [dreg:s20], $0x6FFFF;
	_ =	strace $0x9000004F  }
0xcd: {  	s29 =	simm.s32 $0xA;
	_ =	strace $0x80000051  }
0xce: {  	_ =	swait.ge [sflag:s29], $0x1  }
0xcf: {  	[sflag:s29] =	ssyncadd.s32 $0xFFFFFFFF  }
0xd0: {  	_ =	strace $0x90000051  }
0xd1: {  	_ =	sfence  }
0xd2: {  	s30 =	sld [smem:$0x0];
	_ =	sdelay $0x2  }
0xd3: {  	s31 =	sshll.u32 s1, $0xD;
	s1 =	sshrl.u32 s1, $0x2  }
0xd4: {  	s4 =	sand.u32 $0x4000, s31;
	s1 =	sadd.s32 s1, s30  }
0xd5: {  	s0 =	sor.u32 s4, s0;
	s1 =	sshll.u32 s1, $0x11  }
0xd6: {  	s0 =	sor.u32 s1, s0  }
0xd7: {  	s0 =	sadd.s32 $0x8F2B, s0  }
0xd8: {  	[sflag:s0] =	ssyncadd.remote.s32 $0x1  }
0xd9: {  	_ =	sfence.sel $0xFFFF  }
0xda: {  	[dreg:$0x0] =	wrdreg $0xFFFFFFFF;
	(pc) =	sbr.abs _section_cstart, $3  }
0xdb: {  	[dreg:$0x1] =	wrdreg $0xFFFFFFFF  }
0xdc: {  	_ =	task.clear_ibuf [dreg:s20], $0x2FFFF;
	_ =	strace $0x9FFFFFFF  }
0xdd: {  	(tm) =	ssettm $0x7FFFFFFF  }
tec
execute0_lowered:
.L_overlay_start_1:
0x0: {  	(tag) =	ssettag $0x1  }
0x1: {  	s2 =	rddreg [dreg:$0x0]  }
0x2: {  	s5 =	rddreg [dreg:$0x1]  }
0x3: {  	s0 =	rddreg [dreg:$0x2];
	s3 =	stileid.u32;
	[bflag:$0x3] =	sbarrier.arrive $0xFFFF  }
0x4: {  	s1 =	simm.s32 $_size_execute1_lowered;
	s30 =	srdreg.scid;
	p0 =	sne.s32 s3, $0x0  }
0x5: {  	s1 =	sshll.u32 s1, $0x1;
	s4 =	simm.s32 @!p0 $0x1C3F;
	s6 =	simm.s32 @!p0 $0x4060  }
0x6: {  	[timem:s6], [sflag:s4] =	dma.local @!p0 [hbm:s2], s1  }
0x7: {  	s8 =	simm.s32 $0x2;
	s2 =	sshll.u32 s30, $0x8  }
0x8: {  	s13 =	simm.s32 $0x0;
	s3 =	sshll.u32 s3, $0x9;
	s2 =	sand.u32 $0x100, s2  }
0x9: {  	s9 =	simm.s32 $0x80;
	s10 =	simm.s32 $0x0;
	s2 =	sor.u32 s3, s2  }
0xa: {  	s12 =	simm.s32 $0x0;
	s4 =	simm.s32 $0x1;
	s31 =	ssub.s32 $0x2800, s2  }
.Ltmp0:
0xb: {  	_ =	strace $0x8000004D;
	s7 =	sand.u32 $0x1F00, s31;
	(pc) =	sbr.rel .LBB2_1-.Ltmp0, $4  }
0xc: {  	s3 =	sadd.s32 $0x11600, s5;
	p1 =	sne.s32 s7, $0x0;
	s7 =	simm.s32 $0x1  }
0xd: {  	[sflag:s4] =	ssyncpa.u1 $0x0;
	s6 =	sshrl.u32 s31, $0xD;
	s7 =	simm.s32 @!p1 $0x0  }
0xe: {  	s5 =	sadd.s32 $0x2E4C00, s5;
	[sflag:s8] =	ssyncpa.u1 $0x0;
	s6 =	sadd.s32 s7, s6  }
0xf: {  	s8 =	simm.s32 $0x40;
	s11 =	smov.u32 s2;
	s7 =	sadd.s32 $0x1, s6  }
.LBB2_4:
0x10: {  	s13 =	sand.u32 $0x1FFFFFF, s13  }
0x11: {  	s16 =	smulhi.u32 $0xCCCCCD, s13;
	_ =	sdelay $0x1  }
0x12: {  	s16 =	sshrl.u32 s16, $0x5  }
0x13: {  	s16 =	smul.u32 $0x2800, s16  }
0x14: {  	[tilespmem:v2+s14+$0x30 ss:$0x1] =	vst.idx.msk $0xffff, v1  }
0x15: {  	[tilespmem:v2+s14+$0x0 ss:$0x1] =	vst.idx.msk $0xffff, v3;
	s13 =	ssub.s32 s13, s16  }
0x16: {  	[tilespmem:v2+s14+$0x10 ss:$0x1] =	vst.idx.msk $0xffff, v4;
	s13 =	sshll.u32 s13, $0x4  }
0x17: {  	[tilespmem:v2+s14+$0x20 ss:$0x1] =	vst.idx.msk $0xffff, v5;
	s13 =	sadd.s32 s5, s13  }
0x18: {  	[hbm4b:s13+s8] =	stream.strided.scatter [tilespmem:s15], [sflag:$0x2], $0x4000, s9, s8, $0x38;
	[tilespmem:$0x10000] =	vst v63  }
.LBB2_5:
0x19: {  	s15 =	sadd.s32 $0x2000, s11  }
0x1a: {  	p2 =	sgt.s32 s15, $0x27FF  }
0x1b: {  	s15 =	smov.u32 @p2 s2;
	p2 =	sne.s32 s12, s7  }
.Ltmp1:
0x1c: {  	p1 =	slt.u32 s12, $0x2;
	(pc) =	sbr.rel @!p2 .LBB2_6-.Ltmp1, $4  }
0x1d: {  	s14 =	simm.s32 @!p1 $0x2  }
0x1e: {  	s16 =	sadd.s32 $0x1, s12;
	_ =	swait.ge @!p1 [sflag:s14], $0x4000  }
0x1f: {  	s13 =	smov.u32 s11;
	s10 =	sadd.s32 $0x4000, s10;
	[sflag:s14] =	ssyncset.done @!p1 $0x0  }
0x20: {  	s12 =	smov.u32 s16;
	s11 =	smov.u32 s15;
	[sflag:s14] =	ssyncadd.s32 @!p1 $0xFFFFC000  }
.LBB2_1:
0x21: {  	p1 =	sge.u32 s12, s6  }
0x22: {  	s14 =	sand.u32 @!p1 $0x1FFFFFF, s11  }
0x23: {  	s15 =	smulhi.u32 @!p1 $0xCCCCCD, s14;
	_ =	sdelay $0x1  }
0x24: {  	s15 =	sshrl.u32 @!p1 s15, $0x5  }
0x25: {  	s15 =	smul.u32 @!p1 $0x2800, s15;
	_ =	sdelay $0x1  }
0x26: {  	s31 =	sadd.s32 $0xFFFFFFFF, s12;
	s16 =	sxor.u32 @!p1 $0xFFFFFFFF, s12;
	s14 =	ssub.s32 @!p1 s14, s15  }
0x27: {  	s17 =	simm.s32 @!p1 $0x80;
	s16 =	sshll.u32 @!p1 s16, $0xE;
	s14 =	sshll.u32 @!p1 s14, $0x4  }
0x28: {  	s15 =	sand.u32 @!p1 $0x4000, s16;
	s16 =	simm.s32 @!p1 $0x40;
	s14 =	sadd.s32 @!p1 s3, s14  }
0x29: {  	[tilespmem:s15], [sflag:$0x1] =	stream.strided.gather @!p1 [hbm4b:s14+s16], $0x4000, s17, s16, $0x38;
	[tilespmem:$0x10000] =	vst v63  }
0x2a: {  	p1 =	sge.u32 s31, s6  }
.Ltmp2:
0x2b: {  	_ = 	snop;
	(pc) =	sbr.rel @p1 .LBB2_5-.Ltmp2, $1  }
0x2c: {  	_ =	sdelay $0x3  }
0x2d: {  	s15 =	sand.u32 $0x4000, s10  }
0x2e: {  	s14 =	sor.u32 $0x20, s15  }
0x2f: {  	v0 =	vmov s14;
	_ =	sdelay $0x1  }
0x30: {  	_ =	swait.ge [sflag:s4], $0x4000  }
0x31: {  	[sflag:s4] =	ssyncset.done $0x0  }
0x32: {  	[sflag:s4] =	ssyncadd.s32 $0xFFFFC000;
	s14 =	simm.s32 $0x0  }
0x33: {  	s17 =	sor.u32 $0x8000, s15;
	v1 =	vld.idx.msk [tilespmem:v0+s14+$0x10 ss:$0x1], $0xffff  }
0x34: {  	s16 =	sshll.u32 s12, $0xE;
	v2 =	vmov s17;
	v3 =	vld.idx.msk [tilespmem:v0+s14+$0xFFFFFFE0 ss:$0x1], $0xffff  }
0x35: {  	s31 =	sand.u32 $0x4000, s16;
	v4 =	vld.idx.msk [tilespmem:v0+s14+$0xFFFFFFF0 ss:$0x1], $0xffff  }
0x36: {  	s16 =	simm.s32 $0x100;
	s15 =	sor.u32 $0x8000, s31;
	v5 =	vld.idx.msk [tilespmem:v0+s14+$0x0 ss:$0x1], $0xffff  }
.LBB2_3:
0x37: {  	p1 =	sne.s32 s16, $0xFF00  }
.Ltmp3:
0x38: {  	s17 =	sshra.s32 s16, $0x2;
	s16 =	sadd.s32 $0x100, s16;
	(pc) =	sbr.rel @p1 .LBB2_3-.Ltmp3, $4  }
0x39: {  	[tilespmem:v2+s14+$0x30 ss:$0x1] =	vst.idx.msk $0xffff, v1;
	v1 =	vld.idx.msk [tilespmem:v0+s17+$0x10 ss:$0x1], $0xffff  }
0x3a: {  	[tilespmem:v2+s14+$0x0 ss:$0x1] =	vst.idx.msk $0xffff, v3;
	v3 =	vld.idx.msk [tilespmem:v0+s17+$0xFFFFFFE0 ss:$0x1], $0xffff  }
0x3b: {  	[tilespmem:v2+s14+$0x10 ss:$0x1] =	vst.idx.msk $0xffff, v4;
	v4 =	vld.idx.msk [tilespmem:v0+s17+$0xFFFFFFF0 ss:$0x1], $0xffff  }
0x3c: {  	[tilespmem:v2+s14+$0x20 ss:$0x1] =	vst.idx.msk $0xffff, v5;
	v5 =	vld.idx.msk [tilespmem:v0+s17+$0x0 ss:$0x1], $0xffff;
	s14 =	smov.u32 s17  }
.Ltmp4:
0x3d: {  	_ = 	snop;
	(pc) =	sbr.rel .LBB2_4-.Ltmp4, $1  }
0x3e: {  	_ =	sdelay $0x3  }
.LBB2_6:
0x3f: {  	_ =	sfence.sel $0x180000  }
0x40: {  	s2 =	simm.s32 $0x1;
	[bflag:$0x0] =	sbarrier.arrive $0xFFFF  }
0x41: {  	s31 =	simm.s32 $0x2;
	[sflag:s2] =	ssyncpa.u1 $0x1  }
0x42: {  	[sflag:s31] =	ssyncpa.u1 $0x1  }
0x43: {  	_ =	strace $0x9000004D  }
0x44: {  	s0 =	sadd.s32 @!p0 $0x100000, s0;
	[bflag:$0x2] =	sbarrier.arrive $0xFFFF  }
0x45: {  	[sflag:s0] =	ssyncadd.tile.s32 @!p0 $0x1;
	s0 =	simm.s32 @!p0 $0x3F  }
0x46: {  	_ =	swait.ge @!p0 [sflag:s0], s1  }
0x47: {  	s1 =	ssub.s32 @!p0 $0x0, s1;
	[sflag:s0] =	ssyncset.done @!p0 $0x0  }
0x48: {  	[sflag:s0] =	ssyncadd.s32 @!p0 s1  }
0x49: {  	[bflag:$0x3] =	sbarrier.arrive $0xFFFF  }
0x4a: {  	_ =	shalt  }
.Lfunc_end2:
execute1_lowered:
.L_overlay_start_2:
0x4b: {  	(tag) =	ssettag $0x2  }
0x4c: {  	s2 =	rddreg [dreg:$0x0]  }
0x4d: {  	s4 =	rddreg [dreg:$0x1];
	_ =	strace $0x80000050;
	s0 =	simm.s32 $0x1  }
0x4e: {  	s3 =	simm.s32 $0x88;
	v0 =	vimm.s32 $0x0;
	[sflag:s0] =	ssyncpa.u1 $0x0  }
0x4f: {  	s1 =	sadd.s32 $0x2E4C00, s2;
	[tilespmem:s3+$0x30] =	vst v0  }
0x50: {  	s0 =	sadd.s32 $0x2DAC00, s2;
	s6 =	sadd.s32 $0x5AC00, s2;
	[tilespmem:s3+$0x20] =	vst v0  }
0x51: {  	s2 =	sadd.s32 $0x2DFC00, s2;
	s5 =	sand.u32 $0x1, s4;
	s4 =	simm.s32 $0x40;
	[tilespmem:s3+$0x10] =	vst v0  }
.LBB3_1:
0x52: {  	s4 =	sadd.s32 $0x40, s4  }
0x53: {  	[tilespmem:s3+$0x0] =	vst v0;
	s3 =	sadd.s32 $0x40, s3;
	p0 =	slt.u32 s4, $0x5040  }
.Ltmp5:
0x54: {  	(pc) =	sbr.rel @p0 .LBB3_1-.Ltmp5, $4  }
0x55: {  	_ = 	snop  }
0x56: {  	[tilespmem:s3+$0x30] =	vst v0  }
0x57: {  	[tilespmem:s3+$0x20] =	vst v0  }
0x58: {  	[tilespmem:s3+$0x10] =	vst v0  }
0x59: {  	s28 =	simm.s32 $0x2  }
0x5a: {  	s4 =	stileid.u32;
	s29 =	simm.s32 $0x9;
	s30 =	simm.s32 $0xA  }
0x5b: {  	s7 =	simm.s32 $0xB;
	[dreg:$0x4] =	wrdreg s5;
	s31 =	smul.u32 $0x2800, s5  }
0x5c: {  	s16 =	simm.s32 $0x0;
	p0 =	por $0x1, $0x1;
	s17 =	simm.s32 $0xFF  }
0x5d: {  	p1 =	por $0x0, $0x0;
	s18 =	simm.s32 $0x1;
	s12 =	simm.s32 $0xC  }
0x5e: {  	s23 =	simm.s32 $0x0;
	s21 =	simm.s32 $0x0;
	s9 =	smul.u32 $0x1400, s4  }
.Ltmp6:
0x5f: {  	s20 =	simm.s32 $0x0;
	s0 =	sadd.s32 s31, s0;
	(pc) =	sbr.rel .LBB3_3-.Ltmp6, $4  }
0x60: {  	[tilespmem:s3+$0x0] =	vst v0;
	v0 =	vimm.s32 $0xFFFFFFFF;
	[sflag:s28] =	ssyncpa.u1 $0x0;
	s15 =	sshll.u32 s4, $0x7;
	[dreg:$0x8] =	wrdreg s0  }
0x61: {  	[tilespmem:$0xA108] =	vst v0;
	[sflag:s29] =	ssyncpa.u1 $0x0;
	s11 =	sadd.s32 s31, s2;
	[dreg:$0x5] =	wrdreg s9  }
0x62: {  	[sflag:s30] =	ssyncpa.u1 $0x0;
	s10 =	sadd.s32 $0x1400, s9;
	[dreg:$0x7] =	wrdreg s11  }
0x63: {  	v0 =	vlaneseq.u32;
	s22 =	smov.u32 s9;
	[sflag:s7] =	ssyncpa.u1 $0x0;
	[dreg:$0x6] =	wrdreg s10  }
.LBB3_22:
0x64: {  	s0 =	sshrl.u32 s0, $0x2  }
.LBB3_24:
0x65: {  	_ =	swait.ge [sflag:s12], s0  }
0x66: {  	s30 =	ssub.s32 $0x0, s0;
	v1 =	vmov s26;
	vm0 =	veq.s32 v0, $0x0;
	[sflag:s12] =	ssyncset.done $0x0  }
0x67: {  	vm15 =	veq.s32 v0, $0x2;
	v1 =	vsel vm0, s31, v1;
	[sflag:s12] =	ssyncadd.s32 s30  }
0x68: {  	v1 =	vsel vm15, s23, v1;
	[sflag:s12] =	ssyncpa.u1 $0x1  }
0x69: {  	[tilespmem:$0xA108] =	vst v1  }
.LBB3_25:
0x6a: {  	s0 =	sadd.s32 $0x140, s22  }
0x6b: {  	s2 =	smov.u32 s9;
	s20 =	sadd.s32 $0x1, s20;
	p2 =	slt.s32 s0, s10  }
0x6c: {  	s2 =	smov.u32 @p2 s0;
	p2 =	sne.s32 s20, $0x12  }
.Ltmp7:
0x6d: {  	_ = 	snop;
	(pc) =	sbr.rel @!p2 .LBB3_26-.Ltmp7, $3  }
0x6e: {  	_ =	sdelay $0x1  }
0x6f: {  	s23 =	smov.u32 s21;
	s21 =	smov.u32 s22;
	p0 =	por !p0, !p0  }
0x70: {  	s17 =	sadd.s32 $0x1, s17;
	p1 =	por !p1, !p1;
	s22 =	smov.u32 s2  }
.LBB3_3:
0x71: {  	p2 =	sgt.u32 s20, $0xF  }
0x72: {  	s0 =	smul.u32 @!p2 $0xAB, s20;
	_ =	sdelay $0x1  }
0x73: {  	s0 =	sshrl.u32 @!p2 s0, $0x9  }
0x74: {  	s2 =	smov.u32 s22;
	p3 =	sgt.s32 @!p2 s22, $0x13EC0;
	s0 =	sand.u32 @!p2 $0x7F, s0  }
0x75: {  	s3 =	sshra.s32 @!p2 s22, $0x1F;
	p3 =	por !p3, p2;
	s0 =	smul.u32 @!p2 $0x3, s0  }
0x76: {  	s3 =	sand.u32 @!p2 s3, s22;
	s2 =	simm.s32 @p3 $0x13EC0  }
0x77: {  	s2 =	ssub.s32 @!p2 s2, s3;
	s0 =	ssub.s32 @!p2 s20, s0  }
0x78: {  	s2 =	sadd.s32 @!p2 $0xFFFEC140, s2;
	s0 =	sand.u32 @!p2 $0xFF, s0  }
0x79: {  	s3 =	sshll.u32 @!p2 s2, $0x2;
	p3 =	sgt.s32 @!p2 s2, $0x13F;
	s0 =	smul.u32 @!p2 $0x500, s0  }
0x7a: {  	s4 =	sand.u32 @!p2 $0x7, s22;
	s2 =	ssub.s32 @!p2 $0x500, s3;
	p3 =	por !p3, p2  }
0x7b: {  	s3 =	sshrl.u32 @!p2 s22, $0x3;
	s2 =	sshrl.u32 @!p2 s2, $0x2;
	s0 =	sshrl.u32 @!p2 s0, $0x2  }
0x7c: {  	s3 =	sadd.s32 @!p2 s3, s11;
	s2 =	simm.s32 @!p3 $0x0;
	s0 =	sadd.s32 @!p2 $0xA948, s0  }
0x7d: {  	[tilespmem:s0], [sflag:$0xA] =	stream.linear.gather @!p2 [hbm4b:s3+s4], s2, $0x38;
	[tilespmem:$0x1EF88] =	vst v63  }
0x7e: {  	s0 =	sadd.s32 $0xFFFFFFFF, s20  }
0x7f: {  	p2 =	sgt.u32 s0, $0xF  }
.Ltmp8:
0x80: {  	_ = 	snop;
	(pc) =	sbr.rel @p2 .LBB3_7-.Ltmp8, $1  }
0x81: {  	_ =	sdelay $0x3  }
0x82: {  	p2 =	sgt.s32 s21, $0x13EC0;
	s2 =	smov.u32 s21;
	s3 =	sshra.s32 s21, $0x1F  }
0x83: {  	s4 =	sand.u32 $0xFF, s17;
	s2 =	simm.s32 @!p2 $0x13EC0;
	s3 =	sand.u32 s3, s21  }
0x84: {  	s31 =	smulhi.u32 $0x55555556, s4;
	s2 =	ssub.s32 s2, s3  }
0x85: {  	s0 =	sand.u32 $0x1, s0;
	s4 =	smul.u32 $0x500, s4;
	s2 =	sadd.s32 $0xFFFEC140, s2  }
0x86: {  	s7 =	simm.s32 $0xA;
	s0 =	smul.u32 $0x500, s0;
	s5 =	sshll.u32 s2, $0x2  }
0x87: {  	s9 =	sshrl.u32 s21, $0x3;
	s3 =	smul.u32 $0xF00, s31;
	s5 =	ssub.s32 $0x500, s5  }
0x88: {  	s11 =	sand.u32 $0x7, s21;
	p2 =	sgt.s32 s2, $0x13F;
	s2 =	sshrl.u32 s5, $0x2  }
0x89: {  	s0 =	sshrl.u32 s0, $0x2;
	s3 =	ssub.s32 s4, s3;
	s2 =	simm.s32 @p2 $0x0  }
0x8a: {  	s0 =	sadd.s32 $0xAD08, s0;
	s3 =	sshra.s32 s3, $0x2;
	_ =	swait.ge [sflag:s7], s2  }
0x8b: {  	s8 =	ssub.s32 $0x0, s2;
	[sflag:s7] =	ssyncset.done $0x0;
	s10 =	rddreg [dreg:$0x8]  }
0x8c: {  	s28 =	sadd.s32 $0xA948, s3;
	[sflag:s7] =	ssyncadd.s32 s8;
	s3 =	sadd.s32 s9, s10  }
0x8d: {  	[tilespmem:s0], [sflag:$0xB] =	stream.linear.gather [hbm4b:s3+s11], s2, $0x38;
	[tilespmem:$0x1EF88] =	vst v63  }
0x8e: {  	v1 =	vld.msk [tilespmem:s28+$0x0], $0xffff;
	_ =	sdelay $0x4  }
0x8f: {  	v1 =	vshll.u32 v1, $0x4  }
0x90: {  	(v2sf) =	vpush v1, $0x0  }
0x91: {  	(v2sf) =	vpush v1, $0x1  }
0x92: {  	(v2sf) =	vpush v1, $0x2;
	_ =	sdelay $0x1  }
0x93: {  	(v2sf) =	vpush v1, $0x3;
	_ =	sdelay $0x1  }
0x94: {  	s0 =	simm.s32 $0x1;
	(v2sf) =	vpush v1, $0x4  }
0x95: {  	s0 =	simm.s32 @!p0 $0x0  }
0x96: {  	s0 =	smul.u32 $0x28000, s0;
	(v2sf) =	vpush v1, $0x5;
	_ =	sdelay $0x1  }
0x97: {  	s0 =	sshrl.u32 s0, $0x2;
	(v2sf) =	vpush v1, $0x6  }
0x98: {  	s24 =	sadd.s32 $0xB708, s0  }
0x99: {  	s28 =	sadd.s32 $0x10, s28;
	s0 =	sadd.s32 $0xFFFFFE80, s24;
	s2 =	sadd.s32 $0xFFFFFD00, s24;
	(v2sf) =	vpush v1, $0x7  }
0x9a: {  	s4 =	sadd.s32 $0xFFFFFD80, s24;
	s3 =	sadd.s32 $0xFFFFFE00, s24;
	s5 =	sadd.s32 $0xFFFFFB80, s24  }
0x9b: {  	s26 =	sadd.s32 $0xFFFFFA00, s24;
	s29 =	sadd.s32 $0xFFFFFA80, s24;
	s30 =	sadd.s32 $0xFFFFFB00, s24;
	(v2sf) =	vpush v1, $0x8  }
0x9c: {  	s31 =	sadd.s32 $0xFFFFF900, s24;
	s7 =	sadd.s32 $0xFFFFF980, s24;
	s8 =	spop (v2sf)  }
0x9d: {  	s10 =	sadd.s32 $0xFFFFF880, s24;
	(v2sf) =	vpush v1, $0x9;
	s8 =	sand.u32 $0x1FFFFFF0, s8;
	s11 =	spop (v2sf)  }
0x9e: {  	s8 =	sadd.s32 s6, s8;
	s11 =	sand.u32 $0x1FFFFFF0, s11;
	s13 =	spop (v2sf)  }
0x9f: {  	[tilespmem:s10], [sflag:$0x9] =	stream.linear.gather [hbm4b:s8+s16], $0x40, $0x38;
	[tilespmem:$0x1EF88] =	vst v63  }
0xa0: {  	(v2sf) =	vpush v1, $0xA;
	s12 =	sadd.s32 s6, s11;
	s19 =	sand.u32 $0x1FFFFFF0, s13;
	s9 =	spop (v2sf)  }
0xa1: {  	(v2sf) =	vpush v1, $0xB;
	[tilespmem:s31], [sflag:$0x9] =	stream.linear.gather [hbm4b:s12+s16], $0x40, $0x38;
	[tilespmem:$0x1EF88] =	vst v63  }
0xa2: {  	s10 =	sadd.s32 s6, s19;
	s13 =	spop (v2sf);
	s12 =	sand.u32 $0x1FFFFFF0, s9  }
0xa3: {  	(v2sf) =	vpush v1, $0xC;
	[tilespmem:s7], [sflag:$0x9] =	stream.linear.gather [hbm4b:s10+s16], $0x40, $0x38;
	[tilespmem:$0x1EF88] =	vst v63  }
0xa4: {  	s31 =	sand.u32 $0x1FFFFFF0, s13;
	s9 =	spop (v2sf);
	s19 =	sadd.s32 s6, s12  }
0xa5: {  	(v2sf) =	vpush v1, $0xD;
	[tilespmem:s26], [sflag:$0x9] =	stream.linear.gather [hbm4b:s19+s16], $0x40, $0x38;
	[tilespmem:$0x1EF88] =	vst v63  }
0xa6: {  	s11 =	sadd.s32 s6, s31;
	s12 =	sand.u32 $0x1FFFFFF0, s9;
	s13 =	spop (v2sf)  }
0xa7: {  	(v2sf) =	vpush v1, $0xE;
	[tilespmem:s29], [sflag:$0x9] =	stream.linear.gather [hbm4b:s11+s16], $0x40, $0x38;
	[tilespmem:$0x1EF88] =	vst v63  }
0xa8: {  	s19 =	sadd.s32 s6, s12;
	s26 =	sand.u32 $0x1FFFFFF0, s13;
	s29 =	spop (v2sf)  }
0xa9: {  	(v2sf) =	vpush v1, $0xF;
	[tilespmem:s30], [sflag:$0x9] =	stream.linear.gather [hbm4b:s19+s16], $0x40, $0x38;
	[tilespmem:$0x1EF88] =	vst v63  }
0xaa: {  	s14 =	sadd.s32 $0xFFFFFC00, s24;
	s9 =	spop (v2sf);
	s30 =	sadd.s32 s6, s26  }
0xab: {  	[tilespmem:s5], [sflag:$0x9] =	stream.linear.gather [hbm4b:s30+s16], $0x40, $0x38;
	[tilespmem:$0x1EF88] =	vst v63  }
0xac: {  	s25 =	sadd.s32 $0xFFFFFC80, s24;
	s31 =	sand.u32 $0x1FFFFFF0, s29;
	s13 =	spop (v2sf)  }
0xad: {  	s11 =	sadd.s32 s6, s31;
	s12 =	sand.u32 $0x1FFFFFF0, s9;
	s19 =	sand.u32 $0x1FFFFFF0, s13  }
0xae: {  	[tilespmem:s14], [sflag:$0x9] =	stream.linear.gather [hbm4b:s11+s16], $0x40, $0x38;
	[tilespmem:$0x1EF88] =	vst v63  }
0xaf: {  	s26 =	spop (v2sf);
	s14 =	sadd.s32 s6, s12;
	s29 =	sadd.s32 s6, s19  }
0xb0: {  	s30 =	sand.u32 $0x1FFFFFF0, s26;
	s31 =	spop (v2sf);
	s19 =	sadd.s32 $0xFFFFFF00, s24  }
0xb1: {  	[tilespmem:s25], [sflag:$0x9] =	stream.linear.gather [hbm4b:s14+s16], $0x40, $0x38;
	[tilespmem:$0x1EF88] =	vst v63  }
0xb2: {  	s5 =	sadd.s32 s6, s30;
	s7 =	sand.u32 $0x1FFFFFF0, s31;
	s8 =	spop (v2sf)  }
0xb3: {  	[tilespmem:s2], [sflag:$0x9] =	stream.linear.gather [hbm4b:s29+s16], $0x40, $0x38;
	[tilespmem:$0x1EF88] =	vst v63  }
0xb4: {  	s31 =	sadd.s32 $0xFFFFFF80, s24;
	s10 =	sand.u32 $0x1FFFFFF0, s8;
	s11 =	spop (v2sf)  }
0xb5: {  	[tilespmem:s4], [sflag:$0x9] =	stream.linear.gather [hbm4b:s5+s16], $0x40, $0x38;
	[tilespmem:$0x1EF88] =	vst v63  }
0xb6: {  	s9 =	sadd.s32 s6, s7;
	s12 =	sadd.s32 s6, s10;
	s14 =	spop (v2sf)  }
0xb7: {  	[tilespmem:s3], [sflag:$0x9] =	stream.linear.gather [hbm4b:s9+s16], $0x40, $0x38;
	[tilespmem:$0x1EF88] =	vst v63  }
0xb8: {  	s13 =	sand.u32 $0x1FFFFFF0, s11;
	s26 =	sand.u32 $0x1FFFFFF0, s14;
	s29 =	spop (v2sf)  }
0xb9: {  	[tilespmem:s0], [sflag:$0x9] =	stream.linear.gather [hbm4b:s12+s16], $0x40, $0x38;
	[tilespmem:$0x1EF88] =	vst v63  }
0xba: {  	s25 =	sadd.s32 s6, s13;
	s30 =	sadd.s32 s6, s26;
	s0 =	sand.u32 $0x1FFFFFF0, s29  }
0xbb: {  	[tilespmem:s19], [sflag:$0x9] =	stream.linear.gather [hbm4b:s25+s16], $0x40, $0x38;
	[tilespmem:$0x1EF88] =	vst v63  }
0xbc: {  	s26 =	sadd.s32 $0x800, s24;
	s0 =	sadd.s32 s6, s0;
	s25 =	simm.s32 $0x0  }
0xbd: {  	[tilespmem:s31], [sflag:$0x9] =	stream.linear.gather [hbm4b:s30+s16], $0x40, $0x38;
	[tilespmem:$0x1EF88] =	vst v63  }
.LBB3_5:
0xbe: {  	[tilespmem:s24], [sflag:$0x9] =	stream.linear.gather [hbm4b:s0+s16], $0x40, $0x38;
	[tilespmem:$0x1EF88] =	vst v63  }
0xbf: {  	s25 =	sadd.s32 $0x10, s25;
	s24 =	smov.u32 s26  }
0xc0: {  	p2 =	slt.u32 s25, $0x130;
	v1 =	vld.msk [tilespmem:s28+$0x0], $0xffff;
	_ =	sdelay $0x4  }
0xc1: {  	v1 =	vshll.u32 v1, $0x4  }
0xc2: {  	(v2sf) =	vpush v1, $0x0  }
0xc3: {  	(v2sf) =	vpush v1, $0x1  }
0xc4: {  	(v2sf) =	vpush v1, $0x2;
	_ =	sdelay $0x1  }
0xc5: {  	(v2sf) =	vpush v1, $0x3;
	_ =	sdelay $0x1  }
0xc6: {  	(v2sf) =	vpush v1, $0x4;
	_ =	sdelay $0x1  }
0xc7: {  	(v2sf) =	vpush v1, $0x5;
	_ =	sdelay $0x1  }
0xc8: {  	(v2sf) =	vpush v1, $0x6  }
0xc9: {  	s30 =	sadd.s32 $0xFFFFFE80, s26;
	s29 =	sadd.s32 $0xFFFFFF00, s26  }
0xca: {  	s4 =	sadd.s32 $0xFFFFFD00, s26;
	s0 =	sadd.s32 $0xFFFFFD80, s26;
	s31 =	sadd.s32 $0xFFFFFE00, s26;
	(v2sf) =	vpush v1, $0x7  }
0xcb: {  	s2 =	sadd.s32 $0xFFFFFB80, s26;
	s3 =	sadd.s32 $0xFFFFFC00, s26;
	s5 =	sadd.s32 $0xFFFFFC80, s26  }
0xcc: {  	s7 =	sadd.s32 $0xFFFFFA00, s26;
	s8 =	sadd.s32 $0xFFFFFA80, s26;
	s10 =	sadd.s32 $0xFFFFFB00, s26;
	(v2sf) =	vpush v1, $0x8  }
0xcd: {  	s11 =	sadd.s32 $0xFFFFF900, s26;
	s13 =	sadd.s32 $0xFFFFF980, s26;
	s14 =	spop (v2sf)  }
0xce: {  	s9 =	sadd.s32 $0xFFFFF880, s26;
	s14 =	sand.u32 $0x1FFFFFF0, s14;
	s19 =	spop (v2sf);
	(v2sf) =	vpush v1, $0x9  }
0xcf: {  	s14 =	sadd.s32 s6, s14;
	s19 =	sand.u32 $0x1FFFFFF0, s19;
	s12 =	spop (v2sf)  }
0xd0: {  	[tilespmem:s9], [sflag:$0x9] =	stream.linear.gather [hbm4b:s14+s16], $0x40, $0x38;
	(v2sf) =	vpush v1, $0xA;
	[tilespmem:$0x1EF88] =	vst v63  }
0xd1: {  	s9 =	sadd.s32 s6, s19;
	s12 =	sand.u32 $0x1FFFFFF0, s12;
	s14 =	spop (v2sf)  }
0xd2: {  	[tilespmem:s11], [sflag:$0x9] =	stream.linear.gather [hbm4b:s9+s16], $0x40, $0x38;
	(v2sf) =	vpush v1, $0xB;
	[tilespmem:$0x1EF88] =	vst v63  }
0xd3: {  	s9 =	sadd.s32 s6, s12;
	s11 =	sand.u32 $0x1FFFFFF0, s14;
	s12 =	spop (v2sf)  }
0xd4: {  	[tilespmem:s13], [sflag:$0x9] =	stream.linear.gather [hbm4b:s9+s16], $0x40, $0x38;
	(v2sf) =	vpush v1, $0xC;
	[tilespmem:$0x1EF88] =	vst v63  }
0xd5: {  	s9 =	sadd.s32 s6, s11;
	s11 =	sand.u32 $0x1FFFFFF0, s12;
	s12 =	spop (v2sf)  }
0xd6: {  	[tilespmem:s7], [sflag:$0x9] =	stream.linear.gather [hbm4b:s9+s16], $0x40, $0x38;
	(v2sf) =	vpush v1, $0xD;
	[tilespmem:$0x1EF88] =	vst v63  }
0xd7: {  	s7 =	sadd.s32 s6, s11;
	s9 =	sand.u32 $0x1FFFFFF0, s12;
	s11 =	spop (v2sf)  }
0xd8: {  	[tilespmem:s8], [sflag:$0x9] =	stream.linear.gather [hbm4b:s7+s16], $0x40, $0x38;
	(v2sf) =	vpush v1, $0xE;
	[tilespmem:$0x1EF88] =	vst v63  }
0xd9: {  	s7 =	sadd.s32 s6, s9;
	s8 =	sand.u32 $0x1FFFFFF0, s11;
	s9 =	spop (v2sf)  }
0xda: {  	[tilespmem:s10], [sflag:$0x9] =	stream.linear.gather [hbm4b:s7+s16], $0x40, $0x38;
	(v2sf) =	vpush v1, $0xF;
	[tilespmem:$0x1EF88] =	vst v63  }
0xdb: {  	s7 =	sadd.s32 s6, s8;
	s8 =	sand.u32 $0x1FFFFFF0, s9;
	s9 =	spop (v2sf)  }
0xdc: {  	[tilespmem:s2], [sflag:$0x9] =	stream.linear.gather [hbm4b:s7+s16], $0x40, $0x38;
	[tilespmem:$0x1EF88] =	vst v63  }
0xdd: {  	s2 =	sadd.s32 s6, s8;
	s7 =	sand.u32 $0x1FFFFFF0, s9;
	s8 =	spop (v2sf)  }
0xde: {  	[tilespmem:s3], [sflag:$0x9] =	stream.linear.gather [hbm4b:s2+s16], $0x40, $0x38;
	[tilespmem:$0x1EF88] =	vst v63  }
0xdf: {  	s2 =	sadd.s32 s6, s7;
	s3 =	sand.u32 $0x1FFFFFF0, s8;
	s7 =	spop (v2sf)  }
0xe0: {  	[tilespmem:s5], [sflag:$0x9] =	stream.linear.gather [hbm4b:s2+s16], $0x40, $0x38;
	[tilespmem:$0x1EF88] =	vst v63  }
0xe1: {  	s2 =	sadd.s32 s6, s3;
	s3 =	sand.u32 $0x1FFFFFF0, s7;
	s5 =	spop (v2sf)  }
0xe2: {  	[tilespmem:s4], [sflag:$0x9] =	stream.linear.gather [hbm4b:s2+s16], $0x40, $0x38;
	[tilespmem:$0x1EF88] =	vst v63  }
0xe3: {  	s2 =	sadd.s32 s6, s3;
	s3 =	sand.u32 $0x1FFFFFF0, s5;
	s4 =	spop (v2sf)  }
0xe4: {  	[tilespmem:s0], [sflag:$0x9] =	stream.linear.gather [hbm4b:s2+s16], $0x40, $0x38;
	[tilespmem:$0x1EF88] =	vst v63  }
0xe5: {  	s0 =	sadd.s32 s6, s3;
	s2 =	sand.u32 $0x1FFFFFF0, s4;
	s3 =	spop (v2sf)  }
0xe6: {  	[tilespmem:s31], [sflag:$0x9] =	stream.linear.gather [hbm4b:s0+s16], $0x40, $0x38;
	[tilespmem:$0x1EF88] =	vst v63  }
0xe7: {  	s0 =	sadd.s32 s6, s2;
	s2 =	sand.u32 $0x1FFFFFF0, s3;
	s3 =	spop (v2sf)  }
0xe8: {  	[tilespmem:s30], [sflag:$0x9] =	stream.linear.gather [hbm4b:s0+s16], $0x40, $0x38;
	[tilespmem:$0x1EF88] =	vst v63  }
0xe9: {  	s0 =	sadd.s32 s6, s2  }
.Ltmp9:
0xea: {  	s2 =	sand.u32 $0x1FFFFFF0, s3;
	s3 =	spop (v2sf);
	(pc) =	sbr.rel @p2 .LBB3_5-.Ltmp9, $4  }
0xeb: {  	[tilespmem:s29], [sflag:$0x9] =	stream.linear.gather [hbm4b:s0+s16], $0x40, $0x38;
	[tilespmem:$0x1EF88] =	vst v63  }
0xec: {  	s0 =	sadd.s32 s6, s2;
	s2 =	sadd.s32 $0xFFFFFF80, s26;
	s3 =	sand.u32 $0x1FFFFFF0, s3  }
0xed: {  	[tilespmem:s2], [sflag:$0x9] =	stream.linear.gather [hbm4b:s0+s16], $0x40, $0x38;
	[tilespmem:$0x1EF88] =	vst v63  }
0xee: {  	s28 =	sadd.s32 $0x10, s28;
	s26 =	sadd.s32 $0x800, s26;
	s0 =	sadd.s32 s6, s3  }
0xef: {  	[tilespmem:s24], [sflag:$0x9] =	stream.linear.gather [hbm4b:s0+s16], $0x40, $0x38;
	[tilespmem:$0x1EF88] =	vst v63  }
0xf0: {  	s9 =	rddreg [dreg:$0x5]  }
0xf1: {  	s10 =	rddreg [dreg:$0x6]  }
0xf2: {  	s11 =	rddreg [dreg:$0x7];
	s12 =	simm.s32 $0xC  }
.LBB3_7:
0xf3: {  	p2 =	slt.u32 s20, $0x2  }
.Ltmp10:
0xf4: {  	_ = 	snop;
	(pc) =	sbr.rel @p2 .LBB3_25-.Ltmp10, $1  }
0xf5: {  	_ =	sdelay $0x3  }
0xf6: {  	p2 =	sgt.s32 s23, $0x13EC0;
	s0 =	smov.u32 s23;
	s2 =	sshra.s32 s23, $0x1F  }
0xf7: {  	s0 =	simm.s32 @!p2 $0x13EC0;
	s2 =	sand.u32 s2, s23  }
0xf8: {  	s0 =	ssub.s32 s0, s2  }
0xf9: {  	s0 =	sadd.s32 $0xFFFEC140, s0  }
0xfa: {  	s3 =	simm.s32 $0x9;
	s29 =	sshll.u32 s0, $0x2  }
0xfb: {  	_ =	swait.ge [sflag:s3], $0x5000;
	s2 =	ssub.s32 $0x500, s29  }
0xfc: {  	[sflag:s3] =	ssyncset.done $0x0;
	p2 =	sgt.s32 s0, $0x13F;
	s0 =	sshrl.u32 s2, $0x2  }
0xfd: {  	s30 =	simm.s32 $0xB;
	[sflag:s3] =	ssyncadd.s32 $0xFFFFB000;
	s0 =	simm.s32 @p2 $0x0  }
0xfe: {  	_ =	swait.ge [sflag:s30], s0  }
0xff: {  	s0 =	ssub.s32 $0x0, s0;
	[sflag:s30] =	ssyncset.done $0x0  }
0x100: {  	[sflag:s30] =	ssyncadd.s32 s0  }
0x101: {  	v1 =	vld [tilespmem:$0xA108];
	_ =	sdelay $0x4  }
0x102: {  	(v2sf) =	vpush v1, $0x0  }
0x103: {  	(v2sf) =	vpush v1, $0x1  }
0x104: {  	(v2sf) =	vpush v1, $0x2;
	_ =	sdelay $0x3  }
0x105: {  	s2 =	sadd.s32 $0x140, s23  }
0x106: {  	s4 =	ssub.s32 $0x28000, s23;
	p2 =	slt.s32 s10, s2  }
0x107: {  	s2 =	smov.u32 @p2 s10;
	p2 =	sgt.s32 s4, $0x0  }
0x108: {  	s24 =	ssub.s32 s2, s23;
	s4 =	simm.s32 @!p2 $0x0  }
0x109: {  	p2 =	slt.s32 s4, s24  }
0x10a: {  	s24 =	smov.u32 @p2 s4  }
0x10b: {  	s0 =	simm.s32 $0x1;
	p2 =	slt.s32 s24, $0x1  }
.Ltmp11:
0x10c: {  	s0 =	simm.s32 @!p1 $0x0;
	(pc) =	sbr.rel @p2 .LBB3_12-.Ltmp11, $4  }
0x10d: {  	s5 =	smul.u32 $0x500, s0  }
0x10e: {  	s3 =	spop (v2sf)  }
0x10f: {  	s31 =	sshrl.u32 s5, $0x2;
	s2 =	spop (v2sf)  }
0x110: {  	s25 =	sadd.s32 $0xAD08, s31;
	s23 =	spop (v2sf)  }
0x111: {  	s4 =	smin.u32 s24, $0x10  }
0x112: {  	v1 =	vmov s4  }
0x113: {  	p3 =	sgt.s32 s24, $0x10;
	vm1 =	vgt.u32 v1, v0  }
.Ltmp12:
0x114: {  	_ = 	snop;
	(pc) =	sbr.rel @!p3 .LBB3_11-.Ltmp12, $2  }
0x115: {  	_ =	sdelay $0x2  }
0x116: {  	s5 =	simm.s32 $0x10;
	s26 =	sadd.s32 $0xFFFFFFF0, s24;
	s4 =	smov.u32 s25;
	vm0 =	vmmov vm1  }
.LBB3_10:
0x117: {  	s7 =	smin.u32 s26, $0x10;
	s5 =	sadd.s32 $0x10, s5;
	v1 =	vld.msk [tilespmem:s4+$0x0 ss:$0x1], vm1  }
0x118: {  	v2 =	vmov s7;
	p3 =	slt.s32 s5, s24  }
0x119: {  	vm1 =	vgt.u32 v2, v0  }
.Ltmp13:
0x11a: {  	(pc) =	sbr.rel @p3 .LBB3_10-.Ltmp13, $3  }
0x11b: {  	_ =	sdelay $0x1  }
0x11c: {  	v1 =	vshll.u32 v1, $0x4  }
0x11d: {  	s26 =	sadd.s32 $0xFFFFFFF0, s26;
	[tilespmem:s4+$0x0] =	vst.msk vm0, v1;
	s4 =	sadd.s32 $0x10, s4;
	vm0 =	vmmov vm1  }
.LBB3_11:
0x11e: {  	_ =	sdelay $0x4  }
0x11f: {  	v1 =	vld.msk [tilespmem:s4+$0x0 ss:$0x1], vm1;
	_ =	sdelay $0x4  }
0x120: {  	v1 =	vshll.u32 v1, $0x4  }
0x121: {  	[tilespmem:s4+$0x0] =	vst.msk vm0, v1  }
.LBB3_12:
0x122: {  	s4 =	sand.u32 $0x1, s20  }
0x123: {  	s5 =	smul.u32 $0xA000, s4  }
0x124: {  	p3 =	sne.s32 s2, $0xFFFFFFFF;
	s4 =	smul.u32 $0x140, s4  }
0x125: {  	v1 =	vld @!p3 [tilespmem:s5+$0xAF88]  }
0x126: {  	v2 =	vld.msk @!p3 [tilespmem:s4+$0xAD08], $0x1;
	_ =	sdelay $0x3  }
0x127: {  	[tilespmem:$0x88] =	vst @!p3 v1  }
0x128: {  	(v2sf) =	vpush @!p3 v2, $0x0;
	v1 =	vld @!p3 [tilespmem:s5+$0xAF98];
	_ =	sdelay $0x4  }
0x129: {  	[tilespmem:$0x98] =	vst @!p3 v1  }
0x12a: {  	v1 =	vld @!p3 [tilespmem:s5+$0xAFA8];
	_ =	sdelay $0x4  }
0x12b: {  	[tilespmem:$0xA8] =	vst @!p3 v1  }
0x12c: {  	v1 =	vld @!p3 [tilespmem:s5+$0xAFB8]  }
.Ltmp14:
0x12d: {  	_ = 	snop;
	(pc) =	sbr.rel @p2 .LBB3_23-.Ltmp14, $4  }
0x12e: {  	_ = 	snop  }
0x12f: {  	s30 =	spop @!p3 (v2sf)  }
0x130: {  	s23 =	simm.s32 @!p3 $0x0;
	s26 =	smov.u32 s30  }
0x131: {  	s30 =	smov.u32 @p3 s3;
	s26 =	smov.u32 @p3 s2;
	[tilespmem:$0xB8] =	vst @!p3 v1;
	[sflag:s12] =	ssyncpa.u1 $0x0  }
0x132: {  	v1 =	vld.msk [tilespmem:s25+$0x0], $0x1;
	_ =	sdelay $0x4  }
0x133: {  	(v2sf) =	vpush v1, $0x0;
	_ =	sdelay $0xe  }
0x134: {  	s0 =	smul.u32 $0x28000, s0;
	s3 =	spop (v2sf)  }
0x135: {  	p2 =	seq.s32 s30, s3  }
0x136: {  	s2 =	smov.u32 s30;
	s0 =	sshrl.u32 s0, $0x2;
	p3 =	sgt.s32 @!p2 s30, $0x0  }
0x137: {  	s28 =	sadd.s32 $0xAFA8, s0;
	s0 =	sadd.s32 $0xFFFFFFFF, s24;
	p3 =	por !p3, p2  }
0x138: {  	s2 =	simm.s32 @p3 $0x0;
	p3 =	sne.s32 s0, $0x0  }
.Ltmp15:
0x139: {  	_ = 	snop;
	(pc) =	sbr.rel @!p3 .LBB3_15-.Ltmp15, $4  }
0x13a: {  	_ = 	snop  }
0x13b: {  	s29 =	simm.s32 $0x0;
	s4 =	simm.s32 @!p2 $0x1;
	s2 =	smin.u32 @!p2 s2, $0x27FF8  }
0x13c: {  	s5 =	simm.s32 @!p2 $0x50C8;
	s4 =	smov.u32 @p2 s29;
	s7 =	sand.u32 @!p2 $0x3FFF8, s2  }
0x13d: {  	s31 =	sand.u32 @!p2 $0x7, s2;
	s2 =	sadd.s32 $0x1, s25;
	s14 =	sadd.s32 @!p2 s1, s7  }
.LBB3_14:
0x13e: {  	s7 =	smov.u32 s4  }
0x13f: {  	[tilespmem:s5], [sflag:$0x2] =	stream.linear.gather @!p2 [hbm4b:s14+s31], $0x40, $0x38;
	[tilespmem:$0x1EF88] =	vst v63  }
0x140: {  	s0 =	sadd.s32 $0xFFFFFFFF, s0;
	s8 =	smov.u32 s3;
	v1 =	vld.msk [tilespmem:s2+$0x0], $0x1  }
0x141: {  	p3 =	sne.s32 s0, $0x0;
	_ =	sdelay $0x3  }
0x142: {  	(v2sf) =	vpush v1, $0x0;
	_ =	sdelay $0xe  }
0x143: {  	s3 =	spop (v2sf)  }
0x144: {  	p2 =	seq.s32 s8, s3  }
0x145: {  	p4 =	sgt.s32 @!p2 s8, $0x0;
	s5 =	sshll.u32 @!p2 s4, $0x8;
	s4 =	sadd.s32 @!p2 $0x1, s4  }
.Ltmp16:
0x146: {  	p4 =	por !p4, p2;
	s5 =	sshra.s32 @!p2 s5, $0x2;
	(pc) =	sbr.rel @p3 .LBB3_14-.Ltmp16, $4  }
0x147: {  	s4 =	smov.u32 @p2 s7;
	s8 =	simm.s32 @p4 $0x0;
	s5 =	sadd.s32 @!p2 $0x50C8, s5  }
0x148: {  	s7 =	smin.u32 @!p2 s8, $0x27FF8  }
0x149: {  	s8 =	sand.u32 @!p2 $0x3FFF8, s7;
	s31 =	sand.u32 @!p2 $0x7, s7  }
0x14a: {  	s2 =	sadd.s32 $0x1, s2;
	s14 =	sadd.s32 @!p2 s1, s8  }
.LBB3_15:
0x14b: {  	[tilespmem:s5], [sflag:$0x2] =	stream.linear.gather @!p2 [hbm4b:s14+s31], $0x40, $0x38;
	[tilespmem:$0x1EF88] =	vst v63  }
.Ltmp17:
0x14c: {  	s0 =	sshll.u32 s4, $0x6;
	(pc) =	sbr.rel .LBB3_16-.Ltmp17, $4  }
0x14d: {  	s2 =	simm.s32 $0x2;
	s0 =	sand.u32 $0x3FFFFFC0, s0  }
0x14e: {  	_ =	swait.ge [sflag:s2], s0  }
0x14f: {  	s0 =	ssub.s32 $0x0, s0;
	[sflag:s2] =	ssyncset.done $0x0  }
0x150: {  	[sflag:s2] =	ssyncadd.s32 s0;
	s0 =	simm.s32 $0x0  }
.LBB3_17:
0x151: {  	v1 =	vld [tilespmem:s28+$0xFFFFFFE0]  }
0x152: {  	v2 =	vld [tilespmem:s2+$0x88];
	_ =	sdelay $0x4  }
0x153: {  	v1 =	vmax.f32 v1, v2  }
0x154: {  	v2 =	vld [tilespmem:s2+$0x98];
	[tilespmem:s2+$0x88] =	vst v1  }
0x155: {  	v1 =	vld [tilespmem:s28+$0xFFFFFFF0];
	_ =	sdelay $0x4  }
0x156: {  	v1 =	vmax.f32 v1, v2  }
0x157: {  	v2 =	vld [tilespmem:s2+$0xA8];
	[tilespmem:s2+$0x98] =	vst v1  }
0x158: {  	v1 =	vld [tilespmem:s28+$0x0];
	_ =	sdelay $0x4  }
0x159: {  	v1 =	vmax.f32 v1, v2  }
0x15a: {  	v2 =	vld [tilespmem:s2+$0xB8];
	[tilespmem:s2+$0xA8] =	vst v1  }
0x15b: {  	v1 =	vld [tilespmem:s28+$0x10];
	_ =	sdelay $0x4  }
0x15c: {  	v1 =	vmax.f32 v1, v2  }
0x15d: {  	[tilespmem:s2+$0xB8] =	vst v1  }
.LBB3_21:
0x15e: {  	s24 =	sadd.s32 $0xFFFFFFFF, s24  }
0x15f: {  	p2 =	sne.s32 s24, $0x0  }
.Ltmp18:
0x160: {  	_ = 	snop;
	(pc) =	sbr.rel @!p2 .LBB3_22-.Ltmp18, $2  }
0x161: {  	_ =	sdelay $0x2  }
0x162: {  	s28 =	sadd.s32 $0x80, s28;
	s25 =	sadd.s32 $0x1, s25;
	s30 =	smov.u32 s31  }
.LBB3_16:
0x163: {  	v1 =	vld.msk [tilespmem:s25+$0x0], $0x1;
	_ =	sdelay $0x4  }
0x164: {  	(v2sf) =	vpush v1, $0x0;
	_ =	sdelay $0xe  }
0x165: {  	s31 =	spop (v2sf)  }
0x166: {  	p2 =	sne.s32 s30, s31  }
.Ltmp19:
0x167: {  	_ = 	snop;
	(pc) =	sbr.rel @!p2 .LBB3_17-.Ltmp19, $3  }
0x168: {  	_ =	sdelay $0x1  }
0x169: {  	s2 =	sshll.u32 s23, $0x8  }
0x16a: {  	s2 =	sshra.s32 s2, $0x2  }
0x16b: {  	p2 =	seq.s32 s30, s26  }
.Ltmp20:
0x16c: {  	_ = 	snop;
	(pc) =	sbr.rel @!p2 .LBB3_19-.Ltmp20, $1  }
0x16d: {  	_ =	sdelay $0x3  }
.Ltmp21:
0x16e: {  	s2 =	sadd.s32 $0x88, s2;
	(pc) =	sbr.rel .LBB3_20-.Ltmp21, $4  }
0x16f: {  	[spmem:s15] =	stream.linear.scatter [tilespmem:s2], [sflag:$0x1], $0x40, $0x38;
	[tilespmem:$0x1EF88] =	vst v63  }
0x170: {  	_ =	swait.ge [sflag:s18], $0x40  }
0x171: {  	[sflag:s18] =	ssyncset.done $0x0  }
0x172: {  	[sflag:s18] =	ssyncadd.s32 $0xFFFFFFC0  }
.LBB3_19:
0x173: {  	s3 =	sshll.u32 s29, $0x8  }
0x174: {  	v2 =	vld [tilespmem:s2+$0x88];
	s3 =	sshra.s32 s3, $0x2  }
0x175: {  	v1 =	vld [tilespmem:s3+$0x50C8];
	_ =	sdelay $0x4  }
0x176: {  	v1 =	vmax.f32 v1, v2  }
0x177: {  	v2 =	vld [tilespmem:s2+$0x98];
	[tilespmem:s2+$0x88] =	vst v1  }
0x178: {  	v1 =	vld [tilespmem:s3+$0x50D8];
	_ =	sdelay $0x4  }
0x179: {  	v1 =	vmax.f32 v1, v2  }
0x17a: {  	v2 =	vld [tilespmem:s2+$0xA8];
	[tilespmem:s2+$0x98] =	vst v1  }
0x17b: {  	v1 =	vld [tilespmem:s3+$0x50E8];
	_ =	sdelay $0x4  }
0x17c: {  	v1 =	vmax.f32 v1, v2  }
0x17d: {  	v2 =	vld [tilespmem:s2+$0xB8];
	[tilespmem:s2+$0xA8] =	vst v1  }
0x17e: {  	v1 =	vld [tilespmem:s3+$0x50F8];
	_ =	sdelay $0x3  }
0x17f: {  	p2 =	sgt.u32 s30, $0x27FF8  }
0x180: {  	s3 =	sand.u32 @!p2 $0x3FFF8, s30;
	v1 =	vmax.f32 v1, v2  }
0x181: {  	s4 =	sadd.s32 $0x88, s2;
	[tilespmem:s2+$0xB8] =	vst v1;
	s2 =	sadd.s32 @!p2 s1, s3;
	s3 =	sand.u32 @!p2 $0x7, s30  }
0x182: {  	[hbm4b:s2+s3] =	stream.linear.scatter @!p2 [tilespmem:s4], [sflag:$0xC], $0x40, $0x38;
	[tilespmem:$0x1EF88] =	vst v63  }
0x183: {  	s2 =	simm.s32 $0x0  }
0x184: {  	s2 =	simm.s32 @!p2 $0x100  }
0x185: {  	s0 =	sadd.s32 s2, s0  }
.LBB3_20:
0x186: {  	s2 =	sadd.s32 $0x1, s23  }
0x187: {  	s3 =	smulhi.u32 $0xCCCCCCCD, s2;
	_ =	sdelay $0x1  }
0x188: {  	v1 =	vld [tilespmem:s28+$0xFFFFFFE0];
	s3 =	sshrl.u32 s3, $0x8  }
0x189: {  	s3 =	smul.u32 $0x140, s3;
	_ =	sdelay $0x1  }
0x18a: {  	s23 =	ssub.s32 s2, s3  }
0x18b: {  	s2 =	sshll.u32 s23, $0x6  }
0x18c: {  	[tilespmem:s2+$0x88] =	vst v1  }
0x18d: {  	v1 =	vld [tilespmem:s28+$0xFFFFFFF0];
	_ =	sdelay $0x4  }
0x18e: {  	[tilespmem:s2+$0x98] =	vst v1  }
0x18f: {  	v1 =	vld [tilespmem:s28+$0x0];
	_ =	sdelay $0x4  }
0x190: {  	[tilespmem:s2+$0xA8] =	vst v1  }
0x191: {  	v1 =	vld [tilespmem:s28+$0x10]  }
.Ltmp22:
0x192: {  	_ = 	snop;
	(pc) =	sbr.rel .LBB3_21-.Ltmp22, $2  }
0x193: {  	_ =	sdelay $0x2  }
0x194: {  	s29 =	sadd.s32 $0x1, s29;
	[tilespmem:s2+$0xB8] =	vst v1  }
.LBB3_23:
.Ltmp23:
0x195: {  	(pc) =	sbr.rel .LBB3_24-.Ltmp23, $4  }
0x196: {  	_ = 	snop  }
0x197: {  	s0 =	simm.s32 $0x2  }
0x198: {  	_ =	swait.ge [sflag:s0], $0x0  }
0x199: {  	s31 =	smov.u32 s30;
	[sflag:s0] =	ssyncset.done $0x0;
	s0 =	simm.s32 $0x0  }
.LBB3_26:
0x19a: {  	_ =	sfence.sel $0x180000  }
0x19b: {  	s0 =	simm.s32 $0x9;
	[bflag:$0x0] =	sbarrier.arrive $0xFFFF  }
0x19c: {  	s24 =	simm.s32 $0xA;
	[sflag:s0] =	ssyncpa.u1 $0x1  }
0x19d: {  	s25 =	simm.s32 $0xB;
	[sflag:s24] =	ssyncpa.u1 $0x1  }
0x19e: {  	s26 =	simm.s32 $0x2;
	[sflag:s25] =	ssyncpa.u1 $0x1  }
0x19f: {  	[sflag:s26] =	ssyncpa.u1 $0x1  }
0x1a0: {  	v0 =	vld [tilespmem:$0xA108];
	_ =	sdelay $0x4  }
0x1a1: {  	(v2sf) =	vpush v0, $0x0  }
0x1a2: {  	(v2sf) =	vpush v0, $0x1;
	_ =	sdelay $0x1  }
0x1a3: {  	(v2sf) =	vpush v0, $0x2;
	_ =	sdelay $0xb  }
0x1a4: {  	s0 =	spop (v2sf)  }
0x1a5: {  	s2 =	spop (v2sf)  }
0x1a6: {  	s3 =	smov.u32 s0;
	p0 =	sne.s32 s0, s2  }
0x1a7: {  	s4 =	spop (v2sf);
	s3 =	simm.s32 @!p0 $0xFFFFFFFF  }
0x1a8: {  	v2 =	vimm.s32 $0x1;
	v3 =	vlaneseq.u32;
	p0 =	seq.s32 s4, $0xFFFFFFFF;
	v1 =	vmov s3  }
0x1a9: {  	s14 =	stileid.u32;
	v0 =	vperm.xlane v0, v2;
	p1 =	sne.s32 @!p0 s0, s2;
	v1 =	vperm.xlane v1, v3  }
0x1aa: {  	vm0 =	vcmask $0x3F04;
	s6 =	simm.s32 $0xA108;
	s0 =	simm.s32 @!p0 $0x1;
	p1 =	por !p1, p0  }
0x1ab: {  	s3 =	sshll.u32 s14, $0x1;
	s2 =	sshll.u32 @!p0 s4, $0x8;
	s0 =	simm.s32 @p1 $0x0;
	v0 =	vsel vm0, v1, v0  }
0x1ac: {  	s5 =	sor.u32 $0x800, s3;
	s2 =	sshra.s32 @!p0 s2, $0x2;
	s0 =	sor.u32 @!p0 s0, s3;
	[tilespmem:$0xA108] =	vst v0  }
0x1ad: {  	[spmem:s5] =	stream.linear.scatter [tilespmem:s6], [sflag:$0x1], $0x2, $0x38;
	[tilespmem:$0x1EF88] =	vst v63  }
0x1ae: {  	s2 =	sadd.s32 @!p0 $0x88, s2;
	s0 =	sshll.u32 @!p0 s0, $0x6  }
0x1af: {  	[spmem:s0] =	stream.linear.scatter @!p0 [tilespmem:s2], [sflag:$0x1], $0x40, $0x38;
	[tilespmem:$0x1EF88] =	vst v63  }
0x1b0: {  	s0 =	simm.s32 @!p0 $0x42  }
0x1b1: {  	s28 =	simm.s32 $0x1;
	s0 =	simm.s32 @p0 $0x2  }
0x1b2: {  	_ =	swait.ge [sflag:s28], s0  }
0x1b3: {  	s0 =	ssub.s32 $0x0, s0;
	[sflag:s28] =	ssyncset.done $0x0  }
0x1b4: {  	p0 =	sne.s32 s14, $0x0;
	[sflag:s28] =	ssyncadd.s32 s0  }
.Ltmp24:
0x1b5: {  	_ =	sfence.stream.spmem;
	(pc) =	sbr.rel @p0 .LBB3_43-.Ltmp24, $4  }
0x1b6: {  	s29 =	simm.s32 $0x3;
	[bflag:$0x0] =	sbarrier.arrive $0xFFFF  }
0x1b7: {  	s30 =	simm.s32 $0x4;
	[sflag:s29] =	ssyncpa.u1 $0x1  }
0x1b8: {  	s31 =	simm.s32 $0x3C;
	[sflag:s30] =	ssyncpa.u1 $0x1  }
0x1b9: {  	s13 =	rddreg [dreg:$0x4];
	[sflag:s31] =	ssyncpa.u1 $0x1  }
0x1ba: {  	_ =	sfence.stream.spmem;
	s0 =	simm.s32 $0x5  }
0x1bb: {  	s2 =	simm.s32 $0x800;
	s3 =	simm.s32 $0xA118;
	[sflag:s0] =	ssyncpa.u1 $0x0  }
0x1bc: {  	[tilespmem:s3], [sflag:$0x5] =	stream.linear.gather [spmem:s2], $0x20, $0x38;
	[tilespmem:$0x1EF88] =	vst v63  }
0x1bd: {  	s26 =	simm.s32 $0x0;
	s28 =	simm.s32 $0xA138  }
0x1be: {  	[tilespmem:s28], [sflag:$0x5] =	stream.linear.gather [spmem:s26], $0x800, $0x38;
	[tilespmem:$0x1EF88] =	vst v63  }
0x1bf: {  	_ =	swait.ge [sflag:s0], $0x820  }
0x1c0: {  	[sflag:s0] =	ssyncset.done $0x0  }
0x1c1: {  	s29 =	simm.s32 $0x0;
	[sflag:s0] =	ssyncadd.s32 $0xFFFFF7E0  }
0x1c2: {  	v0 =	vld.msk [tilespmem:s29+$0xA118], $0x1;
	_ =	sdelay $0x1  }
0x1c3: {  	s30 =	simm.s32 $0x1  }
0x1c4: {  	v1 =	vld.msk [tilespmem:s30+$0xA118], $0x1;
	_ =	sdelay $0x1  }
0x1c5: {  	(v2sf) =	vpush v0, $0x0;
	_ =	sdelay $0x2  }
0x1c6: {  	(v2sf) =	vpush v1, $0x0;
	_ =	sdelay $0x2  }
0x1c7: {  	s31 =	simm.s32 $0x2  }
0x1c8: {  	v0 =	vld.msk [tilespmem:s31+$0xA118], $0x1;
	_ =	sdelay $0x2  }
0x1c9: {  	s2 =	simm.s32 $0xFFFFFFFF;
	s3 =	simm.s32 $0xFFFFFFFF;
	s0 =	simm.s32 $0xC  }
.LBB3_28:
0x1ca: {  	s4 =	smov.u32 s3;
	s5 =	smov.u32 s2  }
0x1cb: {  	s2 =	sshra.s32 s0, $0x2;
	p1 =	sne.s32 s0, $0x7C;
	s0 =	sadd.s32 $0x4, s0;
	(v2sf) =	vpush v0, $0x0  }
0x1cc: {  	v0 =	vld.msk [tilespmem:s2+$0xA118], $0x1  }
.Ltmp25:
0x1cd: {  	(pc) =	sbr.rel @p1 .LBB3_28-.Ltmp25, $4  }
0x1ce: {  	s3 =	spop (v2sf)  }
0x1cf: {  	p2 =	sne.s32 s5, $0xFFFFFFFF;
	s2 =	smov.u32 s3  }
0x1d0: {  	p3 =	seq.s32 s3, $0xFFFFFFFF;
	s2 =	smov.u32 @p2 s5  }
0x1d1: {  	s3 =	smov.u32 @p3 s4;
	s2 =	smov.u32 @p3 s5  }
0x1d2: {  	(v2sf) =	vpush v0, $0x0;
	_ =	sdelay $0x8  }
0x1d3: {  	s0 =	spop (v2sf)  }
0x1d4: {  	p1 =	sne.s32 s2, $0xFFFFFFFF;
	s4 =	smov.u32 s0  }
0x1d5: {  	s9 =	simm.s32 $0x6;
	p2 =	seq.s32 s0, $0xFFFFFFFF;
	s4 =	smov.u32 @p1 s2  }
0x1d6: {  	s6 =	simm.s32 $0x0;
	s4 =	smov.u32 @p2 s2;
	s2 =	spop (v2sf)  }
0x1d7: {  	s0 =	smov.u32 @p2 s3;
	p1 =	sne.s32 s4, $0xFFFFFFFF;
	s5 =	smov.u32 s2  }
.Ltmp26:
0x1d8: {  	p2 =	seq.s32 s2, $0xFFFFFFFF;
	s5 =	smov.u32 @p1 s4;
	(pc) =	sbr.rel .LBB3_30-.Ltmp26, $4  }
0x1d9: {  	s10 =	simm.s32 $0xA0C8;
	s5 =	smov.u32 @p2 s4;
	s7 =	spop (v2sf)  }
0x1da: {  	s11 =	simm.s32 $0x0;
	p1 =	sne.s32 s5, $0xFFFFFFFF;
	s8 =	smov.u32 s7  }
0x1db: {  	s2 =	smov.u32 @p2 s0;
	p2 =	seq.s32 s7, $0xFFFFFFFF;
	s8 =	smov.u32 @p1 s5  }
0x1dc: {  	[sflag:s9] =	ssyncpa.u1 $0x0;
	s7 =	smov.u32 @p2 s2;
	s8 =	smov.u32 @p2 s5  }
.LBB3_36:
0x1dd: {  	p1 =	sgt.u32 s0, $0x27FF8  }
0x1de: {  	p2 =	seq.s32 @!p1 s0, s8  }
0x1df: {  	p1 =	por p1, p2  }
0x1e0: {  	p2 =	sne.s32 @!p1 s0, s7  }
0x1e1: {  	p1 =	por p1, !p2  }
0x1e2: {  	s0 =	sshll.u32 @p1 s11, $0x8  }
0x1e3: {  	s2 =	sand.u32 @!p1 $0x3FFF8, s0  }
0x1e4: {  	s0 =	sand.u32 @!p1 $0x7, s0;
	s2 =	sadd.s32 @!p1 s1, s2  }
0x1e5: {  	[tilespmem:s10], [sflag:$0x6] =	stream.linear.gather @!p1 [hbm4b:s2+s0], $0x40, $0x38;
	[tilespmem:$0x1EF88] =	vst v63  }
0x1e6: {  	_ =	swait.ge @!p1 [sflag:s9], $0x40  }
0x1e7: {  	[sflag:s9] =	ssyncset.done @!p1 $0x0  }
0x1e8: {  	s0 =	sshll.u32 @!p1 s11, $0x8;
	[sflag:s9] =	ssyncadd.s32 @!p1 $0xFFFFFFC0  }
0x1e9: {  	s2 =	sshrl.u32 @!p1 s0, $0x2;
	v1 =	vld @!p1 [tilespmem:$0xA0C8]  }
0x1ea: {  	v2 =	vld @!p1 [tilespmem:s2+$0xA138];
	_ =	sdelay $0x4  }
0x1eb: {  	v1 =	vmax.f32 @!p1 v1, v2  }
0x1ec: {  	v2 =	vld @!p1 [tilespmem:s2+$0xA148];
	[tilespmem:s2+$0xA138] =	vst @!p1 v1  }
0x1ed: {  	v1 =	vld @!p1 [tilespmem:$0xA0D8];
	_ =	sdelay $0x4  }
0x1ee: {  	v1 =	vmax.f32 @!p1 v1, v2  }
0x1ef: {  	v2 =	vld @!p1 [tilespmem:s2+$0xA158];
	[tilespmem:s2+$0xA148] =	vst @!p1 v1  }
0x1f0: {  	v1 =	vld @!p1 [tilespmem:$0xA0E8];
	_ =	sdelay $0x4  }
0x1f1: {  	v1 =	vmax.f32 @!p1 v1, v2  }
0x1f2: {  	v2 =	vld @!p1 [tilespmem:s2+$0xA168];
	[tilespmem:s2+$0xA158] =	vst @!p1 v1  }
0x1f3: {  	v1 =	vld @!p1 [tilespmem:$0xA0F8];
	_ =	sdelay $0x4  }
0x1f4: {  	v1 =	vmax.f32 @!p1 v1, v2  }
0x1f5: {  	[tilespmem:s2+$0xA168] =	vst @!p1 v1  }
0x1f6: {  	s0 =	sshrl.u32 s0, $0x2;
	[tilespmem:s6+$0xA118] =	vst.msk $0x1, v0  }
0x1f7: {  	v0 =	vld [tilespmem:s0+$0xA138];
	_ =	sdelay $0x2  }
0x1f8: {  	s31 =	sshll.u32 s6, $0x8  }
0x1f9: {  	s2 =	sshra.s32 s31, $0x2  }
0x1fa: {  	[tilespmem:s2+$0xA138] =	vst v0  }
0x1fb: {  	v0 =	vld [tilespmem:s0+$0xA148];
	_ =	sdelay $0x4  }
0x1fc: {  	[tilespmem:s2+$0xA148] =	vst v0  }
0x1fd: {  	v0 =	vld [tilespmem:s0+$0xA158];
	_ =	sdelay $0x4  }
0x1fe: {  	[tilespmem:s2+$0xA158] =	vst v0  }
0x1ff: {  	v0 =	vld [tilespmem:s0+$0xA168];
	_ =	sdelay $0x4  }
0x200: {  	s6 =	sadd.s32 $0x1, s6;
	[tilespmem:s2+$0xA168] =	vst v0  }
.LBB3_37:
0x201: {  	s11 =	sadd.s32 $0x1, s11  }
0x202: {  	p1 =	sne.s32 s11, $0x20  }
.Ltmp27:
0x203: {  	_ = 	snop;
	(pc) =	sbr.rel @!p1 .LBB3_38-.Ltmp27, $1  }
0x204: {  	_ =	sdelay $0x3  }
.LBB3_30:
0x205: {  	v0 =	vld.msk [tilespmem:s11+$0xA118], $0x1;
	_ =	sdelay $0x4  }
0x206: {  	(v2sf) =	vpush v0, $0x0;
	_ =	sdelay $0xe  }
0x207: {  	s0 =	spop (v2sf)  }
0x208: {  	p1 =	seq.s32 s0, $0xFFFFFFFF  }
.Ltmp28:
0x209: {  	_ = 	snop;
	(pc) =	sbr.rel @p1 .LBB3_37-.Ltmp28, $1  }
0x20a: {  	_ =	sdelay $0x3  }
0x20b: {  	p1 =	slt.s32 s6, $0x1  }
.Ltmp29:
0x20c: {  	_ = 	snop;
	(pc) =	sbr.rel @p1 .LBB3_36-.Ltmp29, $1  }
0x20d: {  	_ =	sdelay $0x3  }
0x20e: {  	s2 =	simm.s32 $0xA118;
	p1 =	por $0x0, $0x0  }
0x20f: {  	v1 =	vld.msk @!p1 [tilespmem:s2+$0x0], $0x1;
	_ =	sdelay $0x4  }
0x210: {  	(v2sf) =	vpush @!p1 v1, $0x0;
	_ =	sdelay $0xd  }
0x211: {  	p3 =	sne.s32 s6, $0x1  }
.Ltmp30:
0x212: {  	s3 =	spop @!p1 (v2sf);
	(pc) =	sbr.rel @!p3 .LBB3_34-.Ltmp30, $4  }
0x213: {  	p2 =	seq.s32 @!p1 s0, s3  }
0x214: {  	s3 =	simm.s32 $0x0;
	p2 =	por !p2, p1  }
0x215: {  	s5 =	simm.s32 $0xFFFFFFFF;
	s3 =	simm.s32 @p2 $0xFFFFFFFF  }
0x216: {  	s4 =	simm.s32 $0x1;
	s3 =	smov.u32 @p1 s5  }
.LBB3_33:
0x217: {  	s5 =	smov.u32 s3;
	p1 =	sne.s32 s3, $0xFFFFFFFF  }
0x218: {  	s2 =	sadd.s32 $0x1, s2;
	s3 =	smov.u32 s4;
	s4 =	sadd.s32 $0x1, s4  }
0x219: {  	p2 =	sne.s32 s6, s4;
	v1 =	vld.msk @!p1 [tilespmem:s2+$0x0], $0x1;
	_ =	sdelay $0x4  }
0x21a: {  	(v2sf) =	vpush @!p1 v1, $0x0;
	_ =	sdelay $0xe  }
.Ltmp31:
0x21b: {  	s12 =	spop @!p1 (v2sf);
	(pc) =	sbr.rel @p2 .LBB3_33-.Ltmp31, $4  }
0x21c: {  	p3 =	seq.s32 @!p1 s0, s12  }
0x21d: {  	p3 =	por !p3, p1  }
0x21e: {  	s3 =	simm.s32 @p3 $0xFFFFFFFF  }
0x21f: {  	s3 =	smov.u32 @p1 s5  }
.LBB3_34:
0x220: {  	p1 =	seq.s32 s3, $0xFFFFFFFF  }
.Ltmp32:
0x221: {  	_ = 	snop;
	(pc) =	sbr.rel @p1 .LBB3_36-.Ltmp32, $1  }
0x222: {  	_ =	sdelay $0x3  }
0x223: {  	s0 =	sshll.u32 s11, $0x6  }
0x224: {  	s2 =	sshll.u32 s3, $0x8;
	s0 =	sand.u32 $0x3FFFFFC0, s0  }
0x225: {  	s2 =	sshra.s32 s2, $0x2;
	v0 =	vld [tilespmem:s0+$0xA138]  }
0x226: {  	v1 =	vld [tilespmem:s2+$0xA138];
	_ =	sdelay $0x4  }
0x227: {  	v0 =	vmax.f32 v0, v1  }
0x228: {  	v61 =	vld [tilespmem:s2+$0xA148];
	[tilespmem:s2+$0xA138] =	vst v0  }
0x229: {  	v0 =	vld [tilespmem:s0+$0xA148];
	_ =	sdelay $0x4  }
0x22a: {  	v0 =	vmax.f32 v0, v61  }
0x22b: {  	v62 =	vld [tilespmem:s2+$0xA158];
	[tilespmem:s2+$0xA148] =	vst v0  }
0x22c: {  	v0 =	vld [tilespmem:s0+$0xA158];
	_ =	sdelay $0x4  }
0x22d: {  	v0 =	vmax.f32 v0, v62  }
0x22e: {  	v63 =	vld [tilespmem:s2+$0xA168];
	[tilespmem:s2+$0xA158] =	vst v0  }
0x22f: {  	v0 =	vld [tilespmem:s0+$0xA168];
	_ =	sdelay $0x1  }
.Ltmp33:
0x230: {  	_ = 	snop;
	(pc) =	sbr.rel .LBB3_37-.Ltmp33, $3  }
0x231: {  	_ =	sdelay $0x1  }
0x232: {  	v0 =	vmax.f32 v0, v63  }
0x233: {  	[tilespmem:s2+$0xA168] =	vst v0  }
.LBB3_38:
0x234: {  	s0 =	simm.s32 $0x6;
	p1 =	seq.s32 s6, $0x0  }
0x235: {  	[sflag:s0] =	ssyncpa.u1 $0x1;
	v0 =	vimm.s32 @p1 $0xFFFFFFFF  }
0x236: {  	s0 =	sadd.s32 $0xFFFFFFFF, s6;
	[tilespmem:$0xA938] =	vst @p1 v0  }
0x237: {  	v0 =	vld.msk @!p1 [tilespmem:s0+$0xA118], $0x1;
	_ =	sdelay $0x1  }
0x238: {  	v1 =	vld.msk @!p1 [tilespmem:$0xA118], $0x1;
	_ =	sdelay $0x2  }
0x239: {  	p2 =	seq.s32 @!p1 s0, $0x0;
	v0 =	vbroadcast @!p1 v0, $0x0  }
0x23a: {  	vm0 =	vmmov @!p1 $0x1;
	p2 =	por !p2, p1  }
0x23b: {  	v1 =	vnsel @!p1 vm0, $0xFFFFFFFF, v1;
	vm0 =	vcmask @!p1 $0x308;
	v0 =	vpsel !p2, $0xFFFFFFFF, v0  }
0x23c: {  	p2 =	sne.s32 @!p1 s8, s7;
	v0 =	vsel @!p1 vm0, v1, v0  }
0x23d: {  	s2 =	simm.s32 @!p1 $0xA138;
	s3 =	simm.s32 @!p1 $0x0;
	p3 =	por !p2, p1;
	[tilespmem:$0xA938] =	vst @!p1 v0  }
0x23e: {  	[spmem:s3] =	stream.linear.scatter @!p1 [tilespmem:s2], [sflag:$0x1], $0x40, $0x38;
	[tilespmem:$0x1EF88] =	vst v63  }
0x23f: {  	s2 =	sshll.u32 @!p3 s0, $0x8  }
0x240: {  	s2 =	sshra.s32 @!p3 s2, $0x2  }
0x241: {  	s3 =	simm.s32 @!p3 $0x40;
	s2 =	sadd.s32 @!p3 $0xA138, s2  }
0x242: {  	[spmem:s3] =	stream.linear.scatter @!p3 [tilespmem:s2], [sflag:$0x1], $0x40, $0x38;
	[tilespmem:$0x1EF88] =	vst v63  }
0x243: {  	s2 =	simm.s32 @!p3 $0x1  }
0x244: {  	_ =	swait.ge @!p3 [sflag:s2], $0x80  }
0x245: {  	p1 =	por p2, p1;
	[sflag:s2] =	ssyncset.done @!p3 $0x0  }
0x246: {  	[sflag:s2] =	ssyncadd.s32 @!p3 $0xFFFFFF80;
	s2 =	simm.s32 @!p1 $0x1  }
0x247: {  	_ =	swait.ge @!p1 [sflag:s2], $0x40  }
0x248: {  	s29 =	simm.s32 $0xA938;
	[sflag:s2] =	ssyncset.done @!p1 $0x0  }
0x249: {  	s30 =	simm.s32 $0x800;
	s31 =	simm.s32 $0x1;
	[sflag:s2] =	ssyncadd.s32 @!p1 $0xFFFFFFC0  }
0x24a: {  	[spmem:s30] =	stream.linear.scatter [tilespmem:s29], [sflag:$0x1], $0x10, $0x38;
	[tilespmem:$0x1EF88] =	vst v63  }
0x24b: {  	_ =	swait.ge [sflag:s31], $0x10  }
0x24c: {  	[sflag:s31] =	ssyncset.done $0x0  }
0x24d: {  	p1 =	seq.s32 s13, $0x0;
	s9 =	rddreg [dreg:$0x1];
	[sflag:s31] =	ssyncadd.s32 $0xFFFFFFF0  }
0x24e: {  	s3 =	sshll.u32 @p1 s9, $0xE;
	s8 =	rddreg [dreg:$0x2]  }
0x24f: {  	s2 =	sadd.s32 @p1 $0x15C3C, s3;
	s3 =	sshll.u32 @p1 s8, $0x11  }
0x250: {  	_ =	sfence.stream.spmem;
	s2 =	sor.u32 @p1 s3, s2  }
0x251: {  	[sflag:s2] =	ssyncadd.remote.s32 @p1 $0x1;
	s2 =	simm.s32 @p1 $0x4  }
0x252: {  	s4 =	simm.s32 @!p1 $0x3C;
	s3 =	sand.u32 $0xFFFFFFFE, s9;
	_ =	swait.ge @p1 [sflag:s2], $0x12  }
0x253: {  	s5 =	simm.s32 @!p1 $0x0;
	s3 =	sadd.s32 @!p1 $0x4, s3;
	[sflag:s2] =	ssyncset.done @p1 $0x0  }
0x254: {  	s7 =	simm.s32 @!p1 $0x80;
	[sflag:s2] =	ssyncadd.s32 @p1 $0xFFFFFFEE;
	s2 =	sshll.u32 @!p1 s3, $0x1A  }
0x255: {  	s3 =	sshll.u32 @!p1 s3, $0xD;
	s2 =	sor.u32 @!p1 s2, s8;
	_ =	swait.eq @!p1 [sflag:s4], $0x1  }
0x256: {  	s3 =	sor.u32 @!p1 $0x1C04, s3;
	s4 =	simm.s32 @!p1 $0x1C03;
	s2 =	sor.u32 @!p1 $0x80004000, s2  }
0x257: {  	[spmem:s7], [sflag:s3] =	dma.general @!p1 [spmem:s5], [sflag:s4], length:$0x10, [dreg:$0x0], stride_count:$0x0, ici_dest:s2, dma_misc:DstOpCode:WRITE  }
0x258: {  	p2 =	slt.s32 s0, $0x2;
	s5 =	simm.s32 @!p1 $0x100;
	s7 =	simm.s32 @!p1 $0x102  }
0x259: {  	[spmem:s7], [sflag:s3] =	dma.general @!p1 [spmem:s5], [sflag:s4], length:$0x2, [dreg:$0x0], stride_count:$0x0, ici_dest:s2, dma_misc:DstOpCode:WRITE  }
.Ltmp34:
0x25a: {  	s2 =	simm.s32 @!p1 $0x3;
	(pc) =	sbr.rel @p2 .LBB3_42-.Ltmp34, $4  }
0x25b: {  	s3 =	sshll.u32 @!p1 s9, $0xE;
	_ =	swait.ge @!p1 [sflag:s2], $0x12  }
0x25c: {  	s4 =	sshll.u32 @!p1 s8, $0x11;
	s3 =	sadd.s32 @!p1 $0x11C3C, s3;
	[sflag:s2] =	ssyncset.done @!p1 $0x0  }
0x25d: {  	[sflag:s2] =	ssyncadd.s32 @!p1 $0xFFFFFFEE;
	s2 =	sor.u32 @!p1 s4, s3  }
0x25e: {  	s0 =	simm.s32 $0x0;
	[sflag:s2] =	ssyncadd.remote.s32 @!p1 $0xFFFFFFFF  }
0x25f: {  	s0 =	simm.s32 $0xA119  }
0x260: {  	v0 =	vld.msk [tilespmem:s0+$0x0], $0x1;
	_ =	sdelay $0x4  }
0x261: {  	(v2sf) =	vpush v0, $0x0;
	_ =	sdelay $0xc  }
0x262: {  	s2 =	sadd.s32 $0xFFFFFFFE, s6  }
0x263: {  	s2 =	sadd.s32 $0xFFFFFFFF, s2  }
0x264: {  	p2 =	sne.s32 s2, $0x0;
	s3 =	spop (v2sf)  }
.Ltmp35:
0x265: {  	p1 =	sgt.u32 s3, $0x27FF8;
	(pc) =	sbr.rel @!p2 .LBB3_41-.Ltmp35, $4  }
0x266: {  	s5 =	simm.s32 $0x0;
	s4 =	sand.u32 @!p1 $0x3FFF8, s3  }
0x267: {  	s0 =	simm.s32 $0xA178;
	s3 =	sand.u32 @!p1 $0x7, s3;
	s4 =	sadd.s32 @!p1 s1, s4  }
0x268: {  	[hbm4b:s4+s3] =	stream.linear.scatter @!p1 [tilespmem:s0], [sflag:$0x5], $0x40, $0x38;
	[tilespmem:$0x1EF88] =	vst v63  }
0x269: {  	s5 =	simm.s32 @!p1 $0x100;
	s3 =	simm.s32 $0x0;
	s4 =	simm.s32 $0xA11A  }
.LBB3_40:
0x26a: {  	v0 =	vld.msk [tilespmem:s4+$0x0], $0x1;
	s2 =	sadd.s32 $0xFFFFFFFF, s2;
	s3 =	sadd.s32 s3, s5  }
0x26b: {  	p1 =	sne.s32 s2, $0x0;
	_ =	sdelay $0x3  }
0x26c: {  	(v2sf) =	vpush v0, $0x0;
	_ =	sdelay $0xe  }
.Ltmp36:
0x26d: {  	s6 =	spop (v2sf);
	(pc) =	sbr.rel @p1 .LBB3_40-.Ltmp36, $4  }
0x26e: {  	s5 =	simm.s32 $0x0;
	p2 =	sgt.u32 s6, $0x27FF8  }
0x26f: {  	s0 =	sadd.s32 $0x40, s0;
	s5 =	simm.s32 @!p2 $0x100;
	s7 =	sand.u32 @!p2 $0x3FFF8, s6  }
0x270: {  	s4 =	sadd.s32 $0x1, s4;
	s6 =	sand.u32 @!p2 $0x7, s6;
	s7 =	sadd.s32 @!p2 s1, s7  }
0x271: {  	[hbm4b:s7+s6] =	stream.linear.scatter @!p2 [tilespmem:s0], [sflag:$0x5], $0x40, $0x38;
	[tilespmem:$0x1EF88] =	vst v63  }
.LBB3_41:
0x272: {  	s0 =	sadd.s32 s3, s5  }
0x273: {  	s0 =	sshrl.u32 s0, $0x2  }
.LBB3_42:
0x274: {  	s2 =	simm.s32 $0x5  }
0x275: {  	_ =	swait.ge [sflag:s2], s0  }
0x276: {  	s31 =	ssub.s32 $0x0, s0;
	[sflag:s2] =	ssyncset.done $0x0  }
0x277: {  	[sflag:s2] =	ssyncadd.s32 s31  }
0x278: {  	[sflag:s2] =	ssyncpa.u1 $0x1  }
.LBB3_43:
0x279: {  	s0 =	sor.u32 s13, s14  }
0x27a: {  	p1 =	sne.s32 s0, $0x0  }
.Ltmp37:
0x27b: {  	_ = 	snop;
	(pc) =	sbr.rel @p1 .LBB3_58-.Ltmp37, $3  }
0x27c: {  	_ =	sdelay $0x1  }
0x27d: {  	[bflag:$0x0] =	sbarrier.arrive $0xFFFF  }
0x27e: {  	_ =	sfence  }
0x27f: {  	s0 =	simm.s32 $0x7  }
0x280: {  	s2 =	simm.s32 $0x800;
	s3 =	simm.s32 $0xA118;
	[sflag:s0] =	ssyncpa.u1 $0x0  }
0x281: {  	[tilespmem:s3], [sflag:$0x7] =	stream.linear.gather [spmem:s2], $0x20, $0x38;
	[tilespmem:$0x1EF88] =	vst v63  }
0x282: {  	s30 =	simm.s32 $0xA138;
	s2 =	simm.s32 $0x0  }
0x283: {  	[tilespmem:s30], [sflag:$0x7] =	stream.linear.gather [spmem:s2], $0x800, $0x38;
	[tilespmem:$0x1EF88] =	vst v63  }
.Ltmp38:
0x284: {  	_ = 	snop;
	(pc) =	sbr.rel .LBB3_45-.Ltmp38, $4  }
0x285: {  	_ =	swait.ge [sflag:s0], $0x820  }
0x286: {  	[sflag:s0] =	ssyncset.done $0x0  }
0x287: {  	s31 =	simm.s32 $0x8;
	[sflag:s0] =	ssyncadd.s32 $0xFFFFF7E0  }
0x288: {  	s3 =	simm.s32 $0x0;
	[sflag:s31] =	ssyncpa.u1 $0x0  }
.LBB3_51:
0x289: {  	p1 =	slt.u32 s0, $0x27FF9  }
0x28a: {  	s4 =	sand.u32 @p1 $0x3FFF8, s0  }
0x28b: {  	s0 =	sand.u32 @p1 $0x7, s0;
	s5 =	simm.s32 @p1 $0xA0C8;
	s4 =	sadd.s32 @p1 s1, s4  }
0x28c: {  	[tilespmem:s5], [sflag:$0x8] =	stream.linear.gather @p1 [hbm4b:s4+s0], $0x40, $0x38;
	[tilespmem:$0x1EF88] =	vst v63  }
0x28d: {  	s0 =	simm.s32 @p1 $0x8  }
0x28e: {  	_ =	swait.ge @p1 [sflag:s0], $0x40  }
0x28f: {  	[sflag:s0] =	ssyncset.done @p1 $0x0  }
0x290: {  	[sflag:s0] =	ssyncadd.s32 @p1 $0xFFFFFFC0;
	s0 =	sshll.u32 @p1 s3, $0x8  }
0x291: {  	s4 =	sshrl.u32 @p1 s0, $0x2;
	v1 =	vld @p1 [tilespmem:$0xA0C8]  }
0x292: {  	v2 =	vld @p1 [tilespmem:s4+$0xA138];
	_ =	sdelay $0x4  }
0x293: {  	v1 =	vmax.f32 @p1 v1, v2  }
0x294: {  	v2 =	vld @p1 [tilespmem:s4+$0xA148];
	[tilespmem:s4+$0xA138] =	vst @p1 v1  }
0x295: {  	v1 =	vld @p1 [tilespmem:$0xA0D8];
	_ =	sdelay $0x4  }
0x296: {  	v1 =	vmax.f32 @p1 v1, v2  }
0x297: {  	v2 =	vld @p1 [tilespmem:s4+$0xA158];
	[tilespmem:s4+$0xA148] =	vst @p1 v1  }
0x298: {  	v1 =	vld @p1 [tilespmem:$0xA0E8];
	_ =	sdelay $0x4  }
0x299: {  	v1 =	vmax.f32 @p1 v1, v2  }
0x29a: {  	v2 =	vld @p1 [tilespmem:s4+$0xA168];
	[tilespmem:s4+$0xA158] =	vst @p1 v1  }
0x29b: {  	v1 =	vld @p1 [tilespmem:$0xA0F8];
	_ =	sdelay $0x4  }
0x29c: {  	s5 =	sshll.u32 @!p1 s3, $0x8;
	v1 =	vmax.f32 @p1 v1, v2  }
0x29d: {  	s5 =	smov.u32 @p1 s0;
	[tilespmem:s4+$0xA168] =	vst @p1 v1  }
0x29e: {  	s0 =	sshrl.u32 s5, $0x2;
	[tilespmem:s2+$0xA118] =	vst.msk $0x1, v0  }
0x29f: {  	v0 =	vld [tilespmem:s0+$0xA138];
	_ =	sdelay $0x2  }
0x2a0: {  	s31 =	sshll.u32 s2, $0x8  }
0x2a1: {  	s4 =	sshra.s32 s31, $0x2  }
0x2a2: {  	[tilespmem:s4+$0xA138] =	vst v0  }
0x2a3: {  	v0 =	vld [tilespmem:s0+$0xA148];
	_ =	sdelay $0x4  }
0x2a4: {  	[tilespmem:s4+$0xA148] =	vst v0  }
0x2a5: {  	v0 =	vld [tilespmem:s0+$0xA158];
	_ =	sdelay $0x4  }
0x2a6: {  	[tilespmem:s4+$0xA158] =	vst v0  }
0x2a7: {  	v0 =	vld [tilespmem:s0+$0xA168];
	_ =	sdelay $0x4  }
0x2a8: {  	s2 =	sadd.s32 $0x1, s2;
	[tilespmem:s4+$0xA168] =	vst v0  }
.LBB3_52:
0x2a9: {  	s3 =	sadd.s32 $0x1, s3  }
0x2aa: {  	p1 =	sne.s32 s3, $0x20  }
.Ltmp39:
0x2ab: {  	_ = 	snop;
	(pc) =	sbr.rel @!p1 .LBB3_53-.Ltmp39, $1  }
0x2ac: {  	_ =	sdelay $0x3  }
.LBB3_45:
0x2ad: {  	v0 =	vld.msk [tilespmem:s3+$0xA118], $0x1;
	_ =	sdelay $0x4  }
0x2ae: {  	(v2sf) =	vpush v0, $0x0;
	_ =	sdelay $0xe  }
0x2af: {  	s0 =	spop (v2sf)  }
0x2b0: {  	p1 =	seq.s32 s0, $0xFFFFFFFF  }
.Ltmp40:
0x2b1: {  	_ = 	snop;
	(pc) =	sbr.rel @p1 .LBB3_52-.Ltmp40, $1  }
0x2b2: {  	_ =	sdelay $0x3  }
0x2b3: {  	p1 =	slt.s32 s2, $0x1  }
.Ltmp41:
0x2b4: {  	_ = 	snop;
	(pc) =	sbr.rel @p1 .LBB3_51-.Ltmp41, $1  }
0x2b5: {  	_ =	sdelay $0x3  }
0x2b6: {  	s4 =	simm.s32 $0xA118;
	p1 =	por $0x0, $0x0  }
0x2b7: {  	v1 =	vld.msk @!p1 [tilespmem:s4+$0x0], $0x1;
	_ =	sdelay $0x4  }
0x2b8: {  	(v2sf) =	vpush @!p1 v1, $0x0;
	_ =	sdelay $0xd  }
0x2b9: {  	p3 =	sne.s32 s2, $0x1  }
.Ltmp42:
0x2ba: {  	s5 =	spop @!p1 (v2sf);
	(pc) =	sbr.rel @!p3 .LBB3_49-.Ltmp42, $4  }
0x2bb: {  	p2 =	seq.s32 @!p1 s0, s5  }
0x2bc: {  	s5 =	simm.s32 $0x0;
	p2 =	por !p2, p1  }
0x2bd: {  	s7 =	simm.s32 $0xFFFFFFFF;
	s5 =	simm.s32 @p2 $0xFFFFFFFF  }
0x2be: {  	s6 =	simm.s32 $0x1;
	s5 =	smov.u32 @p1 s7  }
.LBB3_48:
0x2bf: {  	s7 =	smov.u32 s5;
	p1 =	sne.s32 s5, $0xFFFFFFFF  }
0x2c0: {  	s4 =	sadd.s32 $0x1, s4;
	s5 =	smov.u32 s6;
	s6 =	sadd.s32 $0x1, s6  }
0x2c1: {  	p2 =	sne.s32 s2, s6;
	v1 =	vld.msk @!p1 [tilespmem:s4+$0x0], $0x1;
	_ =	sdelay $0x4  }
0x2c2: {  	(v2sf) =	vpush @!p1 v1, $0x0;
	_ =	sdelay $0xe  }
.Ltmp43:
0x2c3: {  	s8 =	spop @!p1 (v2sf);
	(pc) =	sbr.rel @p2 .LBB3_48-.Ltmp43, $4  }
0x2c4: {  	p3 =	seq.s32 @!p1 s0, s8  }
0x2c5: {  	p3 =	por !p3, p1  }
0x2c6: {  	s5 =	simm.s32 @p3 $0xFFFFFFFF  }
0x2c7: {  	s5 =	smov.u32 @p1 s7  }
.LBB3_49:
0x2c8: {  	p1 =	seq.s32 s5, $0xFFFFFFFF  }
.Ltmp44:
0x2c9: {  	_ = 	snop;
	(pc) =	sbr.rel @p1 .LBB3_51-.Ltmp44, $1  }
0x2ca: {  	_ =	sdelay $0x3  }
0x2cb: {  	s0 =	sshll.u32 s3, $0x6  }
0x2cc: {  	s4 =	sshll.u32 s5, $0x8;
	s0 =	sand.u32 $0x3FFFFFC0, s0  }
0x2cd: {  	s4 =	sshra.s32 s4, $0x2;
	v0 =	vld [tilespmem:s0+$0xA138]  }
0x2ce: {  	v1 =	vld [tilespmem:s4+$0xA138];
	_ =	sdelay $0x4  }
0x2cf: {  	v0 =	vmax.f32 v0, v1  }
0x2d0: {  	v61 =	vld [tilespmem:s4+$0xA148];
	[tilespmem:s4+$0xA138] =	vst v0  }
0x2d1: {  	v0 =	vld [tilespmem:s0+$0xA148];
	_ =	sdelay $0x4  }
0x2d2: {  	v0 =	vmax.f32 v0, v61  }
0x2d3: {  	v62 =	vld [tilespmem:s4+$0xA158];
	[tilespmem:s4+$0xA148] =	vst v0  }
0x2d4: {  	v0 =	vld [tilespmem:s0+$0xA158];
	_ =	sdelay $0x4  }
0x2d5: {  	v0 =	vmax.f32 v0, v62  }
0x2d6: {  	v63 =	vld [tilespmem:s4+$0xA168];
	[tilespmem:s4+$0xA158] =	vst v0  }
0x2d7: {  	v0 =	vld [tilespmem:s0+$0xA168];
	_ =	sdelay $0x1  }
.Ltmp45:
0x2d8: {  	_ = 	snop;
	(pc) =	sbr.rel .LBB3_52-.Ltmp45, $3  }
0x2d9: {  	_ =	sdelay $0x1  }
0x2da: {  	v0 =	vmax.f32 v0, v63  }
0x2db: {  	[tilespmem:s4+$0xA168] =	vst v0  }
.LBB3_53:
0x2dc: {  	p1 =	slt.s32 s2, $0x1  }
.Ltmp46:
0x2dd: {  	_ = 	snop;
	(pc) =	sbr.rel @p1 .LBB3_57-.Ltmp46, $3  }
0x2de: {  	_ =	sdelay $0x1  }
0x2df: {  	s0 =	simm.s32 $0x8  }
0x2e0: {  	[sflag:s0] =	ssyncpa.u1 $0x1;
	s0 =	simm.s32 $0x0  }
0x2e1: {  	s3 =	simm.s32 $0xA118  }
0x2e2: {  	v0 =	vld.msk [tilespmem:s3+$0x0], $0x1;
	_ =	sdelay $0x4  }
0x2e3: {  	(v2sf) =	vpush v0, $0x0;
	_ =	sdelay $0xe  }
0x2e4: {  	s2 =	sadd.s32 $0xFFFFFFFF, s2;
	s4 =	spop (v2sf)  }
0x2e5: {  	p2 =	sne.s32 s2, $0x0;
	p1 =	sgt.u32 s4, $0x27FF8  }
.Ltmp47:
0x2e6: {  	s5 =	sand.u32 @!p1 $0x3FFF8, s4;
	(pc) =	sbr.rel @!p2 .LBB3_56-.Ltmp47, $4  }
0x2e7: {  	s3 =	simm.s32 $0xA138;
	s4 =	sand.u32 @!p1 $0x7, s4;
	s5 =	sadd.s32 @!p1 s1, s5  }
0x2e8: {  	[hbm4b:s5+s4] =	stream.linear.scatter @!p1 [tilespmem:s3], [sflag:$0x7], $0x40, $0x38;
	[tilespmem:$0x1EF88] =	vst v63  }
0x2e9: {  	s5 =	simm.s32 $0x0  }
0x2ea: {  	s4 =	simm.s32 $0xA119;
	s5 =	simm.s32 @!p1 $0x100  }
.LBB3_55:
0x2eb: {  	v0 =	vld.msk [tilespmem:s4+$0x0], $0x1;
	s2 =	sadd.s32 $0xFFFFFFFF, s2;
	s0 =	sadd.s32 s0, s5  }
0x2ec: {  	p1 =	sne.s32 s2, $0x0;
	_ =	sdelay $0x3  }
0x2ed: {  	(v2sf) =	vpush v0, $0x0;
	_ =	sdelay $0xe  }
.Ltmp48:
0x2ee: {  	s6 =	spop (v2sf);
	(pc) =	sbr.rel @p1 .LBB3_55-.Ltmp48, $4  }
0x2ef: {  	s5 =	simm.s32 $0x0;
	p2 =	sgt.u32 s6, $0x27FF8  }
0x2f0: {  	s3 =	sadd.s32 $0x40, s3;
	s5 =	simm.s32 @!p2 $0x100;
	s7 =	sand.u32 @!p2 $0x3FFF8, s6  }
0x2f1: {  	s4 =	sadd.s32 $0x1, s4;
	s6 =	sand.u32 @!p2 $0x7, s6;
	s7 =	sadd.s32 @!p2 s1, s7  }
0x2f2: {  	[hbm4b:s7+s6] =	stream.linear.scatter @!p2 [tilespmem:s3], [sflag:$0x7], $0x40, $0x38;
	[tilespmem:$0x1EF88] =	vst v63  }
.LBB3_56:
0x2f3: {  	s0 =	sadd.s32 s0, s5  }
0x2f4: {  	s0 =	sshrl.u32 s0, $0x2  }
.LBB3_57:
0x2f5: {  	s1 =	simm.s32 $0x7  }
0x2f6: {  	_ =	swait.ge [sflag:s1], s0  }
0x2f7: {  	s31 =	ssub.s32 $0x0, s0;
	[sflag:s1] =	ssyncset.done $0x0  }
0x2f8: {  	[sflag:s1] =	ssyncadd.s32 s31  }
0x2f9: {  	[sflag:s1] =	ssyncpa.u1 $0x1  }
.LBB3_58:
0x2fa: {  	_ =	sfence;
	s0 =	simm.s32 $0x1  }
0x2fb: {  	[sflag:s0] =	ssyncpa.u1 $0x1  }
0x2fc: {  	_ =	strace $0x90000050  }
0x2fd: {  	[bflag:$0x2] =	sbarrier.arrive $0xFFFF  }
0x2fe: {  	s0 =	rddreg [dreg:$0x3]  }
0x2ff: {  	s0 =	sadd.s32 @!p0 $0x100000, s0  }
0x300: {  	[sflag:s0] =	ssyncadd.tile.s32 @!p0 $0x1;
	_ =	shalt  }
.Lfunc_end3:
_tile_overlayer_lowered:
.L_overlay_start_3:
0x301: {  	(tag) =	ssettag $0x3  }
0x302: {  	s0 =	rddreg [dreg:$0x0];
	s2 =	stileid.u32  }
0x303: {  	s1 =	rddreg [dreg:$0x1];
	p0 =	sne.s32 s2, $0x0  }
0x304: {  	s3 =	rddreg [dreg:$0x2];
	[bflag:$0x3] =	sbarrier.arrive $0xFFFF;
	s2 =	simm.s32 @!p0 $0x1C01  }
0x305: {  	[timem:s3], [sflag:s2] =	dma.local @!p0 [hbm:s0], s1  }
0x306: {  	s0 =	simm.s32 @!p0 $0x1  }
0x307: {  	_ =	swait.ge @!p0 [sflag:s0], s1  }
0x308: {  	s1 =	ssub.s32 @!p0 $0x0, s1;
	[sflag:s0] =	ssyncset.done @!p0 $0x0  }
0x309: {  	[sflag:s0] =	ssyncadd.s32 @!p0 s1  }
0x30a: {  	[bflag:$0x3] =	sbarrier.arrive $0xFFFF  }
0x30b: {  	_ =	shalt  }

// kernel: scatter_offload_async_start.2
scs
__scs_entry_jumppad:
0x0: {  	(pc) =	sbr.rel $0x88, $3  }
0x1: {  	(tag) =	ssettag $0x0;
	lr =	simm.s32 $0x1  }
0x2: {  	[smem:$0x3F87] =	sst lr;
	_ =	strace $0xD0000000  }
0x3: {  	_ = 	snop  }
0x4: {  	_ = 	snop  }
0x5: {  	_ = 	snop  }
0x6: {  	_ = 	snop  }
0x7: {  	_ = 	snop  }
__scs_overlays_trampoline_lowered:
0x8: {  	[smem:$0x3F96] =	sst s0  }
0x9: {  	[smem:$0x3F97] =	sst s1  }
0xa: {  	[smem:$0x3F98] =	sst s2  }
0xb: {  	[smem:$0x3F99] =	sst s3  }
0xc: {  	[smem:$0x3F9A] =	sst s4  }
0xd: {  	[smem:$0x3F9B] =	sst s5  }
0xe: {  	[smem:$0x3F9C] =	sst s6  }
0xf: {  	[smem:$0x3F9D] =	sst s7  }
0x10: {  	[smem:$0x3F9E] =	sst s8  }
0x11: {  	[smem:$0x3F9F] =	sst s9;
	s0 =	simm.s32 @!p0 $0x0  }
0x12: {  	s1 =	sld [smem:$0x3F85];
	s0 =	simm.s32 @p0 $0x1  }
0x13: {  	[smem:$0x3FA0] =	sst s0;
	s0 =	simm.s32 @!p1 $0x0  }
0x14: {  	s2 =	sld [smem:$0x3F84];
	s0 =	simm.s32 @p1 $0x1  }
0x15: {  	[smem:$0x3FA1] =	sst s0;
	s0 =	simm.s32 @!p2 $0x0  }
0x16: {  	s3 =	sld [smem:$0x3FDB];
	s0 =	simm.s32 @p2 $0x1  }
0x17: {  	s4 =	simm.s32 $0x1BF5;
	[smem:$0x3FA3] =	sst s0  }
0x18: {  	s0 =	sld [smem:$0x3F86];
	_ =	swait.ge [sflag:s4], $0x0  }
0x19: {  	s7 =	sld [smem:$0x3F87]  }
0x1a: {  	s8 =	sadd.s32 $0xFFFFE003, lr  }
0x1b: {  	s9 =	sadd.s32 $0xFFFFFEF7, lr;
	s5 =	simm.s32 $0xFFFFFFFF;
	p2 =	slt.u32 s8, $0xFFFFF086  }
0x1c: {  	p1 =	slt.u32 s9, $0xF7A;
	s5 =	simm.s32 @!p2 $0x0  }
0x1d: {  	s5 =	simm.s32 @p1 $0x1;
	p0 =	seq.s32 s7, s2  }
0x1e: {  	s7 =	smul.u32 @!p0 $0xF7A, s2;
	p2 =	seq.s32 @!p0 s5, $0x0  }
0x1f: {  	s9 =	smul.u32 $0xF7A, s1;
	s8 =	simm.s32 @!p0 $0x1BF5;
	p2 =	por !p2, p0  }
0x20: {  	[sflag:s8] =	ssyncset.s32 @!p0 $0xFFFFF086;
	s6 =	sadd.s32 @!p0 s3, s7;
	s7 =	simm.s32 @!p0 $0x108  }
0x21: {  	s3 =	sadd.s32 s3, s9;
	s6 =	sadd.s32 @!p0 $0x88, s6;
	s7 =	simm.s32 @p2 $0x1082  }
0x22: {  	[simem:s7], [sflag:s8] =	dma.local @!p0 [hbm:s6], $0xF7A  }
0x23: {  	s9 =	sor.u32 $0xD0000000, s2;
	s6 =	simm.s32 $0x108;
	_ =	swait.ge @!p0 [sflag:s8], $0x0  }
0x24: {  	s3 =	sadd.s32 $0x88, s3;
	s6 =	simm.s32 @!p1 $0x1082;
	[sflag:s4] =	ssyncset.s32 $0xFFFFF086  }
0x25: {  	[simem:s6], [sflag:s4] =	dma.local [hbm:s3], $0xF7A  }
0x26: {  	[smem:$0x3F87] =	sst s1;
	(tag) =	ssettag s2;
	_ =	strace s9  }
0x27: {  	s1 =	sld [smem:$0x3F97]  }
0x28: {  	s2 =	sld [smem:$0x3F98]  }
0x29: {  	s4 =	sld [smem:$0x3F9A]  }
0x2a: {  	p0 =	seq.s32 s5, $0x0;
	s5 =	sld [smem:$0x3F9B]  }
0x2b: {  	s6 =	sld [smem:$0x3F9C]  }
0x2c: {  	s7 =	sld [smem:$0x3F9D]  }
0x2d: {  	s3 =	simm.s32 $0x108;
	s8 =	sld [smem:$0x3F9E]  }
0x2e: {  	s3 =	simm.s32 @!p0 $0x1082;
	s9 =	sld [smem:$0x3F9F]  }
0x2f: {  	lr =	sadd.s32 s0, s3;
	s0 =	sld [smem:$0x3F96]  }
0x30: {  	s3 =	sld [smem:$0x3F99]  }
0x31: {  	[smem:$0x3FA2] =	sst s10  }
0x32: {  	s10 =	sld [smem:$0x3FA0];
	_ =	sdelay $0x3  }
0x33: {  	p0 =	seq.s32 s10, $0x1;
	s10 =	sld [smem:$0x3FA2];
	_ =	sdelay $0x3  }
0x34: {  	[smem:$0x3FA2] =	sst s10  }
0x35: {  	s10 =	sld [smem:$0x3FA1];
	_ =	sdelay $0x3  }
0x36: {  	p1 =	seq.s32 s10, $0x1;
	s10 =	sld [smem:$0x3FA2];
	_ =	sdelay $0x3  }
0x37: {  	[smem:$0x3FA2] =	sst s10  }
0x38: {  	s10 =	sld [smem:$0x3FA3]  }
0x39: {  	_ = 	snop;
	(pc) =	sbr.ind lr, $3  }
0x3a: {  	_ = 	snop  }
0x3b: {  	_ = 	snop  }
0x3c: {  	p2 =	seq.s32 s10, $0x1;
	s10 =	sld [smem:$0x3FA2]  }
0x3d: {  	_ =	shalt  }
0x3e: {  	_ =	shalt  }
0x3f: {  	_ =	shalt  }
0x40: {  	_ =	shalt  }
0x41: {  	_ =	shalt  }
0x42: {  	_ =	shalt  }
0x43: {  	_ =	shalt  }
0x44: {  	_ =	shalt  }
0x45: {  	_ =	shalt  }
0x46: {  	_ =	shalt  }
0x47: {  	_ =	shalt  }
0x48: {  	_ =	shalt  }
0x49: {  	_ =	shalt  }
0x4a: {  	_ =	shalt  }
0x4b: {  	_ =	shalt  }
0x4c: {  	_ =	shalt  }
0x4d: {  	_ =	shalt  }
0x4e: {  	_ =	shalt  }
0x4f: {  	_ =	shalt  }
0x50: {  	_ =	shalt  }
0x51: {  	_ =	shalt  }
0x52: {  	_ =	shalt  }
0x53: {  	_ =	shalt  }
0x54: {  	_ =	shalt  }
0x55: {  	_ =	shalt  }
0x56: {  	_ =	shalt  }
0x57: {  	_ =	shalt  }
0x58: {  	_ =	shalt  }
0x59: {  	_ =	shalt  }
0x5a: {  	_ =	shalt  }
0x5b: {  	_ =	shalt  }
0x5c: {  	_ =	shalt  }
0x5d: {  	_ =	shalt  }
0x5e: {  	_ =	shalt  }
0x5f: {  	_ =	shalt  }
0x60: {  	_ =	shalt  }
0x61: {  	_ =	shalt  }
0x62: {  	_ =	shalt  }
0x63: {  	_ =	shalt  }
0x64: {  	_ =	shalt  }
0x65: {  	_ =	shalt  }
0x66: {  	_ =	shalt  }
0x67: {  	_ =	shalt  }
0x68: {  	_ =	shalt  }
0x69: {  	_ =	shalt  }
0x6a: {  	_ =	shalt  }
0x6b: {  	_ =	shalt  }
0x6c: {  	_ =	shalt  }
0x6d: {  	_ =	shalt  }
0x6e: {  	_ =	shalt  }
0x6f: {  	_ =	shalt  }
0x70: {  	_ =	shalt  }
0x71: {  	_ =	shalt  }
0x72: {  	_ =	shalt  }
0x73: {  	_ =	shalt  }
0x74: {  	_ =	shalt  }
0x75: {  	_ =	shalt  }
0x76: {  	_ =	shalt  }
0x77: {  	_ =	shalt  }
0x78: {  	_ =	shalt  }
0x79: {  	_ =	shalt  }
0x7a: {  	_ =	shalt  }
0x7b: {  	_ =	shalt  }
0x7c: {  	_ =	shalt  }
0x7d: {  	_ =	shalt  }
0x7e: {  	_ =	shalt  }
0x7f: {  	_ =	shalt  }
0x80: {  	_ =	shalt  }
0x81: {  	_ =	shalt  }
0x82: {  	_ =	shalt  }
0x83: {  	_ =	shalt  }
0x84: {  	_ =	shalt  }
0x85: {  	_ =	shalt  }
0x86: {  	_ =	shalt  }
0x87: {  	_ =	shalt  }
.Lfunc_end0:
.L_simem_size_0:
called_computation.2_lowered:
.L_overlay_start_0:
0x88: {  	s2 =	sld [smem:$0x3FD9]  }
0x89: {  	s3 =	sld [smem:$0x3FFE];
	_ =	sdelay $0x1  }
0x8a: {  	s1 =	srdreg.scid  }
0x8b: {  	s0 =	sand.u32 $0x1, s1  }
0x8c: {  	s15 =	sshll.u32 s0, $0xA;
	s2 =	sadd.s32 s3, s2  }
0x8d: {  	s2 =	sadd.s32 s2, s15  }
0x8e: {  	[smem:$0x3FAE] =	sst s2  }
0x8f: {  	_ = 	snop  }
0x90: {  	(tm) =	ssettm $0x1  }
0x91: {  	s16 =	sld [smem:$0x3FFB];
	_ =	sdelay $0x3  }
0x92: {  	_ =	strace s16  }
0x93: {  	s2 =	sld [smem:$0x3FFC];
	_ =	sdelay $0x3  }
0x94: {  	_ =	strace s2  }
0x95: {  	s2 =	sld [smem:$0x3FFD];
	_ =	sdelay $0x3  }
0x96: {  	_ =	strace s2  }
0x97: {  	_ =	strace $0x8FFFFFFF  }
0x98: {  	s17 =	sld [smem:$0x3FDB];
	_ =	sdelay $0x1  }
0x99: {  	s18 =	simm.s32 $_scs_section_size  }
0x9a: {  	s4 =	simm.s32 $_size__tile_overlayer_lowered;
	s5 =	simm.s32 $_tile_overlayer_lowered  }
0x9b: {  	s21 =	simm.s32 $0x1BFF;
	s20 =	sshll.u32 s5, $0x1;
	s2 =	sadd.s32 s18, s17  }
0x9c: {  	s6 =	simm.s32 $0x0;
	s19 =	sshll.u32 s4, $0x1;
	s4 =	sadd.s32 s20, s2  }
0x9d: {  	[timem:s6], [sflag:s21] =	dma.local [hbm:s4], s19  }
0x9e: {  	_ =	swait.ge [sflag:s21], s19  }
0x9f: {  	s3 =	ssub.s32 $0x0, s19;
	[sflag:s21] =	ssyncset.done $0x0  }
0xa0: {  	[sflag:s21] =	ssyncadd.s32 s3;
	_ =	sdelay $0x1  }
0xa1: {  	s22 =	simm.s32 $0x1B8B  }
0xa2: {  	_ =	swait.ge [sflag:s22], $0x1  }
0xa3: {  	[sflag:s22] =	ssyncset.done $0x0  }
0xa4: {  	s23 =	sld [smem:$0x3FFE];
	[sflag:s22] =	ssyncadd.s32 $0xFFFFFFFF  }
0xa5: {  	s25 =	simm.s32 $0x1B8E;
	s24 =	sld [smem:$0x0]  }
0xa6: {  	s26 =	simm.s32 $execute0_lowered;
	[smem:$0x3FD2] =	sst s25  }
0xa7: {  	s5 =	sshll.u32 s26, $0x1;
	_ =	strace $0x80000055;
	[dreg:$0x1] =	wrdreg $0xFFFFFFFF  }
0xa8: {  	s28 =	simm.s32 $_size_execute0_lowered;
	s2 =	sadd.s32 s2, s5;
	[dreg:$0x0] =	wrdreg $0x0  }
0xa9: {  	s5 =	sshll.u32 s28, $0x1;
	[dreg:$0x2] =	wrdreg s2  }
0xaa: {  	[dreg:$0x3] =	wrdreg s5  }
0xab: {  	[dreg:$0x4] =	wrdreg $0xC0  }
0xac: {  	_ =	task [dreg:s6], $0x5FFFF  }
0xad: {  	[dreg:$0x1] =	wrdreg $0xFFFFFFFF  }
0xae: {  	[dreg:$0x0] =	wrdreg $0x60  }
0xaf: {  	[dreg:$0x2] =	wrdreg s23  }
0xb0: {  	[dreg:$0x3] =	wrdreg s1  }
0xb1: {  	[dreg:$0x4] =	wrdreg s24  }
0xb2: {  	[dreg:$0x5] =	wrdreg $0x9  }
0xb3: {  	_ =	task.clear_ibuf [dreg:s6], $0x6FFFF;
	_ =	strace $0x90000055  }
0xb4: {  	s29 =	simm.s32 $0x9;
	_ =	strace $0x80000057  }
0xb5: {  	_ =	swait.ge [sflag:s29], $0x1  }
0xb6: {  	[sflag:s29] =	ssyncadd.s32 $0xFFFFFFFF  }
0xb7: {  	_ =	strace $0x90000057  }
0xb8: {  	_ =	sfence  }
0xb9: {  	s30 =	sld [smem:$0x0];
	_ =	sdelay $0x2  }
0xba: {  	s31 =	sshll.u32 s1, $0xD;
	s1 =	sshrl.u32 s1, $0x2  }
0xbb: {  	s3 =	sand.u32 $0x4000, s31;
	s1 =	sadd.s32 s1, s30  }
0xbc: {  	s0 =	sor.u32 s3, s0;
	s1 =	sshll.u32 s1, $0x11  }
0xbd: {  	s0 =	sor.u32 s1, s0  }
0xbe: {  	s0 =	sadd.s32 $0x8F2B, s0  }
0xbf: {  	[sflag:s0] =	ssyncadd.remote.s32 $0x1  }
0xc0: {  	_ =	sfence.sel $0xFFFF  }
0xc1: {  	[dreg:$0x0] =	wrdreg $0xFFFFFFFF;
	(pc) =	sbr.abs _section_cstart, $3  }
0xc2: {  	[dreg:$0x1] =	wrdreg $0xFFFFFFFF  }
0xc3: {  	_ =	task.clear_ibuf [dreg:s6], $0x2FFFF;
	_ =	strace $0x9FFFFFFF  }
0xc4: {  	(tm) =	ssettm $0x7FFFFFFF  }
0xc5: {  	_ =	shalt  }
tec
execute0_lowered:
.L_overlay_start_1:
0x0: {  	(tag) =	ssettag $0x1  }
0x1: {  	s2 =	rddreg [dreg:$0x0]  }
0x2: {  	s4 =	rddreg [dreg:$0x1];
	_ =	strace $0x80000056;
	s0 =	simm.s32 $0x1  }
0x3: {  	s3 =	simm.s32 $0x88;
	v0 =	vimm.s32 $0x0;
	[sflag:s0] =	ssyncpa.u1 $0x0  }
0x4: {  	s1 =	sadd.s32 $0x11600, s2;
	[tilespmem:s3+$0x30] =	vst v0  }
0x5: {  	s0 =	sadd.s32 $0x2DAC00, s2;
	s6 =	sadd.s32 $0x2E4C00, s2;
	[tilespmem:s3+$0x20] =	vst v0  }
0x6: {  	s2 =	sadd.s32 $0x2DFC00, s2;
	s5 =	sand.u32 $0x1, s4;
	s4 =	simm.s32 $0x40;
	[tilespmem:s3+$0x10] =	vst v0  }
.LBB2_1:
0x7: {  	s4 =	sadd.s32 $0x40, s4  }
0x8: {  	[tilespmem:s3+$0x0] =	vst v0;
	s3 =	sadd.s32 $0x40, s3;
	p0 =	slt.u32 s4, $0x5040  }
.Ltmp0:
0x9: {  	(pc) =	sbr.rel @p0 .LBB2_1-.Ltmp0, $4  }
0xa: {  	_ = 	snop  }
0xb: {  	[tilespmem:s3+$0x30] =	vst v0  }
0xc: {  	[tilespmem:s3+$0x20] =	vst v0  }
0xd: {  	[tilespmem:s3+$0x10] =	vst v0  }
0xe: {  	s28 =	simm.s32 $0x2  }
0xf: {  	s4 =	stileid.u32;
	s29 =	simm.s32 $0x9;
	s30 =	simm.s32 $0xA  }
0x10: {  	s7 =	simm.s32 $0xB;
	[dreg:$0x4] =	wrdreg s5;
	s31 =	smul.u32 $0x2800, s5  }
0x11: {  	s16 =	simm.s32 $0x0;
	p0 =	por $0x1, $0x1;
	s17 =	simm.s32 $0xFF  }
0x12: {  	p1 =	por $0x0, $0x0;
	s18 =	simm.s32 $0x1;
	s12 =	simm.s32 $0xC  }
0x13: {  	s23 =	simm.s32 $0x0;
	s21 =	simm.s32 $0x0;
	s9 =	smul.u32 $0x1400, s4  }
.Ltmp1:
0x14: {  	s20 =	simm.s32 $0x0;
	s0 =	sadd.s32 s31, s0;
	(pc) =	sbr.rel .LBB2_3-.Ltmp1, $4  }
0x15: {  	[tilespmem:s3+$0x0] =	vst v0;
	v0 =	vimm.s32 $0xFFFFFFFF;
	[sflag:s28] =	ssyncpa.u1 $0x0;
	s15 =	sshll.u32 s4, $0x7;
	[dreg:$0x8] =	wrdreg s0  }
0x16: {  	[tilespmem:$0xA108] =	vst v0;
	[sflag:s29] =	ssyncpa.u1 $0x0;
	s11 =	sadd.s32 s31, s2;
	[dreg:$0x5] =	wrdreg s9  }
0x17: {  	[sflag:s30] =	ssyncpa.u1 $0x0;
	s10 =	sadd.s32 $0x1400, s9;
	[dreg:$0x7] =	wrdreg s11  }
0x18: {  	v0 =	vlaneseq.u32;
	s22 =	smov.u32 s9;
	[sflag:s7] =	ssyncpa.u1 $0x0;
	[dreg:$0x6] =	wrdreg s10  }
.LBB2_22:
0x19: {  	s0 =	sshrl.u32 s0, $0x2  }
.LBB2_24:
0x1a: {  	_ =	swait.ge [sflag:s12], s0  }
0x1b: {  	s30 =	ssub.s32 $0x0, s0;
	v1 =	vmov s26;
	vm0 =	veq.s32 v0, $0x0;
	[sflag:s12] =	ssyncset.done $0x0  }
0x1c: {  	vm15 =	veq.s32 v0, $0x2;
	v1 =	vsel vm0, s31, v1;
	[sflag:s12] =	ssyncadd.s32 s30  }
0x1d: {  	v1 =	vsel vm15, s23, v1;
	[sflag:s12] =	ssyncpa.u1 $0x1  }
0x1e: {  	[tilespmem:$0xA108] =	vst v1  }
.LBB2_25:
0x1f: {  	s0 =	sadd.s32 $0x140, s22  }
0x20: {  	s2 =	smov.u32 s9;
	s20 =	sadd.s32 $0x1, s20;
	p2 =	slt.s32 s0, s10  }
0x21: {  	s2 =	smov.u32 @p2 s0;
	p2 =	sne.s32 s20, $0x12  }
.Ltmp2:
0x22: {  	_ = 	snop;
	(pc) =	sbr.rel @!p2 .LBB2_26-.Ltmp2, $3  }
0x23: {  	_ =	sdelay $0x1  }
0x24: {  	s23 =	smov.u32 s21;
	s21 =	smov.u32 s22;
	p0 =	por !p0, !p0  }
0x25: {  	s17 =	sadd.s32 $0x1, s17;
	p1 =	por !p1, !p1;
	s22 =	smov.u32 s2  }
.LBB2_3:
0x26: {  	p2 =	sgt.u32 s20, $0xF  }
0x27: {  	s0 =	smul.u32 @!p2 $0xAB, s20;
	_ =	sdelay $0x1  }
0x28: {  	s0 =	sshrl.u32 @!p2 s0, $0x9  }
0x29: {  	s2 =	smov.u32 s22;
	p3 =	sgt.s32 @!p2 s22, $0x13EC0;
	s0 =	sand.u32 @!p2 $0x7F, s0  }
0x2a: {  	s3 =	sshra.s32 @!p2 s22, $0x1F;
	p3 =	por !p3, p2;
	s0 =	smul.u32 @!p2 $0x3, s0  }
0x2b: {  	s3 =	sand.u32 @!p2 s3, s22;
	s2 =	simm.s32 @p3 $0x13EC0  }
0x2c: {  	s2 =	ssub.s32 @!p2 s2, s3;
	s0 =	ssub.s32 @!p2 s20, s0  }
0x2d: {  	s2 =	sadd.s32 @!p2 $0xFFFEC140, s2;
	s0 =	sand.u32 @!p2 $0xFF, s0  }
0x2e: {  	s3 =	sshll.u32 @!p2 s2, $0x2;
	p3 =	sgt.s32 @!p2 s2, $0x13F;
	s0 =	smul.u32 @!p2 $0x500, s0  }
0x2f: {  	s4 =	sand.u32 @!p2 $0x7, s22;
	s2 =	ssub.s32 @!p2 $0x500, s3;
	p3 =	por !p3, p2  }
0x30: {  	s3 =	sshrl.u32 @!p2 s22, $0x3;
	s2 =	sshrl.u32 @!p2 s2, $0x2;
	s0 =	sshrl.u32 @!p2 s0, $0x2  }
0x31: {  	s3 =	sadd.s32 @!p2 s3, s11;
	s2 =	simm.s32 @!p3 $0x0;
	s0 =	sadd.s32 @!p2 $0xA948, s0  }
0x32: {  	[tilespmem:s0], [sflag:$0xA] =	stream.linear.gather @!p2 [hbm4b:s3+s4], s2, $0x38;
	[tilespmem:$0x1EF88] =	vst v63  }
0x33: {  	s0 =	sadd.s32 $0xFFFFFFFF, s20  }
0x34: {  	p2 =	sgt.u32 s0, $0xF  }
.Ltmp3:
0x35: {  	_ = 	snop;
	(pc) =	sbr.rel @p2 .LBB2_7-.Ltmp3, $1  }
0x36: {  	_ =	sdelay $0x3  }
0x37: {  	p2 =	sgt.s32 s21, $0x13EC0;
	s2 =	smov.u32 s21;
	s3 =	sshra.s32 s21, $0x1F  }
0x38: {  	s4 =	sand.u32 $0xFF, s17;
	s2 =	simm.s32 @!p2 $0x13EC0;
	s3 =	sand.u32 s3, s21  }
0x39: {  	s31 =	smulhi.u32 $0x55555556, s4;
	s2 =	ssub.s32 s2, s3  }
0x3a: {  	s0 =	sand.u32 $0x1, s0;
	s4 =	smul.u32 $0x500, s4;
	s2 =	sadd.s32 $0xFFFEC140, s2  }
0x3b: {  	s7 =	simm.s32 $0xA;
	s0 =	smul.u32 $0x500, s0;
	s5 =	sshll.u32 s2, $0x2  }
0x3c: {  	s9 =	sshrl.u32 s21, $0x3;
	s3 =	smul.u32 $0xF00, s31;
	s5 =	ssub.s32 $0x500, s5  }
0x3d: {  	s11 =	sand.u32 $0x7, s21;
	p2 =	sgt.s32 s2, $0x13F;
	s2 =	sshrl.u32 s5, $0x2  }
0x3e: {  	s0 =	sshrl.u32 s0, $0x2;
	s3 =	ssub.s32 s4, s3;
	s2 =	simm.s32 @p2 $0x0  }
0x3f: {  	s0 =	sadd.s32 $0xAD08, s0;
	s3 =	sshra.s32 s3, $0x2;
	_ =	swait.ge [sflag:s7], s2  }
0x40: {  	s8 =	ssub.s32 $0x0, s2;
	[sflag:s7] =	ssyncset.done $0x0;
	s10 =	rddreg [dreg:$0x8]  }
0x41: {  	s28 =	sadd.s32 $0xA948, s3;
	[sflag:s7] =	ssyncadd.s32 s8;
	s3 =	sadd.s32 s9, s10  }
0x42: {  	[tilespmem:s0], [sflag:$0xB] =	stream.linear.gather [hbm4b:s3+s11], s2, $0x38;
	[tilespmem:$0x1EF88] =	vst v63  }
0x43: {  	v1 =	vld.msk [tilespmem:s28+$0x0], $0xffff;
	_ =	sdelay $0x4  }
0x44: {  	v1 =	vshll.u32 v1, $0x4  }
0x45: {  	(v2sf) =	vpush v1, $0x0  }
0x46: {  	(v2sf) =	vpush v1, $0x1  }
0x47: {  	(v2sf) =	vpush v1, $0x2;
	_ =	sdelay $0x1  }
0x48: {  	(v2sf) =	vpush v1, $0x3;
	_ =	sdelay $0x1  }
0x49: {  	s0 =	simm.s32 $0x1;
	(v2sf) =	vpush v1, $0x4  }
0x4a: {  	s0 =	simm.s32 @!p0 $0x0  }
0x4b: {  	s0 =	smul.u32 $0x28000, s0;
	(v2sf) =	vpush v1, $0x5;
	_ =	sdelay $0x1  }
0x4c: {  	s0 =	sshrl.u32 s0, $0x2;
	(v2sf) =	vpush v1, $0x6  }
0x4d: {  	s24 =	sadd.s32 $0xB708, s0  }
0x4e: {  	s28 =	sadd.s32 $0x10, s28;
	s0 =	sadd.s32 $0xFFFFFE80, s24;
	s2 =	sadd.s32 $0xFFFFFD00, s24;
	(v2sf) =	vpush v1, $0x7  }
0x4f: {  	s4 =	sadd.s32 $0xFFFFFD80, s24;
	s3 =	sadd.s32 $0xFFFFFE00, s24;
	s5 =	sadd.s32 $0xFFFFFB80, s24  }
0x50: {  	s26 =	sadd.s32 $0xFFFFFA00, s24;
	s29 =	sadd.s32 $0xFFFFFA80, s24;
	s30 =	sadd.s32 $0xFFFFFB00, s24;
	(v2sf) =	vpush v1, $0x8  }
0x51: {  	s31 =	sadd.s32 $0xFFFFF900, s24;
	s7 =	sadd.s32 $0xFFFFF980, s24;
	s8 =	spop (v2sf)  }
0x52: {  	s10 =	sadd.s32 $0xFFFFF880, s24;
	(v2sf) =	vpush v1, $0x9;
	s8 =	sand.u32 $0x1FFFFFF0, s8;
	s11 =	spop (v2sf)  }
0x53: {  	s8 =	sadd.s32 s6, s8;
	s11 =	sand.u32 $0x1FFFFFF0, s11;
	s13 =	spop (v2sf)  }
0x54: {  	[tilespmem:s10], [sflag:$0x9] =	stream.linear.gather [hbm4b:s8+s16], $0x40, $0x38;
	[tilespmem:$0x1EF88] =	vst v63  }
0x55: {  	(v2sf) =	vpush v1, $0xA;
	s12 =	sadd.s32 s6, s11;
	s19 =	sand.u32 $0x1FFFFFF0, s13;
	s9 =	spop (v2sf)  }
0x56: {  	(v2sf) =	vpush v1, $0xB;
	[tilespmem:s31], [sflag:$0x9] =	stream.linear.gather [hbm4b:s12+s16], $0x40, $0x38;
	[tilespmem:$0x1EF88] =	vst v63  }
0x57: {  	s10 =	sadd.s32 s6, s19;
	s13 =	spop (v2sf);
	s12 =	sand.u32 $0x1FFFFFF0, s9  }
0x58: {  	(v2sf) =	vpush v1, $0xC;
	[tilespmem:s7], [sflag:$0x9] =	stream.linear.gather [hbm4b:s10+s16], $0x40, $0x38;
	[tilespmem:$0x1EF88] =	vst v63  }
0x59: {  	s31 =	sand.u32 $0x1FFFFFF0, s13;
	s9 =	spop (v2sf);
	s19 =	sadd.s32 s6, s12  }
0x5a: {  	(v2sf) =	vpush v1, $0xD;
	[tilespmem:s26], [sflag:$0x9] =	stream.linear.gather [hbm4b:s19+s16], $0x40, $0x38;
	[tilespmem:$0x1EF88] =	vst v63  }
0x5b: {  	s11 =	sadd.s32 s6, s31;
	s12 =	sand.u32 $0x1FFFFFF0, s9;
	s13 =	spop (v2sf)  }
0x5c: {  	(v2sf) =	vpush v1, $0xE;
	[tilespmem:s29], [sflag:$0x9] =	stream.linear.gather [hbm4b:s11+s16], $0x40, $0x38;
	[tilespmem:$0x1EF88] =	vst v63  }
0x5d: {  	s19 =	sadd.s32 s6, s12;
	s26 =	sand.u32 $0x1FFFFFF0, s13;
	s29 =	spop (v2sf)  }
0x5e: {  	(v2sf) =	vpush v1, $0xF;
	[tilespmem:s30], [sflag:$0x9] =	stream.linear.gather [hbm4b:s19+s16], $0x40, $0x38;
	[tilespmem:$0x1EF88] =	vst v63  }
0x5f: {  	s14 =	sadd.s32 $0xFFFFFC00, s24;
	s9 =	spop (v2sf);
	s30 =	sadd.s32 s6, s26  }
0x60: {  	[tilespmem:s5], [sflag:$0x9] =	stream.linear.gather [hbm4b:s30+s16], $0x40, $0x38;
	[tilespmem:$0x1EF88] =	vst v63  }
0x61: {  	s25 =	sadd.s32 $0xFFFFFC80, s24;
	s31 =	sand.u32 $0x1FFFFFF0, s29;
	s13 =	spop (v2sf)  }
0x62: {  	s11 =	sadd.s32 s6, s31;
	s12 =	sand.u32 $0x1FFFFFF0, s9;
	s19 =	sand.u32 $0x1FFFFFF0, s13  }
0x63: {  	[tilespmem:s14], [sflag:$0x9] =	stream.linear.gather [hbm4b:s11+s16], $0x40, $0x38;
	[tilespmem:$0x1EF88] =	vst v63  }
0x64: {  	s26 =	spop (v2sf);
	s14 =	sadd.s32 s6, s12;
	s29 =	sadd.s32 s6, s19  }
0x65: {  	s30 =	sand.u32 $0x1FFFFFF0, s26;
	s31 =	spop (v2sf);
	s19 =	sadd.s32 $0xFFFFFF00, s24  }
0x66: {  	[tilespmem:s25], [sflag:$0x9] =	stream.linear.gather [hbm4b:s14+s16], $0x40, $0x38;
	[tilespmem:$0x1EF88] =	vst v63  }
0x67: {  	s5 =	sadd.s32 s6, s30;
	s7 =	sand.u32 $0x1FFFFFF0, s31;
	s8 =	spop (v2sf)  }
0x68: {  	[tilespmem:s2], [sflag:$0x9] =	stream.linear.gather [hbm4b:s29+s16], $0x40, $0x38;
	[tilespmem:$0x1EF88] =	vst v63  }
0x69: {  	s31 =	sadd.s32 $0xFFFFFF80, s24;
	s10 =	sand.u32 $0x1FFFFFF0, s8;
	s11 =	spop (v2sf)  }
0x6a: {  	[tilespmem:s4], [sflag:$0x9] =	stream.linear.gather [hbm4b:s5+s16], $0x40, $0x38;
	[tilespmem:$0x1EF88] =	vst v63  }
0x6b: {  	s9 =	sadd.s32 s6, s7;
	s12 =	sadd.s32 s6, s10;
	s14 =	spop (v2sf)  }
0x6c: {  	[tilespmem:s3], [sflag:$0x9] =	stream.linear.gather [hbm4b:s9+s16], $0x40, $0x38;
	[tilespmem:$0x1EF88] =	vst v63  }
0x6d: {  	s13 =	sand.u32 $0x1FFFFFF0, s11;
	s26 =	sand.u32 $0x1FFFFFF0, s14;
	s29 =	spop (v2sf)  }
0x6e: {  	[tilespmem:s0], [sflag:$0x9] =	stream.linear.gather [hbm4b:s12+s16], $0x40, $0x38;
	[tilespmem:$0x1EF88] =	vst v63  }
0x6f: {  	s25 =	sadd.s32 s6, s13;
	s30 =	sadd.s32 s6, s26;
	s0 =	sand.u32 $0x1FFFFFF0, s29  }
0x70: {  	[tilespmem:s19], [sflag:$0x9] =	stream.linear.gather [hbm4b:s25+s16], $0x40, $0x38;
	[tilespmem:$0x1EF88] =	vst v63  }
0x71: {  	s26 =	sadd.s32 $0x800, s24;
	s0 =	sadd.s32 s6, s0;
	s25 =	simm.s32 $0x0  }
0x72: {  	[tilespmem:s31], [sflag:$0x9] =	stream.linear.gather [hbm4b:s30+s16], $0x40, $0x38;
	[tilespmem:$0x1EF88] =	vst v63  }
.LBB2_5:
0x73: {  	[tilespmem:s24], [sflag:$0x9] =	stream.linear.gather [hbm4b:s0+s16], $0x40, $0x38;
	[tilespmem:$0x1EF88] =	vst v63  }
0x74: {  	s25 =	sadd.s32 $0x10, s25;
	s24 =	smov.u32 s26  }
0x75: {  	p2 =	slt.u32 s25, $0x130;
	v1 =	vld.msk [tilespmem:s28+$0x0], $0xffff;
	_ =	sdelay $0x4  }
0x76: {  	v1 =	vshll.u32 v1, $0x4  }
0x77: {  	(v2sf) =	vpush v1, $0x0  }
0x78: {  	(v2sf) =	vpush v1, $0x1  }
0x79: {  	(v2sf) =	vpush v1, $0x2;
	_ =	sdelay $0x1  }
0x7a: {  	(v2sf) =	vpush v1, $0x3;
	_ =	sdelay $0x1  }
0x7b: {  	(v2sf) =	vpush v1, $0x4;
	_ =	sdelay $0x1  }
0x7c: {  	(v2sf) =	vpush v1, $0x5;
	_ =	sdelay $0x1  }
0x7d: {  	(v2sf) =	vpush v1, $0x6  }
0x7e: {  	s30 =	sadd.s32 $0xFFFFFE80, s26;
	s29 =	sadd.s32 $0xFFFFFF00, s26  }
0x7f: {  	s4 =	sadd.s32 $0xFFFFFD00, s26;
	s0 =	sadd.s32 $0xFFFFFD80, s26;
	s31 =	sadd.s32 $0xFFFFFE00, s26;
	(v2sf) =	vpush v1, $0x7  }
0x80: {  	s2 =	sadd.s32 $0xFFFFFB80, s26;
	s3 =	sadd.s32 $0xFFFFFC00, s26;
	s5 =	sadd.s32 $0xFFFFFC80, s26  }
0x81: {  	s7 =	sadd.s32 $0xFFFFFA00, s26;
	s8 =	sadd.s32 $0xFFFFFA80, s26;
	s10 =	sadd.s32 $0xFFFFFB00, s26;
	(v2sf) =	vpush v1, $0x8  }
0x82: {  	s11 =	sadd.s32 $0xFFFFF900, s26;
	s13 =	sadd.s32 $0xFFFFF980, s26;
	s14 =	spop (v2sf)  }
0x83: {  	s9 =	sadd.s32 $0xFFFFF880, s26;
	s14 =	sand.u32 $0x1FFFFFF0, s14;
	s19 =	spop (v2sf);
	(v2sf) =	vpush v1, $0x9  }
0x84: {  	s14 =	sadd.s32 s6, s14;
	s19 =	sand.u32 $0x1FFFFFF0, s19;
	s12 =	spop (v2sf)  }
0x85: {  	[tilespmem:s9], [sflag:$0x9] =	stream.linear.gather [hbm4b:s14+s16], $0x40, $0x38;
	(v2sf) =	vpush v1, $0xA;
	[tilespmem:$0x1EF88] =	vst v63  }
0x86: {  	s9 =	sadd.s32 s6, s19;
	s12 =	sand.u32 $0x1FFFFFF0, s12;
	s14 =	spop (v2sf)  }
0x87: {  	[tilespmem:s11], [sflag:$0x9] =	stream.linear.gather [hbm4b:s9+s16], $0x40, $0x38;
	(v2sf) =	vpush v1, $0xB;
	[tilespmem:$0x1EF88] =	vst v63  }
0x88: {  	s9 =	sadd.s32 s6, s12;
	s11 =	sand.u32 $0x1FFFFFF0, s14;
	s12 =	spop (v2sf)  }
0x89: {  	[tilespmem:s13], [sflag:$0x9] =	stream.linear.gather [hbm4b:s9+s16], $0x40, $0x38;
	(v2sf) =	vpush v1, $0xC;
	[tilespmem:$0x1EF88] =	vst v63  }
0x8a: {  	s9 =	sadd.s32 s6, s11;
	s11 =	sand.u32 $0x1FFFFFF0, s12;
	s12 =	spop (v2sf)  }
0x8b: {  	[tilespmem:s7], [sflag:$0x9] =	stream.linear.gather [hbm4b:s9+s16], $0x40, $0x38;
	(v2sf) =	vpush v1, $0xD;
	[tilespmem:$0x1EF88] =	vst v63  }
0x8c: {  	s7 =	sadd.s32 s6, s11;
	s9 =	sand.u32 $0x1FFFFFF0, s12;
	s11 =	spop (v2sf)  }
0x8d: {  	[tilespmem:s8], [sflag:$0x9] =	stream.linear.gather [hbm4b:s7+s16], $0x40, $0x38;
	(v2sf) =	vpush v1, $0xE;
	[tilespmem:$0x1EF88] =	vst v63  }
0x8e: {  	s7 =	sadd.s32 s6, s9;
	s8 =	sand.u32 $0x1FFFFFF0, s11;
	s9 =	spop (v2sf)  }
0x8f: {  	[tilespmem:s10], [sflag:$0x9] =	stream.linear.gather [hbm4b:s7+s16], $0x40, $0x38;
	(v2sf) =	vpush v1, $0xF;
	[tilespmem:$0x1EF88] =	vst v63  }
0x90: {  	s7 =	sadd.s32 s6, s8;
	s8 =	sand.u32 $0x1FFFFFF0, s9;
	s9 =	spop (v2sf)  }
0x91: {  	[tilespmem:s2], [sflag:$0x9] =	stream.linear.gather [hbm4b:s7+s16], $0x40, $0x38;
	[tilespmem:$0x1EF88] =	vst v63  }
0x92: {  	s2 =	sadd.s32 s6, s8;
	s7 =	sand.u32 $0x1FFFFFF0, s9;
	s8 =	spop (v2sf)  }
0x93: {  	[tilespmem:s3], [sflag:$0x9] =	stream.linear.gather [hbm4b:s2+s16], $0x40, $0x38;
	[tilespmem:$0x1EF88] =	vst v63  }
0x94: {  	s2 =	sadd.s32 s6, s7;
	s3 =	sand.u32 $0x1FFFFFF0, s8;
	s7 =	spop (v2sf)  }
0x95: {  	[tilespmem:s5], [sflag:$0x9] =	stream.linear.gather [hbm4b:s2+s16], $0x40, $0x38;
	[tilespmem:$0x1EF88] =	vst v63  }
0x96: {  	s2 =	sadd.s32 s6, s3;
	s3 =	sand.u32 $0x1FFFFFF0, s7;
	s5 =	spop (v2sf)  }
0x97: {  	[tilespmem:s4], [sflag:$0x9] =	stream.linear.gather [hbm4b:s2+s16], $0x40, $0x38;
	[tilespmem:$0x1EF88] =	vst v63  }
0x98: {  	s2 =	sadd.s32 s6, s3;
	s3 =	sand.u32 $0x1FFFFFF0, s5;
	s4 =	spop (v2sf)  }
0x99: {  	[tilespmem:s0], [sflag:$0x9] =	stream.linear.gather [hbm4b:s2+s16], $0x40, $0x38;
	[tilespmem:$0x1EF88] =	vst v63  }
0x9a: {  	s0 =	sadd.s32 s6, s3;
	s2 =	sand.u32 $0x1FFFFFF0, s4;
	s3 =	spop (v2sf)  }
0x9b: {  	[tilespmem:s31], [sflag:$0x9] =	stream.linear.gather [hbm4b:s0+s16], $0x40, $0x38;
	[tilespmem:$0x1EF88] =	vst v63  }
0x9c: {  	s0 =	sadd.s32 s6, s2;
	s2 =	sand.u32 $0x1FFFFFF0, s3;
	s3 =	spop (v2sf)  }
0x9d: {  	[tilespmem:s30], [sflag:$0x9] =	stream.linear.gather [hbm4b:s0+s16], $0x40, $0x38;
	[tilespmem:$0x1EF88] =	vst v63  }
0x9e: {  	s0 =	sadd.s32 s6, s2  }
.Ltmp4:
0x9f: {  	s2 =	sand.u32 $0x1FFFFFF0, s3;
	s3 =	spop (v2sf);
	(pc) =	sbr.rel @p2 .LBB2_5-.Ltmp4, $4  }
0xa0: {  	[tilespmem:s29], [sflag:$0x9] =	stream.linear.gather [hbm4b:s0+s16], $0x40, $0x38;
	[tilespmem:$0x1EF88] =	vst v63  }
0xa1: {  	s0 =	sadd.s32 s6, s2;
	s2 =	sadd.s32 $0xFFFFFF80, s26;
	s3 =	sand.u32 $0x1FFFFFF0, s3  }
0xa2: {  	[tilespmem:s2], [sflag:$0x9] =	stream.linear.gather [hbm4b:s0+s16], $0x40, $0x38;
	[tilespmem:$0x1EF88] =	vst v63  }
0xa3: {  	s28 =	sadd.s32 $0x10, s28;
	s26 =	sadd.s32 $0x800, s26;
	s0 =	sadd.s32 s6, s3  }
0xa4: {  	[tilespmem:s24], [sflag:$0x9] =	stream.linear.gather [hbm4b:s0+s16], $0x40, $0x38;
	[tilespmem:$0x1EF88] =	vst v63  }
0xa5: {  	s9 =	rddreg [dreg:$0x5]  }
0xa6: {  	s10 =	rddreg [dreg:$0x6]  }
0xa7: {  	s11 =	rddreg [dreg:$0x7];
	s12 =	simm.s32 $0xC  }
.LBB2_7:
0xa8: {  	p2 =	slt.u32 s20, $0x2  }
.Ltmp5:
0xa9: {  	_ = 	snop;
	(pc) =	sbr.rel @p2 .LBB2_25-.Ltmp5, $1  }
0xaa: {  	_ =	sdelay $0x3  }
0xab: {  	p2 =	sgt.s32 s23, $0x13EC0;
	s0 =	smov.u32 s23;
	s2 =	sshra.s32 s23, $0x1F  }
0xac: {  	s0 =	simm.s32 @!p2 $0x13EC0;
	s2 =	sand.u32 s2, s23  }
0xad: {  	s0 =	ssub.s32 s0, s2  }
0xae: {  	s0 =	sadd.s32 $0xFFFEC140, s0  }
0xaf: {  	s3 =	simm.s32 $0x9;
	s29 =	sshll.u32 s0, $0x2  }
0xb0: {  	_ =	swait.ge [sflag:s3], $0x5000;
	s2 =	ssub.s32 $0x500, s29  }
0xb1: {  	[sflag:s3] =	ssyncset.done $0x0;
	p2 =	sgt.s32 s0, $0x13F;
	s0 =	sshrl.u32 s2, $0x2  }
0xb2: {  	s30 =	simm.s32 $0xB;
	[sflag:s3] =	ssyncadd.s32 $0xFFFFB000;
	s0 =	simm.s32 @p2 $0x0  }
0xb3: {  	_ =	swait.ge [sflag:s30], s0  }
0xb4: {  	s0 =	ssub.s32 $0x0, s0;
	[sflag:s30] =	ssyncset.done $0x0  }
0xb5: {  	[sflag:s30] =	ssyncadd.s32 s0  }
0xb6: {  	v1 =	vld [tilespmem:$0xA108];
	_ =	sdelay $0x4  }
0xb7: {  	(v2sf) =	vpush v1, $0x0  }
0xb8: {  	(v2sf) =	vpush v1, $0x1  }
0xb9: {  	(v2sf) =	vpush v1, $0x2;
	_ =	sdelay $0x3  }
0xba: {  	s2 =	sadd.s32 $0x140, s23  }
0xbb: {  	s4 =	ssub.s32 $0x28000, s23;
	p2 =	slt.s32 s10, s2  }
0xbc: {  	s2 =	smov.u32 @p2 s10;
	p2 =	sgt.s32 s4, $0x0  }
0xbd: {  	s24 =	ssub.s32 s2, s23;
	s4 =	simm.s32 @!p2 $0x0  }
0xbe: {  	p2 =	slt.s32 s4, s24  }
0xbf: {  	s24 =	smov.u32 @p2 s4  }
0xc0: {  	s0 =	simm.s32 $0x1;
	p2 =	slt.s32 s24, $0x1  }
.Ltmp6:
0xc1: {  	s0 =	simm.s32 @!p1 $0x0;
	(pc) =	sbr.rel @p2 .LBB2_12-.Ltmp6, $4  }
0xc2: {  	s5 =	smul.u32 $0x500, s0  }
0xc3: {  	s3 =	spop (v2sf)  }
0xc4: {  	s31 =	sshrl.u32 s5, $0x2;
	s2 =	spop (v2sf)  }
0xc5: {  	s25 =	sadd.s32 $0xAD08, s31;
	s23 =	spop (v2sf)  }
0xc6: {  	s4 =	smin.u32 s24, $0x10  }
0xc7: {  	v1 =	vmov s4  }
0xc8: {  	p3 =	sgt.s32 s24, $0x10;
	vm1 =	vgt.u32 v1, v0  }
.Ltmp7:
0xc9: {  	_ = 	snop;
	(pc) =	sbr.rel @!p3 .LBB2_11-.Ltmp7, $2  }
0xca: {  	_ =	sdelay $0x2  }
0xcb: {  	s5 =	simm.s32 $0x10;
	s26 =	sadd.s32 $0xFFFFFFF0, s24;
	s4 =	smov.u32 s25;
	vm0 =	vmmov vm1  }
.LBB2_10:
0xcc: {  	s7 =	smin.u32 s26, $0x10;
	s5 =	sadd.s32 $0x10, s5;
	v1 =	vld.msk [tilespmem:s4+$0x0 ss:$0x1], vm1  }
0xcd: {  	v2 =	vmov s7;
	p3 =	slt.s32 s5, s24  }
0xce: {  	vm1 =	vgt.u32 v2, v0  }
.Ltmp8:
0xcf: {  	(pc) =	sbr.rel @p3 .LBB2_10-.Ltmp8, $3  }
0xd0: {  	_ =	sdelay $0x1  }
0xd1: {  	v1 =	vshll.u32 v1, $0x4  }
0xd2: {  	s26 =	sadd.s32 $0xFFFFFFF0, s26;
	[tilespmem:s4+$0x0] =	vst.msk vm0, v1;
	s4 =	sadd.s32 $0x10, s4;
	vm0 =	vmmov vm1  }
.LBB2_11:
0xd3: {  	_ =	sdelay $0x4  }
0xd4: {  	v1 =	vld.msk [tilespmem:s4+$0x0 ss:$0x1], vm1;
	_ =	sdelay $0x4  }
0xd5: {  	v1 =	vshll.u32 v1, $0x4  }
0xd6: {  	[tilespmem:s4+$0x0] =	vst.msk vm0, v1  }
.LBB2_12:
0xd7: {  	s4 =	sand.u32 $0x1, s20  }
0xd8: {  	s5 =	smul.u32 $0xA000, s4  }
0xd9: {  	p3 =	sne.s32 s2, $0xFFFFFFFF;
	s4 =	smul.u32 $0x140, s4  }
0xda: {  	v1 =	vld @!p3 [tilespmem:s5+$0xAF88]  }
0xdb: {  	v2 =	vld.msk @!p3 [tilespmem:s4+$0xAD08], $0x1;
	_ =	sdelay $0x3  }
0xdc: {  	[tilespmem:$0x88] =	vst @!p3 v1  }
0xdd: {  	(v2sf) =	vpush @!p3 v2, $0x0;
	v1 =	vld @!p3 [tilespmem:s5+$0xAF98];
	_ =	sdelay $0x4  }
0xde: {  	[tilespmem:$0x98] =	vst @!p3 v1  }
0xdf: {  	v1 =	vld @!p3 [tilespmem:s5+$0xAFA8];
	_ =	sdelay $0x4  }
0xe0: {  	[tilespmem:$0xA8] =	vst @!p3 v1  }
0xe1: {  	v1 =	vld @!p3 [tilespmem:s5+$0xAFB8]  }
.Ltmp9:
0xe2: {  	_ = 	snop;
	(pc) =	sbr.rel @p2 .LBB2_23-.Ltmp9, $4  }
0xe3: {  	_ = 	snop  }
0xe4: {  	s30 =	spop @!p3 (v2sf)  }
0xe5: {  	s23 =	simm.s32 @!p3 $0x0;
	s26 =	smov.u32 s30  }
0xe6: {  	s30 =	smov.u32 @p3 s3;
	s26 =	smov.u32 @p3 s2;
	[tilespmem:$0xB8] =	vst @!p3 v1;
	[sflag:s12] =	ssyncpa.u1 $0x0  }
0xe7: {  	v1 =	vld.msk [tilespmem:s25+$0x0], $0x1;
	_ =	sdelay $0x4  }
0xe8: {  	(v2sf) =	vpush v1, $0x0;
	_ =	sdelay $0xe  }
0xe9: {  	s0 =	smul.u32 $0x28000, s0;
	s3 =	spop (v2sf)  }
0xea: {  	p2 =	seq.s32 s30, s3  }
0xeb: {  	s2 =	smov.u32 s30;
	s0 =	sshrl.u32 s0, $0x2;
	p3 =	sgt.s32 @!p2 s30, $0x0  }
0xec: {  	s28 =	sadd.s32 $0xAFA8, s0;
	s0 =	sadd.s32 $0xFFFFFFFF, s24;
	p3 =	por !p3, p2  }
0xed: {  	s2 =	simm.s32 @p3 $0x0;
	p3 =	sne.s32 s0, $0x0  }
.Ltmp10:
0xee: {  	_ = 	snop;
	(pc) =	sbr.rel @!p3 .LBB2_15-.Ltmp10, $4  }
0xef: {  	_ = 	snop  }
0xf0: {  	s29 =	simm.s32 $0x0;
	s4 =	simm.s32 @!p2 $0x1;
	s2 =	smin.u32 @!p2 s2, $0x27FF8  }
0xf1: {  	s5 =	simm.s32 @!p2 $0x50C8;
	s4 =	smov.u32 @p2 s29;
	s7 =	sand.u32 @!p2 $0x3FFF8, s2  }
0xf2: {  	s31 =	sand.u32 @!p2 $0x7, s2;
	s2 =	sadd.s32 $0x1, s25;
	s14 =	sadd.s32 @!p2 s1, s7  }
.LBB2_14:
0xf3: {  	s7 =	smov.u32 s4  }
0xf4: {  	[tilespmem:s5], [sflag:$0x2] =	stream.linear.gather @!p2 [hbm4b:s14+s31], $0x40, $0x38;
	[tilespmem:$0x1EF88] =	vst v63  }
0xf5: {  	s0 =	sadd.s32 $0xFFFFFFFF, s0;
	s8 =	smov.u32 s3;
	v1 =	vld.msk [tilespmem:s2+$0x0], $0x1  }
0xf6: {  	p3 =	sne.s32 s0, $0x0;
	_ =	sdelay $0x3  }
0xf7: {  	(v2sf) =	vpush v1, $0x0;
	_ =	sdelay $0xe  }
0xf8: {  	s3 =	spop (v2sf)  }
0xf9: {  	p2 =	seq.s32 s8, s3  }
0xfa: {  	p4 =	sgt.s32 @!p2 s8, $0x0;
	s5 =	sshll.u32 @!p2 s4, $0x8;
	s4 =	sadd.s32 @!p2 $0x1, s4  }
.Ltmp11:
0xfb: {  	p4 =	por !p4, p2;
	s5 =	sshra.s32 @!p2 s5, $0x2;
	(pc) =	sbr.rel @p3 .LBB2_14-.Ltmp11, $4  }
0xfc: {  	s4 =	smov.u32 @p2 s7;
	s8 =	simm.s32 @p4 $0x0;
	s5 =	sadd.s32 @!p2 $0x50C8, s5  }
0xfd: {  	s7 =	smin.u32 @!p2 s8, $0x27FF8  }
0xfe: {  	s8 =	sand.u32 @!p2 $0x3FFF8, s7;
	s31 =	sand.u32 @!p2 $0x7, s7  }
0xff: {  	s2 =	sadd.s32 $0x1, s2;
	s14 =	sadd.s32 @!p2 s1, s8  }
.LBB2_15:
0x100: {  	[tilespmem:s5], [sflag:$0x2] =	stream.linear.gather @!p2 [hbm4b:s14+s31], $0x40, $0x38;
	[tilespmem:$0x1EF88] =	vst v63  }
.Ltmp12:
0x101: {  	s0 =	sshll.u32 s4, $0x6;
	(pc) =	sbr.rel .LBB2_16-.Ltmp12, $4  }
0x102: {  	s2 =	simm.s32 $0x2;
	s0 =	sand.u32 $0x3FFFFFC0, s0  }
0x103: {  	_ =	swait.ge [sflag:s2], s0  }
0x104: {  	s0 =	ssub.s32 $0x0, s0;
	[sflag:s2] =	ssyncset.done $0x0  }
0x105: {  	[sflag:s2] =	ssyncadd.s32 s0;
	s0 =	simm.s32 $0x0  }
.LBB2_17:
0x106: {  	v1 =	vld [tilespmem:s28+$0xFFFFFFE0]  }
0x107: {  	v2 =	vld [tilespmem:s2+$0x88];
	_ =	sdelay $0x4  }
0x108: {  	v1 =	vmax.f32 v1, v2  }
0x109: {  	v2 =	vld [tilespmem:s2+$0x98];
	[tilespmem:s2+$0x88] =	vst v1  }
0x10a: {  	v1 =	vld [tilespmem:s28+$0xFFFFFFF0];
	_ =	sdelay $0x4  }
0x10b: {  	v1 =	vmax.f32 v1, v2  }
0x10c: {  	v2 =	vld [tilespmem:s2+$0xA8];
	[tilespmem:s2+$0x98] =	vst v1  }
0x10d: {  	v1 =	vld [tilespmem:s28+$0x0];
	_ =	sdelay $0x4  }
0x10e: {  	v1 =	vmax.f32 v1, v2  }
0x10f: {  	v2 =	vld [tilespmem:s2+$0xB8];
	[tilespmem:s2+$0xA8] =	vst v1  }
0x110: {  	v1 =	vld [tilespmem:s28+$0x10];
	_ =	sdelay $0x4  }
0x111: {  	v1 =	vmax.f32 v1, v2  }
0x112: {  	[tilespmem:s2+$0xB8] =	vst v1  }
.LBB2_21:
0x113: {  	s24 =	sadd.s32 $0xFFFFFFFF, s24  }
0x114: {  	p2 =	sne.s32 s24, $0x0  }
.Ltmp13:
0x115: {  	_ = 	snop;
	(pc) =	sbr.rel @!p2 .LBB2_22-.Ltmp13, $2  }
0x116: {  	_ =	sdelay $0x2  }
0x117: {  	s28 =	sadd.s32 $0x80, s28;
	s25 =	sadd.s32 $0x1, s25;
	s30 =	smov.u32 s31  }
.LBB2_16:
0x118: {  	v1 =	vld.msk [tilespmem:s25+$0x0], $0x1;
	_ =	sdelay $0x4  }
0x119: {  	(v2sf) =	vpush v1, $0x0;
	_ =	sdelay $0xe  }
0x11a: {  	s31 =	spop (v2sf)  }
0x11b: {  	p2 =	sne.s32 s30, s31  }
.Ltmp14:
0x11c: {  	_ = 	snop;
	(pc) =	sbr.rel @!p2 .LBB2_17-.Ltmp14, $3  }
0x11d: {  	_ =	sdelay $0x1  }
0x11e: {  	s2 =	sshll.u32 s23, $0x8  }
0x11f: {  	s2 =	sshra.s32 s2, $0x2  }
0x120: {  	p2 =	seq.s32 s30, s26  }
.Ltmp15:
0x121: {  	_ = 	snop;
	(pc) =	sbr.rel @!p2 .LBB2_19-.Ltmp15, $1  }
0x122: {  	_ =	sdelay $0x3  }
.Ltmp16:
0x123: {  	s2 =	sadd.s32 $0x88, s2;
	(pc) =	sbr.rel .LBB2_20-.Ltmp16, $4  }
0x124: {  	[spmem:s15] =	stream.linear.scatter [tilespmem:s2], [sflag:$0x1], $0x40, $0x38;
	[tilespmem:$0x1EF88] =	vst v63  }
0x125: {  	_ =	swait.ge [sflag:s18], $0x40  }
0x126: {  	[sflag:s18] =	ssyncset.done $0x0  }
0x127: {  	[sflag:s18] =	ssyncadd.s32 $0xFFFFFFC0  }
.LBB2_19:
0x128: {  	s3 =	sshll.u32 s29, $0x8  }
0x129: {  	v2 =	vld [tilespmem:s2+$0x88];
	s3 =	sshra.s32 s3, $0x2  }
0x12a: {  	v1 =	vld [tilespmem:s3+$0x50C8];
	_ =	sdelay $0x4  }
0x12b: {  	v1 =	vmax.f32 v1, v2  }
0x12c: {  	v2 =	vld [tilespmem:s2+$0x98];
	[tilespmem:s2+$0x88] =	vst v1  }
0x12d: {  	v1 =	vld [tilespmem:s3+$0x50D8];
	_ =	sdelay $0x4  }
0x12e: {  	v1 =	vmax.f32 v1, v2  }
0x12f: {  	v2 =	vld [tilespmem:s2+$0xA8];
	[tilespmem:s2+$0x98] =	vst v1  }
0x130: {  	v1 =	vld [tilespmem:s3+$0x50E8];
	_ =	sdelay $0x4  }
0x131: {  	v1 =	vmax.f32 v1, v2  }
0x132: {  	v2 =	vld [tilespmem:s2+$0xB8];
	[tilespmem:s2+$0xA8] =	vst v1  }
0x133: {  	v1 =	vld [tilespmem:s3+$0x50F8];
	_ =	sdelay $0x3  }
0x134: {  	p2 =	sgt.u32 s30, $0x27FF8  }
0x135: {  	s3 =	sand.u32 @!p2 $0x3FFF8, s30;
	v1 =	vmax.f32 v1, v2  }
0x136: {  	s4 =	sadd.s32 $0x88, s2;
	[tilespmem:s2+$0xB8] =	vst v1;
	s2 =	sadd.s32 @!p2 s1, s3;
	s3 =	sand.u32 @!p2 $0x7, s30  }
0x137: {  	[hbm4b:s2+s3] =	stream.linear.scatter @!p2 [tilespmem:s4], [sflag:$0xC], $0x40, $0x38;
	[tilespmem:$0x1EF88] =	vst v63  }
0x138: {  	s2 =	simm.s32 $0x0  }
0x139: {  	s2 =	simm.s32 @!p2 $0x100  }
0x13a: {  	s0 =	sadd.s32 s2, s0  }
.LBB2_20:
0x13b: {  	s2 =	sadd.s32 $0x1, s23  }
0x13c: {  	s3 =	smulhi.u32 $0xCCCCCCCD, s2;
	_ =	sdelay $0x1  }
0x13d: {  	v1 =	vld [tilespmem:s28+$0xFFFFFFE0];
	s3 =	sshrl.u32 s3, $0x8  }
0x13e: {  	s3 =	smul.u32 $0x140, s3;
	_ =	sdelay $0x1  }
0x13f: {  	s23 =	ssub.s32 s2, s3  }
0x140: {  	s2 =	sshll.u32 s23, $0x6  }
0x141: {  	[tilespmem:s2+$0x88] =	vst v1  }
0x142: {  	v1 =	vld [tilespmem:s28+$0xFFFFFFF0];
	_ =	sdelay $0x4  }
0x143: {  	[tilespmem:s2+$0x98] =	vst v1  }
0x144: {  	v1 =	vld [tilespmem:s28+$0x0];
	_ =	sdelay $0x4  }
0x145: {  	[tilespmem:s2+$0xA8] =	vst v1  }
0x146: {  	v1 =	vld [tilespmem:s28+$0x10]  }
.Ltmp17:
0x147: {  	_ = 	snop;
	(pc) =	sbr.rel .LBB2_21-.Ltmp17, $2  }
0x148: {  	_ =	sdelay $0x2  }
0x149: {  	s29 =	sadd.s32 $0x1, s29;
	[tilespmem:s2+$0xB8] =	vst v1  }
.LBB2_23:
.Ltmp18:
0x14a: {  	(pc) =	sbr.rel .LBB2_24-.Ltmp18, $4  }
0x14b: {  	_ = 	snop  }
0x14c: {  	s0 =	simm.s32 $0x2  }
0x14d: {  	_ =	swait.ge [sflag:s0], $0x0  }
0x14e: {  	s31 =	smov.u32 s30;
	[sflag:s0] =	ssyncset.done $0x0;
	s0 =	simm.s32 $0x0  }
.LBB2_26:
0x14f: {  	_ =	sfence.sel $0x180000  }
0x150: {  	s0 =	simm.s32 $0x9;
	[bflag:$0x0] =	sbarrier.arrive $0xFFFF  }
0x151: {  	s24 =	simm.s32 $0xA;
	[sflag:s0] =	ssyncpa.u1 $0x1  }
0x152: {  	s25 =	simm.s32 $0xB;
	[sflag:s24] =	ssyncpa.u1 $0x1  }
0x153: {  	s26 =	simm.s32 $0x2;
	[sflag:s25] =	ssyncpa.u1 $0x1  }
0x154: {  	[sflag:s26] =	ssyncpa.u1 $0x1  }
0x155: {  	v0 =	vld [tilespmem:$0xA108];
	_ =	sdelay $0x4  }
0x156: {  	(v2sf) =	vpush v0, $0x0  }
0x157: {  	(v2sf) =	vpush v0, $0x1;
	_ =	sdelay $0x1  }
0x158: {  	(v2sf) =	vpush v0, $0x2;
	_ =	sdelay $0xb  }
0x159: {  	s0 =	spop (v2sf)  }
0x15a: {  	s2 =	spop (v2sf)  }
0x15b: {  	s3 =	smov.u32 s0;
	p0 =	sne.s32 s0, s2  }
0x15c: {  	s4 =	spop (v2sf);
	s3 =	simm.s32 @!p0 $0xFFFFFFFF  }
0x15d: {  	v2 =	vimm.s32 $0x1;
	v3 =	vlaneseq.u32;
	p0 =	seq.s32 s4, $0xFFFFFFFF;
	v1 =	vmov s3  }
0x15e: {  	s14 =	stileid.u32;
	v0 =	vperm.xlane v0, v2;
	p1 =	sne.s32 @!p0 s0, s2;
	v1 =	vperm.xlane v1, v3  }
0x15f: {  	vm0 =	vcmask $0x3F04;
	s6 =	simm.s32 $0xA108;
	s0 =	simm.s32 @!p0 $0x1;
	p1 =	por !p1, p0  }
0x160: {  	s3 =	sshll.u32 s14, $0x1;
	s2 =	sshll.u32 @!p0 s4, $0x8;
	s0 =	simm.s32 @p1 $0x0;
	v0 =	vsel vm0, v1, v0  }
0x161: {  	s5 =	sor.u32 $0x800, s3;
	s2 =	sshra.s32 @!p0 s2, $0x2;
	s0 =	sor.u32 @!p0 s0, s3;
	[tilespmem:$0xA108] =	vst v0  }
0x162: {  	[spmem:s5] =	stream.linear.scatter [tilespmem:s6], [sflag:$0x1], $0x2, $0x38;
	[tilespmem:$0x1EF88] =	vst v63  }
0x163: {  	s2 =	sadd.s32 @!p0 $0x88, s2;
	s0 =	sshll.u32 @!p0 s0, $0x6  }
0x164: {  	[spmem:s0] =	stream.linear.scatter @!p0 [tilespmem:s2], [sflag:$0x1], $0x40, $0x38;
	[tilespmem:$0x1EF88] =	vst v63  }
0x165: {  	s0 =	simm.s32 @!p0 $0x42  }
0x166: {  	s28 =	simm.s32 $0x1;
	s0 =	simm.s32 @p0 $0x2  }
0x167: {  	_ =	swait.ge [sflag:s28], s0  }
0x168: {  	s0 =	ssub.s32 $0x0, s0;
	[sflag:s28] =	ssyncset.done $0x0  }
0x169: {  	p0 =	sne.s32 s14, $0x0;
	[sflag:s28] =	ssyncadd.s32 s0  }
.Ltmp19:
0x16a: {  	_ =	sfence.stream.spmem;
	(pc) =	sbr.rel @p0 .LBB2_43-.Ltmp19, $4  }
0x16b: {  	s29 =	simm.s32 $0x3;
	[bflag:$0x0] =	sbarrier.arrive $0xFFFF  }
0x16c: {  	s30 =	simm.s32 $0x4;
	[sflag:s29] =	ssyncpa.u1 $0x1  }
0x16d: {  	s31 =	simm.s32 $0x3C;
	[sflag:s30] =	ssyncpa.u1 $0x1  }
0x16e: {  	s13 =	rddreg [dreg:$0x4];
	[sflag:s31] =	ssyncpa.u1 $0x1  }
0x16f: {  	_ =	sfence.stream.spmem;
	s0 =	simm.s32 $0x5  }
0x170: {  	s2 =	simm.s32 $0x800;
	s3 =	simm.s32 $0xA118;
	[sflag:s0] =	ssyncpa.u1 $0x0  }
0x171: {  	[tilespmem:s3], [sflag:$0x5] =	stream.linear.gather [spmem:s2], $0x20, $0x38;
	[tilespmem:$0x1EF88] =	vst v63  }
0x172: {  	s26 =	simm.s32 $0x0;
	s28 =	simm.s32 $0xA138  }
0x173: {  	[tilespmem:s28], [sflag:$0x5] =	stream.linear.gather [spmem:s26], $0x800, $0x38;
	[tilespmem:$0x1EF88] =	vst v63  }
0x174: {  	_ =	swait.ge [sflag:s0], $0x820  }
0x175: {  	[sflag:s0] =	ssyncset.done $0x0  }
0x176: {  	s29 =	simm.s32 $0x0;
	[sflag:s0] =	ssyncadd.s32 $0xFFFFF7E0  }
0x177: {  	v0 =	vld.msk [tilespmem:s29+$0xA118], $0x1;
	_ =	sdelay $0x1  }
0x178: {  	s30 =	simm.s32 $0x1  }
0x179: {  	v1 =	vld.msk [tilespmem:s30+$0xA118], $0x1;
	_ =	sdelay $0x1  }
0x17a: {  	(v2sf) =	vpush v0, $0x0;
	_ =	sdelay $0x2  }
0x17b: {  	(v2sf) =	vpush v1, $0x0;
	_ =	sdelay $0x2  }
0x17c: {  	s31 =	simm.s32 $0x2  }
0x17d: {  	v0 =	vld.msk [tilespmem:s31+$0xA118], $0x1;
	_ =	sdelay $0x2  }
0x17e: {  	s2 =	simm.s32 $0xFFFFFFFF;
	s3 =	simm.s32 $0xFFFFFFFF;
	s0 =	simm.s32 $0xC  }
.LBB2_28:
0x17f: {  	s4 =	smov.u32 s3;
	s5 =	smov.u32 s2  }
0x180: {  	s2 =	sshra.s32 s0, $0x2;
	p1 =	sne.s32 s0, $0x7C;
	s0 =	sadd.s32 $0x4, s0;
	(v2sf) =	vpush v0, $0x0  }
0x181: {  	v0 =	vld.msk [tilespmem:s2+$0xA118], $0x1  }
.Ltmp20:
0x182: {  	(pc) =	sbr.rel @p1 .LBB2_28-.Ltmp20, $4  }
0x183: {  	s3 =	spop (v2sf)  }
0x184: {  	p2 =	sne.s32 s5, $0xFFFFFFFF;
	s2 =	smov.u32 s3  }
0x185: {  	p3 =	seq.s32 s3, $0xFFFFFFFF;
	s2 =	smov.u32 @p2 s5  }
0x186: {  	s3 =	smov.u32 @p3 s4;
	s2 =	smov.u32 @p3 s5  }
0x187: {  	(v2sf) =	vpush v0, $0x0;
	_ =	sdelay $0x8  }
0x188: {  	s0 =	spop (v2sf)  }
0x189: {  	p1 =	sne.s32 s2, $0xFFFFFFFF;
	s4 =	smov.u32 s0  }
0x18a: {  	s9 =	simm.s32 $0x6;
	p2 =	seq.s32 s0, $0xFFFFFFFF;
	s4 =	smov.u32 @p1 s2  }
0x18b: {  	s6 =	simm.s32 $0x0;
	s4 =	smov.u32 @p2 s2;
	s2 =	spop (v2sf)  }
0x18c: {  	s0 =	smov.u32 @p2 s3;
	p1 =	sne.s32 s4, $0xFFFFFFFF;
	s5 =	smov.u32 s2  }
.Ltmp21:
0x18d: {  	p2 =	seq.s32 s2, $0xFFFFFFFF;
	s5 =	smov.u32 @p1 s4;
	(pc) =	sbr.rel .LBB2_30-.Ltmp21, $4  }
0x18e: {  	s10 =	simm.s32 $0xA0C8;
	s5 =	smov.u32 @p2 s4;
	s7 =	spop (v2sf)  }
0x18f: {  	s11 =	simm.s32 $0x0;
	p1 =	sne.s32 s5, $0xFFFFFFFF;
	s8 =	smov.u32 s7  }
0x190: {  	s2 =	smov.u32 @p2 s0;
	p2 =	seq.s32 s7, $0xFFFFFFFF;
	s8 =	smov.u32 @p1 s5  }
0x191: {  	[sflag:s9] =	ssyncpa.u1 $0x0;
	s7 =	smov.u32 @p2 s2;
	s8 =	smov.u32 @p2 s5  }
.LBB2_36:
0x192: {  	p1 =	sgt.u32 s0, $0x27FF8  }
0x193: {  	p2 =	seq.s32 @!p1 s0, s8  }
0x194: {  	p1 =	por p1, p2  }
0x195: {  	p2 =	sne.s32 @!p1 s0, s7  }
0x196: {  	p1 =	por p1, !p2  }
0x197: {  	s0 =	sshll.u32 @p1 s11, $0x8  }
0x198: {  	s2 =	sand.u32 @!p1 $0x3FFF8, s0  }
0x199: {  	s0 =	sand.u32 @!p1 $0x7, s0;
	s2 =	sadd.s32 @!p1 s1, s2  }
0x19a: {  	[tilespmem:s10], [sflag:$0x6] =	stream.linear.gather @!p1 [hbm4b:s2+s0], $0x40, $0x38;
	[tilespmem:$0x1EF88] =	vst v63  }
0x19b: {  	_ =	swait.ge @!p1 [sflag:s9], $0x40  }
0x19c: {  	[sflag:s9] =	ssyncset.done @!p1 $0x0  }
0x19d: {  	s0 =	sshll.u32 @!p1 s11, $0x8;
	[sflag:s9] =	ssyncadd.s32 @!p1 $0xFFFFFFC0  }
0x19e: {  	s2 =	sshrl.u32 @!p1 s0, $0x2;
	v1 =	vld @!p1 [tilespmem:$0xA0C8]  }
0x19f: {  	v2 =	vld @!p1 [tilespmem:s2+$0xA138];
	_ =	sdelay $0x4  }
0x1a0: {  	v1 =	vmax.f32 @!p1 v1, v2  }
0x1a1: {  	v2 =	vld @!p1 [tilespmem:s2+$0xA148];
	[tilespmem:s2+$0xA138] =	vst @!p1 v1  }
0x1a2: {  	v1 =	vld @!p1 [tilespmem:$0xA0D8];
	_ =	sdelay $0x4  }
0x1a3: {  	v1 =	vmax.f32 @!p1 v1, v2  }
0x1a4: {  	v2 =	vld @!p1 [tilespmem:s2+$0xA158];
	[tilespmem:s2+$0xA148] =	vst @!p1 v1  }
0x1a5: {  	v1 =	vld @!p1 [tilespmem:$0xA0E8];
	_ =	sdelay $0x4  }
0x1a6: {  	v1 =	vmax.f32 @!p1 v1, v2  }
0x1a7: {  	v2 =	vld @!p1 [tilespmem:s2+$0xA168];
	[tilespmem:s2+$0xA158] =	vst @!p1 v1  }
0x1a8: {  	v1 =	vld @!p1 [tilespmem:$0xA0F8];
	_ =	sdelay $0x4  }
0x1a9: {  	v1 =	vmax.f32 @!p1 v1, v2  }
0x1aa: {  	[tilespmem:s2+$0xA168] =	vst @!p1 v1  }
0x1ab: {  	s0 =	sshrl.u32 s0, $0x2;
	[tilespmem:s6+$0xA118] =	vst.msk $0x1, v0  }
0x1ac: {  	v0 =	vld [tilespmem:s0+$0xA138];
	_ =	sdelay $0x2  }
0x1ad: {  	s31 =	sshll.u32 s6, $0x8  }
0x1ae: {  	s2 =	sshra.s32 s31, $0x2  }
0x1af: {  	[tilespmem:s2+$0xA138] =	vst v0  }
0x1b0: {  	v0 =	vld [tilespmem:s0+$0xA148];
	_ =	sdelay $0x4  }
0x1b1: {  	[tilespmem:s2+$0xA148] =	vst v0  }
0x1b2: {  	v0 =	vld [tilespmem:s0+$0xA158];
	_ =	sdelay $0x4  }
0x1b3: {  	[tilespmem:s2+$0xA158] =	vst v0  }
0x1b4: {  	v0 =	vld [tilespmem:s0+$0xA168];
	_ =	sdelay $0x4  }
0x1b5: {  	s6 =	sadd.s32 $0x1, s6;
	[tilespmem:s2+$0xA168] =	vst v0  }
.LBB2_37:
0x1b6: {  	s11 =	sadd.s32 $0x1, s11  }
0x1b7: {  	p1 =	sne.s32 s11, $0x20  }
.Ltmp22:
0x1b8: {  	_ = 	snop;
	(pc) =	sbr.rel @!p1 .LBB2_38-.Ltmp22, $1  }
0x1b9: {  	_ =	sdelay $0x3  }
.LBB2_30:
0x1ba: {  	v0 =	vld.msk [tilespmem:s11+$0xA118], $0x1;
	_ =	sdelay $0x4  }
0x1bb: {  	(v2sf) =	vpush v0, $0x0;
	_ =	sdelay $0xe  }
0x1bc: {  	s0 =	spop (v2sf)  }
0x1bd: {  	p1 =	seq.s32 s0, $0xFFFFFFFF  }
.Ltmp23:
0x1be: {  	_ = 	snop;
	(pc) =	sbr.rel @p1 .LBB2_37-.Ltmp23, $1  }
0x1bf: {  	_ =	sdelay $0x3  }
0x1c0: {  	p1 =	slt.s32 s6, $0x1  }
.Ltmp24:
0x1c1: {  	_ = 	snop;
	(pc) =	sbr.rel @p1 .LBB2_36-.Ltmp24, $1  }
0x1c2: {  	_ =	sdelay $0x3  }
0x1c3: {  	s2 =	simm.s32 $0xA118;
	p1 =	por $0x0, $0x0  }
0x1c4: {  	v1 =	vld.msk @!p1 [tilespmem:s2+$0x0], $0x1;
	_ =	sdelay $0x4  }
0x1c5: {  	(v2sf) =	vpush @!p1 v1, $0x0;
	_ =	sdelay $0xd  }
0x1c6: {  	p3 =	sne.s32 s6, $0x1  }
.Ltmp25:
0x1c7: {  	s3 =	spop @!p1 (v2sf);
	(pc) =	sbr.rel @!p3 .LBB2_34-.Ltmp25, $4  }
0x1c8: {  	p2 =	seq.s32 @!p1 s0, s3  }
0x1c9: {  	s3 =	simm.s32 $0x0;
	p2 =	por !p2, p1  }
0x1ca: {  	s5 =	simm.s32 $0xFFFFFFFF;
	s3 =	simm.s32 @p2 $0xFFFFFFFF  }
0x1cb: {  	s4 =	simm.s32 $0x1;
	s3 =	smov.u32 @p1 s5  }
.LBB2_33:
0x1cc: {  	s5 =	smov.u32 s3;
	p1 =	sne.s32 s3, $0xFFFFFFFF  }
0x1cd: {  	s2 =	sadd.s32 $0x1, s2;
	s3 =	smov.u32 s4;
	s4 =	sadd.s32 $0x1, s4  }
0x1ce: {  	p2 =	sne.s32 s6, s4;
	v1 =	vld.msk @!p1 [tilespmem:s2+$0x0], $0x1;
	_ =	sdelay $0x4  }
0x1cf: {  	(v2sf) =	vpush @!p1 v1, $0x0;
	_ =	sdelay $0xe  }
.Ltmp26:
0x1d0: {  	s12 =	spop @!p1 (v2sf);
	(pc) =	sbr.rel @p2 .LBB2_33-.Ltmp26, $4  }
0x1d1: {  	p3 =	seq.s32 @!p1 s0, s12  }
0x1d2: {  	p3 =	por !p3, p1  }
0x1d3: {  	s3 =	simm.s32 @p3 $0xFFFFFFFF  }
0x1d4: {  	s3 =	smov.u32 @p1 s5  }
.LBB2_34:
0x1d5: {  	p1 =	seq.s32 s3, $0xFFFFFFFF  }
.Ltmp27:
0x1d6: {  	_ = 	snop;
	(pc) =	sbr.rel @p1 .LBB2_36-.Ltmp27, $1  }
0x1d7: {  	_ =	sdelay $0x3  }
0x1d8: {  	s0 =	sshll.u32 s11, $0x6  }
0x1d9: {  	s2 =	sshll.u32 s3, $0x8;
	s0 =	sand.u32 $0x3FFFFFC0, s0  }
0x1da: {  	s2 =	sshra.s32 s2, $0x2;
	v0 =	vld [tilespmem:s0+$0xA138]  }
0x1db: {  	v1 =	vld [tilespmem:s2+$0xA138];
	_ =	sdelay $0x4  }
0x1dc: {  	v0 =	vmax.f32 v0, v1  }
0x1dd: {  	v61 =	vld [tilespmem:s2+$0xA148];
	[tilespmem:s2+$0xA138] =	vst v0  }
0x1de: {  	v0 =	vld [tilespmem:s0+$0xA148];
	_ =	sdelay $0x4  }
0x1df: {  	v0 =	vmax.f32 v0, v61  }
0x1e0: {  	v62 =	vld [tilespmem:s2+$0xA158];
	[tilespmem:s2+$0xA148] =	vst v0  }
0x1e1: {  	v0 =	vld [tilespmem:s0+$0xA158];
	_ =	sdelay $0x4  }
0x1e2: {  	v0 =	vmax.f32 v0, v62  }
0x1e3: {  	v63 =	vld [tilespmem:s2+$0xA168];
	[tilespmem:s2+$0xA158] =	vst v0  }
0x1e4: {  	v0 =	vld [tilespmem:s0+$0xA168];
	_ =	sdelay $0x1  }
.Ltmp28:
0x1e5: {  	_ = 	snop;
	(pc) =	sbr.rel .LBB2_37-.Ltmp28, $3  }
0x1e6: {  	_ =	sdelay $0x1  }
0x1e7: {  	v0 =	vmax.f32 v0, v63  }
0x1e8: {  	[tilespmem:s2+$0xA168] =	vst v0  }
.LBB2_38:
0x1e9: {  	s0 =	simm.s32 $0x6;
	p1 =	seq.s32 s6, $0x0  }
0x1ea: {  	[sflag:s0] =	ssyncpa.u1 $0x1;
	v0 =	vimm.s32 @p1 $0xFFFFFFFF  }
0x1eb: {  	s0 =	sadd.s32 $0xFFFFFFFF, s6;
	[tilespmem:$0xA938] =	vst @p1 v0  }
0x1ec: {  	v0 =	vld.msk @!p1 [tilespmem:s0+$0xA118], $0x1;
	_ =	sdelay $0x1  }
0x1ed: {  	v1 =	vld.msk @!p1 [tilespmem:$0xA118], $0x1;
	_ =	sdelay $0x2  }
0x1ee: {  	p2 =	seq.s32 @!p1 s0, $0x0;
	v0 =	vbroadcast @!p1 v0, $0x0  }
0x1ef: {  	vm0 =	vmmov @!p1 $0x1;
	p2 =	por !p2, p1  }
0x1f0: {  	v1 =	vnsel @!p1 vm0, $0xFFFFFFFF, v1;
	vm0 =	vcmask @!p1 $0x308;
	v0 =	vpsel !p2, $0xFFFFFFFF, v0  }
0x1f1: {  	p2 =	sne.s32 @!p1 s8, s7;
	v0 =	vsel @!p1 vm0, v1, v0  }
0x1f2: {  	s2 =	simm.s32 @!p1 $0xA138;
	s3 =	simm.s32 @!p1 $0x0;
	p3 =	por !p2, p1;
	[tilespmem:$0xA938] =	vst @!p1 v0  }
0x1f3: {  	[spmem:s3] =	stream.linear.scatter @!p1 [tilespmem:s2], [sflag:$0x1], $0x40, $0x38;
	[tilespmem:$0x1EF88] =	vst v63  }
0x1f4: {  	s2 =	sshll.u32 @!p3 s0, $0x8  }
0x1f5: {  	s2 =	sshra.s32 @!p3 s2, $0x2  }
0x1f6: {  	s3 =	simm.s32 @!p3 $0x40;
	s2 =	sadd.s32 @!p3 $0xA138, s2  }
0x1f7: {  	[spmem:s3] =	stream.linear.scatter @!p3 [tilespmem:s2], [sflag:$0x1], $0x40, $0x38;
	[tilespmem:$0x1EF88] =	vst v63  }
0x1f8: {  	s2 =	simm.s32 @!p3 $0x1  }
0x1f9: {  	_ =	swait.ge @!p3 [sflag:s2], $0x80  }
0x1fa: {  	p1 =	por p2, p1;
	[sflag:s2] =	ssyncset.done @!p3 $0x0  }
0x1fb: {  	[sflag:s2] =	ssyncadd.s32 @!p3 $0xFFFFFF80;
	s2 =	simm.s32 @!p1 $0x1  }
0x1fc: {  	_ =	swait.ge @!p1 [sflag:s2], $0x40  }
0x1fd: {  	s29 =	simm.s32 $0xA938;
	[sflag:s2] =	ssyncset.done @!p1 $0x0  }
0x1fe: {  	s30 =	simm.s32 $0x800;
	s31 =	simm.s32 $0x1;
	[sflag:s2] =	ssyncadd.s32 @!p1 $0xFFFFFFC0  }
0x1ff: {  	[spmem:s30] =	stream.linear.scatter [tilespmem:s29], [sflag:$0x1], $0x10, $0x38;
	[tilespmem:$0x1EF88] =	vst v63  }
0x200: {  	_ =	swait.ge [sflag:s31], $0x10  }
0x201: {  	[sflag:s31] =	ssyncset.done $0x0  }
0x202: {  	p1 =	seq.s32 s13, $0x0;
	s9 =	rddreg [dreg:$0x1];
	[sflag:s31] =	ssyncadd.s32 $0xFFFFFFF0  }
0x203: {  	s3 =	sshll.u32 @p1 s9, $0xE;
	s8 =	rddreg [dreg:$0x2]  }
0x204: {  	s2 =	sadd.s32 @p1 $0x15C3C, s3;
	s3 =	sshll.u32 @p1 s8, $0x11  }
0x205: {  	_ =	sfence.stream.spmem;
	s2 =	sor.u32 @p1 s3, s2  }
0x206: {  	[sflag:s2] =	ssyncadd.remote.s32 @p1 $0x1;
	s2 =	simm.s32 @p1 $0x4  }
0x207: {  	s4 =	simm.s32 @!p1 $0x3C;
	s3 =	sand.u32 $0xFFFFFFFE, s9;
	_ =	swait.ge @p1 [sflag:s2], $0x12  }
0x208: {  	s5 =	simm.s32 @!p1 $0x0;
	s3 =	sadd.s32 @!p1 $0x4, s3;
	[sflag:s2] =	ssyncset.done @p1 $0x0  }
0x209: {  	s7 =	simm.s32 @!p1 $0x80;
	[sflag:s2] =	ssyncadd.s32 @p1 $0xFFFFFFEE;
	s2 =	sshll.u32 @!p1 s3, $0x1A  }
0x20a: {  	s3 =	sshll.u32 @!p1 s3, $0xD;
	s2 =	sor.u32 @!p1 s2, s8;
	_ =	swait.eq @!p1 [sflag:s4], $0x1  }
0x20b: {  	s3 =	sor.u32 @!p1 $0x1C04, s3;
	s4 =	simm.s32 @!p1 $0x1C03;
	s2 =	sor.u32 @!p1 $0x80004000, s2  }
0x20c: {  	[spmem:s7], [sflag:s3] =	dma.general @!p1 [spmem:s5], [sflag:s4], length:$0x10, [dreg:$0x0], stride_count:$0x0, ici_dest:s2, dma_misc:DstOpCode:WRITE  }
0x20d: {  	p2 =	slt.s32 s0, $0x2;
	s5 =	simm.s32 @!p1 $0x100;
	s7 =	simm.s32 @!p1 $0x102  }
0x20e: {  	[spmem:s7], [sflag:s3] =	dma.general @!p1 [spmem:s5], [sflag:s4], length:$0x2, [dreg:$0x0], stride_count:$0x0, ici_dest:s2, dma_misc:DstOpCode:WRITE  }
.Ltmp29:
0x20f: {  	s2 =	simm.s32 @!p1 $0x3;
	(pc) =	sbr.rel @p2 .LBB2_42-.Ltmp29, $4  }
0x210: {  	s3 =	sshll.u32 @!p1 s9, $0xE;
	_ =	swait.ge @!p1 [sflag:s2], $0x12  }
0x211: {  	s4 =	sshll.u32 @!p1 s8, $0x11;
	s3 =	sadd.s32 @!p1 $0x11C3C, s3;
	[sflag:s2] =	ssyncset.done @!p1 $0x0  }
0x212: {  	[sflag:s2] =	ssyncadd.s32 @!p1 $0xFFFFFFEE;
	s2 =	sor.u32 @!p1 s4, s3  }
0x213: {  	s0 =	simm.s32 $0x0;
	[sflag:s2] =	ssyncadd.remote.s32 @!p1 $0xFFFFFFFF  }
0x214: {  	s0 =	simm.s32 $0xA119  }
0x215: {  	v0 =	vld.msk [tilespmem:s0+$0x0], $0x1;
	_ =	sdelay $0x4  }
0x216: {  	(v2sf) =	vpush v0, $0x0;
	_ =	sdelay $0xc  }
0x217: {  	s2 =	sadd.s32 $0xFFFFFFFE, s6  }
0x218: {  	s2 =	sadd.s32 $0xFFFFFFFF, s2  }
0x219: {  	p2 =	sne.s32 s2, $0x0;
	s3 =	spop (v2sf)  }
.Ltmp30:
0x21a: {  	p1 =	sgt.u32 s3, $0x27FF8;
	(pc) =	sbr.rel @!p2 .LBB2_41-.Ltmp30, $4  }
0x21b: {  	s5 =	simm.s32 $0x0;
	s4 =	sand.u32 @!p1 $0x3FFF8, s3  }
0x21c: {  	s0 =	simm.s32 $0xA178;
	s3 =	sand.u32 @!p1 $0x7, s3;
	s4 =	sadd.s32 @!p1 s1, s4  }
0x21d: {  	[hbm4b:s4+s3] =	stream.linear.scatter @!p1 [tilespmem:s0], [sflag:$0x5], $0x40, $0x38;
	[tilespmem:$0x1EF88] =	vst v63  }
0x21e: {  	s5 =	simm.s32 @!p1 $0x100;
	s3 =	simm.s32 $0x0;
	s4 =	simm.s32 $0xA11A  }
.LBB2_40:
0x21f: {  	v0 =	vld.msk [tilespmem:s4+$0x0], $0x1;
	s2 =	sadd.s32 $0xFFFFFFFF, s2;
	s3 =	sadd.s32 s3, s5  }
0x220: {  	p1 =	sne.s32 s2, $0x0;
	_ =	sdelay $0x3  }
0x221: {  	(v2sf) =	vpush v0, $0x0;
	_ =	sdelay $0xe  }
.Ltmp31:
0x222: {  	s6 =	spop (v2sf);
	(pc) =	sbr.rel @p1 .LBB2_40-.Ltmp31, $4  }
0x223: {  	s5 =	simm.s32 $0x0;
	p2 =	sgt.u32 s6, $0x27FF8  }
0x224: {  	s0 =	sadd.s32 $0x40, s0;
	s5 =	simm.s32 @!p2 $0x100;
	s7 =	sand.u32 @!p2 $0x3FFF8, s6  }
0x225: {  	s4 =	sadd.s32 $0x1, s4;
	s6 =	sand.u32 @!p2 $0x7, s6;
	s7 =	sadd.s32 @!p2 s1, s7  }
0x226: {  	[hbm4b:s7+s6] =	stream.linear.scatter @!p2 [tilespmem:s0], [sflag:$0x5], $0x40, $0x38;
	[tilespmem:$0x1EF88] =	vst v63  }
.LBB2_41:
0x227: {  	s0 =	sadd.s32 s3, s5  }
0x228: {  	s0 =	sshrl.u32 s0, $0x2  }
.LBB2_42:
0x229: {  	s2 =	simm.s32 $0x5  }
0x22a: {  	_ =	swait.ge [sflag:s2], s0  }
0x22b: {  	s31 =	ssub.s32 $0x0, s0;
	[sflag:s2] =	ssyncset.done $0x0  }
0x22c: {  	[sflag:s2] =	ssyncadd.s32 s31  }
0x22d: {  	[sflag:s2] =	ssyncpa.u1 $0x1  }
.LBB2_43:
0x22e: {  	s0 =	sor.u32 s13, s14  }
0x22f: {  	p1 =	sne.s32 s0, $0x0  }
.Ltmp32:
0x230: {  	_ = 	snop;
	(pc) =	sbr.rel @p1 .LBB2_58-.Ltmp32, $3  }
0x231: {  	_ =	sdelay $0x1  }
0x232: {  	[bflag:$0x0] =	sbarrier.arrive $0xFFFF  }
0x233: {  	_ =	sfence  }
0x234: {  	s0 =	simm.s32 $0x7  }
0x235: {  	s2 =	simm.s32 $0x800;
	s3 =	simm.s32 $0xA118;
	[sflag:s0] =	ssyncpa.u1 $0x0  }
0x236: {  	[tilespmem:s3], [sflag:$0x7] =	stream.linear.gather [spmem:s2], $0x20, $0x38;
	[tilespmem:$0x1EF88] =	vst v63  }
0x237: {  	s30 =	simm.s32 $0xA138;
	s2 =	simm.s32 $0x0  }
0x238: {  	[tilespmem:s30], [sflag:$0x7] =	stream.linear.gather [spmem:s2], $0x800, $0x38;
	[tilespmem:$0x1EF88] =	vst v63  }
.Ltmp33:
0x239: {  	_ = 	snop;
	(pc) =	sbr.rel .LBB2_45-.Ltmp33, $4  }
0x23a: {  	_ =	swait.ge [sflag:s0], $0x820  }
0x23b: {  	[sflag:s0] =	ssyncset.done $0x0  }
0x23c: {  	s31 =	simm.s32 $0x8;
	[sflag:s0] =	ssyncadd.s32 $0xFFFFF7E0  }
0x23d: {  	s3 =	simm.s32 $0x0;
	[sflag:s31] =	ssyncpa.u1 $0x0  }
.LBB2_51:
0x23e: {  	p1 =	slt.u32 s0, $0x27FF9  }
0x23f: {  	s4 =	sand.u32 @p1 $0x3FFF8, s0  }
0x240: {  	s0 =	sand.u32 @p1 $0x7, s0;
	s5 =	simm.s32 @p1 $0xA0C8;
	s4 =	sadd.s32 @p1 s1, s4  }
0x241: {  	[tilespmem:s5], [sflag:$0x8] =	stream.linear.gather @p1 [hbm4b:s4+s0], $0x40, $0x38;
	[tilespmem:$0x1EF88] =	vst v63  }
0x242: {  	s0 =	simm.s32 @p1 $0x8  }
0x243: {  	_ =	swait.ge @p1 [sflag:s0], $0x40  }
0x244: {  	[sflag:s0] =	ssyncset.done @p1 $0x0  }
0x245: {  	[sflag:s0] =	ssyncadd.s32 @p1 $0xFFFFFFC0;
	s0 =	sshll.u32 @p1 s3, $0x8  }
0x246: {  	s4 =	sshrl.u32 @p1 s0, $0x2;
	v1 =	vld @p1 [tilespmem:$0xA0C8]  }
0x247: {  	v2 =	vld @p1 [tilespmem:s4+$0xA138];
	_ =	sdelay $0x4  }
0x248: {  	v1 =	vmax.f32 @p1 v1, v2  }
0x249: {  	v2 =	vld @p1 [tilespmem:s4+$0xA148];
	[tilespmem:s4+$0xA138] =	vst @p1 v1  }
0x24a: {  	v1 =	vld @p1 [tilespmem:$0xA0D8];
	_ =	sdelay $0x4  }
0x24b: {  	v1 =	vmax.f32 @p1 v1, v2  }
0x24c: {  	v2 =	vld @p1 [tilespmem:s4+$0xA158];
	[tilespmem:s4+$0xA148] =	vst @p1 v1  }
0x24d: {  	v1 =	vld @p1 [tilespmem:$0xA0E8];
	_ =	sdelay $0x4  }
0x24e: {  	v1 =	vmax.f32 @p1 v1, v2  }
0x24f: {  	v2 =	vld @p1 [tilespmem:s4+$0xA168];
	[tilespmem:s4+$0xA158] =	vst @p1 v1  }
0x250: {  	v1 =	vld @p1 [tilespmem:$0xA0F8];
	_ =	sdelay $0x4  }
0x251: {  	s5 =	sshll.u32 @!p1 s3, $0x8;
	v1 =	vmax.f32 @p1 v1, v2  }
0x252: {  	s5 =	smov.u32 @p1 s0;
	[tilespmem:s4+$0xA168] =	vst @p1 v1  }
0x253: {  	s0 =	sshrl.u32 s5, $0x2;
	[tilespmem:s2+$0xA118] =	vst.msk $0x1, v0  }
0x254: {  	v0 =	vld [tilespmem:s0+$0xA138];
	_ =	sdelay $0x2  }
0x255: {  	s31 =	sshll.u32 s2, $0x8  }
0x256: {  	s4 =	sshra.s32 s31, $0x2  }
0x257: {  	[tilespmem:s4+$0xA138] =	vst v0  }
0x258: {  	v0 =	vld [tilespmem:s0+$0xA148];
	_ =	sdelay $0x4  }
0x259: {  	[tilespmem:s4+$0xA148] =	vst v0  }
0x25a: {  	v0 =	vld [tilespmem:s0+$0xA158];
	_ =	sdelay $0x4  }
0x25b: {  	[tilespmem:s4+$0xA158] =	vst v0  }
0x25c: {  	v0 =	vld [tilespmem:s0+$0xA168];
	_ =	sdelay $0x4  }
0x25d: {  	s2 =	sadd.s32 $0x1, s2;
	[tilespmem:s4+$0xA168] =	vst v0  }
.LBB2_52:
0x25e: {  	s3 =	sadd.s32 $0x1, s3  }
0x25f: {  	p1 =	sne.s32 s3, $0x20  }
.Ltmp34:
0x260: {  	_ = 	snop;
	(pc) =	sbr.rel @!p1 .LBB2_53-.Ltmp34, $1  }
0x261: {  	_ =	sdelay $0x3  }
.LBB2_45:
0x262: {  	v0 =	vld.msk [tilespmem:s3+$0xA118], $0x1;
	_ =	sdelay $0x4  }
0x263: {  	(v2sf) =	vpush v0, $0x0;
	_ =	sdelay $0xe  }
0x264: {  	s0 =	spop (v2sf)  }
0x265: {  	p1 =	seq.s32 s0, $0xFFFFFFFF  }
.Ltmp35:
0x266: {  	_ = 	snop;
	(pc) =	sbr.rel @p1 .LBB2_52-.Ltmp35, $1  }
0x267: {  	_ =	sdelay $0x3  }
0x268: {  	p1 =	slt.s32 s2, $0x1  }
.Ltmp36:
0x269: {  	_ = 	snop;
	(pc) =	sbr.rel @p1 .LBB2_51-.Ltmp36, $1  }
0x26a: {  	_ =	sdelay $0x3  }
0x26b: {  	s4 =	simm.s32 $0xA118;
	p1 =	por $0x0, $0x0  }
0x26c: {  	v1 =	vld.msk @!p1 [tilespmem:s4+$0x0], $0x1;
	_ =	sdelay $0x4  }
0x26d: {  	(v2sf) =	vpush @!p1 v1, $0x0;
	_ =	sdelay $0xd  }
0x26e: {  	p3 =	sne.s32 s2, $0x1  }
.Ltmp37:
0x26f: {  	s5 =	spop @!p1 (v2sf);
	(pc) =	sbr.rel @!p3 .LBB2_49-.Ltmp37, $4  }
0x270: {  	p2 =	seq.s32 @!p1 s0, s5  }
0x271: {  	s5 =	simm.s32 $0x0;
	p2 =	por !p2, p1  }
0x272: {  	s7 =	simm.s32 $0xFFFFFFFF;
	s5 =	simm.s32 @p2 $0xFFFFFFFF  }
0x273: {  	s6 =	simm.s32 $0x1;
	s5 =	smov.u32 @p1 s7  }
.LBB2_48:
0x274: {  	s7 =	smov.u32 s5;
	p1 =	sne.s32 s5, $0xFFFFFFFF  }
0x275: {  	s4 =	sadd.s32 $0x1, s4;
	s5 =	smov.u32 s6;
	s6 =	sadd.s32 $0x1, s6  }
0x276: {  	p2 =	sne.s32 s2, s6;
	v1 =	vld.msk @!p1 [tilespmem:s4+$0x0], $0x1;
	_ =	sdelay $0x4  }
0x277: {  	(v2sf) =	vpush @!p1 v1, $0x0;
	_ =	sdelay $0xe  }
.Ltmp38:
0x278: {  	s8 =	spop @!p1 (v2sf);
	(pc) =	sbr.rel @p2 .LBB2_48-.Ltmp38, $4  }
0x279: {  	p3 =	seq.s32 @!p1 s0, s8  }
0x27a: {  	p3 =	por !p3, p1  }
0x27b: {  	s5 =	simm.s32 @p3 $0xFFFFFFFF  }
0x27c: {  	s5 =	smov.u32 @p1 s7  }
.LBB2_49:
0x27d: {  	p1 =	seq.s32 s5, $0xFFFFFFFF  }
.Ltmp39:
0x27e: {  	_ = 	snop;
	(pc) =	sbr.rel @p1 .LBB2_51-.Ltmp39, $1  }
0x27f: {  	_ =	sdelay $0x3  }
0x280: {  	s0 =	sshll.u32 s3, $0x6  }
0x281: {  	s4 =	sshll.u32 s5, $0x8;
	s0 =	sand.u32 $0x3FFFFFC0, s0  }
0x282: {  	s4 =	sshra.s32 s4, $0x2;
	v0 =	vld [tilespmem:s0+$0xA138]  }
0x283: {  	v1 =	vld [tilespmem:s4+$0xA138];
	_ =	sdelay $0x4  }
0x284: {  	v0 =	vmax.f32 v0, v1  }
0x285: {  	v61 =	vld [tilespmem:s4+$0xA148];
	[tilespmem:s4+$0xA138] =	vst v0  }
0x286: {  	v0 =	vld [tilespmem:s0+$0xA148];
	_ =	sdelay $0x4  }
0x287: {  	v0 =	vmax.f32 v0, v61  }
0x288: {  	v62 =	vld [tilespmem:s4+$0xA158];
	[tilespmem:s4+$0xA148] =	vst v0  }
0x289: {  	v0 =	vld [tilespmem:s0+$0xA158];
	_ =	sdelay $0x4  }
0x28a: {  	v0 =	vmax.f32 v0, v62  }
0x28b: {  	v63 =	vld [tilespmem:s4+$0xA168];
	[tilespmem:s4+$0xA158] =	vst v0  }
0x28c: {  	v0 =	vld [tilespmem:s0+$0xA168];
	_ =	sdelay $0x1  }
.Ltmp40:
0x28d: {  	_ = 	snop;
	(pc) =	sbr.rel .LBB2_52-.Ltmp40, $3  }
0x28e: {  	_ =	sdelay $0x1  }
0x28f: {  	v0 =	vmax.f32 v0, v63  }
0x290: {  	[tilespmem:s4+$0xA168] =	vst v0  }
.LBB2_53:
0x291: {  	p1 =	slt.s32 s2, $0x1  }
.Ltmp41:
0x292: {  	_ = 	snop;
	(pc) =	sbr.rel @p1 .LBB2_57-.Ltmp41, $3  }
0x293: {  	_ =	sdelay $0x1  }
0x294: {  	s0 =	simm.s32 $0x8  }
0x295: {  	[sflag:s0] =	ssyncpa.u1 $0x1;
	s0 =	simm.s32 $0x0  }
0x296: {  	s3 =	simm.s32 $0xA118  }
0x297: {  	v0 =	vld.msk [tilespmem:s3+$0x0], $0x1;
	_ =	sdelay $0x4  }
0x298: {  	(v2sf) =	vpush v0, $0x0;
	_ =	sdelay $0xe  }
0x299: {  	s2 =	sadd.s32 $0xFFFFFFFF, s2;
	s4 =	spop (v2sf)  }
0x29a: {  	p2 =	sne.s32 s2, $0x0;
	p1 =	sgt.u32 s4, $0x27FF8  }
.Ltmp42:
0x29b: {  	s5 =	sand.u32 @!p1 $0x3FFF8, s4;
	(pc) =	sbr.rel @!p2 .LBB2_56-.Ltmp42, $4  }
0x29c: {  	s3 =	simm.s32 $0xA138;
	s4 =	sand.u32 @!p1 $0x7, s4;
	s5 =	sadd.s32 @!p1 s1, s5  }
0x29d: {  	[hbm4b:s5+s4] =	stream.linear.scatter @!p1 [tilespmem:s3], [sflag:$0x7], $0x40, $0x38;
	[tilespmem:$0x1EF88] =	vst v63  }
0x29e: {  	s5 =	simm.s32 $0x0  }
0x29f: {  	s4 =	simm.s32 $0xA119;
	s5 =	simm.s32 @!p1 $0x100  }
.LBB2_55:
0x2a0: {  	v0 =	vld.msk [tilespmem:s4+$0x0], $0x1;
	s2 =	sadd.s32 $0xFFFFFFFF, s2;
	s0 =	sadd.s32 s0, s5  }
0x2a1: {  	p1 =	sne.s32 s2, $0x0;
	_ =	sdelay $0x3  }
0x2a2: {  	(v2sf) =	vpush v0, $0x0;
	_ =	sdelay $0xe  }
.Ltmp43:
0x2a3: {  	s6 =	spop (v2sf);
	(pc) =	sbr.rel @p1 .LBB2_55-.Ltmp43, $4  }
0x2a4: {  	s5 =	simm.s32 $0x0;
	p2 =	sgt.u32 s6, $0x27FF8  }
0x2a5: {  	s3 =	sadd.s32 $0x40, s3;
	s5 =	simm.s32 @!p2 $0x100;
	s7 =	sand.u32 @!p2 $0x3FFF8, s6  }
0x2a6: {  	s4 =	sadd.s32 $0x1, s4;
	s6 =	sand.u32 @!p2 $0x7, s6;
	s7 =	sadd.s32 @!p2 s1, s7  }
0x2a7: {  	[hbm4b:s7+s6] =	stream.linear.scatter @!p2 [tilespmem:s3], [sflag:$0x7], $0x40, $0x38;
	[tilespmem:$0x1EF88] =	vst v63  }
.LBB2_56:
0x2a8: {  	s0 =	sadd.s32 s0, s5  }
0x2a9: {  	s0 =	sshrl.u32 s0, $0x2  }
.LBB2_57:
0x2aa: {  	s1 =	simm.s32 $0x7  }
0x2ab: {  	_ =	swait.ge [sflag:s1], s0  }
0x2ac: {  	s31 =	ssub.s32 $0x0, s0;
	[sflag:s1] =	ssyncset.done $0x0  }
0x2ad: {  	[sflag:s1] =	ssyncadd.s32 s31  }
0x2ae: {  	[sflag:s1] =	ssyncpa.u1 $0x1  }
.LBB2_58:
0x2af: {  	_ =	sfence;
	s0 =	simm.s32 $0x1  }
0x2b0: {  	[sflag:s0] =	ssyncpa.u1 $0x1  }
0x2b1: {  	_ =	strace $0x90000056  }
0x2b2: {  	[bflag:$0x2] =	sbarrier.arrive $0xFFFF  }
0x2b3: {  	s0 =	rddreg [dreg:$0x3]  }
0x2b4: {  	s0 =	sadd.s32 @!p0 $0x100000, s0  }
0x2b5: {  	[sflag:s0] =	ssyncadd.tile.s32 @!p0 $0x1;
	_ =	shalt  }
.Lfunc_end2:
_tile_overlayer_lowered:
.L_overlay_start_2:
0x2b6: {  	(tag) =	ssettag $0x2  }
0x2b7: {  	s0 =	rddreg [dreg:$0x0];
	s2 =	stileid.u32  }
0x2b8: {  	s1 =	rddreg [dreg:$0x1];
	p0 =	sne.s32 s2, $0x0  }
0x2b9: {  	s3 =	rddreg [dreg:$0x2];
	[bflag:$0x3] =	sbarrier.arrive $0xFFFF;
	s2 =	simm.s32 @!p0 $0x1C01  }
0x2ba: {  	[timem:s3], [sflag:s2] =	dma.local @!p0 [hbm:s0], s1  }
0x2bb: {  	s0 =	simm.s32 @!p0 $0x1  }
0x2bc: {  	_ =	swait.ge @!p0 [sflag:s0], s1  }
0x2bd: {  	s1 =	ssub.s32 @!p0 $0x0, s1;
	[sflag:s0] =	ssyncset.done @!p0 $0x0  }
0x2be: {  	[sflag:s0] =	ssyncadd.s32 @!p0 s1  }
0x2bf: {  	[bflag:$0x3] =	sbarrier.arrive $0xFFFF  }
0x2c0: {  	_ =	shalt  }

// kernel: scatter_offload_async_start.3
scs
__scs_entry_jumppad:
0x0: {  	(pc) =	sbr.rel $0x88, $3  }
0x1: {  	(tag) =	ssettag $0x0;
	lr =	simm.s32 $0x1  }
0x2: {  	[smem:$0x3F87] =	sst lr;
	_ =	strace $0xD0000000  }
0x3: {  	_ = 	snop  }
0x4: {  	_ = 	snop  }
0x5: {  	_ = 	snop  }
0x6: {  	_ = 	snop  }
0x7: {  	_ = 	snop  }
__scs_overlays_trampoline_lowered:
0x8: {  	[smem:$0x3F96] =	sst s0  }
0x9: {  	[smem:$0x3F97] =	sst s1  }
0xa: {  	[smem:$0x3F98] =	sst s2  }
0xb: {  	[smem:$0x3F99] =	sst s3  }
0xc: {  	[smem:$0x3F9A] =	sst s4  }
0xd: {  	[smem:$0x3F9B] =	sst s5  }
0xe: {  	[smem:$0x3F9C] =	sst s6  }
0xf: {  	[smem:$0x3F9D] =	sst s7  }
0x10: {  	[smem:$0x3F9E] =	sst s8  }
0x11: {  	[smem:$0x3F9F] =	sst s9;
	s0 =	simm.s32 @!p0 $0x0  }
0x12: {  	s1 =	sld [smem:$0x3F85];
	s0 =	simm.s32 @p0 $0x1  }
0x13: {  	[smem:$0x3FA0] =	sst s0;
	s0 =	simm.s32 @!p1 $0x0  }
0x14: {  	s2 =	sld [smem:$0x3F84];
	s0 =	simm.s32 @p1 $0x1  }
0x15: {  	[smem:$0x3FA1] =	sst s0;
	s0 =	simm.s32 @!p2 $0x0  }
0x16: {  	s3 =	sld [smem:$0x3FDB];
	s0 =	simm.s32 @p2 $0x1  }
0x17: {  	s4 =	simm.s32 $0x1BF5;
	[smem:$0x3FA3] =	sst s0  }
0x18: {  	s0 =	sld [smem:$0x3F86];
	_ =	swait.ge [sflag:s4], $0x0  }
0x19: {  	s7 =	sld [smem:$0x3F87]  }
0x1a: {  	s8 =	sadd.s32 $0xFFFFE003, lr  }
0x1b: {  	s9 =	sadd.s32 $0xFFFFFEF7, lr;
	s5 =	simm.s32 $0xFFFFFFFF;
	p2 =	slt.u32 s8, $0xFFFFF086  }
0x1c: {  	p1 =	slt.u32 s9, $0xF7A;
	s5 =	simm.s32 @!p2 $0x0  }
0x1d: {  	s5 =	simm.s32 @p1 $0x1;
	p0 =	seq.s32 s7, s2  }
0x1e: {  	s7 =	smul.u32 @!p0 $0xF7A, s2;
	p2 =	seq.s32 @!p0 s5, $0x0  }
0x1f: {  	s9 =	smul.u32 $0xF7A, s1;
	s8 =	simm.s32 @!p0 $0x1BF5;
	p2 =	por !p2, p0  }
0x20: {  	[sflag:s8] =	ssyncset.s32 @!p0 $0xFFFFF086;
	s6 =	sadd.s32 @!p0 s3, s7;
	s7 =	simm.s32 @!p0 $0x108  }
0x21: {  	s3 =	sadd.s32 s3, s9;
	s6 =	sadd.s32 @!p0 $0x88, s6;
	s7 =	simm.s32 @p2 $0x1082  }
0x22: {  	[simem:s7], [sflag:s8] =	dma.local @!p0 [hbm:s6], $0xF7A  }
0x23: {  	s9 =	sor.u32 $0xD0000000, s2;
	s6 =	simm.s32 $0x108;
	_ =	swait.ge @!p0 [sflag:s8], $0x0  }
0x24: {  	s3 =	sadd.s32 $0x88, s3;
	s6 =	simm.s32 @!p1 $0x1082;
	[sflag:s4] =	ssyncset.s32 $0xFFFFF086  }
0x25: {  	[simem:s6], [sflag:s4] =	dma.local [hbm:s3], $0xF7A  }
0x26: {  	[smem:$0x3F87] =	sst s1;
	(tag) =	ssettag s2;
	_ =	strace s9  }
0x27: {  	s1 =	sld [smem:$0x3F97]  }
0x28: {  	s2 =	sld [smem:$0x3F98]  }
0x29: {  	s4 =	sld [smem:$0x3F9A]  }
0x2a: {  	p0 =	seq.s32 s5, $0x0;
	s5 =	sld [smem:$0x3F9B]  }
0x2b: {  	s6 =	sld [smem:$0x3F9C]  }
0x2c: {  	s7 =	sld [smem:$0x3F9D]  }
0x2d: {  	s3 =	simm.s32 $0x108;
	s8 =	sld [smem:$0x3F9E]  }
0x2e: {  	s3 =	simm.s32 @!p0 $0x1082;
	s9 =	sld [smem:$0x3F9F]  }
0x2f: {  	lr =	sadd.s32 s0, s3;
	s0 =	sld [smem:$0x3F96]  }
0x30: {  	s3 =	sld [smem:$0x3F99]  }
0x31: {  	[smem:$0x3FA2] =	sst s10  }
0x32: {  	s10 =	sld [smem:$0x3FA0];
	_ =	sdelay $0x3  }
0x33: {  	p0 =	seq.s32 s10, $0x1;
	s10 =	sld [smem:$0x3FA2];
	_ =	sdelay $0x3  }
0x34: {  	[smem:$0x3FA2] =	sst s10  }
0x35: {  	s10 =	sld [smem:$0x3FA1];
	_ =	sdelay $0x3  }
0x36: {  	p1 =	seq.s32 s10, $0x1;
	s10 =	sld [smem:$0x3FA2];
	_ =	sdelay $0x3  }
0x37: {  	[smem:$0x3FA2] =	sst s10  }
0x38: {  	s10 =	sld [smem:$0x3FA3]  }
0x39: {  	_ = 	snop;
	(pc) =	sbr.ind lr, $3  }
0x3a: {  	_ = 	snop  }
0x3b: {  	_ = 	snop  }
0x3c: {  	p2 =	seq.s32 s10, $0x1;
	s10 =	sld [smem:$0x3FA2]  }
0x3d: {  	_ =	shalt  }
0x3e: {  	_ =	shalt  }
0x3f: {  	_ =	shalt  }
0x40: {  	_ =	shalt  }
0x41: {  	_ =	shalt  }
0x42: {  	_ =	shalt  }
0x43: {  	_ =	shalt  }
0x44: {  	_ =	shalt  }
0x45: {  	_ =	shalt  }
0x46: {  	_ =	shalt  }
0x47: {  	_ =	shalt  }
0x48: {  	_ =	shalt  }
0x49: {  	_ =	shalt  }
0x4a: {  	_ =	shalt  }
0x4b: {  	_ =	shalt  }
0x4c: {  	_ =	shalt  }
0x4d: {  	_ =	shalt  }
0x4e: {  	_ =	shalt  }
0x4f: {  	_ =	shalt  }
0x50: {  	_ =	shalt  }
0x51: {  	_ =	shalt  }
0x52: {  	_ =	shalt  }
0x53: {  	_ =	shalt  }
0x54: {  	_ =	shalt  }
0x55: {  	_ =	shalt  }
0x56: {  	_ =	shalt  }
0x57: {  	_ =	shalt  }
0x58: {  	_ =	shalt  }
0x59: {  	_ =	shalt  }
0x5a: {  	_ =	shalt  }
0x5b: {  	_ =	shalt  }
0x5c: {  	_ =	shalt  }
0x5d: {  	_ =	shalt  }
0x5e: {  	_ =	shalt  }
0x5f: {  	_ =	shalt  }
0x60: {  	_ =	shalt  }
0x61: {  	_ =	shalt  }
0x62: {  	_ =	shalt  }
0x63: {  	_ =	shalt  }
0x64: {  	_ =	shalt  }
0x65: {  	_ =	shalt  }
0x66: {  	_ =	shalt  }
0x67: {  	_ =	shalt  }
0x68: {  	_ =	shalt  }
0x69: {  	_ =	shalt  }
0x6a: {  	_ =	shalt  }
0x6b: {  	_ =	shalt  }
0x6c: {  	_ =	shalt  }
0x6d: {  	_ =	shalt  }
0x6e: {  	_ =	shalt  }
0x6f: {  	_ =	shalt  }
0x70: {  	_ =	shalt  }
0x71: {  	_ =	shalt  }
0x72: {  	_ =	shalt  }
0x73: {  	_ =	shalt  }
0x74: {  	_ =	shalt  }
0x75: {  	_ =	shalt  }
0x76: {  	_ =	shalt  }
0x77: {  	_ =	shalt  }
0x78: {  	_ =	shalt  }
0x79: {  	_ =	shalt  }
0x7a: {  	_ =	shalt  }
0x7b: {  	_ =	shalt  }
0x7c: {  	_ =	shalt  }
0x7d: {  	_ =	shalt  }
0x7e: {  	_ =	shalt  }
0x7f: {  	_ =	shalt  }
0x80: {  	_ =	shalt  }
0x81: {  	_ =	shalt  }
0x82: {  	_ =	shalt  }
0x83: {  	_ =	shalt  }
0x84: {  	_ =	shalt  }
0x85: {  	_ =	shalt  }
0x86: {  	_ =	shalt  }
0x87: {  	_ =	shalt  }
.Lfunc_end0:
.L_simem_size_0:
called_computation.3_lowered:
.L_overlay_start_0:
0x88: {  	s2 =	sld [smem:$0x3FD9]  }
0x89: {  	s3 =	sld [smem:$0x3FFE];
	_ =	sdelay $0x1  }
0x8a: {  	s1 =	srdreg.scid  }
0x8b: {  	s0 =	sand.u32 $0x1, s1  }
0x8c: {  	s15 =	sshll.u32 s0, $0xA;
	s2 =	sadd.s32 s3, s2  }
0x8d: {  	s2 =	sadd.s32 s2, s15  }
0x8e: {  	[smem:$0x3FAE] =	sst s2  }
0x8f: {  	_ = 	snop  }
0x90: {  	(tm) =	ssettm $0x1  }
0x91: {  	s16 =	sld [smem:$0x3FFB];
	_ =	sdelay $0x3  }
0x92: {  	_ =	strace s16  }
0x93: {  	s2 =	sld [smem:$0x3FFC];
	_ =	sdelay $0x3  }
0x94: {  	_ =	strace s2  }
0x95: {  	s2 =	sld [smem:$0x3FFD];
	_ =	sdelay $0x3  }
0x96: {  	_ =	strace s2  }
0x97: {  	_ =	strace $0x8FFFFFFF  }
0x98: {  	s17 =	sld [smem:$0x3FDB];
	_ =	sdelay $0x1  }
0x99: {  	s18 =	simm.s32 $_scs_section_size  }
0x9a: {  	s4 =	simm.s32 $_size__tile_overlayer_lowered;
	s5 =	simm.s32 $_tile_overlayer_lowered  }
0x9b: {  	s21 =	simm.s32 $0x1BFF;
	s20 =	sshll.u32 s5, $0x1;
	s2 =	sadd.s32 s18, s17  }
0x9c: {  	s6 =	simm.s32 $0x0;
	s19 =	sshll.u32 s4, $0x1;
	s4 =	sadd.s32 s20, s2  }
0x9d: {  	[timem:s6], [sflag:s21] =	dma.local [hbm:s4], s19  }
0x9e: {  	_ =	swait.ge [sflag:s21], s19  }
0x9f: {  	s3 =	ssub.s32 $0x0, s19;
	[sflag:s21] =	ssyncset.done $0x0  }
0xa0: {  	[sflag:s21] =	ssyncadd.s32 s3;
	_ =	sdelay $0x1  }
0xa1: {  	s22 =	simm.s32 $0x1B8B  }
0xa2: {  	_ =	swait.ge [sflag:s22], $0x1  }
0xa3: {  	[sflag:s22] =	ssyncset.done $0x0  }
0xa4: {  	s23 =	sld [smem:$0x3FFE];
	[sflag:s22] =	ssyncadd.s32 $0xFFFFFFFF  }
0xa5: {  	s25 =	simm.s32 $0x1B8E;
	s24 =	sld [smem:$0x0]  }
0xa6: {  	s26 =	simm.s32 $execute0_lowered;
	[smem:$0x3FD2] =	sst s25  }
0xa7: {  	s5 =	sshll.u32 s26, $0x1;
	_ =	strace $0x80000058;
	[dreg:$0x1] =	wrdreg $0xFFFFFFFF  }
0xa8: {  	s28 =	simm.s32 $_size_execute0_lowered;
	s2 =	sadd.s32 s2, s5;
	[dreg:$0x0] =	wrdreg $0x0  }
0xa9: {  	s5 =	sshll.u32 s28, $0x1;
	[dreg:$0x2] =	wrdreg s2  }
0xaa: {  	[dreg:$0x3] =	wrdreg s5  }
0xab: {  	[dreg:$0x4] =	wrdreg $0xC0  }
0xac: {  	_ =	task [dreg:s6], $0x5FFFF  }
0xad: {  	[dreg:$0x1] =	wrdreg $0xFFFFFFFF  }
0xae: {  	[dreg:$0x0] =	wrdreg $0x60  }
0xaf: {  	[dreg:$0x2] =	wrdreg s23  }
0xb0: {  	[dreg:$0x3] =	wrdreg s1  }
0xb1: {  	[dreg:$0x4] =	wrdreg s24  }
0xb2: {  	[dreg:$0x5] =	wrdreg $0x9  }
0xb3: {  	_ =	task.clear_ibuf [dreg:s6], $0x6FFFF;
	_ =	strace $0x90000058  }
0xb4: {  	s29 =	simm.s32 $0x9;
	_ =	strace $0x8000005A  }
0xb5: {  	_ =	swait.ge [sflag:s29], $0x1  }
0xb6: {  	[sflag:s29] =	ssyncadd.s32 $0xFFFFFFFF  }
0xb7: {  	_ =	strace $0x9000005A  }
0xb8: {  	_ =	sfence  }
0xb9: {  	s30 =	sld [smem:$0x0];
	_ =	sdelay $0x2  }
0xba: {  	s31 =	sshll.u32 s1, $0xD;
	s1 =	sshrl.u32 s1, $0x2  }
0xbb: {  	s3 =	sand.u32 $0x4000, s31;
	s1 =	sadd.s32 s1, s30  }
0xbc: {  	s0 =	sor.u32 s3, s0;
	s1 =	sshll.u32 s1, $0x11  }
0xbd: {  	s0 =	sor.u32 s1, s0  }
0xbe: {  	s0 =	sadd.s32 $0x8F2B, s0  }
0xbf: {  	[sflag:s0] =	ssyncadd.remote.s32 $0x1  }
0xc0: {  	_ =	sfence.sel $0xFFFF  }
0xc1: {  	[dreg:$0x0] =	wrdreg $0xFFFFFFFF;
	(pc) =	sbr.abs _section_cstart, $3  }
0xc2: {  	[dreg:$0x1] =	wrdreg $0xFFFFFFFF  }
0xc3: {  	_ =	task.clear_ibuf [dreg:s6], $0x2FFFF;
	_ =	strace $0x9FFFFFFF  }
0xc4: {  	(tm) =	ssettm $0x7FFFFFFF  }
0xc5: {  	_ =	shalt  }
tec
execute0_lowered:
.L_overlay_start_1:
0x0: {  	(tag) =	ssettag $0x1  }
0x1: {  	s2 =	rddreg [dreg:$0x0]  }
0x2: {  	s4 =	rddreg [dreg:$0x1];
	_ =	strace $0x80000059;
	s0 =	simm.s32 $0x1  }
0x3: {  	s3 =	simm.s32 $0x88;
	v0 =	vimm.s32 $0x0;
	[sflag:s0] =	ssyncpa.u1 $0x0  }
0x4: {  	s1 =	sadd.s32 $0x2E4C00, s2;
	[tilespmem:s3+$0x30] =	vst v0  }
0x5: {  	s0 =	sadd.s32 $0x2DAC00, s2;
	s6 =	sadd.s32 $0x5AC00, s2;
	[tilespmem:s3+$0x20] =	vst v0  }
0x6: {  	s2 =	sadd.s32 $0x2DFC00, s2;
	s5 =	sand.u32 $0x1, s4;
	s4 =	simm.s32 $0x40;
	[tilespmem:s3+$0x10] =	vst v0  }
.LBB2_1:
0x7: {  	s4 =	sadd.s32 $0x40, s4  }
0x8: {  	[tilespmem:s3+$0x0] =	vst v0;
	s3 =	sadd.s32 $0x40, s3;
	p0 =	slt.u32 s4, $0x5040  }
.Ltmp0:
0x9: {  	(pc) =	sbr.rel @p0 .LBB2_1-.Ltmp0, $4  }
0xa: {  	_ = 	snop  }
0xb: {  	[tilespmem:s3+$0x30] =	vst v0  }
0xc: {  	[tilespmem:s3+$0x20] =	vst v0  }
0xd: {  	[tilespmem:s3+$0x10] =	vst v0  }
0xe: {  	s28 =	simm.s32 $0x2  }
0xf: {  	s4 =	stileid.u32;
	s29 =	simm.s32 $0x9;
	s30 =	simm.s32 $0xA  }
0x10: {  	s7 =	simm.s32 $0xB;
	[dreg:$0x4] =	wrdreg s5;
	s31 =	smul.u32 $0x2800, s5  }
0x11: {  	s16 =	simm.s32 $0x0;
	p0 =	por $0x1, $0x1;
	s17 =	simm.s32 $0xFF  }
0x12: {  	p1 =	por $0x0, $0x0;
	s18 =	simm.s32 $0x1;
	s12 =	simm.s32 $0xC  }
0x13: {  	s23 =	simm.s32 $0x0;
	s21 =	simm.s32 $0x0;
	s9 =	smul.u32 $0x1400, s4  }
.Ltmp1:
0x14: {  	s20 =	simm.s32 $0x0;
	s0 =	sadd.s32 s31, s0;
	(pc) =	sbr.rel .LBB2_3-.Ltmp1, $4  }
0x15: {  	[tilespmem:s3+$0x0] =	vst v0;
	v0 =	vimm.s32 $0xFFFFFFFF;
	[sflag:s28] =	ssyncpa.u1 $0x0;
	s15 =	sshll.u32 s4, $0x7;
	[dreg:$0x8] =	wrdreg s0  }
0x16: {  	[tilespmem:$0xA108] =	vst v0;
	[sflag:s29] =	ssyncpa.u1 $0x0;
	s11 =	sadd.s32 s31, s2;
	[dreg:$0x5] =	wrdreg s9  }
0x17: {  	[sflag:s30] =	ssyncpa.u1 $0x0;
	s10 =	sadd.s32 $0x1400, s9;
	[dreg:$0x7] =	wrdreg s11  }
0x18: {  	v0 =	vlaneseq.u32;
	s22 =	smov.u32 s9;
	[sflag:s7] =	ssyncpa.u1 $0x0;
	[dreg:$0x6] =	wrdreg s10  }
.LBB2_22:
0x19: {  	s2 =	sshrl.u32 s4, $0x2  }
.LBB2_24:
0x1a: {  	_ =	swait.ge [sflag:s12], s2  }
0x1b: {  	s31 =	ssub.s32 $0x0, s2;
	v1 =	vmov s26;
	vm0 =	veq.s32 v0, $0x0;
	[sflag:s12] =	ssyncset.done $0x0  }
0x1c: {  	vm15 =	veq.s32 v0, $0x2;
	v1 =	vsel vm0, s0, v1;
	[sflag:s12] =	ssyncadd.s32 s31  }
0x1d: {  	v1 =	vsel vm15, s23, v1;
	[sflag:s12] =	ssyncpa.u1 $0x1  }
0x1e: {  	[tilespmem:$0xA108] =	vst v1  }
.LBB2_25:
0x1f: {  	s0 =	sadd.s32 $0x140, s22  }
0x20: {  	s2 =	smov.u32 s9;
	s20 =	sadd.s32 $0x1, s20;
	p2 =	slt.s32 s0, s10  }
0x21: {  	s2 =	smov.u32 @p2 s0;
	p2 =	sne.s32 s20, $0x12  }
.Ltmp2:
0x22: {  	_ = 	snop;
	(pc) =	sbr.rel @!p2 .LBB2_26-.Ltmp2, $3  }
0x23: {  	_ =	sdelay $0x1  }
0x24: {  	s23 =	smov.u32 s21;
	s21 =	smov.u32 s22;
	p0 =	por !p0, !p0  }
0x25: {  	s17 =	sadd.s32 $0x1, s17;
	p1 =	por !p1, !p1;
	s22 =	smov.u32 s2  }
.LBB2_3:
0x26: {  	p2 =	sgt.u32 s20, $0xF  }
0x27: {  	s0 =	smul.u32 @!p2 $0xAB, s20;
	_ =	sdelay $0x1  }
0x28: {  	s0 =	sshrl.u32 @!p2 s0, $0x9  }
0x29: {  	s2 =	smov.u32 s22;
	p3 =	sgt.s32 @!p2 s22, $0x13EC0;
	s0 =	sand.u32 @!p2 $0x7F, s0  }
0x2a: {  	s3 =	sshra.s32 @!p2 s22, $0x1F;
	p3 =	por !p3, p2;
	s0 =	smul.u32 @!p2 $0x3, s0  }
0x2b: {  	s3 =	sand.u32 @!p2 s3, s22;
	s2 =	simm.s32 @p3 $0x13EC0  }
0x2c: {  	s2 =	ssub.s32 @!p2 s2, s3;
	s0 =	ssub.s32 @!p2 s20, s0  }
0x2d: {  	s2 =	sadd.s32 @!p2 $0xFFFEC140, s2;
	s0 =	sand.u32 @!p2 $0xFF, s0  }
0x2e: {  	s3 =	sshll.u32 @!p2 s2, $0x2;
	p3 =	sgt.s32 @!p2 s2, $0x13F;
	s0 =	smul.u32 @!p2 $0x500, s0  }
0x2f: {  	s4 =	sand.u32 @!p2 $0x7, s22;
	s2 =	ssub.s32 @!p2 $0x500, s3;
	p3 =	por !p3, p2  }
0x30: {  	s3 =	sshrl.u32 @!p2 s22, $0x3;
	s2 =	sshrl.u32 @!p2 s2, $0x2;
	s0 =	sshrl.u32 @!p2 s0, $0x2  }
0x31: {  	s3 =	sadd.s32 @!p2 s3, s11;
	s2 =	simm.s32 @!p3 $0x0;
	s0 =	sadd.s32 @!p2 $0xA948, s0  }
0x32: {  	[tilespmem:s0], [sflag:$0xA] =	stream.linear.gather @!p2 [hbm4b:s3+s4], s2, $0x38;
	[tilespmem:$0x1EF88] =	vst v63  }
0x33: {  	s0 =	sadd.s32 $0xFFFFFFFF, s20  }
0x34: {  	p2 =	sgt.u32 s0, $0xF  }
.Ltmp3:
0x35: {  	_ = 	snop;
	(pc) =	sbr.rel @p2 .LBB2_7-.Ltmp3, $1  }
0x36: {  	_ =	sdelay $0x3  }
0x37: {  	p2 =	sgt.s32 s21, $0x13EC0;
	s2 =	smov.u32 s21;
	s3 =	sshra.s32 s21, $0x1F  }
0x38: {  	s4 =	sand.u32 $0xFF, s17;
	s2 =	simm.s32 @!p2 $0x13EC0;
	s3 =	sand.u32 s3, s21  }
0x39: {  	s31 =	smulhi.u32 $0x55555556, s4;
	s2 =	ssub.s32 s2, s3  }
0x3a: {  	s0 =	sand.u32 $0x1, s0;
	s4 =	smul.u32 $0x500, s4;
	s2 =	sadd.s32 $0xFFFEC140, s2  }
0x3b: {  	s7 =	simm.s32 $0xA;
	s0 =	smul.u32 $0x500, s0;
	s5 =	sshll.u32 s2, $0x2  }
0x3c: {  	s9 =	sshrl.u32 s21, $0x3;
	s3 =	smul.u32 $0xF00, s31;
	s5 =	ssub.s32 $0x500, s5  }
0x3d: {  	s11 =	sand.u32 $0x7, s21;
	p2 =	sgt.s32 s2, $0x13F;
	s2 =	sshrl.u32 s5, $0x2  }
0x3e: {  	s0 =	sshrl.u32 s0, $0x2;
	s3 =	ssub.s32 s4, s3;
	s2 =	simm.s32 @p2 $0x0  }
0x3f: {  	s0 =	sadd.s32 $0xAD08, s0;
	s3 =	sshra.s32 s3, $0x2;
	_ =	swait.ge [sflag:s7], s2  }
0x40: {  	s8 =	ssub.s32 $0x0, s2;
	[sflag:s7] =	ssyncset.done $0x0;
	s10 =	rddreg [dreg:$0x8]  }
0x41: {  	s28 =	sadd.s32 $0xA948, s3;
	[sflag:s7] =	ssyncadd.s32 s8;
	s3 =	sadd.s32 s9, s10  }
0x42: {  	[tilespmem:s0], [sflag:$0xB] =	stream.linear.gather [hbm4b:s3+s11], s2, $0x38;
	[tilespmem:$0x1EF88] =	vst v63  }
0x43: {  	v1 =	vld.msk [tilespmem:s28+$0x0], $0xffff;
	_ =	sdelay $0x4  }
0x44: {  	v1 =	vshll.u32 v1, $0x4  }
0x45: {  	(v2sf) =	vpush v1, $0x0  }
0x46: {  	(v2sf) =	vpush v1, $0x1  }
0x47: {  	(v2sf) =	vpush v1, $0x2;
	_ =	sdelay $0x1  }
0x48: {  	(v2sf) =	vpush v1, $0x3;
	_ =	sdelay $0x1  }
0x49: {  	s0 =	simm.s32 $0x1;
	(v2sf) =	vpush v1, $0x4  }
0x4a: {  	s0 =	simm.s32 @!p0 $0x0  }
0x4b: {  	s0 =	smul.u32 $0x28000, s0;
	(v2sf) =	vpush v1, $0x5;
	_ =	sdelay $0x1  }
0x4c: {  	s0 =	sshrl.u32 s0, $0x2;
	(v2sf) =	vpush v1, $0x6  }
0x4d: {  	s24 =	sadd.s32 $0xB708, s0  }
0x4e: {  	s28 =	sadd.s32 $0x10, s28;
	s0 =	sadd.s32 $0xFFFFFE80, s24;
	s2 =	sadd.s32 $0xFFFFFD00, s24;
	(v2sf) =	vpush v1, $0x7  }
0x4f: {  	s4 =	sadd.s32 $0xFFFFFD80, s24;
	s3 =	sadd.s32 $0xFFFFFE00, s24;
	s5 =	sadd.s32 $0xFFFFFB80, s24  }
0x50: {  	s26 =	sadd.s32 $0xFFFFFA00, s24;
	s29 =	sadd.s32 $0xFFFFFA80, s24;
	s30 =	sadd.s32 $0xFFFFFB00, s24;
	(v2sf) =	vpush v1, $0x8  }
0x51: {  	s31 =	sadd.s32 $0xFFFFF900, s24;
	s7 =	sadd.s32 $0xFFFFF980, s24;
	s8 =	spop (v2sf)  }
0x52: {  	s10 =	sadd.s32 $0xFFFFF880, s24;
	(v2sf) =	vpush v1, $0x9;
	s8 =	sand.u32 $0x1FFFFFF0, s8;
	s11 =	spop (v2sf)  }
0x53: {  	s8 =	sadd.s32 s6, s8;
	s11 =	sand.u32 $0x1FFFFFF0, s11;
	s13 =	spop (v2sf)  }
0x54: {  	[tilespmem:s10], [sflag:$0x9] =	stream.linear.gather [hbm4b:s8+s16], $0x40, $0x38;
	[tilespmem:$0x1EF88] =	vst v63  }
0x55: {  	(v2sf) =	vpush v1, $0xA;
	s12 =	sadd.s32 s6, s11;
	s19 =	sand.u32 $0x1FFFFFF0, s13;
	s9 =	spop (v2sf)  }
0x56: {  	(v2sf) =	vpush v1, $0xB;
	[tilespmem:s31], [sflag:$0x9] =	stream.linear.gather [hbm4b:s12+s16], $0x40, $0x38;
	[tilespmem:$0x1EF88] =	vst v63  }
0x57: {  	s10 =	sadd.s32 s6, s19;
	s13 =	spop (v2sf);
	s12 =	sand.u32 $0x1FFFFFF0, s9  }
0x58: {  	(v2sf) =	vpush v1, $0xC;
	[tilespmem:s7], [sflag:$0x9] =	stream.linear.gather [hbm4b:s10+s16], $0x40, $0x38;
	[tilespmem:$0x1EF88] =	vst v63  }
0x59: {  	s31 =	sand.u32 $0x1FFFFFF0, s13;
	s9 =	spop (v2sf);
	s19 =	sadd.s32 s6, s12  }
0x5a: {  	(v2sf) =	vpush v1, $0xD;
	[tilespmem:s26], [sflag:$0x9] =	stream.linear.gather [hbm4b:s19+s16], $0x40, $0x38;
	[tilespmem:$0x1EF88] =	vst v63  }
0x5b: {  	s11 =	sadd.s32 s6, s31;
	s12 =	sand.u32 $0x1FFFFFF0, s9;
	s13 =	spop (v2sf)  }
0x5c: {  	(v2sf) =	vpush v1, $0xE;
	[tilespmem:s29], [sflag:$0x9] =	stream.linear.gather [hbm4b:s11+s16], $0x40, $0x38;
	[tilespmem:$0x1EF88] =	vst v63  }
0x5d: {  	s19 =	sadd.s32 s6, s12;
	s26 =	sand.u32 $0x1FFFFFF0, s13;
	s29 =	spop (v2sf)  }
0x5e: {  	(v2sf) =	vpush v1, $0xF;
	[tilespmem:s30], [sflag:$0x9] =	stream.linear.gather [hbm4b:s19+s16], $0x40, $0x38;
	[tilespmem:$0x1EF88] =	vst v63  }
0x5f: {  	s14 =	sadd.s32 $0xFFFFFC00, s24;
	s9 =	spop (v2sf);
	s30 =	sadd.s32 s6, s26  }
0x60: {  	[tilespmem:s5], [sflag:$0x9] =	stream.linear.gather [hbm4b:s30+s16], $0x40, $0x38;
	[tilespmem:$0x1EF88] =	vst v63  }
0x61: {  	s25 =	sadd.s32 $0xFFFFFC80, s24;
	s31 =	sand.u32 $0x1FFFFFF0, s29;
	s13 =	spop (v2sf)  }
0x62: {  	s11 =	sadd.s32 s6, s31;
	s12 =	sand.u32 $0x1FFFFFF0, s9;
	s19 =	sand.u32 $0x1FFFFFF0, s13  }
0x63: {  	[tilespmem:s14], [sflag:$0x9] =	stream.linear.gather [hbm4b:s11+s16], $0x40, $0x38;
	[tilespmem:$0x1EF88] =	vst v63  }
0x64: {  	s26 =	spop (v2sf);
	s14 =	sadd.s32 s6, s12;
	s29 =	sadd.s32 s6, s19  }
0x65: {  	s30 =	sand.u32 $0x1FFFFFF0, s26;
	s31 =	spop (v2sf);
	s19 =	sadd.s32 $0xFFFFFF00, s24  }
0x66: {  	[tilespmem:s25], [sflag:$0x9] =	stream.linear.gather [hbm4b:s14+s16], $0x40, $0x38;
	[tilespmem:$0x1EF88] =	vst v63  }
0x67: {  	s5 =	sadd.s32 s6, s30;
	s7 =	sand.u32 $0x1FFFFFF0, s31;
	s8 =	spop (v2sf)  }
0x68: {  	[tilespmem:s2], [sflag:$0x9] =	stream.linear.gather [hbm4b:s29+s16], $0x40, $0x38;
	[tilespmem:$0x1EF88] =	vst v63  }
0x69: {  	s31 =	sadd.s32 $0xFFFFFF80, s24;
	s10 =	sand.u32 $0x1FFFFFF0, s8;
	s11 =	spop (v2sf)  }
0x6a: {  	[tilespmem:s4], [sflag:$0x9] =	stream.linear.gather [hbm4b:s5+s16], $0x40, $0x38;
	[tilespmem:$0x1EF88] =	vst v63  }
0x6b: {  	s9 =	sadd.s32 s6, s7;
	s12 =	sadd.s32 s6, s10;
	s14 =	spop (v2sf)  }
0x6c: {  	[tilespmem:s3], [sflag:$0x9] =	stream.linear.gather [hbm4b:s9+s16], $0x40, $0x38;
	[tilespmem:$0x1EF88] =	vst v63  }
0x6d: {  	s13 =	sand.u32 $0x1FFFFFF0, s11;
	s26 =	sand.u32 $0x1FFFFFF0, s14;
	s29 =	spop (v2sf)  }
0x6e: {  	[tilespmem:s0], [sflag:$0x9] =	stream.linear.gather [hbm4b:s12+s16], $0x40, $0x38;
	[tilespmem:$0x1EF88] =	vst v63  }
0x6f: {  	s25 =	sadd.s32 s6, s13;
	s30 =	sadd.s32 s6, s26;
	s0 =	sand.u32 $0x1FFFFFF0, s29  }
0x70: {  	[tilespmem:s19], [sflag:$0x9] =	stream.linear.gather [hbm4b:s25+s16], $0x40, $0x38;
	[tilespmem:$0x1EF88] =	vst v63  }
0x71: {  	s26 =	sadd.s32 $0x800, s24;
	s0 =	sadd.s32 s6, s0;
	s25 =	simm.s32 $0x0  }
0x72: {  	[tilespmem:s31], [sflag:$0x9] =	stream.linear.gather [hbm4b:s30+s16], $0x40, $0x38;
	[tilespmem:$0x1EF88] =	vst v63  }
.LBB2_5:
0x73: {  	[tilespmem:s24], [sflag:$0x9] =	stream.linear.gather [hbm4b:s0+s16], $0x40, $0x38;
	[tilespmem:$0x1EF88] =	vst v63  }
0x74: {  	s25 =	sadd.s32 $0x10, s25;
	s24 =	smov.u32 s26  }
0x75: {  	p2 =	slt.u32 s25, $0x130;
	v1 =	vld.msk [tilespmem:s28+$0x0], $0xffff;
	_ =	sdelay $0x4  }
0x76: {  	v1 =	vshll.u32 v1, $0x4  }
0x77: {  	(v2sf) =	vpush v1, $0x0  }
0x78: {  	(v2sf) =	vpush v1, $0x1  }
0x79: {  	(v2sf) =	vpush v1, $0x2;
	_ =	sdelay $0x1  }
0x7a: {  	(v2sf) =	vpush v1, $0x3;
	_ =	sdelay $0x1  }
0x7b: {  	(v2sf) =	vpush v1, $0x4;
	_ =	sdelay $0x1  }
0x7c: {  	(v2sf) =	vpush v1, $0x5;
	_ =	sdelay $0x1  }
0x7d: {  	(v2sf) =	vpush v1, $0x6  }
0x7e: {  	s30 =	sadd.s32 $0xFFFFFE80, s26;
	s29 =	sadd.s32 $0xFFFFFF00, s26  }
0x7f: {  	s4 =	sadd.s32 $0xFFFFFD00, s26;
	s0 =	sadd.s32 $0xFFFFFD80, s26;
	s31 =	sadd.s32 $0xFFFFFE00, s26;
	(v2sf) =	vpush v1, $0x7  }
0x80: {  	s2 =	sadd.s32 $0xFFFFFB80, s26;
	s3 =	sadd.s32 $0xFFFFFC00, s26;
	s5 =	sadd.s32 $0xFFFFFC80, s26  }
0x81: {  	s7 =	sadd.s32 $0xFFFFFA00, s26;
	s8 =	sadd.s32 $0xFFFFFA80, s26;
	s10 =	sadd.s32 $0xFFFFFB00, s26;
	(v2sf) =	vpush v1, $0x8  }
0x82: {  	s11 =	sadd.s32 $0xFFFFF900, s26;
	s13 =	sadd.s32 $0xFFFFF980, s26;
	s14 =	spop (v2sf)  }
0x83: {  	s9 =	sadd.s32 $0xFFFFF880, s26;
	s14 =	sand.u32 $0x1FFFFFF0, s14;
	s19 =	spop (v2sf);
	(v2sf) =	vpush v1, $0x9  }
0x84: {  	s14 =	sadd.s32 s6, s14;
	s19 =	sand.u32 $0x1FFFFFF0, s19;
	s12 =	spop (v2sf)  }
0x85: {  	[tilespmem:s9], [sflag:$0x9] =	stream.linear.gather [hbm4b:s14+s16], $0x40, $0x38;
	(v2sf) =	vpush v1, $0xA;
	[tilespmem:$0x1EF88] =	vst v63  }
0x86: {  	s9 =	sadd.s32 s6, s19;
	s12 =	sand.u32 $0x1FFFFFF0, s12;
	s14 =	spop (v2sf)  }
0x87: {  	[tilespmem:s11], [sflag:$0x9] =	stream.linear.gather [hbm4b:s9+s16], $0x40, $0x38;
	(v2sf) =	vpush v1, $0xB;
	[tilespmem:$0x1EF88] =	vst v63  }
0x88: {  	s9 =	sadd.s32 s6, s12;
	s11 =	sand.u32 $0x1FFFFFF0, s14;
	s12 =	spop (v2sf)  }
0x89: {  	[tilespmem:s13], [sflag:$0x9] =	stream.linear.gather [hbm4b:s9+s16], $0x40, $0x38;
	(v2sf) =	vpush v1, $0xC;
	[tilespmem:$0x1EF88] =	vst v63  }
0x8a: {  	s9 =	sadd.s32 s6, s11;
	s11 =	sand.u32 $0x1FFFFFF0, s12;
	s12 =	spop (v2sf)  }
0x8b: {  	[tilespmem:s7], [sflag:$0x9] =	stream.linear.gather [hbm4b:s9+s16], $0x40, $0x38;
	(v2sf) =	vpush v1, $0xD;
	[tilespmem:$0x1EF88] =	vst v63  }
0x8c: {  	s7 =	sadd.s32 s6, s11;
	s9 =	sand.u32 $0x1FFFFFF0, s12;
	s11 =	spop (v2sf)  }
0x8d: {  	[tilespmem:s8], [sflag:$0x9] =	stream.linear.gather [hbm4b:s7+s16], $0x40, $0x38;
	(v2sf) =	vpush v1, $0xE;
	[tilespmem:$0x1EF88] =	vst v63  }
0x8e: {  	s7 =	sadd.s32 s6, s9;
	s8 =	sand.u32 $0x1FFFFFF0, s11;
	s9 =	spop (v2sf)  }
0x8f: {  	[tilespmem:s10], [sflag:$0x9] =	stream.linear.gather [hbm4b:s7+s16], $0x40, $0x38;
	(v2sf) =	vpush v1, $0xF;
	[tilespmem:$0x1EF88] =	vst v63  }
0x90: {  	s7 =	sadd.s32 s6, s8;
	s8 =	sand.u32 $0x1FFFFFF0, s9;
	s9 =	spop (v2sf)  }
0x91: {  	[tilespmem:s2], [sflag:$0x9] =	stream.linear.gather [hbm4b:s7+s16], $0x40, $0x38;
	[tilespmem:$0x1EF88] =	vst v63  }
0x92: {  	s2 =	sadd.s32 s6, s8;
	s7 =	sand.u32 $0x1FFFFFF0, s9;
	s8 =	spop (v2sf)  }
0x93: {  	[tilespmem:s3], [sflag:$0x9] =	stream.linear.gather [hbm4b:s2+s16], $0x40, $0x38;
	[tilespmem:$0x1EF88] =	vst v63  }
0x94: {  	s2 =	sadd.s32 s6, s7;
	s3 =	sand.u32 $0x1FFFFFF0, s8;
	s7 =	spop (v2sf)  }
0x95: {  	[tilespmem:s5], [sflag:$0x9] =	stream.linear.gather [hbm4b:s2+s16], $0x40, $0x38;
	[tilespmem:$0x1EF88] =	vst v63  }
0x96: {  	s2 =	sadd.s32 s6, s3;
	s3 =	sand.u32 $0x1FFFFFF0, s7;
	s5 =	spop (v2sf)  }
0x97: {  	[tilespmem:s4], [sflag:$0x9] =	stream.linear.gather [hbm4b:s2+s16], $0x40, $0x38;
	[tilespmem:$0x1EF88] =	vst v63  }
0x98: {  	s2 =	sadd.s32 s6, s3;
	s3 =	sand.u32 $0x1FFFFFF0, s5;
	s4 =	spop (v2sf)  }
0x99: {  	[tilespmem:s0], [sflag:$0x9] =	stream.linear.gather [hbm4b:s2+s16], $0x40, $0x38;
	[tilespmem:$0x1EF88] =	vst v63  }
0x9a: {  	s0 =	sadd.s32 s6, s3;
	s2 =	sand.u32 $0x1FFFFFF0, s4;
	s3 =	spop (v2sf)  }
0x9b: {  	[tilespmem:s31], [sflag:$0x9] =	stream.linear.gather [hbm4b:s0+s16], $0x40, $0x38;
	[tilespmem:$0x1EF88] =	vst v63  }
0x9c: {  	s0 =	sadd.s32 s6, s2;
	s2 =	sand.u32 $0x1FFFFFF0, s3;
	s3 =	spop (v2sf)  }
0x9d: {  	[tilespmem:s30], [sflag:$0x9] =	stream.linear.gather [hbm4b:s0+s16], $0x40, $0x38;
	[tilespmem:$0x1EF88] =	vst v63  }
0x9e: {  	s0 =	sadd.s32 s6, s2  }
.Ltmp4:
0x9f: {  	s2 =	sand.u32 $0x1FFFFFF0, s3;
	s3 =	spop (v2sf);
	(pc) =	sbr.rel @p2 .LBB2_5-.Ltmp4, $4  }
0xa0: {  	[tilespmem:s29], [sflag:$0x9] =	stream.linear.gather [hbm4b:s0+s16], $0x40, $0x38;
	[tilespmem:$0x1EF88] =	vst v63  }
0xa1: {  	s0 =	sadd.s32 s6, s2;
	s2 =	sadd.s32 $0xFFFFFF80, s26;
	s3 =	sand.u32 $0x1FFFFFF0, s3  }
0xa2: {  	[tilespmem:s2], [sflag:$0x9] =	stream.linear.gather [hbm4b:s0+s16], $0x40, $0x38;
	[tilespmem:$0x1EF88] =	vst v63  }
0xa3: {  	s28 =	sadd.s32 $0x10, s28;
	s26 =	sadd.s32 $0x800, s26;
	s0 =	sadd.s32 s6, s3  }
0xa4: {  	[tilespmem:s24], [sflag:$0x9] =	stream.linear.gather [hbm4b:s0+s16], $0x40, $0x38;
	[tilespmem:$0x1EF88] =	vst v63  }
0xa5: {  	s9 =	rddreg [dreg:$0x5]  }
0xa6: {  	s10 =	rddreg [dreg:$0x6]  }
0xa7: {  	s11 =	rddreg [dreg:$0x7];
	s12 =	simm.s32 $0xC  }
.LBB2_7:
0xa8: {  	p2 =	slt.u32 s20, $0x2  }
.Ltmp5:
0xa9: {  	_ = 	snop;
	(pc) =	sbr.rel @p2 .LBB2_25-.Ltmp5, $1  }
0xaa: {  	_ =	sdelay $0x3  }
0xab: {  	p2 =	sgt.s32 s23, $0x13EC0;
	s0 =	smov.u32 s23;
	s2 =	sshra.s32 s23, $0x1F  }
0xac: {  	s0 =	simm.s32 @!p2 $0x13EC0;
	s2 =	sand.u32 s2, s23  }
0xad: {  	s0 =	ssub.s32 s0, s2  }
0xae: {  	s0 =	sadd.s32 $0xFFFEC140, s0  }
0xaf: {  	s3 =	simm.s32 $0x9;
	s30 =	sshll.u32 s0, $0x2  }
0xb0: {  	_ =	swait.ge [sflag:s3], $0x5000;
	s2 =	ssub.s32 $0x500, s30  }
0xb1: {  	[sflag:s3] =	ssyncset.done $0x0;
	p2 =	sgt.s32 s0, $0x13F;
	s0 =	sshrl.u32 s2, $0x2  }
0xb2: {  	s31 =	simm.s32 $0xB;
	[sflag:s3] =	ssyncadd.s32 $0xFFFFB000;
	s0 =	simm.s32 @p2 $0x0  }
0xb3: {  	_ =	swait.ge [sflag:s31], s0  }
0xb4: {  	s0 =	ssub.s32 $0x0, s0;
	[sflag:s31] =	ssyncset.done $0x0  }
0xb5: {  	[sflag:s31] =	ssyncadd.s32 s0  }
0xb6: {  	v1 =	vld [tilespmem:$0xA108];
	_ =	sdelay $0x4  }
0xb7: {  	(v2sf) =	vpush v1, $0x0  }
0xb8: {  	(v2sf) =	vpush v1, $0x1  }
0xb9: {  	(v2sf) =	vpush v1, $0x2;
	_ =	sdelay $0x3  }
0xba: {  	s2 =	sadd.s32 $0x140, s23  }
0xbb: {  	s3 =	ssub.s32 $0x28000, s23;
	p2 =	slt.s32 s10, s2  }
0xbc: {  	s2 =	smov.u32 @p2 s10;
	p2 =	sgt.s32 s3, $0x0  }
0xbd: {  	s24 =	ssub.s32 s2, s23;
	s3 =	simm.s32 @!p2 $0x0  }
0xbe: {  	p2 =	slt.s32 s3, s24  }
0xbf: {  	s24 =	smov.u32 @p2 s3  }
0xc0: {  	s0 =	simm.s32 $0x1;
	p2 =	slt.s32 s24, $0x1  }
.Ltmp6:
0xc1: {  	s0 =	simm.s32 @!p1 $0x0;
	(pc) =	sbr.rel @p2 .LBB2_12-.Ltmp6, $4  }
0xc2: {  	s4 =	smul.u32 $0x500, s0  }
0xc3: {  	s2 =	spop (v2sf)  }
0xc4: {  	s4 =	sshrl.u32 s4, $0x2;
	s3 =	spop (v2sf)  }
0xc5: {  	s25 =	sadd.s32 $0xAD08, s4;
	s23 =	spop (v2sf)  }
0xc6: {  	s4 =	smin.u32 s24, $0x10  }
0xc7: {  	v1 =	vmov s4  }
0xc8: {  	p3 =	sgt.s32 s24, $0x10;
	vm1 =	vgt.u32 v1, v0  }
.Ltmp7:
0xc9: {  	_ = 	snop;
	(pc) =	sbr.rel @!p3 .LBB2_11-.Ltmp7, $2  }
0xca: {  	_ =	sdelay $0x2  }
0xcb: {  	s5 =	simm.s32 $0x10;
	s26 =	sadd.s32 $0xFFFFFFF0, s24;
	s4 =	smov.u32 s25;
	vm0 =	vmmov vm1  }
.LBB2_10:
0xcc: {  	s7 =	smin.u32 s26, $0x10;
	s5 =	sadd.s32 $0x10, s5;
	v1 =	vld.msk [tilespmem:s4+$0x0 ss:$0x1], vm1  }
0xcd: {  	v2 =	vmov s7;
	p3 =	slt.s32 s5, s24  }
0xce: {  	vm1 =	vgt.u32 v2, v0  }
.Ltmp8:
0xcf: {  	(pc) =	sbr.rel @p3 .LBB2_10-.Ltmp8, $3  }
0xd0: {  	_ =	sdelay $0x1  }
0xd1: {  	v1 =	vshll.u32 v1, $0x4  }
0xd2: {  	s26 =	sadd.s32 $0xFFFFFFF0, s26;
	[tilespmem:s4+$0x0] =	vst.msk vm0, v1;
	s4 =	sadd.s32 $0x10, s4;
	vm0 =	vmmov vm1  }
.LBB2_11:
0xd3: {  	_ =	sdelay $0x4  }
0xd4: {  	v1 =	vld.msk [tilespmem:s4+$0x0 ss:$0x1], vm1;
	_ =	sdelay $0x4  }
0xd5: {  	v1 =	vshll.u32 v1, $0x4  }
0xd6: {  	[tilespmem:s4+$0x0] =	vst.msk vm0, v1  }
.LBB2_12:
0xd7: {  	s4 =	sand.u32 $0x1, s20  }
0xd8: {  	s4 =	smul.u32 $0x140, s4  }
0xd9: {  	p3 =	sne.s32 s3, $0xFFFFFFFF  }
0xda: {  	v1 =	vld.msk @!p3 [tilespmem:s4+$0xAD08], $0x1;
	_ =	sdelay $0x4  }
0xdb: {  	(v2sf) =	vpush @!p3 v1, $0x0;
	_ =	sdelay $0xc  }
.Ltmp9:
0xdc: {  	_ = 	snop;
	(pc) =	sbr.rel @p2 .LBB2_23-.Ltmp9, $4  }
0xdd: {  	_ = 	snop  }
0xde: {  	s30 =	spop @!p3 (v2sf)  }
0xdf: {  	s23 =	simm.s32 @!p3 $0x0;
	s26 =	smov.u32 s30  }
0xe0: {  	[sflag:s12] =	ssyncpa.u1 $0x0;
	s30 =	smov.u32 @p3 s2;
	s26 =	smov.u32 @p3 s3  }
0xe1: {  	v1 =	vld.msk [tilespmem:s25+$0x0], $0x1;
	_ =	sdelay $0x4  }
0xe2: {  	(v2sf) =	vpush v1, $0x0;
	_ =	sdelay $0xe  }
0xe3: {  	s0 =	smul.u32 $0x28000, s0;
	s3 =	spop (v2sf)  }
0xe4: {  	p2 =	seq.s32 s30, s3  }
0xe5: {  	s2 =	smov.u32 s30;
	s0 =	sshrl.u32 s0, $0x2;
	p3 =	sgt.s32 @!p2 s30, $0x0  }
0xe6: {  	s28 =	sadd.s32 $0xAFA8, s0;
	s0 =	sadd.s32 $0xFFFFFFFF, s24;
	p3 =	por !p3, p2  }
0xe7: {  	s2 =	simm.s32 @p3 $0x0;
	p3 =	sne.s32 s0, $0x0  }
.Ltmp10:
0xe8: {  	_ = 	snop;
	(pc) =	sbr.rel @!p3 .LBB2_15-.Ltmp10, $4  }
0xe9: {  	_ = 	snop  }
0xea: {  	s29 =	simm.s32 $0x0;
	s4 =	simm.s32 @!p2 $0x1;
	s2 =	smin.u32 @!p2 s2, $0x27FF8  }
0xeb: {  	s5 =	simm.s32 @!p2 $0x50C8;
	s4 =	smov.u32 @p2 s29;
	s7 =	sand.u32 @!p2 $0x3FFF8, s2  }
0xec: {  	s31 =	sand.u32 @!p2 $0x7, s2;
	s2 =	sadd.s32 $0x1, s25;
	s14 =	sadd.s32 @!p2 s1, s7  }
.LBB2_14:
0xed: {  	s7 =	smov.u32 s4  }
0xee: {  	[tilespmem:s5], [sflag:$0x2] =	stream.linear.gather @!p2 [hbm4b:s14+s31], $0x40, $0x38;
	[tilespmem:$0x1EF88] =	vst v63  }
0xef: {  	s0 =	sadd.s32 $0xFFFFFFFF, s0;
	s8 =	smov.u32 s3;
	v1 =	vld.msk [tilespmem:s2+$0x0], $0x1  }
0xf0: {  	p3 =	sne.s32 s0, $0x0;
	_ =	sdelay $0x3  }
0xf1: {  	(v2sf) =	vpush v1, $0x0;
	_ =	sdelay $0xe  }
0xf2: {  	s3 =	spop (v2sf)  }
0xf3: {  	p2 =	seq.s32 s8, s3  }
0xf4: {  	p4 =	sgt.s32 @!p2 s8, $0x0;
	s5 =	sshll.u32 @!p2 s4, $0x8;
	s4 =	sadd.s32 @!p2 $0x1, s4  }
.Ltmp11:
0xf5: {  	p4 =	por !p4, p2;
	s5 =	sshra.s32 @!p2 s5, $0x2;
	(pc) =	sbr.rel @p3 .LBB2_14-.Ltmp11, $4  }
0xf6: {  	s4 =	smov.u32 @p2 s7;
	s8 =	simm.s32 @p4 $0x0;
	s5 =	sadd.s32 @!p2 $0x50C8, s5  }
0xf7: {  	s7 =	smin.u32 @!p2 s8, $0x27FF8  }
0xf8: {  	s8 =	sand.u32 @!p2 $0x3FFF8, s7;
	s31 =	sand.u32 @!p2 $0x7, s7  }
0xf9: {  	s2 =	sadd.s32 $0x1, s2;
	s14 =	sadd.s32 @!p2 s1, s8  }
.LBB2_15:
0xfa: {  	[tilespmem:s5], [sflag:$0x2] =	stream.linear.gather @!p2 [hbm4b:s14+s31], $0x40, $0x38;
	[tilespmem:$0x1EF88] =	vst v63  }
.Ltmp12:
0xfb: {  	s0 =	sshll.u32 s4, $0x6;
	(pc) =	sbr.rel .LBB2_16-.Ltmp12, $4  }
0xfc: {  	s2 =	simm.s32 $0x2;
	s0 =	sand.u32 $0x3FFFFFC0, s0  }
0xfd: {  	_ =	swait.ge [sflag:s2], s0  }
0xfe: {  	s0 =	ssub.s32 $0x0, s0;
	[sflag:s2] =	ssyncset.done $0x0  }
0xff: {  	s4 =	simm.s32 $0x0;
	[sflag:s2] =	ssyncadd.s32 s0  }
.LBB2_17:
0x100: {  	v1 =	vld [tilespmem:s28+$0xFFFFFFE0];
	_ =	sdelay $0x4  }
0x101: {  	[tilespmem:s2+$0x88] =	vst.add.f32.msk $0xffff, v1  }
0x102: {  	v1 =	vld [tilespmem:s28+$0xFFFFFFF0];
	_ =	sdelay $0x4  }
0x103: {  	[tilespmem:s2+$0x98] =	vst.add.f32.msk $0xffff, v1  }
0x104: {  	v1 =	vld [tilespmem:s28+$0x0];
	_ =	sdelay $0x4  }
0x105: {  	[tilespmem:s2+$0xA8] =	vst.add.f32.msk $0xffff, v1  }
0x106: {  	v1 =	vld [tilespmem:s28+$0x10];
	_ =	sdelay $0x4  }
0x107: {  	[tilespmem:s2+$0xB8] =	vst.add.f32.msk $0xffff, v1  }
.LBB2_21:
0x108: {  	s24 =	sadd.s32 $0xFFFFFFFF, s24  }
0x109: {  	p2 =	sne.s32 s24, $0x0  }
.Ltmp13:
0x10a: {  	_ = 	snop;
	(pc) =	sbr.rel @!p2 .LBB2_22-.Ltmp13, $2  }
0x10b: {  	_ =	sdelay $0x2  }
0x10c: {  	s28 =	sadd.s32 $0x80, s28;
	s25 =	sadd.s32 $0x1, s25;
	s30 =	smov.u32 s0  }
.LBB2_16:
0x10d: {  	v1 =	vld.msk [tilespmem:s25+$0x0], $0x1;
	_ =	sdelay $0x4  }
0x10e: {  	(v2sf) =	vpush v1, $0x0;
	_ =	sdelay $0xe  }
0x10f: {  	s0 =	spop (v2sf)  }
0x110: {  	p2 =	sne.s32 s30, s0  }
.Ltmp14:
0x111: {  	_ = 	snop;
	(pc) =	sbr.rel @!p2 .LBB2_17-.Ltmp14, $3  }
0x112: {  	_ =	sdelay $0x1  }
0x113: {  	s2 =	sshll.u32 s23, $0x8  }
0x114: {  	s2 =	sshra.s32 s2, $0x2  }
0x115: {  	p2 =	seq.s32 s30, s26  }
.Ltmp15:
0x116: {  	_ = 	snop;
	(pc) =	sbr.rel @!p2 .LBB2_19-.Ltmp15, $1  }
0x117: {  	_ =	sdelay $0x3  }
.Ltmp16:
0x118: {  	s2 =	sadd.s32 $0x88, s2;
	(pc) =	sbr.rel .LBB2_20-.Ltmp16, $4  }
0x119: {  	[spmem:s15] =	stream.linear.scatter [tilespmem:s2], [sflag:$0x1], $0x40, $0x38;
	[tilespmem:$0x1EF88] =	vst v63  }
0x11a: {  	_ =	swait.ge [sflag:s18], $0x40  }
0x11b: {  	[sflag:s18] =	ssyncset.done $0x0  }
0x11c: {  	[sflag:s18] =	ssyncadd.s32 $0xFFFFFFC0  }
.LBB2_19:
0x11d: {  	s3 =	sshll.u32 s29, $0x8  }
0x11e: {  	s3 =	sshra.s32 s3, $0x2  }
0x11f: {  	v1 =	vld [tilespmem:s3+$0x50C8];
	_ =	sdelay $0x4  }
0x120: {  	[tilespmem:s2+$0x88] =	vst.add.f32.msk $0xffff, v1  }
0x121: {  	v1 =	vld [tilespmem:s3+$0x50D8];
	_ =	sdelay $0x4  }
0x122: {  	[tilespmem:s2+$0x98] =	vst.add.f32.msk $0xffff, v1  }
0x123: {  	v1 =	vld [tilespmem:s3+$0x50E8];
	_ =	sdelay $0x4  }
0x124: {  	[tilespmem:s2+$0xA8] =	vst.add.f32.msk $0xffff, v1  }
0x125: {  	v1 =	vld [tilespmem:s3+$0x50F8];
	_ =	sdelay $0x2  }
0x126: {  	p2 =	sgt.u32 s30, $0x27FF8  }
0x127: {  	s3 =	sand.u32 @!p2 $0x3FFF8, s30  }
0x128: {  	s5 =	sadd.s32 $0x88, s2;
	[tilespmem:s2+$0xB8] =	vst.add.f32.msk $0xffff, v1;
	s2 =	sadd.s32 @!p2 s1, s3;
	s3 =	sand.u32 @!p2 $0x7, s30  }
0x129: {  	[hbm4b:s2+s3] =	stream.linear.scatter @!p2 [tilespmem:s5], [sflag:$0xC], $0x40, $0x38;
	[tilespmem:$0x1EF88] =	vst v63  }
0x12a: {  	s2 =	simm.s32 $0x0  }
0x12b: {  	s2 =	simm.s32 @!p2 $0x100  }
0x12c: {  	s4 =	sadd.s32 s2, s4  }
.LBB2_20:
0x12d: {  	s2 =	sadd.s32 $0x1, s23  }
0x12e: {  	s3 =	smulhi.u32 $0xCCCCCCCD, s2;
	_ =	sdelay $0x1  }
0x12f: {  	v1 =	vld [tilespmem:s28+$0xFFFFFFE0];
	s3 =	sshrl.u32 s3, $0x8  }
0x130: {  	s3 =	smul.u32 $0x140, s3;
	_ =	sdelay $0x1  }
0x131: {  	s23 =	ssub.s32 s2, s3  }
0x132: {  	s2 =	sshll.u32 s23, $0x6  }
0x133: {  	[tilespmem:s2+$0x88] =	vst v1  }
0x134: {  	v1 =	vld [tilespmem:s28+$0xFFFFFFF0];
	_ =	sdelay $0x4  }
0x135: {  	[tilespmem:s2+$0x98] =	vst v1  }
0x136: {  	v1 =	vld [tilespmem:s28+$0x0];
	_ =	sdelay $0x4  }
0x137: {  	[tilespmem:s2+$0xA8] =	vst v1  }
0x138: {  	v1 =	vld [tilespmem:s28+$0x10]  }
.Ltmp17:
0x139: {  	_ = 	snop;
	(pc) =	sbr.rel .LBB2_21-.Ltmp17, $2  }
0x13a: {  	_ =	sdelay $0x2  }
0x13b: {  	s29 =	sadd.s32 $0x1, s29;
	[tilespmem:s2+$0xB8] =	vst v1  }
.LBB2_23:
.Ltmp18:
0x13c: {  	(pc) =	sbr.rel .LBB2_24-.Ltmp18, $4  }
0x13d: {  	_ = 	snop  }
0x13e: {  	s0 =	simm.s32 $0x2  }
0x13f: {  	_ =	swait.ge [sflag:s0], $0x0  }
0x140: {  	s2 =	simm.s32 $0x0;
	[sflag:s0] =	ssyncset.done $0x0;
	s0 =	smov.u32 s30  }
.LBB2_26:
0x141: {  	_ =	sfence.sel $0x180000  }
0x142: {  	s0 =	simm.s32 $0x9;
	[bflag:$0x0] =	sbarrier.arrive $0xFFFF  }
0x143: {  	s24 =	simm.s32 $0xA;
	[sflag:s0] =	ssyncpa.u1 $0x1  }
0x144: {  	s25 =	simm.s32 $0xB;
	[sflag:s24] =	ssyncpa.u1 $0x1  }
0x145: {  	s26 =	simm.s32 $0x2;
	[sflag:s25] =	ssyncpa.u1 $0x1  }
0x146: {  	[sflag:s26] =	ssyncpa.u1 $0x1  }
0x147: {  	v0 =	vld [tilespmem:$0xA108];
	_ =	sdelay $0x4  }
0x148: {  	(v2sf) =	vpush v0, $0x0  }
0x149: {  	(v2sf) =	vpush v0, $0x1;
	_ =	sdelay $0x1  }
0x14a: {  	(v2sf) =	vpush v0, $0x2;
	_ =	sdelay $0xb  }
0x14b: {  	s0 =	spop (v2sf)  }
0x14c: {  	s2 =	spop (v2sf)  }
0x14d: {  	s3 =	smov.u32 s0;
	p0 =	sne.s32 s0, s2  }
0x14e: {  	s4 =	spop (v2sf);
	s3 =	simm.s32 @!p0 $0xFFFFFFFF  }
0x14f: {  	v2 =	vimm.s32 $0x1;
	v3 =	vlaneseq.u32;
	p0 =	seq.s32 s4, $0xFFFFFFFF;
	v1 =	vmov s3  }
0x150: {  	s14 =	stileid.u32;
	v0 =	vperm.xlane v0, v2;
	p1 =	sne.s32 @!p0 s0, s2;
	v1 =	vperm.xlane v1, v3  }
0x151: {  	vm0 =	vcmask $0x3F04;
	s6 =	simm.s32 $0xA108;
	s0 =	simm.s32 @!p0 $0x1;
	p1 =	por !p1, p0  }
0x152: {  	s3 =	sshll.u32 s14, $0x1;
	s2 =	sshll.u32 @!p0 s4, $0x8;
	s0 =	simm.s32 @p1 $0x0;
	v0 =	vsel vm0, v1, v0  }
0x153: {  	s5 =	sor.u32 $0x800, s3;
	s2 =	sshra.s32 @!p0 s2, $0x2;
	s0 =	sor.u32 @!p0 s0, s3;
	[tilespmem:$0xA108] =	vst v0  }
0x154: {  	[spmem:s5] =	stream.linear.scatter [tilespmem:s6], [sflag:$0x1], $0x2, $0x38;
	[tilespmem:$0x1EF88] =	vst v63  }
0x155: {  	s2 =	sadd.s32 @!p0 $0x88, s2;
	s0 =	sshll.u32 @!p0 s0, $0x6  }
0x156: {  	[spmem:s0] =	stream.linear.scatter @!p0 [tilespmem:s2], [sflag:$0x1], $0x40, $0x38;
	[tilespmem:$0x1EF88] =	vst v63  }
0x157: {  	s0 =	simm.s32 @!p0 $0x42  }
0x158: {  	s28 =	simm.s32 $0x1;
	s0 =	simm.s32 @p0 $0x2  }
0x159: {  	_ =	swait.ge [sflag:s28], s0  }
0x15a: {  	s0 =	ssub.s32 $0x0, s0;
	[sflag:s28] =	ssyncset.done $0x0  }
0x15b: {  	p0 =	sne.s32 s14, $0x0;
	[sflag:s28] =	ssyncadd.s32 s0  }
.Ltmp19:
0x15c: {  	_ =	sfence.stream.spmem;
	(pc) =	sbr.rel @p0 .LBB2_43-.Ltmp19, $4  }
0x15d: {  	s29 =	simm.s32 $0x3;
	[bflag:$0x0] =	sbarrier.arrive $0xFFFF  }
0x15e: {  	s30 =	simm.s32 $0x4;
	[sflag:s29] =	ssyncpa.u1 $0x1  }
0x15f: {  	s31 =	simm.s32 $0x3C;
	[sflag:s30] =	ssyncpa.u1 $0x1  }
0x160: {  	s13 =	rddreg [dreg:$0x4];
	[sflag:s31] =	ssyncpa.u1 $0x1  }
0x161: {  	_ =	sfence.stream.spmem;
	s0 =	simm.s32 $0x5  }
0x162: {  	s2 =	simm.s32 $0x800;
	s3 =	simm.s32 $0xA118;
	[sflag:s0] =	ssyncpa.u1 $0x0  }
0x163: {  	[tilespmem:s3], [sflag:$0x5] =	stream.linear.gather [spmem:s2], $0x20, $0x38;
	[tilespmem:$0x1EF88] =	vst v63  }
0x164: {  	s26 =	simm.s32 $0x0;
	s28 =	simm.s32 $0xA138  }
0x165: {  	[tilespmem:s28], [sflag:$0x5] =	stream.linear.gather [spmem:s26], $0x800, $0x38;
	[tilespmem:$0x1EF88] =	vst v63  }
0x166: {  	_ =	swait.ge [sflag:s0], $0x820  }
0x167: {  	[sflag:s0] =	ssyncset.done $0x0  }
0x168: {  	s29 =	simm.s32 $0x0;
	[sflag:s0] =	ssyncadd.s32 $0xFFFFF7E0  }
0x169: {  	v0 =	vld.msk [tilespmem:s29+$0xA118], $0x1;
	_ =	sdelay $0x1  }
0x16a: {  	s30 =	simm.s32 $0x1  }
0x16b: {  	v1 =	vld.msk [tilespmem:s30+$0xA118], $0x1;
	_ =	sdelay $0x1  }
0x16c: {  	(v2sf) =	vpush v0, $0x0;
	_ =	sdelay $0x2  }
0x16d: {  	(v2sf) =	vpush v1, $0x0;
	_ =	sdelay $0x2  }
0x16e: {  	s31 =	simm.s32 $0x2  }
0x16f: {  	v0 =	vld.msk [tilespmem:s31+$0xA118], $0x1;
	_ =	sdelay $0x2  }
0x170: {  	s2 =	simm.s32 $0xFFFFFFFF;
	s3 =	simm.s32 $0xFFFFFFFF;
	s0 =	simm.s32 $0xC  }
.LBB2_28:
0x171: {  	s4 =	smov.u32 s3;
	s5 =	smov.u32 s2  }
0x172: {  	s2 =	sshra.s32 s0, $0x2;
	p1 =	sne.s32 s0, $0x7C;
	s0 =	sadd.s32 $0x4, s0;
	(v2sf) =	vpush v0, $0x0  }
0x173: {  	v0 =	vld.msk [tilespmem:s2+$0xA118], $0x1  }
.Ltmp20:
0x174: {  	(pc) =	sbr.rel @p1 .LBB2_28-.Ltmp20, $4  }
0x175: {  	s3 =	spop (v2sf)  }
0x176: {  	p2 =	sne.s32 s5, $0xFFFFFFFF;
	s2 =	smov.u32 s3  }
0x177: {  	p3 =	seq.s32 s3, $0xFFFFFFFF;
	s2 =	smov.u32 @p2 s5  }
0x178: {  	s3 =	smov.u32 @p3 s4;
	s2 =	smov.u32 @p3 s5  }
0x179: {  	(v2sf) =	vpush v0, $0x0;
	_ =	sdelay $0x8  }
0x17a: {  	s0 =	spop (v2sf)  }
0x17b: {  	p1 =	sne.s32 s2, $0xFFFFFFFF;
	s4 =	smov.u32 s0  }
0x17c: {  	s9 =	simm.s32 $0x6;
	p2 =	seq.s32 s0, $0xFFFFFFFF;
	s4 =	smov.u32 @p1 s2  }
0x17d: {  	s6 =	simm.s32 $0x0;
	s4 =	smov.u32 @p2 s2;
	s2 =	spop (v2sf)  }
0x17e: {  	s0 =	smov.u32 @p2 s3;
	p1 =	sne.s32 s4, $0xFFFFFFFF;
	s5 =	smov.u32 s2  }
.Ltmp21:
0x17f: {  	p2 =	seq.s32 s2, $0xFFFFFFFF;
	s5 =	smov.u32 @p1 s4;
	(pc) =	sbr.rel .LBB2_30-.Ltmp21, $4  }
0x180: {  	s10 =	simm.s32 $0xA0C8;
	s5 =	smov.u32 @p2 s4;
	s7 =	spop (v2sf)  }
0x181: {  	s11 =	simm.s32 $0x0;
	p1 =	sne.s32 s5, $0xFFFFFFFF;
	s8 =	smov.u32 s7  }
0x182: {  	s2 =	smov.u32 @p2 s0;
	p2 =	seq.s32 s7, $0xFFFFFFFF;
	s8 =	smov.u32 @p1 s5  }
0x183: {  	[sflag:s9] =	ssyncpa.u1 $0x0;
	s7 =	smov.u32 @p2 s2;
	s8 =	smov.u32 @p2 s5  }
.LBB2_36:
0x184: {  	p1 =	sgt.u32 s0, $0x27FF8  }
0x185: {  	p2 =	seq.s32 @!p1 s0, s8  }
0x186: {  	p1 =	por p1, p2  }
0x187: {  	p2 =	sne.s32 @!p1 s0, s7  }
0x188: {  	p1 =	por p1, !p2  }
0x189: {  	s0 =	sshll.u32 @p1 s11, $0x8  }
0x18a: {  	s2 =	sand.u32 @!p1 $0x3FFF8, s0  }
0x18b: {  	s0 =	sand.u32 @!p1 $0x7, s0;
	s2 =	sadd.s32 @!p1 s1, s2  }
0x18c: {  	[tilespmem:s10], [sflag:$0x6] =	stream.linear.gather @!p1 [hbm4b:s2+s0], $0x40, $0x38;
	[tilespmem:$0x1EF88] =	vst v63  }
0x18d: {  	_ =	swait.ge @!p1 [sflag:s9], $0x40  }
0x18e: {  	[sflag:s9] =	ssyncset.done @!p1 $0x0  }
0x18f: {  	[sflag:s9] =	ssyncadd.s32 @!p1 $0xFFFFFFC0  }
0x190: {  	v1 =	vld @!p1 [tilespmem:$0xA0C8];
	_ =	sdelay $0x2  }
0x191: {  	s0 =	sshll.u32 @!p1 s11, $0x8  }
0x192: {  	s2 =	sshrl.u32 @!p1 s0, $0x2  }
0x193: {  	[tilespmem:s2+$0xA138] =	vst.add.f32.msk @!p1 $0xffff, v1  }
0x194: {  	v1 =	vld @!p1 [tilespmem:$0xA0D8];
	_ =	sdelay $0x4  }
0x195: {  	[tilespmem:s2+$0xA148] =	vst.add.f32.msk @!p1 $0xffff, v1  }
0x196: {  	v1 =	vld @!p1 [tilespmem:$0xA0E8];
	_ =	sdelay $0x4  }
0x197: {  	[tilespmem:s2+$0xA158] =	vst.add.f32.msk @!p1 $0xffff, v1  }
0x198: {  	v1 =	vld @!p1 [tilespmem:$0xA0F8];
	_ =	sdelay $0x4  }
0x199: {  	[tilespmem:s2+$0xA168] =	vst.add.f32.msk @!p1 $0xffff, v1  }
0x19a: {  	s0 =	sshrl.u32 s0, $0x2;
	[tilespmem:s6+$0xA118] =	vst.msk $0x1, v0  }
0x19b: {  	v0 =	vld [tilespmem:s0+$0xA138];
	_ =	sdelay $0x2  }
0x19c: {  	s31 =	sshll.u32 s6, $0x8  }
0x19d: {  	s2 =	sshra.s32 s31, $0x2  }
0x19e: {  	[tilespmem:s2+$0xA138] =	vst v0  }
0x19f: {  	v0 =	vld [tilespmem:s0+$0xA148];
	_ =	sdelay $0x4  }
0x1a0: {  	[tilespmem:s2+$0xA148] =	vst v0  }
0x1a1: {  	v0 =	vld [tilespmem:s0+$0xA158];
	_ =	sdelay $0x4  }
0x1a2: {  	[tilespmem:s2+$0xA158] =	vst v0  }
0x1a3: {  	v0 =	vld [tilespmem:s0+$0xA168];
	_ =	sdelay $0x4  }
0x1a4: {  	s6 =	sadd.s32 $0x1, s6;
	[tilespmem:s2+$0xA168] =	vst v0  }
.LBB2_37:
0x1a5: {  	s11 =	sadd.s32 $0x1, s11  }
0x1a6: {  	p1 =	sne.s32 s11, $0x20  }
.Ltmp22:
0x1a7: {  	_ = 	snop;
	(pc) =	sbr.rel @!p1 .LBB2_38-.Ltmp22, $1  }
0x1a8: {  	_ =	sdelay $0x3  }
.LBB2_30:
0x1a9: {  	v0 =	vld.msk [tilespmem:s11+$0xA118], $0x1;
	_ =	sdelay $0x4  }
0x1aa: {  	(v2sf) =	vpush v0, $0x0;
	_ =	sdelay $0xe  }
0x1ab: {  	s0 =	spop (v2sf)  }
0x1ac: {  	p1 =	seq.s32 s0, $0xFFFFFFFF  }
.Ltmp23:
0x1ad: {  	_ = 	snop;
	(pc) =	sbr.rel @p1 .LBB2_37-.Ltmp23, $1  }
0x1ae: {  	_ =	sdelay $0x3  }
0x1af: {  	p1 =	slt.s32 s6, $0x1  }
.Ltmp24:
0x1b0: {  	_ = 	snop;
	(pc) =	sbr.rel @p1 .LBB2_36-.Ltmp24, $1  }
0x1b1: {  	_ =	sdelay $0x3  }
0x1b2: {  	s2 =	simm.s32 $0xA118;
	p1 =	por $0x0, $0x0  }
0x1b3: {  	v1 =	vld.msk @!p1 [tilespmem:s2+$0x0], $0x1;
	_ =	sdelay $0x4  }
0x1b4: {  	(v2sf) =	vpush @!p1 v1, $0x0;
	_ =	sdelay $0xd  }
0x1b5: {  	p3 =	sne.s32 s6, $0x1  }
.Ltmp25:
0x1b6: {  	s3 =	spop @!p1 (v2sf);
	(pc) =	sbr.rel @!p3 .LBB2_34-.Ltmp25, $4  }
0x1b7: {  	p2 =	seq.s32 @!p1 s0, s3  }
0x1b8: {  	s3 =	simm.s32 $0x0;
	p2 =	por !p2, p1  }
0x1b9: {  	s5 =	simm.s32 $0xFFFFFFFF;
	s3 =	simm.s32 @p2 $0xFFFFFFFF  }
0x1ba: {  	s4 =	simm.s32 $0x1;
	s3 =	smov.u32 @p1 s5  }
.LBB2_33:
0x1bb: {  	s5 =	smov.u32 s3;
	p1 =	sne.s32 s3, $0xFFFFFFFF  }
0x1bc: {  	s2 =	sadd.s32 $0x1, s2;
	s3 =	smov.u32 s4;
	s4 =	sadd.s32 $0x1, s4  }
0x1bd: {  	p2 =	sne.s32 s6, s4;
	v1 =	vld.msk @!p1 [tilespmem:s2+$0x0], $0x1;
	_ =	sdelay $0x4  }
0x1be: {  	(v2sf) =	vpush @!p1 v1, $0x0;
	_ =	sdelay $0xe  }
.Ltmp26:
0x1bf: {  	s12 =	spop @!p1 (v2sf);
	(pc) =	sbr.rel @p2 .LBB2_33-.Ltmp26, $4  }
0x1c0: {  	p3 =	seq.s32 @!p1 s0, s12  }
0x1c1: {  	p3 =	por !p3, p1  }
0x1c2: {  	s3 =	simm.s32 @p3 $0xFFFFFFFF  }
0x1c3: {  	s3 =	smov.u32 @p1 s5  }
.LBB2_34:
0x1c4: {  	p1 =	seq.s32 s3, $0xFFFFFFFF  }
.Ltmp27:
0x1c5: {  	_ = 	snop;
	(pc) =	sbr.rel @p1 .LBB2_36-.Ltmp27, $1  }
0x1c6: {  	_ =	sdelay $0x3  }
0x1c7: {  	s0 =	sshll.u32 s11, $0x6  }
0x1c8: {  	s0 =	sand.u32 $0x3FFFFFC0, s0  }
0x1c9: {  	v0 =	vld [tilespmem:s0+$0xA138];
	_ =	sdelay $0x2  }
0x1ca: {  	s2 =	sshll.u32 s3, $0x8  }
0x1cb: {  	s2 =	sshra.s32 s2, $0x2  }
0x1cc: {  	[tilespmem:s2+$0xA138] =	vst.add.f32.msk $0xffff, v0  }
0x1cd: {  	v0 =	vld [tilespmem:s0+$0xA148];
	_ =	sdelay $0x4  }
0x1ce: {  	[tilespmem:s2+$0xA148] =	vst.add.f32.msk $0xffff, v0  }
0x1cf: {  	v0 =	vld [tilespmem:s0+$0xA158];
	_ =	sdelay $0x4  }
0x1d0: {  	[tilespmem:s2+$0xA158] =	vst.add.f32.msk $0xffff, v0  }
0x1d1: {  	v0 =	vld [tilespmem:s0+$0xA168]  }
.Ltmp28:
0x1d2: {  	_ = 	snop;
	(pc) =	sbr.rel .LBB2_37-.Ltmp28, $2  }
0x1d3: {  	_ =	sdelay $0x2  }
0x1d4: {  	[tilespmem:s2+$0xA168] =	vst.add.f32.msk $0xffff, v0  }
.LBB2_38:
0x1d5: {  	s0 =	simm.s32 $0x6;
	p1 =	seq.s32 s6, $0x0  }
0x1d6: {  	[sflag:s0] =	ssyncpa.u1 $0x1;
	v0 =	vimm.s32 @p1 $0xFFFFFFFF  }
0x1d7: {  	s0 =	sadd.s32 $0xFFFFFFFF, s6;
	[tilespmem:$0xA938] =	vst @p1 v0  }
0x1d8: {  	v0 =	vld.msk @!p1 [tilespmem:s0+$0xA118], $0x1;
	_ =	sdelay $0x1  }
0x1d9: {  	v1 =	vld.msk @!p1 [tilespmem:$0xA118], $0x1;
	_ =	sdelay $0x2  }
0x1da: {  	p2 =	seq.s32 @!p1 s0, $0x0;
	v0 =	vbroadcast @!p1 v0, $0x0  }
0x1db: {  	vm0 =	vmmov @!p1 $0x1;
	p2 =	por !p2, p1  }
0x1dc: {  	v1 =	vnsel @!p1 vm0, $0xFFFFFFFF, v1;
	vm0 =	vcmask @!p1 $0x308;
	v0 =	vpsel !p2, $0xFFFFFFFF, v0  }
0x1dd: {  	p2 =	sne.s32 @!p1 s8, s7;
	v0 =	vsel @!p1 vm0, v1, v0  }
0x1de: {  	s2 =	simm.s32 @!p1 $0xA138;
	s3 =	simm.s32 @!p1 $0x0;
	p3 =	por !p2, p1;
	[tilespmem:$0xA938] =	vst @!p1 v0  }
0x1df: {  	[spmem:s3] =	stream.linear.scatter @!p1 [tilespmem:s2], [sflag:$0x1], $0x40, $0x38;
	[tilespmem:$0x1EF88] =	vst v63  }
0x1e0: {  	s2 =	sshll.u32 @!p3 s0, $0x8  }
0x1e1: {  	s2 =	sshra.s32 @!p3 s2, $0x2  }
0x1e2: {  	s3 =	simm.s32 @!p3 $0x40;
	s2 =	sadd.s32 @!p3 $0xA138, s2  }
0x1e3: {  	[spmem:s3] =	stream.linear.scatter @!p3 [tilespmem:s2], [sflag:$0x1], $0x40, $0x38;
	[tilespmem:$0x1EF88] =	vst v63  }
0x1e4: {  	s2 =	simm.s32 @!p3 $0x1  }
0x1e5: {  	_ =	swait.ge @!p3 [sflag:s2], $0x80  }
0x1e6: {  	p1 =	por p2, p1;
	[sflag:s2] =	ssyncset.done @!p3 $0x0  }
0x1e7: {  	[sflag:s2] =	ssyncadd.s32 @!p3 $0xFFFFFF80;
	s2 =	simm.s32 @!p1 $0x1  }
0x1e8: {  	_ =	swait.ge @!p1 [sflag:s2], $0x40  }
0x1e9: {  	s29 =	simm.s32 $0xA938;
	[sflag:s2] =	ssyncset.done @!p1 $0x0  }
0x1ea: {  	s30 =	simm.s32 $0x800;
	s31 =	simm.s32 $0x1;
	[sflag:s2] =	ssyncadd.s32 @!p1 $0xFFFFFFC0  }
0x1eb: {  	[spmem:s30] =	stream.linear.scatter [tilespmem:s29], [sflag:$0x1], $0x10, $0x38;
	[tilespmem:$0x1EF88] =	vst v63  }
0x1ec: {  	_ =	swait.ge [sflag:s31], $0x10  }
0x1ed: {  	[sflag:s31] =	ssyncset.done $0x0  }
0x1ee: {  	p1 =	seq.s32 s13, $0x0;
	s9 =	rddreg [dreg:$0x1];
	[sflag:s31] =	ssyncadd.s32 $0xFFFFFFF0  }
0x1ef: {  	s3 =	sshll.u32 @p1 s9, $0xE;
	s8 =	rddreg [dreg:$0x2]  }
0x1f0: {  	s2 =	sadd.s32 @p1 $0x15C3C, s3;
	s3 =	sshll.u32 @p1 s8, $0x11  }
0x1f1: {  	_ =	sfence.stream.spmem;
	s2 =	sor.u32 @p1 s3, s2  }
0x1f2: {  	[sflag:s2] =	ssyncadd.remote.s32 @p1 $0x1;
	s2 =	simm.s32 @p1 $0x4  }
0x1f3: {  	s4 =	simm.s32 @!p1 $0x3C;
	s3 =	sand.u32 $0xFFFFFFFE, s9;
	_ =	swait.ge @p1 [sflag:s2], $0x12  }
0x1f4: {  	s5 =	simm.s32 @!p1 $0x0;
	s3 =	sadd.s32 @!p1 $0x4, s3;
	[sflag:s2] =	ssyncset.done @p1 $0x0  }
0x1f5: {  	s7 =	simm.s32 @!p1 $0x80;
	[sflag:s2] =	ssyncadd.s32 @p1 $0xFFFFFFEE;
	s2 =	sshll.u32 @!p1 s3, $0x1A  }
0x1f6: {  	s3 =	sshll.u32 @!p1 s3, $0xD;
	s2 =	sor.u32 @!p1 s2, s8;
	_ =	swait.eq @!p1 [sflag:s4], $0x1  }
0x1f7: {  	s3 =	sor.u32 @!p1 $0x1C04, s3;
	s4 =	simm.s32 @!p1 $0x1C03;
	s2 =	sor.u32 @!p1 $0x80004000, s2  }
0x1f8: {  	[spmem:s7], [sflag:s3] =	dma.general @!p1 [spmem:s5], [sflag:s4], length:$0x10, [dreg:$0x0], stride_count:$0x0, ici_dest:s2, dma_misc:DstOpCode:WRITE  }
0x1f9: {  	p2 =	slt.s32 s0, $0x2;
	s5 =	simm.s32 @!p1 $0x100;
	s7 =	simm.s32 @!p1 $0x102  }
0x1fa: {  	[spmem:s7], [sflag:s3] =	dma.general @!p1 [spmem:s5], [sflag:s4], length:$0x2, [dreg:$0x0], stride_count:$0x0, ici_dest:s2, dma_misc:DstOpCode:WRITE  }
.Ltmp29:
0x1fb: {  	s2 =	simm.s32 @!p1 $0x3;
	(pc) =	sbr.rel @p2 .LBB2_42-.Ltmp29, $4  }
0x1fc: {  	s3 =	sshll.u32 @!p1 s9, $0xE;
	_ =	swait.ge @!p1 [sflag:s2], $0x12  }
0x1fd: {  	s4 =	sshll.u32 @!p1 s8, $0x11;
	s3 =	sadd.s32 @!p1 $0x11C3C, s3;
	[sflag:s2] =	ssyncset.done @!p1 $0x0  }
0x1fe: {  	[sflag:s2] =	ssyncadd.s32 @!p1 $0xFFFFFFEE;
	s2 =	sor.u32 @!p1 s4, s3  }
0x1ff: {  	s0 =	simm.s32 $0x0;
	[sflag:s2] =	ssyncadd.remote.s32 @!p1 $0xFFFFFFFF  }
0x200: {  	s0 =	simm.s32 $0xA119  }
0x201: {  	v0 =	vld.msk [tilespmem:s0+$0x0], $0x1;
	_ =	sdelay $0x4  }
0x202: {  	(v2sf) =	vpush v0, $0x0;
	_ =	sdelay $0xc  }
0x203: {  	s2 =	sadd.s32 $0xFFFFFFFE, s6  }
0x204: {  	s2 =	sadd.s32 $0xFFFFFFFF, s2  }
0x205: {  	p2 =	sne.s32 s2, $0x0;
	s3 =	spop (v2sf)  }
.Ltmp30:
0x206: {  	p1 =	sgt.u32 s3, $0x27FF8;
	(pc) =	sbr.rel @!p2 .LBB2_41-.Ltmp30, $4  }
0x207: {  	s5 =	simm.s32 $0x0;
	s4 =	sand.u32 @!p1 $0x3FFF8, s3  }
0x208: {  	s0 =	simm.s32 $0xA178;
	s3 =	sand.u32 @!p1 $0x7, s3;
	s4 =	sadd.s32 @!p1 s1, s4  }
0x209: {  	[hbm4b:s4+s3] =	stream.linear.scatter @!p1 [tilespmem:s0], [sflag:$0x5], $0x40, $0x38;
	[tilespmem:$0x1EF88] =	vst v63  }
0x20a: {  	s5 =	simm.s32 @!p1 $0x100;
	s3 =	simm.s32 $0x0;
	s4 =	simm.s32 $0xA11A  }
.LBB2_40:
0x20b: {  	v0 =	vld.msk [tilespmem:s4+$0x0], $0x1;
	s2 =	sadd.s32 $0xFFFFFFFF, s2;
	s3 =	sadd.s32 s3, s5  }
0x20c: {  	p1 =	sne.s32 s2, $0x0;
	_ =	sdelay $0x3  }
0x20d: {  	(v2sf) =	vpush v0, $0x0;
	_ =	sdelay $0xe  }
.Ltmp31:
0x20e: {  	s6 =	spop (v2sf);
	(pc) =	sbr.rel @p1 .LBB2_40-.Ltmp31, $4  }
0x20f: {  	s5 =	simm.s32 $0x0;
	p2 =	sgt.u32 s6, $0x27FF8  }
0x210: {  	s0 =	sadd.s32 $0x40, s0;
	s5 =	simm.s32 @!p2 $0x100;
	s7 =	sand.u32 @!p2 $0x3FFF8, s6  }
0x211: {  	s4 =	sadd.s32 $0x1, s4;
	s6 =	sand.u32 @!p2 $0x7, s6;
	s7 =	sadd.s32 @!p2 s1, s7  }
0x212: {  	[hbm4b:s7+s6] =	stream.linear.scatter @!p2 [tilespmem:s0], [sflag:$0x5], $0x40, $0x38;
	[tilespmem:$0x1EF88] =	vst v63  }
.LBB2_41:
0x213: {  	s0 =	sadd.s32 s3, s5  }
0x214: {  	s0 =	sshrl.u32 s0, $0x2  }
.LBB2_42:
0x215: {  	s2 =	simm.s32 $0x5  }
0x216: {  	_ =	swait.ge [sflag:s2], s0  }
0x217: {  	s31 =	ssub.s32 $0x0, s0;
	[sflag:s2] =	ssyncset.done $0x0  }
0x218: {  	[sflag:s2] =	ssyncadd.s32 s31  }
0x219: {  	[sflag:s2] =	ssyncpa.u1 $0x1  }
.LBB2_43:
0x21a: {  	s0 =	sor.u32 s13, s14  }
0x21b: {  	p1 =	sne.s32 s0, $0x0  }
.Ltmp32:
0x21c: {  	_ = 	snop;
	(pc) =	sbr.rel @p1 .LBB2_58-.Ltmp32, $3  }
0x21d: {  	_ =	sdelay $0x1  }
0x21e: {  	[bflag:$0x0] =	sbarrier.arrive $0xFFFF  }
0x21f: {  	_ =	sfence  }
0x220: {  	s0 =	simm.s32 $0x7  }
0x221: {  	s2 =	simm.s32 $0x800;
	s3 =	simm.s32 $0xA118;
	[sflag:s0] =	ssyncpa.u1 $0x0  }
0x222: {  	[tilespmem:s3], [sflag:$0x7] =	stream.linear.gather [spmem:s2], $0x20, $0x38;
	[tilespmem:$0x1EF88] =	vst v63  }
0x223: {  	s30 =	simm.s32 $0xA138;
	s2 =	simm.s32 $0x0  }
0x224: {  	[tilespmem:s30], [sflag:$0x7] =	stream.linear.gather [spmem:s2], $0x800, $0x38;
	[tilespmem:$0x1EF88] =	vst v63  }
.Ltmp33:
0x225: {  	_ = 	snop;
	(pc) =	sbr.rel .LBB2_45-.Ltmp33, $4  }
0x226: {  	_ =	swait.ge [sflag:s0], $0x820  }
0x227: {  	[sflag:s0] =	ssyncset.done $0x0  }
0x228: {  	s31 =	simm.s32 $0x8;
	[sflag:s0] =	ssyncadd.s32 $0xFFFFF7E0  }
0x229: {  	s3 =	simm.s32 $0x0;
	[sflag:s31] =	ssyncpa.u1 $0x0  }
.LBB2_51:
0x22a: {  	p1 =	slt.u32 s0, $0x27FF9  }
0x22b: {  	s4 =	sand.u32 @p1 $0x3FFF8, s0  }
0x22c: {  	s0 =	sand.u32 @p1 $0x7, s0;
	s5 =	simm.s32 @p1 $0xA0C8;
	s4 =	sadd.s32 @p1 s1, s4  }
0x22d: {  	[tilespmem:s5], [sflag:$0x8] =	stream.linear.gather @p1 [hbm4b:s4+s0], $0x40, $0x38;
	[tilespmem:$0x1EF88] =	vst v63  }
0x22e: {  	s0 =	simm.s32 @p1 $0x8  }
0x22f: {  	_ =	swait.ge @p1 [sflag:s0], $0x40  }
0x230: {  	[sflag:s0] =	ssyncset.done @p1 $0x0  }
0x231: {  	[sflag:s0] =	ssyncadd.s32 @p1 $0xFFFFFFC0  }
0x232: {  	v1 =	vld @p1 [tilespmem:$0xA0C8];
	_ =	sdelay $0x2  }
0x233: {  	s0 =	sshll.u32 @p1 s3, $0x8  }
0x234: {  	s4 =	sshrl.u32 @p1 s0, $0x2  }
0x235: {  	[tilespmem:s4+$0xA138] =	vst.add.f32.msk @p1 $0xffff, v1  }
0x236: {  	v1 =	vld @p1 [tilespmem:$0xA0D8];
	_ =	sdelay $0x4  }
0x237: {  	[tilespmem:s4+$0xA148] =	vst.add.f32.msk @p1 $0xffff, v1  }
0x238: {  	v1 =	vld @p1 [tilespmem:$0xA0E8];
	_ =	sdelay $0x4  }
0x239: {  	[tilespmem:s4+$0xA158] =	vst.add.f32.msk @p1 $0xffff, v1  }
0x23a: {  	v1 =	vld @p1 [tilespmem:$0xA0F8];
	_ =	sdelay $0x3  }
0x23b: {  	s5 =	sshll.u32 @!p1 s3, $0x8  }
0x23c: {  	s5 =	smov.u32 @p1 s0;
	[tilespmem:s4+$0xA168] =	vst.add.f32.msk @p1 $0xffff, v1  }
0x23d: {  	s0 =	sshrl.u32 s5, $0x2;
	[tilespmem:s2+$0xA118] =	vst.msk $0x1, v0  }
0x23e: {  	v0 =	vld [tilespmem:s0+$0xA138];
	_ =	sdelay $0x2  }
0x23f: {  	s31 =	sshll.u32 s2, $0x8  }
0x240: {  	s4 =	sshra.s32 s31, $0x2  }
0x241: {  	[tilespmem:s4+$0xA138] =	vst v0  }
0x242: {  	v0 =	vld [tilespmem:s0+$0xA148];
	_ =	sdelay $0x4  }
0x243: {  	[tilespmem:s4+$0xA148] =	vst v0  }
0x244: {  	v0 =	vld [tilespmem:s0+$0xA158];
	_ =	sdelay $0x4  }
0x245: {  	[tilespmem:s4+$0xA158] =	vst v0  }
0x246: {  	v0 =	vld [tilespmem:s0+$0xA168];
	_ =	sdelay $0x4  }
0x247: {  	s2 =	sadd.s32 $0x1, s2;
	[tilespmem:s4+$0xA168] =	vst v0  }
.LBB2_52:
0x248: {  	s3 =	sadd.s32 $0x1, s3  }
0x249: {  	p1 =	sne.s32 s3, $0x20  }
.Ltmp34:
0x24a: {  	_ = 	snop;
	(pc) =	sbr.rel @!p1 .LBB2_53-.Ltmp34, $1  }
0x24b: {  	_ =	sdelay $0x3  }
.LBB2_45:
0x24c: {  	v0 =	vld.msk [tilespmem:s3+$0xA118], $0x1;
	_ =	sdelay $0x4  }
0x24d: {  	(v2sf) =	vpush v0, $0x0;
	_ =	sdelay $0xe  }
0x24e: {  	s0 =	spop (v2sf)  }
0x24f: {  	p1 =	seq.s32 s0, $0xFFFFFFFF  }
.Ltmp35:
0x250: {  	_ = 	snop;
	(pc) =	sbr.rel @p1 .LBB2_52-.Ltmp35, $1  }
0x251: {  	_ =	sdelay $0x3  }
0x252: {  	p1 =	slt.s32 s2, $0x1  }
.Ltmp36:
0x253: {  	_ = 	snop;
	(pc) =	sbr.rel @p1 .LBB2_51-.Ltmp36, $1  }
0x254: {  	_ =	sdelay $0x3  }
0x255: {  	s4 =	simm.s32 $0xA118;
	p1 =	por $0x0, $0x0  }
0x256: {  	v1 =	vld.msk @!p1 [tilespmem:s4+$0x0], $0x1;
	_ =	sdelay $0x4  }
0x257: {  	(v2sf) =	vpush @!p1 v1, $0x0;
	_ =	sdelay $0xd  }
0x258: {  	p3 =	sne.s32 s2, $0x1  }
.Ltmp37:
0x259: {  	s5 =	spop @!p1 (v2sf);
	(pc) =	sbr.rel @!p3 .LBB2_49-.Ltmp37, $4  }
0x25a: {  	p2 =	seq.s32 @!p1 s0, s5  }
0x25b: {  	s5 =	simm.s32 $0x0;
	p2 =	por !p2, p1  }
0x25c: {  	s7 =	simm.s32 $0xFFFFFFFF;
	s5 =	simm.s32 @p2 $0xFFFFFFFF  }
0x25d: {  	s6 =	simm.s32 $0x1;
	s5 =	smov.u32 @p1 s7  }
.LBB2_48:
0x25e: {  	s7 =	smov.u32 s5;
	p1 =	sne.s32 s5, $0xFFFFFFFF  }
0x25f: {  	s4 =	sadd.s32 $0x1, s4;
	s5 =	smov.u32 s6;
	s6 =	sadd.s32 $0x1, s6  }
0x260: {  	p2 =	sne.s32 s2, s6;
	v1 =	vld.msk @!p1 [tilespmem:s4+$0x0], $0x1;
	_ =	sdelay $0x4  }
0x261: {  	(v2sf) =	vpush @!p1 v1, $0x0;
	_ =	sdelay $0xe  }
.Ltmp38:
0x262: {  	s8 =	spop @!p1 (v2sf);
	(pc) =	sbr.rel @p2 .LBB2_48-.Ltmp38, $4  }
0x263: {  	p3 =	seq.s32 @!p1 s0, s8  }
0x264: {  	p3 =	por !p3, p1  }
0x265: {  	s5 =	simm.s32 @p3 $0xFFFFFFFF  }
0x266: {  	s5 =	smov.u32 @p1 s7  }
.LBB2_49:
0x267: {  	p1 =	seq.s32 s5, $0xFFFFFFFF  }
.Ltmp39:
0x268: {  	_ = 	snop;
	(pc) =	sbr.rel @p1 .LBB2_51-.Ltmp39, $1  }
0x269: {  	_ =	sdelay $0x3  }
0x26a: {  	s0 =	sshll.u32 s3, $0x6  }
0x26b: {  	s0 =	sand.u32 $0x3FFFFFC0, s0  }
0x26c: {  	v0 =	vld [tilespmem:s0+$0xA138];
	_ =	sdelay $0x2  }
0x26d: {  	s4 =	sshll.u32 s5, $0x8  }
0x26e: {  	s4 =	sshra.s32 s4, $0x2  }
0x26f: {  	[tilespmem:s4+$0xA138] =	vst.add.f32.msk $0xffff, v0  }
0x270: {  	v0 =	vld [tilespmem:s0+$0xA148];
	_ =	sdelay $0x4  }
0x271: {  	[tilespmem:s4+$0xA148] =	vst.add.f32.msk $0xffff, v0  }
0x272: {  	v0 =	vld [tilespmem:s0+$0xA158];
	_ =	sdelay $0x4  }
0x273: {  	[tilespmem:s4+$0xA158] =	vst.add.f32.msk $0xffff, v0  }
0x274: {  	v0 =	vld [tilespmem:s0+$0xA168]  }
.Ltmp40:
0x275: {  	_ = 	snop;
	(pc) =	sbr.rel .LBB2_52-.Ltmp40, $2  }
0x276: {  	_ =	sdelay $0x2  }
0x277: {  	[tilespmem:s4+$0xA168] =	vst.add.f32.msk $0xffff, v0  }
.LBB2_53:
0x278: {  	p1 =	slt.s32 s2, $0x1  }
.Ltmp41:
0x279: {  	_ = 	snop;
	(pc) =	sbr.rel @p1 .LBB2_57-.Ltmp41, $3  }
0x27a: {  	_ =	sdelay $0x1  }
0x27b: {  	s0 =	simm.s32 $0x8  }
0x27c: {  	[sflag:s0] =	ssyncpa.u1 $0x1;
	s0 =	simm.s32 $0x0  }
0x27d: {  	s3 =	simm.s32 $0xA118  }
0x27e: {  	v0 =	vld.msk [tilespmem:s3+$0x0], $0x1;
	_ =	sdelay $0x4  }
0x27f: {  	(v2sf) =	vpush v0, $0x0;
	_ =	sdelay $0xe  }
0x280: {  	s2 =	sadd.s32 $0xFFFFFFFF, s2;
	s4 =	spop (v2sf)  }
0x281: {  	p2 =	sne.s32 s2, $0x0;
	p1 =	sgt.u32 s4, $0x27FF8  }
.Ltmp42:
0x282: {  	s5 =	sand.u32 @!p1 $0x3FFF8, s4;
	(pc) =	sbr.rel @!p2 .LBB2_56-.Ltmp42, $4  }
0x283: {  	s3 =	simm.s32 $0xA138;
	s4 =	sand.u32 @!p1 $0x7, s4;
	s5 =	sadd.s32 @!p1 s1, s5  }
0x284: {  	[hbm4b:s5+s4] =	stream.linear.scatter @!p1 [tilespmem:s3], [sflag:$0x7], $0x40, $0x38;
	[tilespmem:$0x1EF88] =	vst v63  }
0x285: {  	s5 =	simm.s32 $0x0  }
0x286: {  	s4 =	simm.s32 $0xA119;
	s5 =	simm.s32 @!p1 $0x100  }
.LBB2_55:
0x287: {  	v0 =	vld.msk [tilespmem:s4+$0x0], $0x1;
	s2 =	sadd.s32 $0xFFFFFFFF, s2;
	s0 =	sadd.s32 s0, s5  }
0x288: {  	p1 =	sne.s32 s2, $0x0;
	_ =	sdelay $0x3  }
0x289: {  	(v2sf) =	vpush v0, $0x0;
	_ =	sdelay $0xe  }
.Ltmp43:
0x28a: {  	s6 =	spop (v2sf);
	(pc) =	sbr.rel @p1 .LBB2_55-.Ltmp43, $4  }
0x28b: {  	s5 =	simm.s32 $0x0;
	p2 =	sgt.u32 s6, $0x27FF8  }
0x28c: {  	s3 =	sadd.s32 $0x40, s3;
	s5 =	simm.s32 @!p2 $0x100;
	s7 =	sand.u32 @!p2 $0x3FFF8, s6  }
0x28d: {  	s4 =	sadd.s32 $0x1, s4;
	s6 =	sand.u32 @!p2 $0x7, s6;
	s7 =	sadd.s32 @!p2 s1, s7  }
0x28e: {  	[hbm4b:s7+s6] =	stream.linear.scatter @!p2 [tilespmem:s3], [sflag:$0x7], $0x40, $0x38;
	[tilespmem:$0x1EF88] =	vst v63  }
.LBB2_56:
0x28f: {  	s0 =	sadd.s32 s0, s5  }
0x290: {  	s0 =	sshrl.u32 s0, $0x2  }
.LBB2_57:
0x291: {  	s1 =	simm.s32 $0x7  }
0x292: {  	_ =	swait.ge [sflag:s1], s0  }
0x293: {  	s31 =	ssub.s32 $0x0, s0;
	[sflag:s1] =	ssyncset.done $0x0  }
0x294: {  	[sflag:s1] =	ssyncadd.s32 s31  }
0x295: {  	[sflag:s1] =	ssyncpa.u1 $0x1  }
.LBB2_58:
0x296: {  	_ =	sfence;
	s0 =	simm.s32 $0x1  }
0x297: {  	[sflag:s0] =	ssyncpa.u1 $0x1  }
0x298: {  	_ =	strace $0x90000059  }
0x299: {  	[bflag:$0x2] =	sbarrier.arrive $0xFFFF  }
0x29a: {  	s0 =	rddreg [dreg:$0x3]  }
0x29b: {  	s0 =	sadd.s32 @!p0 $0x100000, s0  }
0x29c: {  	[sflag:s0] =	ssyncadd.tile.s32 @!p0 $0x1;
	_ =	shalt  }
.Lfunc_end2:
_tile_overlayer_lowered:
.L_overlay_start_2:
0x29d: {  	(tag) =	ssettag $0x2  }
0x29e: {  	s0 =	rddreg [dreg:$0x0];
	s2 =	stileid.u32  }
0x29f: {  	s1 =	rddreg [dreg:$0x1];
	p0 =	sne.s32 s2, $0x0  }
0x2a0: {  	s3 =	rddreg [dreg:$0x2];
	[bflag:$0x3] =	sbarrier.arrive $0xFFFF;
	s2 =	simm.s32 @!p0 $0x1C01  }
0x2a1: {  	[timem:s3], [sflag:s2] =	dma.local @!p0 [hbm:s0], s1  }
0x2a2: {  	s0 =	simm.s32 @!p0 $0x1  }
0x2a3: {  	_ =	swait.ge @!p0 [sflag:s0], s1  }
0x2a4: {  	s1 =	ssub.s32 @!p0 $0x0, s1;
	[sflag:s0] =	ssyncset.done @!p0 $0x0  }
0x2a5: {  	[sflag:s0] =	ssyncadd.s32 @!p0 s1  }
0x2a6: {  	[bflag:$0x3] =	sbarrier.arrive $0xFFFF  }
0x2a7: {  	_ =	shalt  }

// kernel: scatter_offload_async_start
scs
__scs_entry_jumppad:
0x0: {  	(pc) =	sbr.rel $0x88, $3  }
0x1: {  	(tag) =	ssettag $0x0;
	lr =	simm.s32 $0x1  }
0x2: {  	[smem:$0x3F87] =	sst lr;
	_ =	strace $0xD0000000  }
0x3: {  	_ = 	snop  }
0x4: {  	_ = 	snop  }
0x5: {  	_ = 	snop  }
0x6: {  	_ = 	snop  }
0x7: {  	_ = 	snop  }
__scs_overlays_trampoline_lowered:
0x8: {  	[smem:$0x3F96] =	sst s0  }
0x9: {  	[smem:$0x3F97] =	sst s1  }
0xa: {  	[smem:$0x3F98] =	sst s2  }
0xb: {  	[smem:$0x3F99] =	sst s3  }
0xc: {  	[smem:$0x3F9A] =	sst s4  }
0xd: {  	[smem:$0x3F9B] =	sst s5  }
0xe: {  	[smem:$0x3F9C] =	sst s6  }
0xf: {  	[smem:$0x3F9D] =	sst s7  }
0x10: {  	[smem:$0x3F9E] =	sst s8  }
0x11: {  	[smem:$0x3F9F] =	sst s9;
	s0 =	simm.s32 @!p0 $0x0  }
0x12: {  	s1 =	sld [smem:$0x3F85];
	s0 =	simm.s32 @p0 $0x1  }
0x13: {  	[smem:$0x3FA0] =	sst s0;
	s0 =	simm.s32 @!p1 $0x0  }
0x14: {  	s2 =	sld [smem:$0x3F84];
	s0 =	simm.s32 @p1 $0x1  }
0x15: {  	[smem:$0x3FA1] =	sst s0;
	s0 =	simm.s32 @!p2 $0x0  }
0x16: {  	s3 =	sld [smem:$0x3FDB];
	s0 =	simm.s32 @p2 $0x1  }
0x17: {  	s4 =	simm.s32 $0x1BF5;
	[smem:$0x3FA3] =	sst s0  }
0x18: {  	s0 =	sld [smem:$0x3F86];
	_ =	swait.ge [sflag:s4], $0x0  }
0x19: {  	s7 =	sld [smem:$0x3F87]  }
0x1a: {  	s8 =	sadd.s32 $0xFFFFE003, lr  }
0x1b: {  	s9 =	sadd.s32 $0xFFFFFEF7, lr;
	s5 =	simm.s32 $0xFFFFFFFF;
	p2 =	slt.u32 s8, $0xFFFFF086  }
0x1c: {  	p1 =	slt.u32 s9, $0xF7A;
	s5 =	simm.s32 @!p2 $0x0  }
0x1d: {  	s5 =	simm.s32 @p1 $0x1;
	p0 =	seq.s32 s7, s2  }
0x1e: {  	s7 =	smul.u32 @!p0 $0xF7A, s2;
	p2 =	seq.s32 @!p0 s5, $0x0  }
0x1f: {  	s9 =	smul.u32 $0xF7A, s1;
	s8 =	simm.s32 @!p0 $0x1BF5;
	p2 =	por !p2, p0  }
0x20: {  	[sflag:s8] =	ssyncset.s32 @!p0 $0xFFFFF086;
	s6 =	sadd.s32 @!p0 s3, s7;
	s7 =	simm.s32 @!p0 $0x108  }
0x21: {  	s3 =	sadd.s32 s3, s9;
	s6 =	sadd.s32 @!p0 $0x88, s6;
	s7 =	simm.s32 @p2 $0x1082  }
0x22: {  	[simem:s7], [sflag:s8] =	dma.local @!p0 [hbm:s6], $0xF7A  }
0x23: {  	s9 =	sor.u32 $0xD0000000, s2;
	s6 =	simm.s32 $0x108;
	_ =	swait.ge @!p0 [sflag:s8], $0x0  }
0x24: {  	s3 =	sadd.s32 $0x88, s3;
	s6 =	simm.s32 @!p1 $0x1082;
	[sflag:s4] =	ssyncset.s32 $0xFFFFF086  }
0x25: {  	[simem:s6], [sflag:s4] =	dma.local [hbm:s3], $0xF7A  }
0x26: {  	[smem:$0x3F87] =	sst s1;
	(tag) =	ssettag s2;
	_ =	strace s9  }
0x27: {  	s1 =	sld [smem:$0x3F97]  }
0x28: {  	s2 =	sld [smem:$0x3F98]  }
0x29: {  	s4 =	sld [smem:$0x3F9A]  }
0x2a: {  	p0 =	seq.s32 s5, $0x0;
	s5 =	sld [smem:$0x3F9B]  }
0x2b: {  	s6 =	sld [smem:$0x3F9C]  }
0x2c: {  	s7 =	sld [smem:$0x3F9D]  }
0x2d: {  	s3 =	simm.s32 $0x108;
	s8 =	sld [smem:$0x3F9E]  }
0x2e: {  	s3 =	simm.s32 @!p0 $0x1082;
	s9 =	sld [smem:$0x3F9F]  }
0x2f: {  	lr =	sadd.s32 s0, s3;
	s0 =	sld [smem:$0x3F96]  }
0x30: {  	s3 =	sld [smem:$0x3F99]  }
0x31: {  	[smem:$0x3FA2] =	sst s10  }
0x32: {  	s10 =	sld [smem:$0x3FA0];
	_ =	sdelay $0x3  }
0x33: {  	p0 =	seq.s32 s10, $0x1;
	s10 =	sld [smem:$0x3FA2];
	_ =	sdelay $0x3  }
0x34: {  	[smem:$0x3FA2] =	sst s10  }
0x35: {  	s10 =	sld [smem:$0x3FA1];
	_ =	sdelay $0x3  }
0x36: {  	p1 =	seq.s32 s10, $0x1;
	s10 =	sld [smem:$0x3FA2];
	_ =	sdelay $0x3  }
0x37: {  	[smem:$0x3FA2] =	sst s10  }
0x38: {  	s10 =	sld [smem:$0x3FA3]  }
0x39: {  	_ = 	snop;
	(pc) =	sbr.ind lr, $3  }
0x3a: {  	_ = 	snop  }
0x3b: {  	_ = 	snop  }
0x3c: {  	p2 =	seq.s32 s10, $0x1;
	s10 =	sld [smem:$0x3FA2]  }
0x3d: {  	_ =	shalt  }
0x3e: {  	_ =	shalt  }
0x3f: {  	_ =	shalt  }
0x40: {  	_ =	shalt  }
0x41: {  	_ =	shalt  }
0x42: {  	_ =	shalt  }
0x43: {  	_ =	shalt  }
0x44: {  	_ =	shalt  }
0x45: {  	_ =	shalt  }
0x46: {  	_ =	shalt  }
0x47: {  	_ =	shalt  }
0x48: {  	_ =	shalt  }
0x49: {  	_ =	shalt  }
0x4a: {  	_ =	shalt  }
0x4b: {  	_ =	shalt  }
0x4c: {  	_ =	shalt  }
0x4d: {  	_ =	shalt  }
0x4e: {  	_ =	shalt  }
0x4f: {  	_ =	shalt  }
0x50: {  	_ =	shalt  }
0x51: {  	_ =	shalt  }
0x52: {  	_ =	shalt  }
0x53: {  	_ =	shalt  }
0x54: {  	_ =	shalt  }
0x55: {  	_ =	shalt  }
0x56: {  	_ =	shalt  }
0x57: {  	_ =	shalt  }
0x58: {  	_ =	shalt  }
0x59: {  	_ =	shalt  }
0x5a: {  	_ =	shalt  }
0x5b: {  	_ =	shalt  }
0x5c: {  	_ =	shalt  }
0x5d: {  	_ =	shalt  }
0x5e: {  	_ =	shalt  }
0x5f: {  	_ =	shalt  }
0x60: {  	_ =	shalt  }
0x61: {  	_ =	shalt  }
0x62: {  	_ =	shalt  }
0x63: {  	_ =	shalt  }
0x64: {  	_ =	shalt  }
0x65: {  	_ =	shalt  }
0x66: {  	_ =	shalt  }
0x67: {  	_ =	shalt  }
0x68: {  	_ =	shalt  }
0x69: {  	_ =	shalt  }
0x6a: {  	_ =	shalt  }
0x6b: {  	_ =	shalt  }
0x6c: {  	_ =	shalt  }
0x6d: {  	_ =	shalt  }
0x6e: {  	_ =	shalt  }
0x6f: {  	_ =	shalt  }
0x70: {  	_ =	shalt  }
0x71: {  	_ =	shalt  }
0x72: {  	_ =	shalt  }
0x73: {  	_ =	shalt  }
0x74: {  	_ =	shalt  }
0x75: {  	_ =	shalt  }
0x76: {  	_ =	shalt  }
0x77: {  	_ =	shalt  }
0x78: {  	_ =	shalt  }
0x79: {  	_ =	shalt  }
0x7a: {  	_ =	shalt  }
0x7b: {  	_ =	shalt  }
0x7c: {  	_ =	shalt  }
0x7d: {  	_ =	shalt  }
0x7e: {  	_ =	shalt  }
0x7f: {  	_ =	shalt  }
0x80: {  	_ =	shalt  }
0x81: {  	_ =	shalt  }
0x82: {  	_ =	shalt  }
0x83: {  	_ =	shalt  }
0x84: {  	_ =	shalt  }
0x85: {  	_ =	shalt  }
0x86: {  	_ =	shalt  }
0x87: {  	_ =	shalt  }
.Lfunc_end0:
.L_simem_size_0:
called_computation_lowered:
.L_overlay_start_0:
0x88: {  	s2 =	sld [smem:$0x3FD9]  }
0x89: {  	s3 =	sld [smem:$0x3FFE];
	_ =	sdelay $0x1  }
0x8a: {  	s1 =	srdreg.scid  }
0x8b: {  	s0 =	sand.u32 $0x1, s1  }
0x8c: {  	s15 =	sshll.u32 s0, $0xA;
	s2 =	sadd.s32 s3, s2  }
0x8d: {  	s2 =	sadd.s32 s2, s15  }
0x8e: {  	[smem:$0x3FAE] =	sst s2  }
0x8f: {  	_ = 	snop  }
0x90: {  	(tm) =	ssettm $0x1  }
0x91: {  	s16 =	sld [smem:$0x3FFB];
	_ =	sdelay $0x3  }
0x92: {  	_ =	strace s16  }
0x93: {  	s2 =	sld [smem:$0x3FFC];
	_ =	sdelay $0x3  }
0x94: {  	_ =	strace s2  }
0x95: {  	s2 =	sld [smem:$0x3FFD];
	_ =	sdelay $0x3  }
0x96: {  	_ =	strace s2  }
0x97: {  	_ =	strace $0x8FFFFFFF  }
0x98: {  	s17 =	sld [smem:$0x3FDB];
	_ =	sdelay $0x1  }
0x99: {  	s18 =	simm.s32 $_scs_section_size  }
0x9a: {  	s4 =	simm.s32 $_size__tile_overlayer_lowered;
	s5 =	simm.s32 $_tile_overlayer_lowered  }
0x9b: {  	s21 =	simm.s32 $0x1BFF;
	s20 =	sshll.u32 s5, $0x1;
	s2 =	sadd.s32 s18, s17  }
0x9c: {  	s6 =	simm.s32 $0x0;
	s19 =	sshll.u32 s4, $0x1;
	s4 =	sadd.s32 s20, s2  }
0x9d: {  	[timem:s6], [sflag:s21] =	dma.local [hbm:s4], s19  }
0x9e: {  	_ =	swait.ge [sflag:s21], s19  }
0x9f: {  	s3 =	ssub.s32 $0x0, s19;
	[sflag:s21] =	ssyncset.done $0x0  }
0xa0: {  	[sflag:s21] =	ssyncadd.s32 s3;
	_ =	sdelay $0x1  }
0xa1: {  	s22 =	simm.s32 $0x1B8B  }
0xa2: {  	_ =	swait.ge [sflag:s22], $0x1  }
0xa3: {  	[sflag:s22] =	ssyncset.done $0x0  }
0xa4: {  	s23 =	sld [smem:$0x3FFE];
	[sflag:s22] =	ssyncadd.s32 $0xFFFFFFFF  }
0xa5: {  	s25 =	simm.s32 $0x1B8E;
	s24 =	sld [smem:$0x0]  }
0xa6: {  	s26 =	simm.s32 $execute0_lowered;
	[smem:$0x3FD2] =	sst s25  }
0xa7: {  	s5 =	sshll.u32 s26, $0x1;
	_ =	strace $0x80000046;
	[dreg:$0x1] =	wrdreg $0xFFFFFFFF  }
0xa8: {  	s28 =	simm.s32 $_size_execute0_lowered;
	s2 =	sadd.s32 s2, s5;
	[dreg:$0x0] =	wrdreg $0x0  }
0xa9: {  	s5 =	sshll.u32 s28, $0x1;
	[dreg:$0x2] =	wrdreg s2  }
0xaa: {  	[dreg:$0x3] =	wrdreg s5  }
0xab: {  	[dreg:$0x4] =	wrdreg $0xC0  }
0xac: {  	_ =	task [dreg:s6], $0x5FFFF  }
0xad: {  	[dreg:$0x1] =	wrdreg $0xFFFFFFFF  }
0xae: {  	[dreg:$0x0] =	wrdreg $0x60  }
0xaf: {  	[dreg:$0x2] =	wrdreg s23  }
0xb0: {  	[dreg:$0x3] =	wrdreg s1  }
0xb1: {  	[dreg:$0x4] =	wrdreg s24  }
0xb2: {  	[dreg:$0x5] =	wrdreg $0x9  }
0xb3: {  	_ =	task.clear_ibuf [dreg:s6], $0x6FFFF;
	_ =	strace $0x90000046  }
0xb4: {  	s29 =	simm.s32 $0x9;
	_ =	strace $0x80000048  }
0xb5: {  	_ =	swait.ge [sflag:s29], $0x1  }
0xb6: {  	[sflag:s29] =	ssyncadd.s32 $0xFFFFFFFF  }
0xb7: {  	_ =	strace $0x90000048  }
0xb8: {  	_ =	sfence  }
0xb9: {  	s30 =	sld [smem:$0x0];
	_ =	sdelay $0x2  }
0xba: {  	s31 =	sshll.u32 s1, $0xD;
	s1 =	sshrl.u32 s1, $0x2  }
0xbb: {  	s3 =	sand.u32 $0x4000, s31;
	s1 =	sadd.s32 s1, s30  }
0xbc: {  	s0 =	sor.u32 s3, s0;
	s1 =	sshll.u32 s1, $0x11  }
0xbd: {  	s0 =	sor.u32 s1, s0  }
0xbe: {  	s0 =	sadd.s32 $0x8F2B, s0  }
0xbf: {  	[sflag:s0] =	ssyncadd.remote.s32 $0x1  }
0xc0: {  	_ =	sfence.sel $0xFFFF  }
0xc1: {  	[dreg:$0x0] =	wrdreg $0xFFFFFFFF;
	(pc) =	sbr.abs _section_cstart, $3  }
0xc2: {  	[dreg:$0x1] =	wrdreg $0xFFFFFFFF  }
0xc3: {  	_ =	task.clear_ibuf [dreg:s6], $0x2FFFF;
	_ =	strace $0x9FFFFFFF  }
0xc4: {  	(tm) =	ssettm $0x7FFFFFFF  }
0xc5: {  	_ =	shalt  }
tec
execute0_lowered:
.L_overlay_start_1:
0x0: {  	(tag) =	ssettag $0x1  }
0x1: {  	s7 =	rddreg [dreg:$0x0]  }
0x2: {  	s2 =	rddreg [dreg:$0x1];
	_ =	strace $0x80000047;
	s3 =	simm.s32 $0x1  }
0x3: {  	v0 =	vimm.s32 $0x0;
	[sflag:s3] =	ssyncpa.u1 $0x0  }
0x4: {  	[tilespmem:$0x48] =	vst v0  }
0x5: {  	[tilespmem:$0x58] =	vst v0  }
0x6: {  	[tilespmem:$0x68] =	vst v0  }
0x7: {  	[tilespmem:$0x78] =	vst v0  }
0x8: {  	[tilespmem:$0x88] =	vst v0  }
0x9: {  	[tilespmem:$0x98] =	vst v0  }
0xa: {  	[tilespmem:$0xA8] =	vst v0  }
0xb: {  	[tilespmem:$0xB8] =	vst v0  }
0xc: {  	[tilespmem:$0xC8] =	vst v0  }
0xd: {  	[tilespmem:$0xD8] =	vst v0  }
0xe: {  	[tilespmem:$0xE8] =	vst v0  }
0xf: {  	[tilespmem:$0xF8] =	vst v0  }
0x10: {  	[tilespmem:$0x108] =	vst v0  }
0x11: {  	[tilespmem:$0x118] =	vst v0  }
0x12: {  	[tilespmem:$0x128] =	vst v0  }
0x13: {  	[tilespmem:$0x138] =	vst v0  }
0x14: {  	[tilespmem:$0x148] =	vst v0  }
0x15: {  	[tilespmem:$0x158] =	vst v0  }
0x16: {  	[tilespmem:$0x168] =	vst v0  }
0x17: {  	[tilespmem:$0x178] =	vst v0  }
0x18: {  	[tilespmem:$0x188] =	vst v0  }
0x19: {  	[tilespmem:$0x198] =	vst v0  }
0x1a: {  	[tilespmem:$0x1A8] =	vst v0  }
0x1b: {  	[tilespmem:$0x1B8] =	vst v0  }
0x1c: {  	[tilespmem:$0x1C8] =	vst v0  }
0x1d: {  	[tilespmem:$0x1D8] =	vst v0  }
0x1e: {  	[tilespmem:$0x1E8] =	vst v0  }
0x1f: {  	[tilespmem:$0x1F8] =	vst v0  }
0x20: {  	[tilespmem:$0x208] =	vst v0  }
0x21: {  	[tilespmem:$0x218] =	vst v0  }
0x22: {  	[tilespmem:$0x228] =	vst v0  }
0x23: {  	[tilespmem:$0x238] =	vst v0  }
0x24: {  	[tilespmem:$0x248] =	vst v0  }
0x25: {  	[tilespmem:$0x258] =	vst v0  }
0x26: {  	[tilespmem:$0x268] =	vst v0  }
0x27: {  	[tilespmem:$0x278] =	vst v0  }
0x28: {  	[tilespmem:$0x288] =	vst v0  }
0x29: {  	[tilespmem:$0x298] =	vst v0  }
0x2a: {  	[tilespmem:$0x2A8] =	vst v0  }
0x2b: {  	[tilespmem:$0x2B8] =	vst v0  }
0x2c: {  	[tilespmem:$0x2C8] =	vst v0  }
0x2d: {  	[tilespmem:$0x2D8] =	vst v0  }
0x2e: {  	[tilespmem:$0x2E8] =	vst v0  }
0x2f: {  	[tilespmem:$0x2F8] =	vst v0  }
0x30: {  	[tilespmem:$0x308] =	vst v0  }
0x31: {  	[tilespmem:$0x318] =	vst v0  }
0x32: {  	[tilespmem:$0x328] =	vst v0  }
0x33: {  	[tilespmem:$0x338] =	vst v0  }
0x34: {  	[tilespmem:$0x348] =	vst v0  }
0x35: {  	[tilespmem:$0x358] =	vst v0  }
0x36: {  	[tilespmem:$0x368] =	vst v0  }
0x37: {  	[tilespmem:$0x378] =	vst v0  }
0x38: {  	[tilespmem:$0x388] =	vst v0  }
0x39: {  	[tilespmem:$0x398] =	vst v0  }
0x3a: {  	[tilespmem:$0x3A8] =	vst v0  }
0x3b: {  	[tilespmem:$0x3B8] =	vst v0  }
0x3c: {  	[tilespmem:$0x3C8] =	vst v0  }
0x3d: {  	[tilespmem:$0x3D8] =	vst v0  }
0x3e: {  	[tilespmem:$0x3E8] =	vst v0  }
0x3f: {  	[tilespmem:$0x3F8] =	vst v0  }
0x40: {  	[tilespmem:$0x408] =	vst v0  }
0x41: {  	[tilespmem:$0x418] =	vst v0  }
0x42: {  	[tilespmem:$0x428] =	vst v0  }
0x43: {  	[tilespmem:$0x438] =	vst v0  }
0x44: {  	[tilespmem:$0x448] =	vst v0  }
0x45: {  	[tilespmem:$0x458] =	vst v0  }
0x46: {  	[tilespmem:$0x468] =	vst v0  }
0x47: {  	[tilespmem:$0x478] =	vst v0  }
0x48: {  	[tilespmem:$0x488] =	vst v0  }
0x49: {  	[tilespmem:$0x498] =	vst v0  }
0x4a: {  	[tilespmem:$0x4A8] =	vst v0  }
0x4b: {  	[tilespmem:$0x4B8] =	vst v0  }
0x4c: {  	[tilespmem:$0x4C8] =	vst v0  }
0x4d: {  	[tilespmem:$0x4D8] =	vst v0  }
0x4e: {  	[tilespmem:$0x4E8] =	vst v0  }
0x4f: {  	[tilespmem:$0x4F8] =	vst v0  }
0x50: {  	[tilespmem:$0x508] =	vst v0  }
0x51: {  	[tilespmem:$0x518] =	vst v0  }
0x52: {  	[tilespmem:$0x528] =	vst v0  }
0x53: {  	[tilespmem:$0x538] =	vst v0  }
0x54: {  	[tilespmem:$0x548] =	vst v0  }
0x55: {  	[tilespmem:$0x558] =	vst v0  }
0x56: {  	[tilespmem:$0x568] =	vst v0  }
0x57: {  	[tilespmem:$0x578] =	vst v0  }
0x58: {  	[tilespmem:$0x588] =	vst v0  }
0x59: {  	[tilespmem:$0x598] =	vst v0  }
0x5a: {  	[tilespmem:$0x5A8] =	vst v0  }
0x5b: {  	[tilespmem:$0x5B8] =	vst v0  }
0x5c: {  	[tilespmem:$0x5C8] =	vst v0  }
0x5d: {  	[tilespmem:$0x5D8] =	vst v0  }
0x5e: {  	[tilespmem:$0x5E8] =	vst v0  }
0x5f: {  	[tilespmem:$0x5F8] =	vst v0  }
0x60: {  	[tilespmem:$0x608] =	vst v0  }
0x61: {  	[tilespmem:$0x618] =	vst v0  }
0x62: {  	[tilespmem:$0x628] =	vst v0  }
0x63: {  	[tilespmem:$0x638] =	vst v0  }
0x64: {  	[tilespmem:$0x648] =	vst v0  }
0x65: {  	[tilespmem:$0x658] =	vst v0  }
0x66: {  	[tilespmem:$0x668] =	vst v0  }
0x67: {  	[tilespmem:$0x678] =	vst v0  }
0x68: {  	[tilespmem:$0x688] =	vst v0  }
0x69: {  	[tilespmem:$0x698] =	vst v0  }
0x6a: {  	[tilespmem:$0x6A8] =	vst v0  }
0x6b: {  	[tilespmem:$0x6B8] =	vst v0  }
0x6c: {  	[tilespmem:$0x6C8] =	vst v0  }
0x6d: {  	[tilespmem:$0x6D8] =	vst v0  }
0x6e: {  	[tilespmem:$0x6E8] =	vst v0  }
0x6f: {  	[tilespmem:$0x6F8] =	vst v0  }
0x70: {  	[tilespmem:$0x708] =	vst v0  }
0x71: {  	[tilespmem:$0x718] =	vst v0  }
0x72: {  	[tilespmem:$0x728] =	vst v0  }
0x73: {  	[tilespmem:$0x738] =	vst v0  }
0x74: {  	[tilespmem:$0x748] =	vst v0  }
0x75: {  	[tilespmem:$0x758] =	vst v0  }
0x76: {  	[tilespmem:$0x768] =	vst v0  }
0x77: {  	[tilespmem:$0x778] =	vst v0  }
0x78: {  	[tilespmem:$0x788] =	vst v0  }
0x79: {  	[tilespmem:$0x798] =	vst v0  }
0x7a: {  	[tilespmem:$0x7A8] =	vst v0  }
0x7b: {  	[tilespmem:$0x7B8] =	vst v0  }
0x7c: {  	[tilespmem:$0x7C8] =	vst v0  }
0x7d: {  	[tilespmem:$0x7D8] =	vst v0  }
0x7e: {  	[tilespmem:$0x7E8] =	vst v0  }
0x7f: {  	[tilespmem:$0x7F8] =	vst v0  }
0x80: {  	[tilespmem:$0x808] =	vst v0  }
0x81: {  	[tilespmem:$0x818] =	vst v0  }
0x82: {  	[tilespmem:$0x828] =	vst v0  }
0x83: {  	[tilespmem:$0x838] =	vst v0  }
0x84: {  	[tilespmem:$0x848] =	vst v0  }
0x85: {  	[tilespmem:$0x858] =	vst v0  }
0x86: {  	[tilespmem:$0x868] =	vst v0  }
0x87: {  	[tilespmem:$0x878] =	vst v0  }
0x88: {  	[tilespmem:$0x888] =	vst v0  }
0x89: {  	[tilespmem:$0x898] =	vst v0  }
0x8a: {  	[tilespmem:$0x8A8] =	vst v0  }
0x8b: {  	[tilespmem:$0x8B8] =	vst v0  }
0x8c: {  	[tilespmem:$0x8C8] =	vst v0  }
0x8d: {  	[tilespmem:$0x8D8] =	vst v0  }
0x8e: {  	[tilespmem:$0x8E8] =	vst v0  }
0x8f: {  	[tilespmem:$0x8F8] =	vst v0  }
0x90: {  	[tilespmem:$0x908] =	vst v0  }
0x91: {  	[tilespmem:$0x918] =	vst v0  }
0x92: {  	[tilespmem:$0x928] =	vst v0  }
0x93: {  	[tilespmem:$0x938] =	vst v0  }
0x94: {  	[tilespmem:$0x948] =	vst v0  }
0x95: {  	[tilespmem:$0x958] =	vst v0  }
0x96: {  	[tilespmem:$0x968] =	vst v0  }
0x97: {  	[tilespmem:$0x978] =	vst v0  }
0x98: {  	[tilespmem:$0x988] =	vst v0  }
0x99: {  	[tilespmem:$0x998] =	vst v0  }
0x9a: {  	[tilespmem:$0x9A8] =	vst v0  }
0x9b: {  	[tilespmem:$0x9B8] =	vst v0  }
0x9c: {  	[tilespmem:$0x9C8] =	vst v0  }
0x9d: {  	[tilespmem:$0x9D8] =	vst v0  }
0x9e: {  	[tilespmem:$0x9E8] =	vst v0  }
0x9f: {  	[tilespmem:$0x9F8] =	vst v0  }
0xa0: {  	[tilespmem:$0xA08] =	vst v0  }
0xa1: {  	[tilespmem:$0xA18] =	vst v0  }
0xa2: {  	[tilespmem:$0xA28] =	vst v0  }
0xa3: {  	[tilespmem:$0xA38] =	vst v0  }
0xa4: {  	[tilespmem:$0xA48] =	vst v0  }
0xa5: {  	[tilespmem:$0xA58] =	vst v0  }
0xa6: {  	[tilespmem:$0xA68] =	vst v0  }
0xa7: {  	[tilespmem:$0xA78] =	vst v0  }
0xa8: {  	[tilespmem:$0xA88] =	vst v0  }
0xa9: {  	[tilespmem:$0xA98] =	vst v0  }
0xaa: {  	[tilespmem:$0xAA8] =	vst v0  }
0xab: {  	[tilespmem:$0xAB8] =	vst v0  }
0xac: {  	[tilespmem:$0xAC8] =	vst v0  }
0xad: {  	[tilespmem:$0xAD8] =	vst v0  }
0xae: {  	[tilespmem:$0xAE8] =	vst v0  }
0xaf: {  	[tilespmem:$0xAF8] =	vst v0  }
0xb0: {  	[tilespmem:$0xB08] =	vst v0  }
0xb1: {  	[tilespmem:$0xB18] =	vst v0  }
0xb2: {  	[tilespmem:$0xB28] =	vst v0  }
0xb3: {  	[tilespmem:$0xB38] =	vst v0  }
0xb4: {  	[tilespmem:$0xB48] =	vst v0  }
0xb5: {  	[tilespmem:$0xB58] =	vst v0  }
0xb6: {  	[tilespmem:$0xB68] =	vst v0  }
0xb7: {  	[tilespmem:$0xB78] =	vst v0  }
0xb8: {  	[tilespmem:$0xB88] =	vst v0  }
0xb9: {  	[tilespmem:$0xB98] =	vst v0  }
0xba: {  	[tilespmem:$0xBA8] =	vst v0  }
0xbb: {  	[tilespmem:$0xBB8] =	vst v0  }
0xbc: {  	[tilespmem:$0xBC8] =	vst v0  }
0xbd: {  	[tilespmem:$0xBD8] =	vst v0  }
0xbe: {  	[tilespmem:$0xBE8] =	vst v0  }
0xbf: {  	[tilespmem:$0xBF8] =	vst v0  }
0xc0: {  	[tilespmem:$0xC08] =	vst v0  }
0xc1: {  	[tilespmem:$0xC18] =	vst v0  }
0xc2: {  	[tilespmem:$0xC28] =	vst v0  }
0xc3: {  	[tilespmem:$0xC38] =	vst v0  }
0xc4: {  	[tilespmem:$0xC48] =	vst v0  }
0xc5: {  	[tilespmem:$0xC58] =	vst v0  }
0xc6: {  	[tilespmem:$0xC68] =	vst v0  }
0xc7: {  	[tilespmem:$0xC78] =	vst v0  }
0xc8: {  	[tilespmem:$0xC88] =	vst v0  }
0xc9: {  	[tilespmem:$0xC98] =	vst v0  }
0xca: {  	[tilespmem:$0xCA8] =	vst v0  }
0xcb: {  	[tilespmem:$0xCB8] =	vst v0  }
0xcc: {  	[tilespmem:$0xCC8] =	vst v0  }
0xcd: {  	[tilespmem:$0xCD8] =	vst v0  }
0xce: {  	[tilespmem:$0xCE8] =	vst v0  }
0xcf: {  	[tilespmem:$0xCF8] =	vst v0  }
0xd0: {  	[tilespmem:$0xD08] =	vst v0  }
0xd1: {  	[tilespmem:$0xD18] =	vst v0  }
0xd2: {  	[tilespmem:$0xD28] =	vst v0  }
0xd3: {  	[tilespmem:$0xD38] =	vst v0  }
0xd4: {  	[tilespmem:$0xD48] =	vst v0  }
0xd5: {  	[tilespmem:$0xD58] =	vst v0  }
0xd6: {  	[tilespmem:$0xD68] =	vst v0  }
0xd7: {  	[tilespmem:$0xD78] =	vst v0  }
0xd8: {  	[tilespmem:$0xD88] =	vst v0  }
0xd9: {  	[tilespmem:$0xD98] =	vst v0  }
0xda: {  	[tilespmem:$0xDA8] =	vst v0  }
0xdb: {  	[tilespmem:$0xDB8] =	vst v0  }
0xdc: {  	[tilespmem:$0xDC8] =	vst v0  }
0xdd: {  	[tilespmem:$0xDD8] =	vst v0  }
0xde: {  	[tilespmem:$0xDE8] =	vst v0  }
0xdf: {  	[tilespmem:$0xDF8] =	vst v0  }
0xe0: {  	[tilespmem:$0xE08] =	vst v0  }
0xe1: {  	[tilespmem:$0xE18] =	vst v0  }
0xe2: {  	[tilespmem:$0xE28] =	vst v0  }
0xe3: {  	[tilespmem:$0xE38] =	vst v0  }
0xe4: {  	[tilespmem:$0xE48] =	vst v0  }
0xe5: {  	[tilespmem:$0xE58] =	vst v0  }
0xe6: {  	[tilespmem:$0xE68] =	vst v0  }
0xe7: {  	[tilespmem:$0xE78] =	vst v0  }
0xe8: {  	[tilespmem:$0xE88] =	vst v0  }
0xe9: {  	[tilespmem:$0xE98] =	vst v0  }
0xea: {  	[tilespmem:$0xEA8] =	vst v0  }
0xeb: {  	[tilespmem:$0xEB8] =	vst v0  }
0xec: {  	[tilespmem:$0xEC8] =	vst v0  }
0xed: {  	[tilespmem:$0xED8] =	vst v0  }
0xee: {  	[tilespmem:$0xEE8] =	vst v0  }
0xef: {  	[tilespmem:$0xEF8] =	vst v0  }
0xf0: {  	[tilespmem:$0xF08] =	vst v0  }
0xf1: {  	[tilespmem:$0xF18] =	vst v0  }
0xf2: {  	[tilespmem:$0xF28] =	vst v0  }
0xf3: {  	[tilespmem:$0xF38] =	vst v0  }
0xf4: {  	[tilespmem:$0xF48] =	vst v0  }
0xf5: {  	[tilespmem:$0xF58] =	vst v0  }
0xf6: {  	[tilespmem:$0xF68] =	vst v0  }
0xf7: {  	[tilespmem:$0xF78] =	vst v0  }
0xf8: {  	[tilespmem:$0xF88] =	vst v0  }
0xf9: {  	[tilespmem:$0xF98] =	vst v0  }
0xfa: {  	[tilespmem:$0xFA8] =	vst v0  }
0xfb: {  	[tilespmem:$0xFB8] =	vst v0  }
0xfc: {  	[tilespmem:$0xFC8] =	vst v0  }
0xfd: {  	[tilespmem:$0xFD8] =	vst v0  }
0xfe: {  	[tilespmem:$0xFE8] =	vst v0  }
0xff: {  	[tilespmem:$0xFF8] =	vst v0  }
0x100: {  	[tilespmem:$0x1008] =	vst v0  }
0x101: {  	[tilespmem:$0x1018] =	vst v0  }
0x102: {  	[tilespmem:$0x1028] =	vst v0  }
0x103: {  	[tilespmem:$0x1168] =	vst v0  }
0x104: {  	[tilespmem:$0x1038] =	vst v0  }
0x105: {  	[tilespmem:$0x1048] =	vst v0  }
0x106: {  	[tilespmem:$0x1058] =	vst v0  }
0x107: {  	[tilespmem:$0x1068] =	vst v0  }
0x108: {  	[tilespmem:$0x1078] =	vst v0  }
0x109: {  	[tilespmem:$0x1088] =	vst v0  }
0x10a: {  	[tilespmem:$0x1098] =	vst v0  }
0x10b: {  	[tilespmem:$0x10A8] =	vst v0  }
0x10c: {  	[tilespmem:$0x10B8] =	vst v0  }
0x10d: {  	[tilespmem:$0x10C8] =	vst v0  }
0x10e: {  	[tilespmem:$0x10D8] =	vst v0  }
0x10f: {  	[tilespmem:$0x10E8] =	vst v0  }
0x110: {  	[tilespmem:$0x10F8] =	vst v0  }
0x111: {  	[tilespmem:$0x1108] =	vst v0  }
0x112: {  	[tilespmem:$0x1118] =	vst v0  }
0x113: {  	[tilespmem:$0x1128] =	vst v0  }
0x114: {  	[tilespmem:$0x1138] =	vst v0  }
0x115: {  	[tilespmem:$0x1148] =	vst v0  }
0x116: {  	[tilespmem:$0x1158] =	vst v0  }
0x117: {  	[tilespmem:$0x1178] =	vst v0  }
0x118: {  	[tilespmem:$0x1188] =	vst v0  }
0x119: {  	[tilespmem:$0x1198] =	vst v0  }
0x11a: {  	[tilespmem:$0x11A8] =	vst v0  }
0x11b: {  	[tilespmem:$0x11B8] =	vst v0  }
0x11c: {  	[tilespmem:$0x11C8] =	vst v0  }
0x11d: {  	[tilespmem:$0x11D8] =	vst v0  }
0x11e: {  	[tilespmem:$0x11E8] =	vst v0  }
0x11f: {  	[tilespmem:$0x11F8] =	vst v0  }
0x120: {  	[tilespmem:$0x1208] =	vst v0  }
0x121: {  	[tilespmem:$0x1218] =	vst v0  }
0x122: {  	[tilespmem:$0x1228] =	vst v0  }
0x123: {  	[tilespmem:$0x1238] =	vst v0  }
0x124: {  	[tilespmem:$0x1248] =	vst v0  }
0x125: {  	[tilespmem:$0x1258] =	vst v0  }
0x126: {  	[tilespmem:$0x1268] =	vst v0  }
0x127: {  	[tilespmem:$0x1278] =	vst v0  }
0x128: {  	[tilespmem:$0x1288] =	vst v0  }
0x129: {  	[tilespmem:$0x1298] =	vst v0  }
0x12a: {  	[tilespmem:$0x12A8] =	vst v0  }
0x12b: {  	[tilespmem:$0x12B8] =	vst v0  }
0x12c: {  	[tilespmem:$0x12C8] =	vst v0  }
0x12d: {  	[tilespmem:$0x12D8] =	vst v0  }
0x12e: {  	[tilespmem:$0x12E8] =	vst v0  }
0x12f: {  	[tilespmem:$0x12F8] =	vst v0  }
0x130: {  	[tilespmem:$0x1308] =	vst v0  }
0x131: {  	[tilespmem:$0x1318] =	vst v0  }
0x132: {  	[tilespmem:$0x1328] =	vst v0  }
0x133: {  	[tilespmem:$0x1338] =	vst v0  }
0x134: {  	[tilespmem:$0x1348] =	vst v0  }
0x135: {  	[tilespmem:$0x1358] =	vst v0  }
0x136: {  	[tilespmem:$0x1368] =	vst v0  }
0x137: {  	[tilespmem:$0x1378] =	vst v0  }
0x138: {  	[tilespmem:$0x1388] =	vst v0  }
0x139: {  	[tilespmem:$0x1398] =	vst v0  }
0x13a: {  	[tilespmem:$0x13A8] =	vst v0  }
0x13b: {  	[tilespmem:$0x13B8] =	vst v0  }
0x13c: {  	[tilespmem:$0x13C8] =	vst v0  }
0x13d: {  	[tilespmem:$0x13D8] =	vst v0  }
0x13e: {  	[tilespmem:$0x13E8] =	vst v0  }
0x13f: {  	[tilespmem:$0x13F8] =	vst v0  }
0x140: {  	[tilespmem:$0x1408] =	vst v0  }
0x141: {  	[tilespmem:$0x1418] =	vst v0  }
0x142: {  	[tilespmem:$0x1428] =	vst v0  }
0x143: {  	[tilespmem:$0x1438] =	vst v0  }
0x144: {  	[tilespmem:$0x1448] =	vst v0  }
0x145: {  	[tilespmem:$0x1458] =	vst v0  }
0x146: {  	[tilespmem:$0x1468] =	vst v0  }
0x147: {  	[tilespmem:$0x1478] =	vst v0  }
0x148: {  	[tilespmem:$0x1488] =	vst v0  }
0x149: {  	[tilespmem:$0x1498] =	vst v0  }
0x14a: {  	[tilespmem:$0x14A8] =	vst v0  }
0x14b: {  	[tilespmem:$0x14B8] =	vst v0  }
0x14c: {  	[tilespmem:$0x14C8] =	vst v0  }
0x14d: {  	[tilespmem:$0x14D8] =	vst v0  }
0x14e: {  	[tilespmem:$0x14E8] =	vst v0  }
0x14f: {  	[tilespmem:$0x14F8] =	vst v0  }
0x150: {  	[tilespmem:$0x1508] =	vst v0  }
0x151: {  	[tilespmem:$0x1518] =	vst v0  }
0x152: {  	[tilespmem:$0x1528] =	vst v0  }
0x153: {  	[tilespmem:$0x1538] =	vst v0  }
0x154: {  	[tilespmem:$0x1548] =	vst v0  }
0x155: {  	[tilespmem:$0x1558] =	vst v0  }
0x156: {  	[tilespmem:$0x1568] =	vst v0  }
0x157: {  	[tilespmem:$0x1578] =	vst v0  }
0x158: {  	[tilespmem:$0x1588] =	vst v0  }
0x159: {  	[tilespmem:$0x1598] =	vst v0  }
0x15a: {  	[tilespmem:$0x15A8] =	vst v0  }
0x15b: {  	[tilespmem:$0x15B8] =	vst v0  }
0x15c: {  	[tilespmem:$0x15C8] =	vst v0  }
0x15d: {  	[tilespmem:$0x15D8] =	vst v0  }
0x15e: {  	[tilespmem:$0x15E8] =	vst v0  }
0x15f: {  	[tilespmem:$0x15F8] =	vst v0  }
0x160: {  	[tilespmem:$0x1608] =	vst v0  }
0x161: {  	[tilespmem:$0x1618] =	vst v0  }
0x162: {  	[tilespmem:$0x1628] =	vst v0  }
0x163: {  	[tilespmem:$0x1638] =	vst v0  }
0x164: {  	[tilespmem:$0x1648] =	vst v0  }
0x165: {  	[tilespmem:$0x1658] =	vst v0  }
0x166: {  	[tilespmem:$0x1668] =	vst v0  }
0x167: {  	[tilespmem:$0x1678] =	vst v0  }
0x168: {  	[tilespmem:$0x1688] =	vst v0  }
0x169: {  	[tilespmem:$0x1698] =	vst v0  }
0x16a: {  	[tilespmem:$0x16A8] =	vst v0  }
0x16b: {  	[tilespmem:$0x16B8] =	vst v0  }
0x16c: {  	[tilespmem:$0x16C8] =	vst v0  }
0x16d: {  	[tilespmem:$0x16D8] =	vst v0  }
0x16e: {  	[tilespmem:$0x16E8] =	vst v0  }
0x16f: {  	[tilespmem:$0x16F8] =	vst v0  }
0x170: {  	[tilespmem:$0x1708] =	vst v0  }
0x171: {  	[tilespmem:$0x1718] =	vst v0  }
0x172: {  	[tilespmem:$0x1728] =	vst v0  }
0x173: {  	[tilespmem:$0x1738] =	vst v0  }
0x174: {  	[tilespmem:$0x1748] =	vst v0  }
0x175: {  	[tilespmem:$0x1758] =	vst v0  }
0x176: {  	[tilespmem:$0x1768] =	vst v0  }
0x177: {  	[tilespmem:$0x1778] =	vst v0  }
0x178: {  	[tilespmem:$0x1788] =	vst v0  }
0x179: {  	[tilespmem:$0x1798] =	vst v0  }
0x17a: {  	[tilespmem:$0x17A8] =	vst v0  }
0x17b: {  	[tilespmem:$0x17B8] =	vst v0  }
0x17c: {  	[tilespmem:$0x17C8] =	vst v0  }
0x17d: {  	[tilespmem:$0x17D8] =	vst v0  }
0x17e: {  	[tilespmem:$0x17E8] =	vst v0  }
0x17f: {  	[tilespmem:$0x17F8] =	vst v0  }
0x180: {  	[tilespmem:$0x1808] =	vst v0  }
0x181: {  	[tilespmem:$0x1818] =	vst v0  }
0x182: {  	[tilespmem:$0x1828] =	vst v0  }
0x183: {  	[tilespmem:$0x1838] =	vst v0  }
0x184: {  	[tilespmem:$0x1848] =	vst v0  }
0x185: {  	[tilespmem:$0x1858] =	vst v0  }
0x186: {  	[tilespmem:$0x1868] =	vst v0  }
0x187: {  	[tilespmem:$0x1878] =	vst v0  }
0x188: {  	[tilespmem:$0x1888] =	vst v0  }
0x189: {  	[tilespmem:$0x1898] =	vst v0  }
0x18a: {  	[tilespmem:$0x18A8] =	vst v0  }
0x18b: {  	[tilespmem:$0x18B8] =	vst v0  }
0x18c: {  	[tilespmem:$0x18C8] =	vst v0  }
0x18d: {  	[tilespmem:$0x18D8] =	vst v0  }
0x18e: {  	[tilespmem:$0x18E8] =	vst v0  }
0x18f: {  	[tilespmem:$0x18F8] =	vst v0  }
0x190: {  	[tilespmem:$0x1908] =	vst v0  }
0x191: {  	[tilespmem:$0x1918] =	vst v0  }
0x192: {  	[tilespmem:$0x1928] =	vst v0  }
0x193: {  	[tilespmem:$0x1938] =	vst v0  }
0x194: {  	[tilespmem:$0x1948] =	vst v0  }
0x195: {  	[tilespmem:$0x1958] =	vst v0  }
0x196: {  	[tilespmem:$0x1968] =	vst v0  }
0x197: {  	[tilespmem:$0x1978] =	vst v0  }
0x198: {  	[tilespmem:$0x1988] =	vst v0  }
0x199: {  	[tilespmem:$0x1998] =	vst v0  }
0x19a: {  	[tilespmem:$0x19A8] =	vst v0  }
0x19b: {  	[tilespmem:$0x19B8] =	vst v0  }
0x19c: {  	[tilespmem:$0x19C8] =	vst v0  }
0x19d: {  	[tilespmem:$0x19D8] =	vst v0  }
0x19e: {  	[tilespmem:$0x19E8] =	vst v0  }
0x19f: {  	[tilespmem:$0x19F8] =	vst v0  }
0x1a0: {  	[tilespmem:$0x1A08] =	vst v0  }
0x1a1: {  	[tilespmem:$0x1A18] =	vst v0  }
0x1a2: {  	[tilespmem:$0x1A28] =	vst v0  }
0x1a3: {  	[tilespmem:$0x1A38] =	vst v0  }
0x1a4: {  	[tilespmem:$0x1A48] =	vst v0  }
0x1a5: {  	[tilespmem:$0x1A58] =	vst v0  }
0x1a6: {  	[tilespmem:$0x1A68] =	vst v0  }
0x1a7: {  	[tilespmem:$0x1A78] =	vst v0  }
0x1a8: {  	[tilespmem:$0x1A88] =	vst v0  }
0x1a9: {  	[tilespmem:$0x1A98] =	vst v0  }
0x1aa: {  	[tilespmem:$0x1AA8] =	vst v0  }
0x1ab: {  	[tilespmem:$0x1AB8] =	vst v0  }
0x1ac: {  	[tilespmem:$0x1AC8] =	vst v0  }
0x1ad: {  	[tilespmem:$0x1AD8] =	vst v0  }
0x1ae: {  	[tilespmem:$0x1AE8] =	vst v0  }
0x1af: {  	[tilespmem:$0x1AF8] =	vst v0  }
0x1b0: {  	[tilespmem:$0x1B08] =	vst v0  }
0x1b1: {  	[tilespmem:$0x1B18] =	vst v0  }
0x1b2: {  	[tilespmem:$0x1B28] =	vst v0  }
0x1b3: {  	[tilespmem:$0x1B38] =	vst v0  }
0x1b4: {  	[tilespmem:$0x1B48] =	vst v0  }
0x1b5: {  	[tilespmem:$0x1B58] =	vst v0  }
0x1b6: {  	[tilespmem:$0x1B68] =	vst v0  }
0x1b7: {  	[tilespmem:$0x1B78] =	vst v0  }
0x1b8: {  	[tilespmem:$0x1B88] =	vst v0  }
0x1b9: {  	[tilespmem:$0x1B98] =	vst v0  }
0x1ba: {  	[tilespmem:$0x1BA8] =	vst v0  }
0x1bb: {  	[tilespmem:$0x1BB8] =	vst v0  }
0x1bc: {  	[tilespmem:$0x1BC8] =	vst v0  }
0x1bd: {  	[tilespmem:$0x1BD8] =	vst v0  }
0x1be: {  	[tilespmem:$0x1BE8] =	vst v0  }
0x1bf: {  	[tilespmem:$0x1BF8] =	vst v0  }
0x1c0: {  	[tilespmem:$0x1C08] =	vst v0  }
0x1c1: {  	[tilespmem:$0x1C18] =	vst v0  }
0x1c2: {  	[tilespmem:$0x1C28] =	vst v0  }
0x1c3: {  	[tilespmem:$0x1C38] =	vst v0  }
0x1c4: {  	[tilespmem:$0x1C48] =	vst v0  }
0x1c5: {  	[tilespmem:$0x1C58] =	vst v0  }
0x1c6: {  	[tilespmem:$0x1C68] =	vst v0  }
0x1c7: {  	[tilespmem:$0x1C78] =	vst v0  }
0x1c8: {  	[tilespmem:$0x1C88] =	vst v0  }
0x1c9: {  	[tilespmem:$0x1C98] =	vst v0  }
0x1ca: {  	[tilespmem:$0x1CA8] =	vst v0  }
0x1cb: {  	[tilespmem:$0x1CB8] =	vst v0  }
0x1cc: {  	[tilespmem:$0x1CC8] =	vst v0  }
0x1cd: {  	[tilespmem:$0x1CD8] =	vst v0  }
0x1ce: {  	[tilespmem:$0x1CE8] =	vst v0  }
0x1cf: {  	[tilespmem:$0x1CF8] =	vst v0  }
0x1d0: {  	[tilespmem:$0x1D08] =	vst v0  }
0x1d1: {  	[tilespmem:$0x1D18] =	vst v0  }
0x1d2: {  	[tilespmem:$0x1D28] =	vst v0  }
0x1d3: {  	[tilespmem:$0x1D38] =	vst v0  }
0x1d4: {  	[tilespmem:$0x1D48] =	vst v0  }
0x1d5: {  	[tilespmem:$0x1D58] =	vst v0  }
0x1d6: {  	[tilespmem:$0x1D68] =	vst v0  }
0x1d7: {  	[tilespmem:$0x1D78] =	vst v0  }
0x1d8: {  	[tilespmem:$0x1D88] =	vst v0  }
0x1d9: {  	[tilespmem:$0x1D98] =	vst v0  }
0x1da: {  	[tilespmem:$0x1DA8] =	vst v0  }
0x1db: {  	[tilespmem:$0x1DB8] =	vst v0  }
0x1dc: {  	[tilespmem:$0x1DC8] =	vst v0  }
0x1dd: {  	[tilespmem:$0x1DD8] =	vst v0  }
0x1de: {  	[tilespmem:$0x1DE8] =	vst v0  }
0x1df: {  	[tilespmem:$0x1DF8] =	vst v0  }
0x1e0: {  	[tilespmem:$0x1E08] =	vst v0  }
0x1e1: {  	[tilespmem:$0x1E18] =	vst v0  }
0x1e2: {  	[tilespmem:$0x1E28] =	vst v0  }
0x1e3: {  	[tilespmem:$0x1E38] =	vst v0  }
0x1e4: {  	[tilespmem:$0x1E48] =	vst v0  }
0x1e5: {  	[tilespmem:$0x1E58] =	vst v0  }
0x1e6: {  	[tilespmem:$0x1E68] =	vst v0  }
0x1e7: {  	[tilespmem:$0x1E78] =	vst v0  }
0x1e8: {  	[tilespmem:$0x1E88] =	vst v0  }
0x1e9: {  	[tilespmem:$0x1E98] =	vst v0  }
0x1ea: {  	[tilespmem:$0x1EA8] =	vst v0  }
0x1eb: {  	[tilespmem:$0x1EB8] =	vst v0  }
0x1ec: {  	[tilespmem:$0x1EC8] =	vst v0  }
0x1ed: {  	[tilespmem:$0x1ED8] =	vst v0  }
0x1ee: {  	[tilespmem:$0x1EE8] =	vst v0  }
0x1ef: {  	[tilespmem:$0x1EF8] =	vst v0  }
0x1f0: {  	[tilespmem:$0x1F08] =	vst v0  }
0x1f1: {  	[tilespmem:$0x1F18] =	vst v0  }
0x1f2: {  	[tilespmem:$0x1F28] =	vst v0  }
0x1f3: {  	[tilespmem:$0x1F38] =	vst v0  }
0x1f4: {  	[tilespmem:$0x1F48] =	vst v0  }
0x1f5: {  	[tilespmem:$0x1F58] =	vst v0  }
0x1f6: {  	[tilespmem:$0x1F68] =	vst v0  }
0x1f7: {  	[tilespmem:$0x1F78] =	vst v0  }
0x1f8: {  	[tilespmem:$0x1F88] =	vst v0  }
0x1f9: {  	[tilespmem:$0x1F98] =	vst v0  }
0x1fa: {  	[tilespmem:$0x1FA8] =	vst v0  }
0x1fb: {  	[tilespmem:$0x1FB8] =	vst v0  }
0x1fc: {  	[tilespmem:$0x1FC8] =	vst v0  }
0x1fd: {  	[tilespmem:$0x1FD8] =	vst v0  }
0x1fe: {  	[tilespmem:$0x1FE8] =	vst v0  }
0x1ff: {  	[tilespmem:$0x1FF8] =	vst v0  }
0x200: {  	[tilespmem:$0x2008] =	vst v0  }
0x201: {  	[tilespmem:$0x2018] =	vst v0  }
0x202: {  	[tilespmem:$0x2028] =	vst v0  }
0x203: {  	[tilespmem:$0x2038] =	vst v0  }
0x204: {  	[tilespmem:$0x2048] =	vst v0  }
0x205: {  	[tilespmem:$0x2058] =	vst v0  }
0x206: {  	[tilespmem:$0x2068] =	vst v0  }
0x207: {  	[tilespmem:$0x2078] =	vst v0  }
0x208: {  	[tilespmem:$0x2088] =	vst v0  }
0x209: {  	[tilespmem:$0x2098] =	vst v0  }
0x20a: {  	[tilespmem:$0x20A8] =	vst v0  }
0x20b: {  	[tilespmem:$0x20B8] =	vst v0  }
0x20c: {  	[tilespmem:$0x20C8] =	vst v0  }
0x20d: {  	[tilespmem:$0x20D8] =	vst v0  }
0x20e: {  	[tilespmem:$0x20E8] =	vst v0  }
0x20f: {  	[tilespmem:$0x20F8] =	vst v0  }
0x210: {  	[tilespmem:$0x2108] =	vst v0  }
0x211: {  	[tilespmem:$0x2118] =	vst v0  }
0x212: {  	[tilespmem:$0x2128] =	vst v0  }
0x213: {  	[tilespmem:$0x2138] =	vst v0  }
0x214: {  	[tilespmem:$0x2148] =	vst v0  }
0x215: {  	[tilespmem:$0x2158] =	vst v0  }
0x216: {  	[tilespmem:$0x2168] =	vst v0  }
0x217: {  	[tilespmem:$0x2218] =	vst v0  }
0x218: {  	[tilespmem:$0x3058] =	vst v0  }
0x219: {  	[tilespmem:$0x3048] =	vst v0  }
0x21a: {  	[tilespmem:$0x3038] =	vst v0  }
0x21b: {  	[tilespmem:$0x3028] =	vst v0  }
0x21c: {  	[tilespmem:$0x3018] =	vst v0  }
0x21d: {  	[tilespmem:$0x3008] =	vst v0  }
0x21e: {  	[tilespmem:$0x2FF8] =	vst v0  }
0x21f: {  	[tilespmem:$0x2FE8] =	vst v0  }
0x220: {  	[tilespmem:$0x2FD8] =	vst v0  }
0x221: {  	[tilespmem:$0x2FC8] =	vst v0  }
0x222: {  	[tilespmem:$0x2FB8] =	vst v0  }
0x223: {  	[tilespmem:$0x2FA8] =	vst v0  }
0x224: {  	[tilespmem:$0x2F98] =	vst v0  }
0x225: {  	[tilespmem:$0x2F88] =	vst v0  }
0x226: {  	[tilespmem:$0x2F78] =	vst v0  }
0x227: {  	[tilespmem:$0x2F68] =	vst v0  }
0x228: {  	[tilespmem:$0x2F58] =	vst v0  }
0x229: {  	[tilespmem:$0x2F48] =	vst v0  }
0x22a: {  	[tilespmem:$0x2F38] =	vst v0  }
0x22b: {  	[tilespmem:$0x2F28] =	vst v0  }
0x22c: {  	[tilespmem:$0x2F18] =	vst v0  }
0x22d: {  	[tilespmem:$0x2F08] =	vst v0  }
0x22e: {  	[tilespmem:$0x2EF8] =	vst v0  }
0x22f: {  	[tilespmem:$0x2EE8] =	vst v0  }
0x230: {  	[tilespmem:$0x2ED8] =	vst v0  }
0x231: {  	[tilespmem:$0x2EC8] =	vst v0  }
0x232: {  	[tilespmem:$0x2EB8] =	vst v0  }
0x233: {  	[tilespmem:$0x2EA8] =	vst v0  }
0x234: {  	[tilespmem:$0x2E98] =	vst v0  }
0x235: {  	[tilespmem:$0x2E88] =	vst v0  }
0x236: {  	[tilespmem:$0x2E78] =	vst v0  }
0x237: {  	[tilespmem:$0x2E68] =	vst v0  }
0x238: {  	[tilespmem:$0x2E58] =	vst v0  }
0x239: {  	[tilespmem:$0x2E48] =	vst v0  }
0x23a: {  	[tilespmem:$0x2E38] =	vst v0  }
0x23b: {  	[tilespmem:$0x2E28] =	vst v0  }
0x23c: {  	[tilespmem:$0x2E18] =	vst v0  }
0x23d: {  	[tilespmem:$0x2E08] =	vst v0  }
0x23e: {  	[tilespmem:$0x2DF8] =	vst v0  }
0x23f: {  	[tilespmem:$0x2DE8] =	vst v0  }
0x240: {  	[tilespmem:$0x2DD8] =	vst v0  }
0x241: {  	[tilespmem:$0x2DC8] =	vst v0  }
0x242: {  	[tilespmem:$0x2DB8] =	vst v0  }
0x243: {  	[tilespmem:$0x2DA8] =	vst v0  }
0x244: {  	[tilespmem:$0x2D98] =	vst v0  }
0x245: {  	[tilespmem:$0x2D88] =	vst v0  }
0x246: {  	[tilespmem:$0x2D78] =	vst v0  }
0x247: {  	[tilespmem:$0x2D68] =	vst v0  }
0x248: {  	[tilespmem:$0x2D58] =	vst v0  }
0x249: {  	[tilespmem:$0x2D48] =	vst v0  }
0x24a: {  	[tilespmem:$0x2D38] =	vst v0  }
0x24b: {  	[tilespmem:$0x2D28] =	vst v0  }
0x24c: {  	[tilespmem:$0x2D18] =	vst v0  }
0x24d: {  	[tilespmem:$0x2D08] =	vst v0  }
0x24e: {  	[tilespmem:$0x2CF8] =	vst v0  }
0x24f: {  	[tilespmem:$0x2CE8] =	vst v0  }
0x250: {  	[tilespmem:$0x2CD8] =	vst v0  }
0x251: {  	[tilespmem:$0x2CC8] =	vst v0  }
0x252: {  	[tilespmem:$0x2CB8] =	vst v0  }
0x253: {  	[tilespmem:$0x2CA8] =	vst v0  }
0x254: {  	[tilespmem:$0x2C98] =	vst v0  }
0x255: {  	[tilespmem:$0x2C88] =	vst v0  }
0x256: {  	[tilespmem:$0x2C78] =	vst v0  }
0x257: {  	[tilespmem:$0x2C68] =	vst v0  }
0x258: {  	[tilespmem:$0x2C58] =	vst v0  }
0x259: {  	[tilespmem:$0x2C48] =	vst v0  }
0x25a: {  	[tilespmem:$0x2C38] =	vst v0  }
0x25b: {  	[tilespmem:$0x2C28] =	vst v0  }
0x25c: {  	[tilespmem:$0x2C18] =	vst v0  }
0x25d: {  	[tilespmem:$0x2C08] =	vst v0  }
0x25e: {  	[tilespmem:$0x2BF8] =	vst v0  }
0x25f: {  	[tilespmem:$0x2BE8] =	vst v0  }
0x260: {  	[tilespmem:$0x2BD8] =	vst v0  }
0x261: {  	[tilespmem:$0x2BC8] =	vst v0  }
0x262: {  	[tilespmem:$0x2BB8] =	vst v0  }
0x263: {  	[tilespmem:$0x2BA8] =	vst v0  }
0x264: {  	[tilespmem:$0x2B98] =	vst v0  }
0x265: {  	[tilespmem:$0x2B88] =	vst v0  }
0x266: {  	[tilespmem:$0x2B78] =	vst v0  }
0x267: {  	[tilespmem:$0x2B68] =	vst v0  }
0x268: {  	[tilespmem:$0x2B58] =	vst v0  }
0x269: {  	[tilespmem:$0x2B48] =	vst v0  }
0x26a: {  	[tilespmem:$0x2B38] =	vst v0  }
0x26b: {  	[tilespmem:$0x2B28] =	vst v0  }
0x26c: {  	[tilespmem:$0x2B18] =	vst v0  }
0x26d: {  	[tilespmem:$0x2B08] =	vst v0  }
0x26e: {  	[tilespmem:$0x2AF8] =	vst v0  }
0x26f: {  	[tilespmem:$0x2AE8] =	vst v0  }
0x270: {  	[tilespmem:$0x2AD8] =	vst v0  }
0x271: {  	[tilespmem:$0x2AC8] =	vst v0  }
0x272: {  	[tilespmem:$0x2AB8] =	vst v0  }
0x273: {  	[tilespmem:$0x2AA8] =	vst v0  }
0x274: {  	[tilespmem:$0x2A98] =	vst v0  }
0x275: {  	[tilespmem:$0x2A88] =	vst v0  }
0x276: {  	[tilespmem:$0x2A78] =	vst v0  }
0x277: {  	[tilespmem:$0x2A68] =	vst v0  }
0x278: {  	[tilespmem:$0x2A58] =	vst v0  }
0x279: {  	[tilespmem:$0x2A48] =	vst v0  }
0x27a: {  	[tilespmem:$0x2A38] =	vst v0  }
0x27b: {  	[tilespmem:$0x2A28] =	vst v0  }
0x27c: {  	[tilespmem:$0x2A18] =	vst v0  }
0x27d: {  	[tilespmem:$0x2A08] =	vst v0  }
0x27e: {  	[tilespmem:$0x29F8] =	vst v0  }
0x27f: {  	[tilespmem:$0x29E8] =	vst v0  }
0x280: {  	[tilespmem:$0x29D8] =	vst v0  }
0x281: {  	[tilespmem:$0x29C8] =	vst v0  }
0x282: {  	[tilespmem:$0x29B8] =	vst v0  }
0x283: {  	[tilespmem:$0x29A8] =	vst v0  }
0x284: {  	[tilespmem:$0x2998] =	vst v0  }
0x285: {  	[tilespmem:$0x2988] =	vst v0  }
0x286: {  	[tilespmem:$0x2978] =	vst v0  }
0x287: {  	[tilespmem:$0x2968] =	vst v0  }
0x288: {  	[tilespmem:$0x2958] =	vst v0  }
0x289: {  	[tilespmem:$0x2948] =	vst v0  }
0x28a: {  	[tilespmem:$0x2938] =	vst v0  }
0x28b: {  	[tilespmem:$0x2928] =	vst v0  }
0x28c: {  	[tilespmem:$0x2918] =	vst v0  }
0x28d: {  	[tilespmem:$0x2908] =	vst v0  }
0x28e: {  	[tilespmem:$0x28F8] =	vst v0  }
0x28f: {  	[tilespmem:$0x28E8] =	vst v0  }
0x290: {  	[tilespmem:$0x28D8] =	vst v0  }
0x291: {  	[tilespmem:$0x28C8] =	vst v0  }
0x292: {  	[tilespmem:$0x28B8] =	vst v0  }
0x293: {  	[tilespmem:$0x28A8] =	vst v0  }
0x294: {  	[tilespmem:$0x2898] =	vst v0  }
0x295: {  	[tilespmem:$0x2888] =	vst v0  }
0x296: {  	[tilespmem:$0x2878] =	vst v0  }
0x297: {  	[tilespmem:$0x2868] =	vst v0  }
0x298: {  	[tilespmem:$0x2858] =	vst v0  }
0x299: {  	[tilespmem:$0x2848] =	vst v0  }
0x29a: {  	[tilespmem:$0x2838] =	vst v0  }
0x29b: {  	[tilespmem:$0x2828] =	vst v0  }
0x29c: {  	[tilespmem:$0x2818] =	vst v0  }
0x29d: {  	[tilespmem:$0x2808] =	vst v0  }
0x29e: {  	[tilespmem:$0x27F8] =	vst v0  }
0x29f: {  	[tilespmem:$0x27E8] =	vst v0  }
0x2a0: {  	[tilespmem:$0x27D8] =	vst v0  }
0x2a1: {  	[tilespmem:$0x27C8] =	vst v0  }
0x2a2: {  	[tilespmem:$0x27B8] =	vst v0  }
0x2a3: {  	[tilespmem:$0x27A8] =	vst v0  }
0x2a4: {  	[tilespmem:$0x2798] =	vst v0  }
0x2a5: {  	[tilespmem:$0x2788] =	vst v0  }
0x2a6: {  	[tilespmem:$0x2778] =	vst v0  }
0x2a7: {  	[tilespmem:$0x2768] =	vst v0  }
0x2a8: {  	[tilespmem:$0x2758] =	vst v0  }
0x2a9: {  	[tilespmem:$0x2748] =	vst v0  }
0x2aa: {  	[tilespmem:$0x2738] =	vst v0  }
0x2ab: {  	[tilespmem:$0x2728] =	vst v0  }
0x2ac: {  	[tilespmem:$0x2718] =	vst v0  }
0x2ad: {  	[tilespmem:$0x2708] =	vst v0  }
0x2ae: {  	[tilespmem:$0x26F8] =	vst v0  }
0x2af: {  	[tilespmem:$0x26E8] =	vst v0  }
0x2b0: {  	[tilespmem:$0x26D8] =	vst v0  }
0x2b1: {  	[tilespmem:$0x26C8] =	vst v0  }
0x2b2: {  	[tilespmem:$0x26B8] =	vst v0  }
0x2b3: {  	[tilespmem:$0x26A8] =	vst v0  }
0x2b4: {  	[tilespmem:$0x2698] =	vst v0  }
0x2b5: {  	[tilespmem:$0x2688] =	vst v0  }
0x2b6: {  	[tilespmem:$0x2678] =	vst v0  }
0x2b7: {  	[tilespmem:$0x2668] =	vst v0  }
0x2b8: {  	[tilespmem:$0x2658] =	vst v0  }
0x2b9: {  	[tilespmem:$0x2648] =	vst v0  }
0x2ba: {  	[tilespmem:$0x2638] =	vst v0  }
0x2bb: {  	[tilespmem:$0x2628] =	vst v0  }
0x2bc: {  	[tilespmem:$0x2618] =	vst v0  }
0x2bd: {  	[tilespmem:$0x2608] =	vst v0  }
0x2be: {  	[tilespmem:$0x25F8] =	vst v0  }
0x2bf: {  	[tilespmem:$0x25E8] =	vst v0  }
0x2c0: {  	[tilespmem:$0x25D8] =	vst v0  }
0x2c1: {  	[tilespmem:$0x25C8] =	vst v0  }
0x2c2: {  	[tilespmem:$0x25B8] =	vst v0  }
0x2c3: {  	[tilespmem:$0x25A8] =	vst v0  }
0x2c4: {  	[tilespmem:$0x2598] =	vst v0  }
0x2c5: {  	[tilespmem:$0x2588] =	vst v0  }
0x2c6: {  	[tilespmem:$0x2578] =	vst v0  }
0x2c7: {  	[tilespmem:$0x2568] =	vst v0  }
0x2c8: {  	[tilespmem:$0x2558] =	vst v0  }
0x2c9: {  	[tilespmem:$0x2548] =	vst v0  }
0x2ca: {  	[tilespmem:$0x2538] =	vst v0  }
0x2cb: {  	[tilespmem:$0x2528] =	vst v0  }
0x2cc: {  	[tilespmem:$0x2518] =	vst v0  }
0x2cd: {  	[tilespmem:$0x2508] =	vst v0  }
0x2ce: {  	[tilespmem:$0x24F8] =	vst v0  }
0x2cf: {  	[tilespmem:$0x24E8] =	vst v0  }
0x2d0: {  	[tilespmem:$0x24D8] =	vst v0  }
0x2d1: {  	[tilespmem:$0x24C8] =	vst v0  }
0x2d2: {  	[tilespmem:$0x24B8] =	vst v0  }
0x2d3: {  	[tilespmem:$0x24A8] =	vst v0  }
0x2d4: {  	[tilespmem:$0x2498] =	vst v0  }
0x2d5: {  	[tilespmem:$0x2488] =	vst v0  }
0x2d6: {  	[tilespmem:$0x2478] =	vst v0  }
0x2d7: {  	[tilespmem:$0x2468] =	vst v0  }
0x2d8: {  	[tilespmem:$0x2458] =	vst v0  }
0x2d9: {  	[tilespmem:$0x2448] =	vst v0  }
0x2da: {  	[tilespmem:$0x2438] =	vst v0  }
0x2db: {  	[tilespmem:$0x2428] =	vst v0  }
0x2dc: {  	[tilespmem:$0x2418] =	vst v0  }
0x2dd: {  	[tilespmem:$0x2408] =	vst v0  }
0x2de: {  	[tilespmem:$0x23F8] =	vst v0  }
0x2df: {  	[tilespmem:$0x23E8] =	vst v0  }
0x2e0: {  	[tilespmem:$0x23D8] =	vst v0  }
0x2e1: {  	[tilespmem:$0x23C8] =	vst v0  }
0x2e2: {  	[tilespmem:$0x23B8] =	vst v0  }
0x2e3: {  	[tilespmem:$0x23A8] =	vst v0  }
0x2e4: {  	[tilespmem:$0x2398] =	vst v0  }
0x2e5: {  	[tilespmem:$0x2388] =	vst v0  }
0x2e6: {  	[tilespmem:$0x2378] =	vst v0  }
0x2e7: {  	[tilespmem:$0x2368] =	vst v0  }
0x2e8: {  	[tilespmem:$0x2358] =	vst v0  }
0x2e9: {  	[tilespmem:$0x2348] =	vst v0  }
0x2ea: {  	[tilespmem:$0x2338] =	vst v0  }
0x2eb: {  	[tilespmem:$0x2328] =	vst v0  }
0x2ec: {  	[tilespmem:$0x2318] =	vst v0  }
0x2ed: {  	[tilespmem:$0x2308] =	vst v0  }
0x2ee: {  	[tilespmem:$0x22F8] =	vst v0  }
0x2ef: {  	[tilespmem:$0x22E8] =	vst v0  }
0x2f0: {  	[tilespmem:$0x22D8] =	vst v0  }
0x2f1: {  	[tilespmem:$0x22C8] =	vst v0  }
0x2f2: {  	[tilespmem:$0x22B8] =	vst v0  }
0x2f3: {  	[tilespmem:$0x22A8] =	vst v0  }
0x2f4: {  	[tilespmem:$0x2298] =	vst v0  }
0x2f5: {  	[tilespmem:$0x2288] =	vst v0  }
0x2f6: {  	[tilespmem:$0x2278] =	vst v0  }
0x2f7: {  	s10 =	stileid.u32;
	[tilespmem:$0x2268] =	vst v0  }
0x2f8: {  	s0 =	smul.u32 $0xD, s10;
	[tilespmem:$0x2258] =	vst v0  }
0x2f9: {  	s1 =	smin.u32 s10, $0x6;
	[tilespmem:$0x2248] =	vst v0  }
0x2fa: {  	[tilespmem:$0x2238] =	vst v0;
	s0 =	sadd.s32 s1, s0  }
0x2fb: {  	p0 =	slt.u32 s10, $0x6;
	[tilespmem:$0x2228] =	vst v0;
	s1 =	simm.s32 $0x1500;
	s8 =	smul.u32 $0x180, s0  }
0x2fc: {  	s1 =	simm.s32 @!p0 $0x1380;
	[tilespmem:$0x21F8] =	vst v0  }
0x2fd: {  	[tilespmem:$0x2208] =	vst v0;
	s0 =	sadd.s32 s1, s8  }
0x2fe: {  	s4 =	simm.s32 $0x2;
	[tilespmem:$0x21E8] =	vst v0;
	s9 =	smin.u32 s0, $0x14000  }
0x2ff: {  	s31 =	simm.s32 $0x9;
	s5 =	simm.s32 $0xA;
	[tilespmem:$0x2188] =	vst v0;
	s0 =	ssub.s32 s9, s8  }
0x300: {  	s12 =	simm.s32 $0xB;
	s18 =	simm.s32 $0x0;
	[tilespmem:$0x21D8] =	vst v0;
	p0 =	sgt.s32 s0, $0x0  }
0x301: {  	p1 =	por $0x0, $0x0;
	s19 =	simm.s32 $0xC;
	[tilespmem:$0x21C8] =	vst v0;
	s0 =	simm.s32 @!p0 $0x0  }
0x302: {  	s23 =	simm.s32 $0x0;
	s20 =	simm.s32 $0x0;
	[tilespmem:$0x21B8] =	vst v0;
	s30 =	smulhi.u32 $0x2AAAAAAB, s0  }
0x303: {  	s22 =	simm.s32 $0x0;
	s2 =	sand.u32 $0x1, s2;
	s16 =	sshll.u32 s10, $0x6;
	[tilespmem:$0x21A8] =	vst v0  }
0x304: {  	s1 =	sshrl.u32 s30, $0x6;
	[tilespmem:$0x2198] =	vst v0;
	[dreg:$0x4] =	wrdreg s2;
	s2 =	smul.u32 $0x2800, s2  }
0x305: {  	[tilespmem:$0x2178] =	vst v0;
	[sflag:s4] =	ssyncpa.u1 $0x0;
	v0 =	vimm.s32 $0xFFFFFFFF;
	s4 =	sadd.s32 $0x5AC00, s7;
	s6 =	smul.u32 $0x180, s1  }
.Ltmp0:
0x306: {  	[tilespmem:$0x6088] =	vst v0;
	[sflag:s31] =	ssyncpa.u1 $0x0;
	s2 =	sadd.s32 s2, s7;
	(pc) =	sbr.rel .LBB2_1-.Ltmp0, $4  }
0x307: {  	[sflag:s5] =	ssyncpa.u1 $0x0;
	p0 =	sne.s32 s0, s6;
	s0 =	simm.s32 $0x1  }
0x308: {  	s7 =	sadd.s32 $0x2E4C00, s7;
	[sflag:s12] =	ssyncpa.u1 $0x0;
	s0 =	simm.s32 @!p0 $0x0  }
0x309: {  	s14 =	sadd.s32 $0x2DFC00, s2;
	s15 =	sadd.s32 $0x2DAC00, s2;
	s13 =	sadd.s32 s0, s1  }
0x30a: {  	v0 =	vlaneseq.u32;
	s21 =	smov.u32 s8;
	p0 =	por $0x1, $0x1;
	s17 =	sadd.s32 $0x1, s13  }
.LBB2_22:
0x30b: {  	s0 =	sshrl.u32 s0, $0x2  }
.LBB2_24:
0x30c: {  	_ =	swait.ge [sflag:s19], s0  }
0x30d: {  	s30 =	ssub.s32 $0x0, s0;
	v1 =	vmov s25;
	vm0 =	veq.s32 v0, $0x0;
	[sflag:s19] =	ssyncset.done $0x0  }
0x30e: {  	vm15 =	veq.s32 v0, $0x2;
	v1 =	vsel vm0, s31, v1;
	[sflag:s19] =	ssyncadd.s32 s30  }
0x30f: {  	v1 =	vsel vm15, s23, v1;
	[sflag:s19] =	ssyncpa.u1 $0x1  }
0x310: {  	[tilespmem:$0x6088] =	vst v1  }
.LBB2_25:
0x311: {  	s0 =	sadd.s32 $0x180, s21  }
0x312: {  	s1 =	smov.u32 s8;
	p2 =	slt.s32 s0, s9  }
0x313: {  	s1 =	smov.u32 @p2 s0;
	p2 =	sne.s32 s22, s17  }
.Ltmp1:
0x314: {  	_ = 	snop;
	(pc) =	sbr.rel @!p2 .LBB2_26-.Ltmp1, $4  }
0x315: {  	_ = 	snop  }
0x316: {  	s23 =	smov.u32 s20  }
0x317: {  	s31 =	sadd.s32 $0x1, s22;
	s20 =	smov.u32 s21;
	p0 =	por !p0, !p0  }
0x318: {  	p1 =	por !p1, !p1;
	s22 =	smov.u32 s31;
	s21 =	smov.u32 s1  }
.LBB2_1:
0x319: {  	p2 =	sge.u32 s22, s13  }
0x31a: {  	s0 =	smulhi.u32 @!p2 $0xAAAAAAAB, s22  }
0x31b: {  	s1 =	smov.u32 s21;
	p3 =	sgt.s32 @!p2 s21, $0x13E80  }
0x31c: {  	s2 =	sshra.s32 @!p2 s21, $0x1F;
	p3 =	por !p3, p2;
	s0 =	sshrl.u32 @!p2 s0, $0x1  }
0x31d: {  	s2 =	sand.u32 @!p2 s2, s21;
	s1 =	simm.s32 @p3 $0x13E80;
	s0 =	smul.u32 @!p2 $0x3, s0  }
0x31e: {  	s1 =	ssub.s32 @!p2 s1, s2  }
0x31f: {  	s1 =	sadd.s32 @!p2 $0xFFFEC180, s1;
	s0 =	ssub.s32 @!p2 s22, s0  }
0x320: {  	s2 =	sshll.u32 @!p2 s1, $0x2;
	p3 =	sgt.s32 @!p2 s1, $0x17F;
	s0 =	smul.u32 @!p2 $0x600, s0  }
0x321: {  	s5 =	sand.u32 @!p2 $0x7, s21;
	s1 =	ssub.s32 @!p2 $0x600, s2;
	p3 =	por !p3, p2  }
0x322: {  	s2 =	sshrl.u32 @!p2 s21, $0x3;
	s1 =	sshrl.u32 @!p2 s1, $0x2;
	s0 =	sshrl.u32 @!p2 s0, $0x2  }
0x323: {  	s2 =	sadd.s32 @!p2 s2, s14;
	s1 =	simm.s32 @!p3 $0x0;
	s0 =	sadd.s32 @!p2 $0x64C8, s0  }
0x324: {  	[tilespmem:s0], [sflag:$0xA] =	stream.linear.gather @!p2 [hbm4b:s2+s5], s1, $0x38;
	[tilespmem:$0x1EC48] =	vst v63  }
0x325: {  	s1 =	sadd.s32 $0xFFFFFFFF, s22  }
0x326: {  	p2 =	sge.u32 s1, s13  }
0x327: {  	p3 =	sgt.s32 @!p2 s20, $0x13E80  }
0x328: {  	s0 =	smov.u32 s20;
	s2 =	sshra.s32 @!p2 s20, $0x1F;
	p3 =	por !p3, p2  }
0x329: {  	s2 =	sand.u32 @!p2 s2, s20;
	s0 =	simm.s32 @p3 $0x13E80  }
0x32a: {  	s0 =	ssub.s32 @!p2 s0, s2  }
0x32b: {  	s0 =	sadd.s32 @!p2 $0xFFFEC180, s0  }
0x32c: {  	s2 =	sshll.u32 @!p2 s0, $0x2  }
0x32d: {  	p3 =	sgt.s32 @!p2 s0, $0x17F;
	s0 =	ssub.s32 @!p2 $0x600, s2  }
0x32e: {  	p3 =	por !p3, p2;
	s0 =	sshrl.u32 @!p2 s0, $0x2  }
0x32f: {  	s5 =	simm.s32 @!p2 $0xA;
	s2 =	sand.u32 @!p2 $0x1, s1;
	s0 =	simm.s32 @!p3 $0x0  }
0x330: {  	s2 =	smul.u32 @!p2 $0x600, s2;
	_ =	swait.ge @!p2 [sflag:s5], s0  }
0x331: {  	s6 =	ssub.s32 @!p2 $0x0, s0;
	[sflag:s5] =	ssyncset.done @!p2 $0x0  }
0x332: {  	s2 =	sshrl.u32 @!p2 s2, $0x2;
	[sflag:s5] =	ssyncadd.s32 @!p2 s6;
	s5 =	sshrl.u32 @!p2 s20, $0x3  }
0x333: {  	s2 =	sadd.s32 @!p2 $0x6948, s2;
	s6 =	sand.u32 @!p2 $0x7, s20;
	s5 =	sadd.s32 @!p2 s5, s15  }
0x334: {  	[tilespmem:s2], [sflag:$0xB] =	stream.linear.gather @!p2 [hbm4b:s5+s6], s0, $0x38;
	[tilespmem:$0x1EC48] =	vst v63  }
0x335: {  	s0 =	ssub.s32 @!p2 $0x14000, s20  }
0x336: {  	p3 =	slt.s32 @!p2 s0, $0x1  }
0x337: {  	p3 =	por p2, p3  }
.Ltmp2:
0x338: {  	_ = 	snop;
	(pc) =	sbr.rel @p3 .LBB2_7-.Ltmp2, $1  }
0x339: {  	_ =	sdelay $0x3  }
0x33a: {  	s2 =	smulhi.u32 $0xAAAAAAAB, s1;
	_ =	sdelay $0x1  }
0x33b: {  	s2 =	sshrl.u32 s2, $0x1  }
0x33c: {  	s2 =	smul.u32 $0x3, s2;
	_ =	sdelay $0x1  }
0x33d: {  	s29 =	ssub.s32 s1, s2  }
0x33e: {  	s5 =	simm.s32 $0x1;
	s1 =	smul.u32 $0x600, s29  }
.Ltmp3:
0x33f: {  	s5 =	simm.s32 @!p0 $0x0;
	(pc) =	sbr.rel .LBB2_4-.Ltmp3, $4  }
0x340: {  	s30 =	smul.u32 $0x30000, s5  }
0x341: {  	p3 =	slt.s32 @!p2 s0, $0x180;
	s1 =	sshrl.u32 s1, $0x2  }
0x342: {  	p2 =	por !p3, p2;
	s2 =	sshrl.u32 s30, $0x2;
	s31 =	sadd.s32 $0x64C8, s1  }
0x343: {  	s24 =	simm.s32 $0x0;
	s0 =	simm.s32 @p2 $0x180;
	s1 =	sadd.s32 $0x6C48, s2;
	v1 =	vmov s31  }
.LBB2_3:
0x344: {  	p2 =	sge.s32 s24, s0  }
.Ltmp4:
0x345: {  	_ = 	snop;
	(pc) =	sbr.rel @p2 .LBB2_7-.Ltmp4, $2  }
0x346: {  	_ =	sdelay $0x2  }
0x347: {  	s1 =	sadd.s32 $0x800, s1  }
.LBB2_4:
0x348: {  	p2 =	sle.s32 s0, s24  }
.Ltmp5:
0x349: {  	_ = 	snop;
	(pc) =	sbr.rel @p2 .LBB2_3-.Ltmp5, $2  }
0x34a: {  	_ =	sdelay $0x2  }
0x34b: {  	s2 =	smov.u32 s24;
	s24 =	sadd.s32 $0x10, s24  }
0x34c: {  	s5 =	ssub.s32 s0, s2  }
0x34d: {  	p2 =	slt.s32 s5, $0x10  }
0x34e: {  	s5 =	simm.s32 @!p2 $0x10  }
0x34f: {  	v2 =	vmov s5  }
0x350: {  	vm0 =	vgt.s32 v2, v0;
	_ =	sdelay $0x5  }
0x351: {  	v2 =	vld.idx.msk [tilespmem:v1+s2+$0x0 ss:$0x1], vm0;
	_ =	sdelay $0x2  }
0x352: {  	s6 =	smov.u32 s0;
	p2 =	slt.s32 s24, s0  }
0x353: {  	s25 =	simm.s32 $0x0;
	s6 =	smov.u32 @p2 s24;
	s5 =	smov.u32 s1  }
.LBB2_6:
0x354: {  	(v2sf) =	vpush v2, s25;
	_ =	sdelay $0xc  }
0x355: {  	s25 =	sadd.s32 $0x1, s25  }
0x356: {  	s31 =	sadd.s32 s25, s2  }
0x357: {  	p2 =	slt.s32 s31, s6;
	s10 =	spop (v2sf)  }
.Ltmp6:
0x358: {  	s10 =	sshll.u32 s10, $0x4;
	(pc) =	sbr.rel @p2 .LBB2_6-.Ltmp6, $4  }
0x359: {  	s10 =	sand.u32 $0x1FFFFFF0, s10  }
0x35a: {  	s10 =	sadd.s32 s7, s10  }
0x35b: {  	[tilespmem:s5], [sflag:$0x9] =	stream.linear.gather [hbm4b:s10+s18], $0x20, $0x38;
	[tilespmem:$0x1EC48] =	vst v63  }
0x35c: {  	s5 =	sadd.s32 $0x80, s5  }
.Ltmp7:
0x35d: {  	_ = 	snop;
	(pc) =	sbr.rel .LBB2_3-.Ltmp7, $1  }
0x35e: {  	_ =	sdelay $0x3  }
.LBB2_7:
0x35f: {  	p2 =	slt.u32 s22, $0x2  }
.Ltmp8:
0x360: {  	_ = 	snop;
	(pc) =	sbr.rel @p2 .LBB2_25-.Ltmp8, $1  }
0x361: {  	_ =	sdelay $0x3  }
0x362: {  	p2 =	sgt.s32 s23, $0x13E80  }
0x363: {  	s0 =	smov.u32 s23;
	s1 =	sshra.s32 s23, $0x1F;
	s2 =	ssub.s32 $0x14000, s23  }
0x364: {  	s0 =	simm.s32 @!p2 $0x13E80;
	s1 =	sand.u32 s1, s23;
	p2 =	slt.s32 s2, $0x180  }
0x365: {  	s0 =	ssub.s32 s0, s1;
	s2 =	simm.s32 @!p2 $0x180  }
0x366: {  	s0 =	sadd.s32 $0xFFFEC180, s0;
	s11 =	sshll.u32 s2, $0x5  }
0x367: {  	s26 =	simm.s32 $0x9;
	s24 =	sshll.u32 s0, $0x2;
	s1 =	sand.u32 $0x3FFFFFE0, s11  }
0x368: {  	p2 =	sgt.s32 s0, $0x17F;
	s25 =	ssub.s32 $0x600, s24;
	_ =	swait.ge [sflag:s26], s1  }
0x369: {  	s1 =	ssub.s32 $0x0, s1;
	[sflag:s26] =	ssyncset.done $0x0;
	s0 =	sshrl.u32 s25, $0x2  }
0x36a: {  	[sflag:s26] =	ssyncadd.s32 s1;
	s0 =	simm.s32 @p2 $0x0  }
0x36b: {  	_ =	swait.ge [sflag:s12], s0  }
0x36c: {  	s0 =	ssub.s32 $0x0, s0;
	[sflag:s12] =	ssyncset.done $0x0  }
0x36d: {  	[sflag:s12] =	ssyncadd.s32 s0  }
0x36e: {  	v1 =	vld [tilespmem:$0x6088];
	_ =	sdelay $0x4  }
0x36f: {  	(v2sf) =	vpush v1, $0x0  }
0x370: {  	(v2sf) =	vpush v1, $0x1  }
0x371: {  	(v2sf) =	vpush v1, $0x2;
	_ =	sdelay $0x3  }
0x372: {  	s0 =	sadd.s32 $0x180, s23  }
0x373: {  	s1 =	ssub.s32 $0x28000, s23;
	p2 =	slt.s32 s9, s0  }
0x374: {  	s0 =	smov.u32 @p2 s9;
	p2 =	sgt.s32 s1, $0x0  }
0x375: {  	s28 =	ssub.s32 s0, s23;
	s1 =	simm.s32 @!p2 $0x0  }
0x376: {  	p2 =	slt.s32 s1, s28  }
0x377: {  	s28 =	smov.u32 @p2 s1  }
0x378: {  	s26 =	simm.s32 $0x1;
	p2 =	slt.s32 s28, $0x1  }
.Ltmp9:
0x379: {  	s26 =	simm.s32 @!p1 $0x0;
	(pc) =	sbr.rel @p2 .LBB2_12-.Ltmp9, $4  }
0x37a: {  	s30 =	smul.u32 $0x600, s26  }
0x37b: {  	s0 =	spop (v2sf)  }
0x37c: {  	s31 =	sshrl.u32 s30, $0x2;
	s29 =	spop (v2sf)  }
0x37d: {  	s24 =	sadd.s32 $0x6948, s31;
	s23 =	spop (v2sf)  }
0x37e: {  	s1 =	smin.u32 s28, $0x10  }
0x37f: {  	v1 =	vmov s1  }
0x380: {  	p3 =	sgt.s32 s28, $0x10;
	vm1 =	vgt.u32 v1, v0  }
.Ltmp10:
0x381: {  	_ = 	snop;
	(pc) =	sbr.rel @!p3 .LBB2_11-.Ltmp10, $2  }
0x382: {  	_ =	sdelay $0x2  }
0x383: {  	s2 =	simm.s32 $0x10;
	s25 =	sadd.s32 $0xFFFFFFF0, s28;
	s1 =	smov.u32 s24;
	vm0 =	vmmov vm1  }
.LBB2_10:
0x384: {  	s5 =	smin.u32 s25, $0x10;
	s2 =	sadd.s32 $0x10, s2;
	v1 =	vld.msk [tilespmem:s1+$0x0 ss:$0x1], vm1  }
0x385: {  	v2 =	vmov s5;
	p3 =	slt.s32 s2, s28  }
0x386: {  	vm1 =	vgt.u32 v2, v0  }
.Ltmp11:
0x387: {  	(pc) =	sbr.rel @p3 .LBB2_10-.Ltmp11, $3  }
0x388: {  	_ =	sdelay $0x1  }
0x389: {  	v1 =	vshll.u32 v1, $0x4  }
0x38a: {  	s25 =	sadd.s32 $0xFFFFFFF0, s25;
	[tilespmem:s1+$0x0] =	vst.msk vm0, v1;
	s1 =	sadd.s32 $0x10, s1;
	vm0 =	vmmov vm1  }
.LBB2_11:
0x38b: {  	_ =	sdelay $0x4  }
0x38c: {  	v1 =	vld.msk [tilespmem:s1+$0x0 ss:$0x1], vm1;
	_ =	sdelay $0x4  }
0x38d: {  	v1 =	vshll.u32 v1, $0x4  }
0x38e: {  	[tilespmem:s1+$0x0] =	vst.msk vm0, v1  }
.LBB2_12:
0x38f: {  	s1 =	sand.u32 $0x1, s22  }
0x390: {  	s1 =	smul.u32 $0x180, s1  }
0x391: {  	p3 =	sne.s32 s29, $0xFFFFFFFF  }
0x392: {  	v1 =	vld.msk @!p3 [tilespmem:s1+$0x6948], $0x1;
	_ =	sdelay $0x4  }
0x393: {  	(v2sf) =	vpush @!p3 v1, $0x0;
	_ =	sdelay $0xc  }
.Ltmp12:
0x394: {  	_ = 	snop;
	(pc) =	sbr.rel @p2 .LBB2_23-.Ltmp12, $4  }
0x395: {  	_ = 	snop  }
0x396: {  	s30 =	spop @!p3 (v2sf)  }
0x397: {  	s23 =	simm.s32 @!p3 $0x0;
	s25 =	smov.u32 s30  }
0x398: {  	[sflag:s19] =	ssyncpa.u1 $0x0;
	s30 =	smov.u32 @p3 s0;
	s25 =	smov.u32 @p3 s29  }
0x399: {  	v1 =	vld.msk [tilespmem:s24+$0x0], $0x1;
	_ =	sdelay $0x4  }
0x39a: {  	(v2sf) =	vpush v1, $0x0;
	_ =	sdelay $0xe  }
0x39b: {  	s0 =	smul.u32 $0x30000, s26;
	s1 =	spop (v2sf)  }
0x39c: {  	s28 =	ssub.s32 $0x0, s28;
	p2 =	seq.s32 s30, s1  }
0x39d: {  	s31 =	sadd.s32 $0x1, s28;
	s0 =	sshrl.u32 s0, $0x2;
	p3 =	sgt.s32 @!p2 s30, $0x0  }
0x39e: {  	s26 =	sadd.s32 $0x6C58, s0;
	s0 =	smov.u32 s30;
	p3 =	por !p3, p2  }
0x39f: {  	s0 =	simm.s32 @p3 $0x0;
	p3 =	seq.s32 s31, $0x0  }
.Ltmp13:
0x3a0: {  	_ = 	snop;
	(pc) =	sbr.rel @p3 .LBB2_15-.Ltmp13, $4  }
0x3a1: {  	_ = 	snop  }
0x3a2: {  	s29 =	simm.s32 $0x0;
	s2 =	simm.s32 @!p2 $0x1;
	s0 =	smin.u32 @!p2 s0, $0x27FFC  }
0x3a3: {  	s6 =	simm.s32 @!p2 $0x3068;
	s2 =	smov.u32 @p2 s29;
	s10 =	sand.u32 @!p2 $0x3FFF8, s0  }
0x3a4: {  	s5 =	sand.u32 @!p2 $0x7, s0;
	s0 =	sadd.s32 $0x1, s24;
	s10 =	sadd.s32 @!p2 s4, s10  }
.LBB2_14:
0x3a5: {  	s11 =	smov.u32 s2  }
0x3a6: {  	[tilespmem:s6], [sflag:$0x2] =	stream.linear.gather @!p2 [hbm4b:s10+s5], $0x20, $0x38;
	[tilespmem:$0x1EC48] =	vst v63  }
0x3a7: {  	s31 =	sadd.s32 $0x1, s31;
	s5 =	smov.u32 s1;
	v1 =	vld.msk [tilespmem:s0+$0x0], $0x1  }
0x3a8: {  	p3 =	seq.s32 s31, $0x0;
	_ =	sdelay $0x3  }
0x3a9: {  	(v2sf) =	vpush v1, $0x0;
	_ =	sdelay $0xe  }
0x3aa: {  	s1 =	spop (v2sf)  }
0x3ab: {  	p2 =	seq.s32 s5, s1  }
0x3ac: {  	p4 =	sgt.s32 @!p2 s5, $0x0;
	s6 =	sshll.u32 @!p2 s2, $0x7;
	s2 =	sadd.s32 @!p2 $0x1, s2  }
.Ltmp14:
0x3ad: {  	p4 =	por !p4, p2;
	s6 =	sshra.s32 @!p2 s6, $0x2;
	(pc) =	sbr.rel @!p3 .LBB2_14-.Ltmp14, $4  }
0x3ae: {  	s2 =	smov.u32 @p2 s11;
	s5 =	simm.s32 @p4 $0x0;
	s6 =	sadd.s32 @!p2 $0x3068, s6  }
0x3af: {  	s5 =	smin.u32 @!p2 s5, $0x27FFC  }
0x3b0: {  	s10 =	sand.u32 @!p2 $0x3FFF8, s5;
	s5 =	sand.u32 @!p2 $0x7, s5  }
0x3b1: {  	s0 =	sadd.s32 $0x1, s0;
	s10 =	sadd.s32 @!p2 s4, s10  }
.LBB2_15:
0x3b2: {  	[tilespmem:s6], [sflag:$0x2] =	stream.linear.gather @!p2 [hbm4b:s10+s5], $0x20, $0x38;
	[tilespmem:$0x1EC48] =	vst v63  }
.Ltmp15:
0x3b3: {  	s0 =	sshll.u32 s2, $0x5;
	(pc) =	sbr.rel .LBB2_16-.Ltmp15, $4  }
0x3b4: {  	s1 =	simm.s32 $0x2;
	s0 =	sand.u32 $0x3FFFFFE0, s0  }
0x3b5: {  	_ =	swait.ge [sflag:s1], s0  }
0x3b6: {  	s0 =	ssub.s32 $0x0, s0;
	[sflag:s1] =	ssyncset.done $0x0  }
0x3b7: {  	[sflag:s1] =	ssyncadd.s32 s0;
	s0 =	simm.s32 $0x0  }
.LBB2_17:
0x3b8: {  	v1 =	vld [tilespmem:s26+$0xFFFFFFF0];
	_ =	sdelay $0x4  }
0x3b9: {  	[tilespmem:s1+$0x48] =	vst.add.f32.msk $0xffff, v1  }
0x3ba: {  	v1 =	vld [tilespmem:s26+$0x0];
	_ =	sdelay $0x4  }
0x3bb: {  	[tilespmem:s1+$0x58] =	vst.add.f32.msk $0xffff, v1  }
.LBB2_21:
0x3bc: {  	s28 =	sadd.s32 $0x1, s28  }
0x3bd: {  	p2 =	seq.s32 s28, $0x0  }
.Ltmp16:
0x3be: {  	_ = 	snop;
	(pc) =	sbr.rel @p2 .LBB2_22-.Ltmp16, $2  }
0x3bf: {  	_ =	sdelay $0x2  }
0x3c0: {  	s26 =	sadd.s32 $0x80, s26;
	s24 =	sadd.s32 $0x1, s24;
	s30 =	smov.u32 s31  }
.LBB2_16:
0x3c1: {  	v1 =	vld.msk [tilespmem:s24+$0x0], $0x1;
	_ =	sdelay $0x4  }
0x3c2: {  	(v2sf) =	vpush v1, $0x0;
	_ =	sdelay $0xe  }
0x3c3: {  	s31 =	spop (v2sf)  }
0x3c4: {  	p2 =	sne.s32 s30, s31  }
.Ltmp17:
0x3c5: {  	_ = 	snop;
	(pc) =	sbr.rel @!p2 .LBB2_17-.Ltmp17, $3  }
0x3c6: {  	_ =	sdelay $0x1  }
0x3c7: {  	s1 =	sshll.u32 s23, $0x7  }
0x3c8: {  	s1 =	sshra.s32 s1, $0x2  }
0x3c9: {  	p2 =	seq.s32 s30, s25  }
.Ltmp18:
0x3ca: {  	_ = 	snop;
	(pc) =	sbr.rel @!p2 .LBB2_19-.Ltmp18, $1  }
0x3cb: {  	_ =	sdelay $0x3  }
.Ltmp19:
0x3cc: {  	s1 =	sadd.s32 $0x48, s1;
	(pc) =	sbr.rel .LBB2_20-.Ltmp19, $4  }
0x3cd: {  	[spmem:s16] =	stream.linear.scatter [tilespmem:s1], [sflag:$0x1], $0x20, $0x38;
	[tilespmem:$0x1EC48] =	vst v63  }
0x3ce: {  	_ =	swait.ge [sflag:s3], $0x20  }
0x3cf: {  	[sflag:s3] =	ssyncset.done $0x0  }
0x3d0: {  	[sflag:s3] =	ssyncadd.s32 $0xFFFFFFE0  }
.LBB2_19:
0x3d1: {  	s2 =	sshll.u32 s29, $0x7  }
0x3d2: {  	s2 =	sshra.s32 s2, $0x2  }
0x3d3: {  	v1 =	vld [tilespmem:s2+$0x3068];
	_ =	sdelay $0x4  }
0x3d4: {  	[tilespmem:s1+$0x48] =	vst.add.f32.msk $0xffff, v1  }
0x3d5: {  	v1 =	vld [tilespmem:s2+$0x3078];
	_ =	sdelay $0x2  }
0x3d6: {  	p2 =	sgt.u32 s30, $0x27FFC  }
0x3d7: {  	s2 =	sand.u32 @!p2 $0x3FFF8, s30  }
0x3d8: {  	s5 =	sadd.s32 $0x48, s1;
	[tilespmem:s1+$0x58] =	vst.add.f32.msk $0xffff, v1;
	s1 =	sadd.s32 @!p2 s4, s2;
	s2 =	sand.u32 @!p2 $0x7, s30  }
0x3d9: {  	[hbm4b:s1+s2] =	stream.linear.scatter @!p2 [tilespmem:s5], [sflag:$0xC], $0x20, $0x38;
	[tilespmem:$0x1EC48] =	vst v63  }
0x3da: {  	s1 =	simm.s32 $0x0  }
0x3db: {  	s1 =	simm.s32 @!p2 $0x80  }
0x3dc: {  	s0 =	sadd.s32 s1, s0  }
.LBB2_20:
0x3dd: {  	s1 =	sadd.s32 $0x1, s23  }
0x3de: {  	s2 =	smulhi.u32 $0xAAAAAAAB, s1;
	_ =	sdelay $0x1  }
0x3df: {  	v1 =	vld [tilespmem:s26+$0xFFFFFFF0];
	s2 =	sshrl.u32 s2, $0x8  }
0x3e0: {  	s2 =	smul.u32 $0x180, s2;
	_ =	sdelay $0x1  }
0x3e1: {  	s23 =	ssub.s32 s1, s2  }
0x3e2: {  	s1 =	sshll.u32 s23, $0x5  }
0x3e3: {  	[tilespmem:s1+$0x48] =	vst v1  }
0x3e4: {  	v1 =	vld [tilespmem:s26+$0x0]  }
.Ltmp20:
0x3e5: {  	_ = 	snop;
	(pc) =	sbr.rel .LBB2_21-.Ltmp20, $2  }
0x3e6: {  	_ =	sdelay $0x2  }
0x3e7: {  	s29 =	sadd.s32 $0x1, s29;
	[tilespmem:s1+$0x58] =	vst v1  }
.LBB2_23:
.Ltmp21:
0x3e8: {  	(pc) =	sbr.rel .LBB2_24-.Ltmp21, $4  }
0x3e9: {  	_ = 	snop  }
0x3ea: {  	s0 =	simm.s32 $0x2  }
0x3eb: {  	_ =	swait.ge [sflag:s0], $0x0  }
0x3ec: {  	s31 =	smov.u32 s30;
	[sflag:s0] =	ssyncset.done $0x0;
	s0 =	simm.s32 $0x0  }
.LBB2_26:
0x3ed: {  	_ =	sfence.sel $0x180000  }
0x3ee: {  	s0 =	simm.s32 $0x9;
	[bflag:$0x0] =	sbarrier.arrive $0xFFFF  }
0x3ef: {  	s24 =	simm.s32 $0xA;
	[sflag:s0] =	ssyncpa.u1 $0x1  }
0x3f0: {  	s25 =	simm.s32 $0xB;
	[sflag:s24] =	ssyncpa.u1 $0x1  }
0x3f1: {  	s26 =	simm.s32 $0x2;
	[sflag:s25] =	ssyncpa.u1 $0x1  }
0x3f2: {  	[sflag:s26] =	ssyncpa.u1 $0x1  }
0x3f3: {  	v0 =	vld [tilespmem:$0x6088];
	_ =	sdelay $0x4  }
0x3f4: {  	(v2sf) =	vpush v0, $0x0  }
0x3f5: {  	(v2sf) =	vpush v0, $0x1;
	_ =	sdelay $0x1  }
0x3f6: {  	(v2sf) =	vpush v0, $0x2;
	_ =	sdelay $0xb  }
0x3f7: {  	s0 =	spop (v2sf)  }
0x3f8: {  	s1 =	spop (v2sf)  }
0x3f9: {  	s2 =	smov.u32 s0;
	p0 =	sne.s32 s0, s1  }
0x3fa: {  	s3 =	spop (v2sf);
	s2 =	simm.s32 @!p0 $0xFFFFFFFF  }
0x3fb: {  	v2 =	vimm.s32 $0x1;
	v3 =	vlaneseq.u32;
	p0 =	seq.s32 s3, $0xFFFFFFFF;
	v1 =	vmov s2  }
0x3fc: {  	s14 =	stileid.u32;
	v0 =	vperm.xlane v0, v2;
	p1 =	sne.s32 @!p0 s0, s1;
	v1 =	vperm.xlane v1, v3  }
0x3fd: {  	vm0 =	vcmask $0x3F04;
	s6 =	simm.s32 $0x6088;
	s0 =	simm.s32 @!p0 $0x1;
	p1 =	por !p1, p0  }
0x3fe: {  	s2 =	sshll.u32 s14, $0x1;
	s1 =	sshll.u32 @!p0 s3, $0x7;
	s0 =	simm.s32 @p1 $0x0;
	v0 =	vsel vm0, v1, v0  }
0x3ff: {  	s5 =	sor.u32 $0x400, s2;
	s1 =	sshra.s32 @!p0 s1, $0x2;
	s0 =	sor.u32 @!p0 s0, s2;
	[tilespmem:$0x6088] =	vst v0  }
0x400: {  	[spmem:s5] =	stream.linear.scatter [tilespmem:s6], [sflag:$0x1], $0x2, $0x38;
	[tilespmem:$0x1EC48] =	vst v63  }
0x401: {  	s1 =	sadd.s32 @!p0 $0x48, s1;
	s0 =	sshll.u32 @!p0 s0, $0x5  }
0x402: {  	[spmem:s0] =	stream.linear.scatter @!p0 [tilespmem:s1], [sflag:$0x1], $0x20, $0x38;
	[tilespmem:$0x1EC48] =	vst v63  }
0x403: {  	s0 =	simm.s32 @!p0 $0x22  }
0x404: {  	s28 =	simm.s32 $0x1;
	s0 =	simm.s32 @p0 $0x2  }
0x405: {  	_ =	swait.ge [sflag:s28], s0  }
0x406: {  	s0 =	ssub.s32 $0x0, s0;
	[sflag:s28] =	ssyncset.done $0x0  }
0x407: {  	p0 =	sne.s32 s14, $0x0;
	[sflag:s28] =	ssyncadd.s32 s0  }
.Ltmp22:
0x408: {  	_ =	sfence.stream.spmem;
	(pc) =	sbr.rel @p0 .LBB2_43-.Ltmp22, $4  }
0x409: {  	s29 =	simm.s32 $0x3;
	[bflag:$0x0] =	sbarrier.arrive $0xFFFF  }
0x40a: {  	s30 =	simm.s32 $0x4;
	[sflag:s29] =	ssyncpa.u1 $0x1  }
0x40b: {  	s31 =	simm.s32 $0x3C;
	[sflag:s30] =	ssyncpa.u1 $0x1  }
0x40c: {  	s15 =	rddreg [dreg:$0x4];
	[sflag:s31] =	ssyncpa.u1 $0x1  }
0x40d: {  	_ =	sfence.stream.spmem;
	s0 =	simm.s32 $0x5  }
0x40e: {  	s1 =	simm.s32 $0x400;
	s2 =	simm.s32 $0x6098;
	[sflag:s0] =	ssyncpa.u1 $0x0  }
0x40f: {  	[tilespmem:s2], [sflag:$0x5] =	stream.linear.gather [spmem:s1], $0x20, $0x38;
	[tilespmem:$0x1EC48] =	vst v63  }
0x410: {  	s26 =	simm.s32 $0x0;
	s28 =	simm.s32 $0x60B8  }
0x411: {  	[tilespmem:s28], [sflag:$0x5] =	stream.linear.gather [spmem:s26], $0x400, $0x38;
	[tilespmem:$0x1EC48] =	vst v63  }
0x412: {  	_ =	swait.ge [sflag:s0], $0x420  }
0x413: {  	[sflag:s0] =	ssyncset.done $0x0  }
0x414: {  	s29 =	simm.s32 $0x0;
	[sflag:s0] =	ssyncadd.s32 $0xFFFFFBE0  }
0x415: {  	v0 =	vld.msk [tilespmem:s29+$0x6098], $0x1;
	_ =	sdelay $0x1  }
0x416: {  	s30 =	simm.s32 $0x1  }
0x417: {  	v1 =	vld.msk [tilespmem:s30+$0x6098], $0x1;
	_ =	sdelay $0x1  }
0x418: {  	(v2sf) =	vpush v0, $0x0;
	_ =	sdelay $0x2  }
0x419: {  	(v2sf) =	vpush v1, $0x0;
	_ =	sdelay $0x2  }
0x41a: {  	s31 =	simm.s32 $0x2  }
0x41b: {  	v0 =	vld.msk [tilespmem:s31+$0x6098], $0x1;
	_ =	sdelay $0x2  }
0x41c: {  	s1 =	simm.s32 $0xFFFFFFFF;
	s2 =	simm.s32 $0xFFFFFFFF;
	s0 =	simm.s32 $0xC  }
.LBB2_28:
0x41d: {  	s3 =	smov.u32 s2;
	s5 =	smov.u32 s1  }
0x41e: {  	s1 =	sshra.s32 s0, $0x2;
	p1 =	sne.s32 s0, $0x7C;
	s0 =	sadd.s32 $0x4, s0;
	(v2sf) =	vpush v0, $0x0  }
0x41f: {  	v0 =	vld.msk [tilespmem:s1+$0x6098], $0x1  }
.Ltmp23:
0x420: {  	(pc) =	sbr.rel @p1 .LBB2_28-.Ltmp23, $4  }
0x421: {  	s2 =	spop (v2sf)  }
0x422: {  	p2 =	sne.s32 s5, $0xFFFFFFFF;
	s1 =	smov.u32 s2  }
0x423: {  	p3 =	seq.s32 s2, $0xFFFFFFFF;
	s1 =	smov.u32 @p2 s5  }
0x424: {  	s2 =	smov.u32 @p3 s3;
	s1 =	smov.u32 @p3 s5  }
0x425: {  	(v2sf) =	vpush v0, $0x0;
	_ =	sdelay $0x8  }
0x426: {  	s0 =	spop (v2sf)  }
0x427: {  	p1 =	sne.s32 s1, $0xFFFFFFFF;
	s3 =	smov.u32 s0  }
0x428: {  	s9 =	simm.s32 $0x6;
	p2 =	seq.s32 s0, $0xFFFFFFFF;
	s3 =	smov.u32 @p1 s1  }
0x429: {  	s10 =	simm.s32 $0x6068;
	s3 =	smov.u32 @p2 s1;
	s1 =	spop (v2sf)  }
0x42a: {  	s0 =	smov.u32 @p2 s2;
	p1 =	sne.s32 s3, $0xFFFFFFFF;
	s5 =	smov.u32 s1  }
.Ltmp24:
0x42b: {  	p2 =	seq.s32 s1, $0xFFFFFFFF;
	s5 =	smov.u32 @p1 s3;
	(pc) =	sbr.rel .LBB2_30-.Ltmp24, $4  }
0x42c: {  	s11 =	simm.s32 $0x0;
	s5 =	smov.u32 @p2 s3;
	s7 =	spop (v2sf)  }
0x42d: {  	[sflag:s9] =	ssyncpa.u1 $0x0;
	p1 =	sne.s32 s5, $0xFFFFFFFF;
	s8 =	smov.u32 s7  }
0x42e: {  	s1 =	smov.u32 @p2 s0;
	p2 =	seq.s32 s7, $0xFFFFFFFF;
	s8 =	smov.u32 @p1 s5  }
0x42f: {  	s3 =	simm.s32 $0x0;
	s7 =	smov.u32 @p2 s1;
	s8 =	smov.u32 @p2 s5  }
.LBB2_36:
0x430: {  	p1 =	sgt.u32 s12, $0x27FFC  }
0x431: {  	p2 =	seq.s32 @!p1 s12, s8  }
0x432: {  	p1 =	por p1, p2  }
0x433: {  	p2 =	sne.s32 @!p1 s12, s7  }
0x434: {  	p1 =	por p1, !p2  }
0x435: {  	s0 =	sshll.u32 @p1 s11, $0x7  }
0x436: {  	s0 =	sand.u32 @!p1 $0x3FFF8, s12  }
0x437: {  	s1 =	sand.u32 @!p1 $0x7, s12;
	s0 =	sadd.s32 @!p1 s4, s0  }
0x438: {  	[tilespmem:s10], [sflag:$0x6] =	stream.linear.gather @!p1 [hbm4b:s0+s1], $0x20, $0x38;
	[tilespmem:$0x1EC48] =	vst v63  }
0x439: {  	_ =	swait.ge @!p1 [sflag:s9], $0x20  }
0x43a: {  	[sflag:s9] =	ssyncset.done @!p1 $0x0  }
0x43b: {  	[sflag:s9] =	ssyncadd.s32 @!p1 $0xFFFFFFE0  }
0x43c: {  	v1 =	vld @!p1 [tilespmem:$0x6068];
	_ =	sdelay $0x2  }
0x43d: {  	s0 =	sshll.u32 @!p1 s11, $0x7  }
0x43e: {  	s1 =	sshrl.u32 @!p1 s0, $0x2  }
0x43f: {  	[tilespmem:s1+$0x60B8] =	vst.add.f32.msk @!p1 $0xffff, v1  }
0x440: {  	v1 =	vld @!p1 [tilespmem:$0x6078];
	_ =	sdelay $0x4  }
0x441: {  	[tilespmem:s1+$0x60C8] =	vst.add.f32.msk @!p1 $0xffff, v1  }
0x442: {  	s0 =	sshrl.u32 s0, $0x2;
	[tilespmem:s3+$0x6098] =	vst.msk $0x1, v0  }
0x443: {  	v0 =	vld [tilespmem:s0+$0x60B8];
	_ =	sdelay $0x2  }
0x444: {  	s31 =	sshll.u32 s3, $0x7  }
0x445: {  	s1 =	sshra.s32 s31, $0x2  }
0x446: {  	[tilespmem:s1+$0x60B8] =	vst v0  }
0x447: {  	v0 =	vld [tilespmem:s0+$0x60C8];
	_ =	sdelay $0x4  }
0x448: {  	s3 =	sadd.s32 $0x1, s3;
	[tilespmem:s1+$0x60C8] =	vst v0  }
.LBB2_37:
0x449: {  	s11 =	sadd.s32 $0x1, s11  }
0x44a: {  	p1 =	sne.s32 s11, $0x20  }
.Ltmp25:
0x44b: {  	_ = 	snop;
	(pc) =	sbr.rel @!p1 .LBB2_38-.Ltmp25, $1  }
0x44c: {  	_ =	sdelay $0x3  }
.LBB2_30:
0x44d: {  	v0 =	vld.msk [tilespmem:s11+$0x6098], $0x1;
	_ =	sdelay $0x4  }
0x44e: {  	(v2sf) =	vpush v0, $0x0;
	_ =	sdelay $0xe  }
0x44f: {  	s12 =	spop (v2sf)  }
0x450: {  	p1 =	seq.s32 s12, $0xFFFFFFFF  }
.Ltmp26:
0x451: {  	_ = 	snop;
	(pc) =	sbr.rel @p1 .LBB2_37-.Ltmp26, $1  }
0x452: {  	_ =	sdelay $0x3  }
0x453: {  	p1 =	slt.s32 s3, $0x1  }
.Ltmp27:
0x454: {  	_ = 	snop;
	(pc) =	sbr.rel @p1 .LBB2_36-.Ltmp27, $1  }
0x455: {  	_ =	sdelay $0x3  }
0x456: {  	s0 =	simm.s32 $0x6098;
	p1 =	por $0x0, $0x0  }
0x457: {  	v1 =	vld.msk @!p1 [tilespmem:s0+$0x0], $0x1;
	_ =	sdelay $0x4  }
0x458: {  	(v2sf) =	vpush @!p1 v1, $0x0;
	_ =	sdelay $0xd  }
0x459: {  	p3 =	sne.s32 s3, $0x1  }
.Ltmp28:
0x45a: {  	s1 =	spop @!p1 (v2sf);
	(pc) =	sbr.rel @!p3 .LBB2_34-.Ltmp28, $4  }
0x45b: {  	p2 =	seq.s32 @!p1 s12, s1  }
0x45c: {  	s13 =	simm.s32 $0x0;
	p2 =	por !p2, p1  }
0x45d: {  	s2 =	simm.s32 $0xFFFFFFFF;
	s13 =	simm.s32 @p2 $0xFFFFFFFF  }
0x45e: {  	s1 =	simm.s32 $0x1;
	s13 =	smov.u32 @p1 s2  }
.LBB2_33:
0x45f: {  	s2 =	smov.u32 s13;
	p1 =	sne.s32 s13, $0xFFFFFFFF  }
0x460: {  	s0 =	sadd.s32 $0x1, s0;
	s13 =	smov.u32 s1;
	s1 =	sadd.s32 $0x1, s1  }
0x461: {  	p2 =	sne.s32 s3, s1;
	v1 =	vld.msk @!p1 [tilespmem:s0+$0x0], $0x1;
	_ =	sdelay $0x4  }
0x462: {  	(v2sf) =	vpush @!p1 v1, $0x0;
	_ =	sdelay $0xe  }
.Ltmp29:
0x463: {  	s5 =	spop @!p1 (v2sf);
	(pc) =	sbr.rel @p2 .LBB2_33-.Ltmp29, $4  }
0x464: {  	p3 =	seq.s32 @!p1 s12, s5  }
0x465: {  	p3 =	por !p3, p1  }
0x466: {  	s13 =	simm.s32 @p3 $0xFFFFFFFF  }
0x467: {  	s13 =	smov.u32 @p1 s2  }
.LBB2_34:
0x468: {  	p1 =	seq.s32 s13, $0xFFFFFFFF  }
.Ltmp30:
0x469: {  	_ = 	snop;
	(pc) =	sbr.rel @p1 .LBB2_36-.Ltmp30, $1  }
0x46a: {  	_ =	sdelay $0x3  }
0x46b: {  	s0 =	sshll.u32 s11, $0x5  }
0x46c: {  	s0 =	sand.u32 $0x3FFFFFE0, s0  }
0x46d: {  	v0 =	vld [tilespmem:s0+$0x60B8];
	_ =	sdelay $0x2  }
0x46e: {  	s1 =	sshll.u32 s13, $0x7  }
0x46f: {  	s1 =	sshra.s32 s1, $0x2  }
0x470: {  	[tilespmem:s1+$0x60B8] =	vst.add.f32.msk $0xffff, v0  }
0x471: {  	v0 =	vld [tilespmem:s0+$0x60C8]  }
.Ltmp31:
0x472: {  	_ = 	snop;
	(pc) =	sbr.rel .LBB2_37-.Ltmp31, $2  }
0x473: {  	_ =	sdelay $0x2  }
0x474: {  	[tilespmem:s1+$0x60C8] =	vst.add.f32.msk $0xffff, v0  }
.LBB2_38:
0x475: {  	s0 =	simm.s32 $0x6;
	p1 =	seq.s32 s3, $0x0  }
0x476: {  	[sflag:s0] =	ssyncpa.u1 $0x1;
	v0 =	vimm.s32 @p1 $0xFFFFFFFF  }
0x477: {  	s9 =	sadd.s32 $0xFFFFFFFF, s3;
	[tilespmem:$0x64B8] =	vst @p1 v0  }
0x478: {  	v0 =	vld.msk @!p1 [tilespmem:s9+$0x6098], $0x1;
	_ =	sdelay $0x1  }
0x479: {  	v1 =	vld.msk @!p1 [tilespmem:$0x6098], $0x1;
	_ =	sdelay $0x2  }
0x47a: {  	p2 =	seq.s32 @!p1 s9, $0x0;
	v0 =	vbroadcast @!p1 v0, $0x0  }
0x47b: {  	vm0 =	vmmov @!p1 $0x1;
	p2 =	por !p2, p1  }
0x47c: {  	v1 =	vnsel @!p1 vm0, $0xFFFFFFFF, v1;
	vm0 =	vcmask @!p1 $0x308;
	v0 =	vpsel !p2, $0xFFFFFFFF, v0  }
0x47d: {  	p2 =	sne.s32 @!p1 s8, s7;
	v0 =	vsel @!p1 vm0, v1, v0  }
0x47e: {  	s0 =	simm.s32 @!p1 $0x60B8;
	s1 =	simm.s32 @!p1 $0x0;
	p3 =	por !p2, p1;
	[tilespmem:$0x64B8] =	vst @!p1 v0  }
0x47f: {  	[spmem:s1] =	stream.linear.scatter @!p1 [tilespmem:s0], [sflag:$0x1], $0x20, $0x38;
	[tilespmem:$0x1EC48] =	vst v63  }
0x480: {  	s0 =	sshll.u32 @!p3 s9, $0x7  }
0x481: {  	s0 =	sshra.s32 @!p3 s0, $0x2  }
0x482: {  	s1 =	simm.s32 @!p3 $0x20;
	s0 =	sadd.s32 @!p3 $0x60B8, s0  }
0x483: {  	[spmem:s1] =	stream.linear.scatter @!p3 [tilespmem:s0], [sflag:$0x1], $0x20, $0x38;
	[tilespmem:$0x1EC48] =	vst v63  }
0x484: {  	s0 =	simm.s32 @!p3 $0x1  }
0x485: {  	_ =	swait.ge @!p3 [sflag:s0], $0x40  }
0x486: {  	p1 =	por p2, p1;
	[sflag:s0] =	ssyncset.done @!p3 $0x0  }
0x487: {  	[sflag:s0] =	ssyncadd.s32 @!p3 $0xFFFFFFC0;
	s0 =	simm.s32 @!p1 $0x1  }
0x488: {  	_ =	swait.ge @!p1 [sflag:s0], $0x20  }
0x489: {  	s29 =	simm.s32 $0x64B8;
	[sflag:s0] =	ssyncset.done @!p1 $0x0  }
0x48a: {  	s30 =	simm.s32 $0x400;
	s31 =	simm.s32 $0x1;
	[sflag:s0] =	ssyncadd.s32 @!p1 $0xFFFFFFE0  }
0x48b: {  	[spmem:s30] =	stream.linear.scatter [tilespmem:s29], [sflag:$0x1], $0x10, $0x38;
	[tilespmem:$0x1EC48] =	vst v63  }
0x48c: {  	_ =	swait.ge [sflag:s31], $0x10  }
0x48d: {  	[sflag:s31] =	ssyncset.done $0x0  }
0x48e: {  	p1 =	seq.s32 s15, $0x0;
	s8 =	rddreg [dreg:$0x1];
	[sflag:s31] =	ssyncadd.s32 $0xFFFFFFF0  }
0x48f: {  	s1 =	sshll.u32 @p1 s8, $0xE;
	s7 =	rddreg [dreg:$0x2]  }
0x490: {  	s0 =	sadd.s32 @p1 $0x15C3C, s1;
	s1 =	sshll.u32 @p1 s7, $0x11  }
0x491: {  	_ =	sfence.stream.spmem;
	s0 =	sor.u32 @p1 s1, s0  }
0x492: {  	[sflag:s0] =	ssyncadd.remote.s32 @p1 $0x1;
	s0 =	simm.s32 @p1 $0x4  }
0x493: {  	s2 =	simm.s32 @!p1 $0x3C;
	s1 =	sand.u32 $0xFFFFFFFE, s8;
	_ =	swait.ge @p1 [sflag:s0], $0xA  }
0x494: {  	s5 =	simm.s32 @!p1 $0x0;
	s1 =	sadd.s32 @!p1 $0x4, s1;
	[sflag:s0] =	ssyncset.done @p1 $0x0  }
0x495: {  	s6 =	simm.s32 @!p1 $0x40;
	[sflag:s0] =	ssyncadd.s32 @p1 $0xFFFFFFF6;
	s0 =	sshll.u32 @!p1 s1, $0x1A  }
0x496: {  	s1 =	sshll.u32 @!p1 s1, $0xD;
	s0 =	sor.u32 @!p1 s0, s7;
	_ =	swait.eq @!p1 [sflag:s2], $0x1  }
0x497: {  	s1 =	sor.u32 @!p1 $0x1C04, s1;
	s2 =	simm.s32 @!p1 $0x1C03;
	s0 =	sor.u32 @!p1 $0x80004000, s0  }
0x498: {  	[spmem:s6], [sflag:s1] =	dma.general @!p1 [spmem:s5], [sflag:s2], length:$0x8, [dreg:$0x0], stride_count:$0x0, ici_dest:s0, dma_misc:DstOpCode:WRITE  }
0x499: {  	p2 =	slt.s32 s9, $0x2;
	s5 =	simm.s32 @!p1 $0x80;
	s6 =	simm.s32 @!p1 $0x82  }
0x49a: {  	[spmem:s6], [sflag:s1] =	dma.general @!p1 [spmem:s5], [sflag:s2], length:$0x2, [dreg:$0x0], stride_count:$0x0, ici_dest:s0, dma_misc:DstOpCode:WRITE  }
.Ltmp32:
0x49b: {  	s0 =	simm.s32 @!p1 $0x3;
	(pc) =	sbr.rel @p2 .LBB2_42-.Ltmp32, $4  }
0x49c: {  	s1 =	sshll.u32 @!p1 s8, $0xE;
	_ =	swait.ge @!p1 [sflag:s0], $0xA  }
0x49d: {  	s2 =	sshll.u32 @!p1 s7, $0x11;
	s1 =	sadd.s32 @!p1 $0x11C3C, s1;
	[sflag:s0] =	ssyncset.done @!p1 $0x0  }
0x49e: {  	[sflag:s0] =	ssyncadd.s32 @!p1 $0xFFFFFFF6;
	s0 =	sor.u32 @!p1 s2, s1  }
0x49f: {  	[sflag:s0] =	ssyncadd.remote.s32 @!p1 $0xFFFFFFFF;
	s0 =	simm.s32 $0x0  }
0x4a0: {  	s0 =	simm.s32 $0x6099  }
0x4a1: {  	v0 =	vld.msk [tilespmem:s0+$0x0], $0x1;
	_ =	sdelay $0x4  }
0x4a2: {  	(v2sf) =	vpush v0, $0x0;
	_ =	sdelay $0xc  }
0x4a3: {  	s1 =	sadd.s32 $0xFFFFFFFE, s3  }
0x4a4: {  	s1 =	sadd.s32 $0xFFFFFFFF, s1  }
0x4a5: {  	p2 =	sne.s32 s1, $0x0;
	s2 =	spop (v2sf)  }
.Ltmp33:
0x4a6: {  	p1 =	sgt.u32 s2, $0x27FFC;
	(pc) =	sbr.rel @!p2 .LBB2_41-.Ltmp33, $4  }
0x4a7: {  	s6 =	simm.s32 $0x0;
	s3 =	sand.u32 @!p1 $0x3FFF8, s2  }
0x4a8: {  	s0 =	simm.s32 $0x60D8;
	s2 =	sand.u32 @!p1 $0x7, s2;
	s3 =	sadd.s32 @!p1 s4, s3  }
0x4a9: {  	[hbm4b:s3+s2] =	stream.linear.scatter @!p1 [tilespmem:s0], [sflag:$0x5], $0x20, $0x38;
	[tilespmem:$0x1EC48] =	vst v63  }
0x4aa: {  	s6 =	simm.s32 @!p1 $0x80;
	s2 =	simm.s32 $0x0;
	s3 =	simm.s32 $0x609A  }
.LBB2_40:
0x4ab: {  	v0 =	vld.msk [tilespmem:s3+$0x0], $0x1;
	s1 =	sadd.s32 $0xFFFFFFFF, s1;
	s2 =	sadd.s32 s2, s6  }
0x4ac: {  	p1 =	sne.s32 s1, $0x0;
	_ =	sdelay $0x3  }
0x4ad: {  	(v2sf) =	vpush v0, $0x0;
	_ =	sdelay $0xe  }
.Ltmp34:
0x4ae: {  	s5 =	spop (v2sf);
	(pc) =	sbr.rel @p1 .LBB2_40-.Ltmp34, $4  }
0x4af: {  	s6 =	simm.s32 $0x0;
	p2 =	sgt.u32 s5, $0x27FFC  }
0x4b0: {  	s0 =	sadd.s32 $0x20, s0;
	s6 =	simm.s32 @!p2 $0x80;
	s7 =	sand.u32 @!p2 $0x3FFF8, s5  }
0x4b1: {  	s3 =	sadd.s32 $0x1, s3;
	s5 =	sand.u32 @!p2 $0x7, s5;
	s7 =	sadd.s32 @!p2 s4, s7  }
0x4b2: {  	[hbm4b:s7+s5] =	stream.linear.scatter @!p2 [tilespmem:s0], [sflag:$0x5], $0x20, $0x38;
	[tilespmem:$0x1EC48] =	vst v63  }
.LBB2_41:
0x4b3: {  	s0 =	sadd.s32 s2, s6  }
0x4b4: {  	s0 =	sshrl.u32 s0, $0x2  }
.LBB2_42:
0x4b5: {  	s1 =	simm.s32 $0x5  }
0x4b6: {  	_ =	swait.ge [sflag:s1], s0  }
0x4b7: {  	s31 =	ssub.s32 $0x0, s0;
	[sflag:s1] =	ssyncset.done $0x0  }
0x4b8: {  	[sflag:s1] =	ssyncadd.s32 s31  }
0x4b9: {  	[sflag:s1] =	ssyncpa.u1 $0x1  }
.LBB2_43:
0x4ba: {  	s0 =	sor.u32 s15, s14  }
0x4bb: {  	p1 =	sne.s32 s0, $0x0  }
.Ltmp35:
0x4bc: {  	_ = 	snop;
	(pc) =	sbr.rel @p1 .LBB2_58-.Ltmp35, $3  }
0x4bd: {  	_ =	sdelay $0x1  }
0x4be: {  	[bflag:$0x0] =	sbarrier.arrive $0xFFFF  }
0x4bf: {  	_ =	sfence  }
0x4c0: {  	s0 =	simm.s32 $0x7  }
0x4c1: {  	s1 =	simm.s32 $0x400;
	s2 =	simm.s32 $0x6098;
	[sflag:s0] =	ssyncpa.u1 $0x0  }
0x4c2: {  	[tilespmem:s2], [sflag:$0x7] =	stream.linear.gather [spmem:s1], $0x20, $0x38;
	[tilespmem:$0x1EC48] =	vst v63  }
0x4c3: {  	s30 =	simm.s32 $0x60B8;
	s1 =	simm.s32 $0x0  }
0x4c4: {  	[tilespmem:s30], [sflag:$0x7] =	stream.linear.gather [spmem:s1], $0x400, $0x38;
	[tilespmem:$0x1EC48] =	vst v63  }
.Ltmp36:
0x4c5: {  	_ = 	snop;
	(pc) =	sbr.rel .LBB2_45-.Ltmp36, $4  }
0x4c6: {  	_ =	swait.ge [sflag:s0], $0x420  }
0x4c7: {  	[sflag:s0] =	ssyncset.done $0x0  }
0x4c8: {  	s31 =	simm.s32 $0x8;
	[sflag:s0] =	ssyncadd.s32 $0xFFFFFBE0  }
0x4c9: {  	s2 =	simm.s32 $0x0;
	[sflag:s31] =	ssyncpa.u1 $0x0  }
.LBB2_51:
0x4ca: {  	p1 =	slt.u32 s3, $0x27FFD  }
0x4cb: {  	s0 =	sand.u32 @p1 $0x3FFF8, s3  }
0x4cc: {  	s3 =	sand.u32 @p1 $0x7, s3;
	s5 =	simm.s32 @p1 $0x6068;
	s0 =	sadd.s32 @p1 s4, s0  }
0x4cd: {  	[tilespmem:s5], [sflag:$0x8] =	stream.linear.gather @p1 [hbm4b:s0+s3], $0x20, $0x38;
	[tilespmem:$0x1EC48] =	vst v63  }
0x4ce: {  	s0 =	simm.s32 @p1 $0x8  }
0x4cf: {  	_ =	swait.ge @p1 [sflag:s0], $0x20  }
0x4d0: {  	[sflag:s0] =	ssyncset.done @p1 $0x0  }
0x4d1: {  	[sflag:s0] =	ssyncadd.s32 @p1 $0xFFFFFFE0  }
0x4d2: {  	v1 =	vld @p1 [tilespmem:$0x6068];
	_ =	sdelay $0x2  }
0x4d3: {  	s0 =	sshll.u32 @p1 s2, $0x7  }
0x4d4: {  	s3 =	sshrl.u32 @p1 s0, $0x2  }
0x4d5: {  	[tilespmem:s3+$0x60B8] =	vst.add.f32.msk @p1 $0xffff, v1  }
0x4d6: {  	v1 =	vld @p1 [tilespmem:$0x6078];
	_ =	sdelay $0x3  }
0x4d7: {  	s5 =	sshll.u32 @!p1 s2, $0x7  }
0x4d8: {  	s5 =	smov.u32 @p1 s0;
	[tilespmem:s3+$0x60C8] =	vst.add.f32.msk @p1 $0xffff, v1  }
0x4d9: {  	s0 =	sshrl.u32 s5, $0x2;
	[tilespmem:s1+$0x6098] =	vst.msk $0x1, v0  }
0x4da: {  	v0 =	vld [tilespmem:s0+$0x60B8];
	_ =	sdelay $0x2  }
0x4db: {  	s31 =	sshll.u32 s1, $0x7  }
0x4dc: {  	s3 =	sshra.s32 s31, $0x2  }
0x4dd: {  	[tilespmem:s3+$0x60B8] =	vst v0  }
0x4de: {  	v0 =	vld [tilespmem:s0+$0x60C8];
	_ =	sdelay $0x4  }
0x4df: {  	s1 =	sadd.s32 $0x1, s1;
	[tilespmem:s3+$0x60C8] =	vst v0  }
.LBB2_52:
0x4e0: {  	s2 =	sadd.s32 $0x1, s2  }
0x4e1: {  	p1 =	sne.s32 s2, $0x20  }
.Ltmp37:
0x4e2: {  	_ = 	snop;
	(pc) =	sbr.rel @!p1 .LBB2_53-.Ltmp37, $1  }
0x4e3: {  	_ =	sdelay $0x3  }
.LBB2_45:
0x4e4: {  	v0 =	vld.msk [tilespmem:s2+$0x6098], $0x1;
	_ =	sdelay $0x4  }
0x4e5: {  	(v2sf) =	vpush v0, $0x0;
	_ =	sdelay $0xe  }
0x4e6: {  	s3 =	spop (v2sf)  }
0x4e7: {  	p1 =	seq.s32 s3, $0xFFFFFFFF  }
.Ltmp38:
0x4e8: {  	_ = 	snop;
	(pc) =	sbr.rel @p1 .LBB2_52-.Ltmp38, $1  }
0x4e9: {  	_ =	sdelay $0x3  }
0x4ea: {  	p1 =	slt.s32 s1, $0x1  }
.Ltmp39:
0x4eb: {  	_ = 	snop;
	(pc) =	sbr.rel @p1 .LBB2_51-.Ltmp39, $1  }
0x4ec: {  	_ =	sdelay $0x3  }
0x4ed: {  	s0 =	simm.s32 $0x6098;
	p1 =	por $0x0, $0x0  }
0x4ee: {  	v1 =	vld.msk @!p1 [tilespmem:s0+$0x0], $0x1;
	_ =	sdelay $0x4  }
0x4ef: {  	(v2sf) =	vpush @!p1 v1, $0x0;
	_ =	sdelay $0xd  }
0x4f0: {  	p3 =	sne.s32 s1, $0x1  }
.Ltmp40:
0x4f1: {  	s5 =	spop @!p1 (v2sf);
	(pc) =	sbr.rel @!p3 .LBB2_49-.Ltmp40, $4  }
0x4f2: {  	p2 =	seq.s32 @!p1 s3, s5  }
0x4f3: {  	s5 =	simm.s32 $0x0;
	p2 =	por !p2, p1  }
0x4f4: {  	s7 =	simm.s32 $0xFFFFFFFF;
	s5 =	simm.s32 @p2 $0xFFFFFFFF  }
0x4f5: {  	s6 =	simm.s32 $0x1;
	s5 =	smov.u32 @p1 s7  }
.LBB2_48:
0x4f6: {  	s7 =	smov.u32 s5;
	p1 =	sne.s32 s5, $0xFFFFFFFF  }
0x4f7: {  	s0 =	sadd.s32 $0x1, s0;
	s5 =	smov.u32 s6;
	s6 =	sadd.s32 $0x1, s6  }
0x4f8: {  	p2 =	sne.s32 s1, s6;
	v1 =	vld.msk @!p1 [tilespmem:s0+$0x0], $0x1;
	_ =	sdelay $0x4  }
0x4f9: {  	(v2sf) =	vpush @!p1 v1, $0x0;
	_ =	sdelay $0xe  }
.Ltmp41:
0x4fa: {  	s8 =	spop @!p1 (v2sf);
	(pc) =	sbr.rel @p2 .LBB2_48-.Ltmp41, $4  }
0x4fb: {  	p3 =	seq.s32 @!p1 s3, s8  }
0x4fc: {  	p3 =	por !p3, p1  }
0x4fd: {  	s5 =	simm.s32 @p3 $0xFFFFFFFF  }
0x4fe: {  	s5 =	smov.u32 @p1 s7  }
.LBB2_49:
0x4ff: {  	p1 =	seq.s32 s5, $0xFFFFFFFF  }
.Ltmp42:
0x500: {  	_ = 	snop;
	(pc) =	sbr.rel @p1 .LBB2_51-.Ltmp42, $1  }
0x501: {  	_ =	sdelay $0x3  }
0x502: {  	s0 =	sshll.u32 s2, $0x5  }
0x503: {  	s0 =	sand.u32 $0x3FFFFFE0, s0  }
0x504: {  	v0 =	vld [tilespmem:s0+$0x60B8];
	_ =	sdelay $0x2  }
0x505: {  	s3 =	sshll.u32 s5, $0x7  }
0x506: {  	s3 =	sshra.s32 s3, $0x2  }
0x507: {  	[tilespmem:s3+$0x60B8] =	vst.add.f32.msk $0xffff, v0  }
0x508: {  	v0 =	vld [tilespmem:s0+$0x60C8]  }
.Ltmp43:
0x509: {  	_ = 	snop;
	(pc) =	sbr.rel .LBB2_52-.Ltmp43, $2  }
0x50a: {  	_ =	sdelay $0x2  }
0x50b: {  	[tilespmem:s3+$0x60C8] =	vst.add.f32.msk $0xffff, v0  }
.LBB2_53:
0x50c: {  	p1 =	slt.s32 s1, $0x1  }
.Ltmp44:
0x50d: {  	_ = 	snop;
	(pc) =	sbr.rel @p1 .LBB2_57-.Ltmp44, $3  }
0x50e: {  	_ =	sdelay $0x1  }
0x50f: {  	s0 =	simm.s32 $0x8  }
0x510: {  	s2 =	simm.s32 $0x0;
	[sflag:s0] =	ssyncpa.u1 $0x1  }
0x511: {  	s0 =	simm.s32 $0x6098  }
0x512: {  	v0 =	vld.msk [tilespmem:s0+$0x0], $0x1;
	_ =	sdelay $0x4  }
0x513: {  	(v2sf) =	vpush v0, $0x0;
	_ =	sdelay $0xe  }
0x514: {  	s1 =	sadd.s32 $0xFFFFFFFF, s1;
	s3 =	spop (v2sf)  }
0x515: {  	p2 =	sne.s32 s1, $0x0;
	p1 =	sgt.u32 s3, $0x27FFC  }
.Ltmp45:
0x516: {  	s5 =	sand.u32 @!p1 $0x3FFF8, s3;
	(pc) =	sbr.rel @!p2 .LBB2_56-.Ltmp45, $4  }
0x517: {  	s0 =	simm.s32 $0x60B8;
	s3 =	sand.u32 @!p1 $0x7, s3;
	s5 =	sadd.s32 @!p1 s4, s5  }
0x518: {  	[hbm4b:s5+s3] =	stream.linear.scatter @!p1 [tilespmem:s0], [sflag:$0x7], $0x20, $0x38;
	[tilespmem:$0x1EC48] =	vst v63  }
0x519: {  	s5 =	simm.s32 $0x0  }
0x51a: {  	s3 =	simm.s32 $0x6099;
	s5 =	simm.s32 @!p1 $0x80  }
.LBB2_55:
0x51b: {  	v0 =	vld.msk [tilespmem:s3+$0x0], $0x1;
	s1 =	sadd.s32 $0xFFFFFFFF, s1;
	s2 =	sadd.s32 s2, s5  }
0x51c: {  	p1 =	sne.s32 s1, $0x0;
	_ =	sdelay $0x3  }
0x51d: {  	(v2sf) =	vpush v0, $0x0;
	_ =	sdelay $0xe  }
.Ltmp46:
0x51e: {  	s6 =	spop (v2sf);
	(pc) =	sbr.rel @p1 .LBB2_55-.Ltmp46, $4  }
0x51f: {  	s5 =	simm.s32 $0x0;
	p2 =	sgt.u32 s6, $0x27FFC  }
0x520: {  	s0 =	sadd.s32 $0x20, s0;
	s5 =	simm.s32 @!p2 $0x80;
	s7 =	sand.u32 @!p2 $0x3FFF8, s6  }
0x521: {  	s3 =	sadd.s32 $0x1, s3;
	s6 =	sand.u32 @!p2 $0x7, s6;
	s7 =	sadd.s32 @!p2 s4, s7  }
0x522: {  	[hbm4b:s7+s6] =	stream.linear.scatter @!p2 [tilespmem:s0], [sflag:$0x7], $0x20, $0x38;
	[tilespmem:$0x1EC48] =	vst v63  }
.LBB2_56:
0x523: {  	s0 =	sadd.s32 s2, s5  }
0x524: {  	s2 =	sshrl.u32 s0, $0x2  }
.LBB2_57:
0x525: {  	s0 =	simm.s32 $0x7  }
0x526: {  	_ =	swait.ge [sflag:s0], s2  }
0x527: {  	s1 =	ssub.s32 $0x0, s2;
	[sflag:s0] =	ssyncset.done $0x0  }
0x528: {  	[sflag:s0] =	ssyncadd.s32 s1  }
0x529: {  	[sflag:s0] =	ssyncpa.u1 $0x1  }
.LBB2_58:
0x52a: {  	_ =	sfence;
	s0 =	simm.s32 $0x1  }
0x52b: {  	[sflag:s0] =	ssyncpa.u1 $0x1  }
0x52c: {  	_ =	strace $0x90000047  }
0x52d: {  	[bflag:$0x2] =	sbarrier.arrive $0xFFFF  }
0x52e: {  	s0 =	rddreg [dreg:$0x3]  }
0x52f: {  	s0 =	sadd.s32 @!p0 $0x100000, s0  }
0x530: {  	[sflag:s0] =	ssyncadd.tile.s32 @!p0 $0x1;
	_ =	shalt  }
.Lfunc_end2:
_tile_overlayer_lowered:
.L_overlay_start_2:
0x531: {  	(tag) =	ssettag $0x2  }
0x532: {  	s0 =	rddreg [dreg:$0x0];
	s2 =	stileid.u32  }
0x533: {  	s1 =	rddreg [dreg:$0x1];
	p0 =	sne.s32 s2, $0x0  }
0x534: {  	s3 =	rddreg [dreg:$0x2];
	[bflag:$0x3] =	sbarrier.arrive $0xFFFF;
	s2 =	simm.s32 @!p0 $0x1C01  }
0x535: {  	[timem:s3], [sflag:s2] =	dma.local @!p0 [hbm:s0], s1  }
0x536: {  	s0 =	simm.s32 @!p0 $0x1  }
0x537: {  	_ =	swait.ge @!p0 [sflag:s0], s1  }
0x538: {  	s1 =	ssub.s32 @!p0 $0x0, s1;
	[sflag:s0] =	ssyncset.done @!p0 $0x0  }
0x539: {  	[sflag:s0] =	ssyncadd.s32 @!p0 s1  }
0x53a: {  	[bflag:$0x3] =	sbarrier.arrive $0xFFFF  }
0x53b: {  	_ =	shalt  }

// kernel: sparse-core-data-format-call.1.cloned.1.call-start
scs
called_computation.5_lowered:
.L_overlay_start_0:
0x0: {  	s1 =	sld [smem:$0x3FD9]  }
0x1: {  	s2 =	sld [smem:$0x3FFE];
	_ =	sdelay $0x1  }
0x2: {  	s3 =	srdreg.scid  }
0x3: {  	s0 =	sand.u32 $0x1, s3  }
0x4: {  	s17 =	sshll.u32 s0, $0xA;
	s1 =	sadd.s32 s2, s1  }
0x5: {  	s1 =	sadd.s32 s1, s17  }
0x6: {  	[smem:$0x3FAE] =	sst s1  }
0x7: {  	_ = 	snop  }
0x8: {  	(tm) =	ssettm $0x1  }
0x9: {  	s18 =	sld [smem:$0x3FFB];
	_ =	sdelay $0x3  }
0xa: {  	_ =	strace s18  }
0xb: {  	s1 =	sld [smem:$0x3FFC];
	_ =	sdelay $0x3  }
0xc: {  	_ =	strace s1  }
0xd: {  	s1 =	sld [smem:$0x3FFD];
	_ =	sdelay $0x3  }
0xe: {  	_ =	strace s1  }
0xf: {  	_ =	strace $0x8FFFFFFF  }
0x10: {  	s19 =	sld [smem:$0x3FDB];
	_ =	sdelay $0x1  }
0x11: {  	s20 =	simm.s32 $_scs_section_size  }
0x12: {  	s4 =	simm.s32 $_size__tile_overlayer_lowered;
	s5 =	simm.s32 $_tile_overlayer_lowered  }
0x13: {  	s23 =	simm.s32 $0x1BFF;
	s22 =	sshll.u32 s5, $0x1;
	s1 =	sadd.s32 s20, s19  }
0x14: {  	s6 =	simm.s32 $0x0;
	s21 =	sshll.u32 s4, $0x1;
	s4 =	sadd.s32 s22, s1  }
0x15: {  	[timem:s6], [sflag:s23] =	dma.local [hbm:s4], s21  }
0x16: {  	_ =	swait.ge [sflag:s23], s21  }
0x17: {  	s2 =	ssub.s32 $0x0, s21;
	[sflag:s23] =	ssyncset.done $0x0  }
0x18: {  	[sflag:s23] =	ssyncadd.s32 s2;
	_ =	sdelay $0x1  }
0x19: {  	s24 =	simm.s32 $0x1B8B  }
0x1a: {  	_ =	swait.ge [sflag:s24], $0x1  }
0x1b: {  	[sflag:s24] =	ssyncset.done $0x0  }
0x1c: {  	s26 =	simm.s32 $0x1B8E;
	s25 =	sld [smem:$0x3FFE];
	[sflag:s24] =	ssyncadd.s32 $0xFFFFFFFF  }
0x1d: {  	s27 =	simm.s32 $execute0_lowered;
	[smem:$0x3FD2] =	sst s26  }
0x1e: {  	s4 =	sshll.u32 s27, $0x1;
	_ =	strace $0x80000049;
	[dreg:$0x1] =	wrdreg $0xFFFFFFFF  }
0x1f: {  	s28 =	simm.s32 $_size_execute0_lowered;
	s1 =	sadd.s32 s1, s4;
	[dreg:$0x0] =	wrdreg $0x0  }
0x20: {  	s4 =	sshll.u32 s28, $0x1;
	[dreg:$0x2] =	wrdreg s1  }
0x21: {  	[dreg:$0x3] =	wrdreg s4  }
0x22: {  	[dreg:$0x4] =	wrdreg $0xC0  }
0x23: {  	_ =	task [dreg:s6], $0x5FFFF  }
0x24: {  	[dreg:$0x1] =	wrdreg $0xFFFFFFFF  }
0x25: {  	[dreg:$0x0] =	wrdreg $0x60  }
0x26: {  	[dreg:$0x2] =	wrdreg s25  }
0x27: {  	[dreg:$0x3] =	wrdreg $0x9  }
0x28: {  	_ =	task.clear_ibuf [dreg:s6], $0x4FFFF;
	_ =	strace $0x90000049  }
0x29: {  	s29 =	simm.s32 $0x9;
	_ =	strace $0x8000004B  }
0x2a: {  	_ =	swait.ge [sflag:s29], $0x1  }
0x2b: {  	[sflag:s29] =	ssyncadd.s32 $0xFFFFFFFF  }
0x2c: {  	_ =	strace $0x9000004B  }
0x2d: {  	_ =	sfence  }
0x2e: {  	s30 =	sld [smem:$0x0];
	_ =	sdelay $0x2  }
0x2f: {  	s31 =	sshll.u32 s3, $0xD;
	s3 =	sshrl.u32 s3, $0x2  }
0x30: {  	s2 =	sand.u32 $0x4000, s31;
	s1 =	sadd.s32 s3, s30  }
0x31: {  	s0 =	sor.u32 s2, s0;
	s1 =	sshll.u32 s1, $0x11  }
0x32: {  	s0 =	sor.u32 s1, s0  }
0x33: {  	s0 =	sadd.s32 $0x8F2B, s0  }
0x34: {  	[sflag:s0] =	ssyncadd.remote.s32 $0x1  }
0x35: {  	_ =	sfence.sel $0xFFFF  }
0x36: {  	[dreg:$0x0] =	wrdreg $0xFFFFFFFF;
	(pc) =	sbr.abs _section_cstart, $3  }
0x37: {  	[dreg:$0x1] =	wrdreg $0xFFFFFFFF  }
0x38: {  	_ =	task.clear_ibuf [dreg:s6], $0x2FFFF;
	_ =	strace $0x9FFFFFFF  }
0x39: {  	(tm) =	ssettm $0x7FFFFFFF  }
tec
execute0_lowered:
.L_overlay_start_1:
0x0: {  	(tag) =	ssettag $0x1  }
0x1: {  	s0 =	srdreg.scid  }
0x2: {  	s6 =	rddreg [dreg:$0x0];
	s7 =	simm.s32 $0x1;
	s1 =	sshll.u32 s0, $0x4  }
0x3: {  	s8 =	simm.s32 $0x2;
	s0 =	stileid.u32;
	s1 =	sand.u32 $0x10, s1  }
0x4: {  	s13 =	simm.s32 $0x0;
	s12 =	simm.s32 $0x0;
	s1 =	sor.u32 s0, s1  }
0x5: {  	s10 =	simm.s32 $0x0;
	s11 =	simm.s32 $0x0;
	s2 =	sshll.u32 s1, $0x8  }
0x6: {  	s3 =	sadd.s32 $0x564C00, s6;
	s6 =	sadd.s32 $0x5AC00, s6;
	s5 =	ssub.s32 $0x28000, s2  }
.Ltmp0:
0x7: {  	s1 =	rddreg [dreg:$0x1];
	s4 =	sand.u32 $0x1F00, s5;
	(pc) =	sbr.rel .LBB1_1-.Ltmp0, $4  }
0x8: {  	_ =	strace $0x8000004A;
	s9 =	smov.u32 s2;
	p0 =	sne.s32 s4, $0x0  }
0x9: {  	s5 =	sshrl.u32 s5, $0xD;
	s4 =	simm.s32 $0x1;
	s7 =	simm.s32 @!p0 $0x0  }
0xa: {  	[sflag:s4] =	ssyncpa.u1 $0x0;
	p0 =	por $0x0, $0x0;
	s5 =	sadd.s32 s7, s5  }
0xb: {  	[sflag:s8] =	ssyncpa.u1 $0x0;
	s8 =	simm.s32 $0x80;
	s7 =	sadd.s32 $0x1, s5  }
.LBB1_4:
0xc: {  	_ =	sdelay $0x3  }
0xd: {  	s21 =	sor.u32 s24, s23;
	v47 =	vld.idx.msk [tilespmem:v0+s16+$0x470 ss:$0x1], $0xffff  }
0xe: {  	v57 =	vld.idx.msk [tilespmem:v0+s21+$0x410 ss:$0x1], $0xffff  }
0xf: {  	v58 =	vld.idx.msk [tilespmem:v0+s21+$0x420 ss:$0x1], $0xffff  }
0x10: {  	[tilespmem:s18+$0x1860 ss:$0x41] =	vst.msk $0xffff, v8;
	v59 =	vld.idx.msk [tilespmem:v0+s21+$0x430 ss:$0x1], $0xffff  }
0x11: {  	[tilespmem:s18+$0x1C70 ss:$0x41] =	vst.msk $0xffff, v7;
	v60 =	vld.idx.msk [tilespmem:v0+s21+$0x440 ss:$0x1], $0xffff  }
0x12: {  	[tilespmem:s18+$0x2490 ss:$0x41] =	vst.msk $0xffff, v1;
	s22 =	sand.u32 $0x3B00, s21;
	v61 =	vld.idx.msk [tilespmem:v0+s21+$0x450 ss:$0x1], $0xffff  }
0x13: {  	s20 =	sand.u32 $0x80, s20;
	[tilespmem:s18+$0x28A0 ss:$0x41] =	vst.msk $0xffff, v2;
	v62 =	vld.idx.msk [tilespmem:v0+s21+$0x460 ss:$0x1], $0xffff;
	s15 =	sadd.s32 s22, s15  }
0x14: {  	[tilespmem:s18+$0x2CB0 ss:$0x41] =	vst.msk $0xffff, v3;
	v63 =	vld.idx.msk [tilespmem:v0+s21+$0x470 ss:$0x1], $0xffff;
	s15 =	sadd.s32 s20, s15  }
0x15: {  	[tilespmem:s18+$0x30C0 ss:$0x41] =	vst.msk $0xffff, v4;
	v48 =	vld [tilespmem:s15+$0x400]  }
0x16: {  	[tilespmem:s18+$0x34D0 ss:$0x41] =	vst.msk $0xffff, v5;
	v49 =	vld [tilespmem:s15+$0x0]  }
0x17: {  	s25 =	sshra.s32 s19, $0x2;
	[tilespmem:s18+$0x38E0 ss:$0x41] =	vst.msk $0xffff, v6;
	v50 =	vld [tilespmem:s15+$0x10]  }
0x18: {  	s16 =	sadd.s32 s25, s17;
	v51 =	vld [tilespmem:s15+$0x20];
	[tilespmem:s18+$0x3CF0 ss:$0x41] =	vst.msk $0xffff, v47  }
0x19: {  	v52 =	vld [tilespmem:s15+$0x30];
	[tilespmem:s16+$0x2490 ss:$0x41] =	vst.msk $0xffff, v57  }
0x1a: {  	v53 =	vld [tilespmem:s15+$0x40];
	[tilespmem:s16+$0x28A0 ss:$0x41] =	vst.msk $0xffff, v58  }
0x1b: {  	v54 =	vld [tilespmem:s15+$0x50];
	[tilespmem:s16+$0x2CB0 ss:$0x41] =	vst.msk $0xffff, v59  }
0x1c: {  	s13 =	sshll.u32 s13, $0x7;
	s26 =	sshll.u32 s12, $0x3;
	v55 =	vld [tilespmem:s15+$0x60];
	[tilespmem:s16+$0x30C0 ss:$0x41] =	vst.msk $0xffff, v60  }
0x1d: {  	s27 =	sand.u32 $0xFFFFFC00, s13;
	v56 =	vld [tilespmem:s15+$0x70];
	s15 =	sand.u32 $0xFFFFFC00, s26;
	[tilespmem:s16+$0x34D0 ss:$0x41] =	vst.msk $0xffff, v61  }
0x1e: {  	s13 =	sand.u32 $0x380, s13;
	s15 =	sadd.s32 s15, s27;
	[tilespmem:s16+$0x38E0 ss:$0x41] =	vst.msk $0xffff, v62  }
0x1f: {  	s13 =	sor.u32 s13, s15;
	[tilespmem:s16+$0x3CF0 ss:$0x41] =	vst.msk $0xffff, v63  }
0x20: {  	s13 =	sshrl.u32 s13, $0x7;
	[tilespmem:s16+$0x2080 ss:$0x41] =	vst.msk $0xffff, v48  }
0x21: {  	s28 =	smulhi.u32 $0xCCCCCD, s13;
	[tilespmem:s16+$0x0 ss:$0x41] =	vst.msk $0xffff, v49  }
0x22: {  	[tilespmem:s16+$0x410 ss:$0x41] =	vst.msk $0xffff, v50  }
0x23: {  	[tilespmem:s16+$0x820 ss:$0x41] =	vst.msk $0xffff, v51;
	s15 =	sshrl.u32 s28, $0x9  }
0x24: {  	[tilespmem:s16+$0xC30 ss:$0x41] =	vst.msk $0xffff, v52;
	s15 =	smul.u32 $0x28000, s15  }
0x25: {  	s29 =	sshrl.u32 s12, $0x3;
	[tilespmem:s16+$0x1040 ss:$0x41] =	vst.msk $0xffff, v53  }
0x26: {  	s31 =	sand.u32 $0x7, s12;
	s30 =	sand.u32 $0xF, s29;
	[tilespmem:s16+$0x1450 ss:$0x41] =	vst.msk $0xffff, v54;
	s13 =	ssub.s32 s13, s15  }
0x27: {  	s12 =	sshll.u32 s31, $0x12;
	[tilespmem:s16+$0x1860 ss:$0x41] =	vst.msk $0xffff, v55;
	s15 =	sadd.s32 s6, s30;
	s13 =	sshll.u32 s13, $0x4  }
0x28: {  	s12 =	sor.u32 $0x40, s12;
	[tilespmem:s16+$0x1C70 ss:$0x41] =	vst.msk $0xffff, v56;
	s13 =	sadd.s32 s13, s15  }
0x29: {  	[hbm4b:s13+s12] =	stream.strided.scatter [tilespmem:s14], [sflag:$0x2], $0x4000, s8, s12, $0x18;
	[tilespmem:$0x10200] =	vst v63  }
.LBB1_5:
0x2a: {  	s14 =	sadd.s32 $0x2000, s9  }
0x2b: {  	s12 =	sadd.s32 $0x40, s10;
	s16 =	smov.u32 s10;
	p2 =	sgt.s32 s14, $0x27FFF  }
0x2c: {  	s16 =	smov.u32 @p2 s12  }
0x2d: {  	s14 =	smov.u32 @p2 s2;
	p2 =	sgt.s32 s16, $0x3F  }
0x2e: {  	s16 =	simm.s32 @p2 $0x0;
	p2 =	sne.s32 s11, s7  }
.Ltmp1:
0x2f: {  	p1 =	slt.u32 s11, $0x2;
	(pc) =	sbr.rel @!p2 .LBB1_6-.Ltmp1, $4  }
0x30: {  	s15 =	simm.s32 @!p1 $0x2  }
0x31: {  	s13 =	smov.u32 s9;
	p0 =	por !p0, !p0;
	_ =	swait.ge @!p1 [sflag:s15], $0x4000  }
0x32: {  	s12 =	smov.u32 s10;
	[sflag:s15] =	ssyncset.done @!p1 $0x0;
	s9 =	smov.u32 s14  }
0x33: {  	s11 =	sadd.s32 $0x1, s11;
	[sflag:s15] =	ssyncadd.s32 @!p1 $0xFFFFC000;
	s10 =	smov.u32 s16  }
.LBB1_1:
0x34: {  	p1 =	sge.u32 s11, s5  }
0x35: {  	s14 =	sshrl.u32 @!p1 s10, $0x3  }
0x36: {  	s15 =	sshll.u32 @!p1 s9, $0x3;
	s16 =	sshll.u32 @!p1 s10, $0x7;
	s14 =	smul.u32 @!p1 $0x140000, s14  }
0x37: {  	s17 =	sand.u32 @!p1 $0x7F, s9;
	s15 =	sand.u32 @!p1 $0xFFFFFC00, s15;
	s16 =	sand.u32 @!p1 $0x380, s16  }
0x38: {  	s14 =	sadd.s32 @!p1 s14, s15;
	s15 =	sor.u32 @!p1 s17, s16  }
0x39: {  	s15 =	sor.u32 @!p1 s14, s15  }
0x3a: {  	s16 =	smulhi.u32 @!p1 $0xCCCCCCCD, s15;
	_ =	sdelay $0x1  }
0x3b: {  	s14 =	smulhi.u32 @!p1 $0xCCCCCCCD, s14;
	s16 =	sshrl.u32 @!p1 s16, $0x11  }
0x3c: {  	s16 =	smul.u32 @!p1 $0x28000, s16  }
0x3d: {  	s31 =	sadd.s32 $0xFFFFFFFF, s11;
	s17 =	sxor.u32 @!p1 $0xFFFFFFFF, s11;
	s14 =	sshrl.u32 @!p1 s14, $0x11  }
0x3e: {  	s17 =	sshll.u32 @!p1 s17, $0xE;
	s14 =	sand.u32 @!p1 $0x3F, s14;
	s15 =	ssub.s32 @!p1 s15, s16  }
0x3f: {  	s14 =	smul.u32 @!p1 $0x5000, s14;
	s16 =	sshrl.u32 @!p1 s15, $0x3;
	s15 =	sand.u32 @!p1 $0x7, s15  }
0x40: {  	s17 =	sand.u32 @!p1 $0x4000, s17;
	s16 =	sadd.s32 @!p1 s3, s16;
	s15 =	sshll.u32 @!p1 s15, $0x12  }
0x41: {  	s14 =	sadd.s32 @!p1 s14, s16;
	s15 =	sor.u32 @!p1 $0x800, s15;
	s16 =	simm.s32 @!p1 $0x140000  }
0x42: {  	[tilespmem:s17], [sflag:$0x1] =	stream.strided.gather @!p1 [hbm4b:s14+s15], $0x4000, s16, s15, $0x38;
	[tilespmem:$0x10200] =	vst v63  }
0x43: {  	p1 =	sge.u32 s31, s5  }
.Ltmp2:
0x44: {  	_ = 	snop;
	(pc) =	sbr.rel @p1 .LBB1_5-.Ltmp2, $1  }
0x45: {  	_ =	sdelay $0x3  }
0x46: {  	s17 =	simm.s32 $0x0  }
0x47: {  	s16 =	sand.u32 $0x3800, s17;
	s18 =	sand.u32 $0x380, s17  }
0x48: {  	s14 =	sand.u32 $0x1, s11;
	s16 =	sor.u32 s18, s16  }
0x49: {  	_ =	swait.ge [sflag:s4], $0x4000;
	s15 =	sshll.u32 s14, $0xE;
	s18 =	sand.u32 $0x3B00, s16  }
0x4a: {  	[sflag:s4] =	ssyncset.done $0x0;
	s17 =	sand.u32 $0x80, s17;
	s18 =	sadd.s32 s18, s15  }
0x4b: {  	[sflag:s4] =	ssyncadd.s32 $0xFFFFC000;
	s20 =	sadd.s32 s17, s18  }
0x4c: {  	v4 =	vld [tilespmem:s20+$0x400]  }
0x4d: {  	s19 =	simm.s32 $0x1;
	v5 =	vld [tilespmem:s20+$0x0]  }
0x4e: {  	s19 =	simm.s32 @!p0 $0x0;
	v6 =	vld [tilespmem:s20+$0x10]  }
0x4f: {  	v0 =	vmov s15;
	s31 =	smul.u32 $0x10400, s19;
	v7 =	vld [tilespmem:s20+$0x20]  }
0x50: {  	v9 =	vld [tilespmem:s20+$0x30]  }
0x51: {  	s17 =	sshrl.u32 s31, $0x2;
	v10 =	vld [tilespmem:s20+$0x40]  }
0x52: {  	s17 =	sor.u32 $0x8000, s17;
	v11 =	vld [tilespmem:s20+$0x50]  }
0x53: {  	v8 =	vld [tilespmem:s20+$0x60];
	s18 =	sadd.s32 $0x0, s17  }
0x54: {  	v1 =	vld.idx.msk [tilespmem:v0+s16+$0x410 ss:$0x1], $0xffff;
	[tilespmem:s18+$0x2080 ss:$0x41] =	vst.msk $0xffff, v4  }
0x55: {  	v2 =	vld.idx.msk [tilespmem:v0+s16+$0x420 ss:$0x1], $0xffff;
	[tilespmem:s18+$0x0 ss:$0x41] =	vst.msk $0xffff, v5  }
0x56: {  	v3 =	vld.idx.msk [tilespmem:v0+s16+$0x430 ss:$0x1], $0xffff;
	[tilespmem:s18+$0x410 ss:$0x41] =	vst.msk $0xffff, v6  }
0x57: {  	s14 =	smul.u32 $0x10400, s14;
	[tilespmem:s18+$0x820 ss:$0x41] =	vst.msk $0xffff, v7;
	v7 =	vld [tilespmem:s20+$0x70]  }
0x58: {  	s21 =	simm.s32 $0x100;
	s22 =	simm.s32 $0x8;
	[tilespmem:s18+$0xC30 ss:$0x41] =	vst.msk $0xffff, v9;
	v4 =	vld.idx.msk [tilespmem:v0+s16+$0x440 ss:$0x1], $0xffff  }
0x59: {  	s23 =	sand.u32 $0x3800, s21;
	s14 =	sshrl.u32 s14, $0x2;
	[tilespmem:s18+$0x1040 ss:$0x41] =	vst.msk $0xffff, v10;
	v5 =	vld.idx.msk [tilespmem:v0+s16+$0x450 ss:$0x1], $0xffff;
	s20 =	simm.s32 $0x80  }
0x5a: {  	s19 =	simm.s32 $0x4;
	s14 =	sor.u32 $0x8000, s14;
	[tilespmem:s18+$0x1450 ss:$0x41] =	vst.msk $0xffff, v11;
	v6 =	vld.idx.msk [tilespmem:v0+s16+$0x460 ss:$0x1], $0xffff;
	s24 =	sand.u32 $0x380, s20  }
.LBB1_3:
0x5b: {  	p1 =	sne.s32 s22, $0xFC;
	[tilespmem:s18+$0x1860 ss:$0x41] =	vst.msk $0xffff, v8;
	v8 =	vld.idx.msk [tilespmem:v0+s16+$0x470 ss:$0x1], $0xffff;
	s16 =	sor.u32 s24, s23  }
0x5c: {  	s23 =	sand.u32 $0x3B00, s16;
	v9 =	vld.idx.msk [tilespmem:v0+s16+$0x410 ss:$0x1], $0xffff;
	[tilespmem:s18+$0x1C70 ss:$0x41] =	vst.msk $0xffff, v7  }
0x5d: {  	s24 =	sand.u32 $0x80, s20;
	s23 =	sadd.s32 s23, s15;
	v7 =	vld.idx.msk [tilespmem:v0+s16+$0x420 ss:$0x1], $0xffff;
	[tilespmem:s18+$0x2490 ss:$0x41] =	vst.msk $0xffff, v1  }
0x5e: {  	s23 =	sadd.s32 s24, s23;
	v10 =	vld.idx.msk [tilespmem:v0+s16+$0x430 ss:$0x1], $0xffff;
	[tilespmem:s18+$0x28A0 ss:$0x41] =	vst.msk $0xffff, v2  }
0x5f: {  	v11 =	vld [tilespmem:s23+$0x400];
	[tilespmem:s18+$0x2CB0 ss:$0x41] =	vst.msk $0xffff, v3  }
0x60: {  	v12 =	vld [tilespmem:s23+$0x0];
	[tilespmem:s18+$0x30C0 ss:$0x41] =	vst.msk $0xffff, v4  }
0x61: {  	v4 =	vld [tilespmem:s23+$0x10];
	[tilespmem:s18+$0x34D0 ss:$0x41] =	vst.msk $0xffff, v5  }
0x62: {  	s24 =	sshra.s32 s19, $0x2;
	s19 =	smov.u32 s22;
	v1 =	vmov v9;
	v5 =	vld [tilespmem:s23+$0x20];
	[tilespmem:s18+$0x38E0 ss:$0x41] =	vst.msk $0xffff, v6  }
0x63: {  	v2 =	vmov v7;
	v6 =	vld [tilespmem:s23+$0x30];
	[tilespmem:s18+$0x3CF0 ss:$0x41] =	vst.msk $0xffff, v8;
	s18 =	sadd.s32 s24, s17  }
0x64: {  	v3 =	vmov v10;
	v9 =	vld [tilespmem:s23+$0x40];
	[tilespmem:s18+$0x2080 ss:$0x41] =	vst.msk $0xffff, v11  }
0x65: {  	[tilespmem:s18+$0x0 ss:$0x41] =	vst.msk $0xffff, v12;
	v10 =	vld [tilespmem:s23+$0x50]  }
.Ltmp3:
0x66: {  	[tilespmem:s18+$0x410 ss:$0x41] =	vst.msk $0xffff, v4;
	v8 =	vld [tilespmem:s23+$0x60];
	(pc) =	sbr.rel @p1 .LBB1_3-.Ltmp3, $4  }
0x67: {  	[tilespmem:s18+$0x820 ss:$0x41] =	vst.msk $0xffff, v5;
	v7 =	vld [tilespmem:s23+$0x70]  }
0x68: {  	[tilespmem:s18+$0xC30 ss:$0x41] =	vst.msk $0xffff, v6;
	v4 =	vld.idx.msk [tilespmem:v0+s16+$0x440 ss:$0x1], $0xffff  }
0x69: {  	s20 =	sadd.s32 $0x80, s20;
	s21 =	sadd.s32 $0x100, s21;
	[tilespmem:s18+$0x1040 ss:$0x41] =	vst.msk $0xffff, v9;
	v5 =	vld.idx.msk [tilespmem:v0+s16+$0x450 ss:$0x1], $0xffff  }
0x6a: {  	s22 =	sadd.s32 $0x4, s22;
	s24 =	sand.u32 $0x380, s20;
	s23 =	sand.u32 $0x3800, s21;
	[tilespmem:s18+$0x1450 ss:$0x41] =	vst.msk $0xffff, v10;
	v6 =	vld.idx.msk [tilespmem:v0+s16+$0x460 ss:$0x1], $0xffff  }
.Ltmp4:
0x6b: {  	_ = 	snop;
	(pc) =	sbr.rel .LBB1_4-.Ltmp4, $1  }
0x6c: {  	_ =	sdelay $0x3  }
.LBB1_6:
0x6d: {  	_ =	sfence.sel $0x180000  }
0x6e: {  	s2 =	simm.s32 $0x1;
	[bflag:$0x0] =	sbarrier.arrive $0xFFFF  }
0x6f: {  	s31 =	simm.s32 $0x2;
	[sflag:s2] =	ssyncpa.u1 $0x1  }
0x70: {  	[sflag:s31] =	ssyncpa.u1 $0x1  }
0x71: {  	p0 =	sne.s32 s0, $0x0;
	_ =	strace $0x9000004A  }
0x72: {  	s0 =	sadd.s32 @!p0 $0x100000, s1;
	[bflag:$0x2] =	sbarrier.arrive $0xFFFF  }
0x73: {  	[sflag:s0] =	ssyncadd.tile.s32 @!p0 $0x1;
	_ =	shalt  }
.Lfunc_end1:
_tile_overlayer_lowered:
.L_overlay_start_2:
0x74: {  	(tag) =	ssettag $0x2  }
0x75: {  	s0 =	rddreg [dreg:$0x0];
	s2 =	stileid.u32  }
0x76: {  	s1 =	rddreg [dreg:$0x1];
	p0 =	sne.s32 s2, $0x0  }
0x77: {  	s3 =	rddreg [dreg:$0x2];
	[bflag:$0x3] =	sbarrier.arrive $0xFFFF;
	s2 =	simm.s32 @!p0 $0x1C01  }
0x78: {  	[timem:s3], [sflag:s2] =	dma.local @!p0 [hbm:s0], s1  }
0x79: {  	s0 =	simm.s32 @!p0 $0x1  }
0x7a: {  	_ =	swait.ge @!p0 [sflag:s0], s1  }
0x7b: {  	s1 =	ssub.s32 @!p0 $0x0, s1;
	[sflag:s0] =	ssyncset.done @!p0 $0x0  }
0x7c: {  	[sflag:s0] =	ssyncadd.s32 @!p0 s1  }
0x7d: {  	[bflag:$0x3] =	sbarrier.arrive $0xFFFF  }
0x7e: {  	_ =	shalt  }

// kernel: sparse-core-data-format-call.cloned.1.call-start
scs
called_computation.4_lowered:
.L_overlay_start_0:
0x0: {  	s1 =	sld [smem:$0x3FD9]  }
0x1: {  	s2 =	sld [smem:$0x3FFE];
	_ =	sdelay $0x1  }
0x2: {  	s3 =	srdreg.scid  }
0x3: {  	s0 =	sand.u32 $0x1, s3  }
0x4: {  	s17 =	sshll.u32 s0, $0xA;
	s1 =	sadd.s32 s2, s1  }
0x5: {  	s1 =	sadd.s32 s1, s17  }
0x6: {  	[smem:$0x3FAE] =	sst s1  }
0x7: {  	_ = 	snop  }
0x8: {  	(tm) =	ssettm $0x1  }
0x9: {  	s18 =	sld [smem:$0x3FFB];
	_ =	sdelay $0x3  }
0xa: {  	_ =	strace s18  }
0xb: {  	s1 =	sld [smem:$0x3FFC];
	_ =	sdelay $0x3  }
0xc: {  	_ =	strace s1  }
0xd: {  	s1 =	sld [smem:$0x3FFD];
	_ =	sdelay $0x3  }
0xe: {  	_ =	strace s1  }
0xf: {  	_ =	strace $0x8FFFFFFF  }
0x10: {  	s19 =	sld [smem:$0x3FDB];
	_ =	sdelay $0x1  }
0x11: {  	s20 =	simm.s32 $_scs_section_size  }
0x12: {  	s4 =	simm.s32 $_size__tile_overlayer_lowered;
	s5 =	simm.s32 $_tile_overlayer_lowered  }
0x13: {  	s23 =	simm.s32 $0x1BFF;
	s22 =	sshll.u32 s5, $0x1;
	s1 =	sadd.s32 s20, s19  }
0x14: {  	s6 =	simm.s32 $0x0;
	s21 =	sshll.u32 s4, $0x1;
	s4 =	sadd.s32 s22, s1  }
0x15: {  	[timem:s6], [sflag:s23] =	dma.local [hbm:s4], s21  }
0x16: {  	_ =	swait.ge [sflag:s23], s21  }
0x17: {  	s2 =	ssub.s32 $0x0, s21;
	[sflag:s23] =	ssyncset.done $0x0  }
0x18: {  	[sflag:s23] =	ssyncadd.s32 s2;
	_ =	sdelay $0x1  }
0x19: {  	s24 =	simm.s32 $0x1B8B  }
0x1a: {  	_ =	swait.ge [sflag:s24], $0x1  }
0x1b: {  	[sflag:s24] =	ssyncset.done $0x0  }
0x1c: {  	s26 =	simm.s32 $0x1B8E;
	s25 =	sld [smem:$0x3FFE];
	[sflag:s24] =	ssyncadd.s32 $0xFFFFFFFF  }
0x1d: {  	s27 =	simm.s32 $execute0_lowered;
	[smem:$0x3FD2] =	sst s26  }
0x1e: {  	s4 =	sshll.u32 s27, $0x1;
	_ =	strace $0x80000052;
	[dreg:$0x1] =	wrdreg $0xFFFFFFFF  }
0x1f: {  	s28 =	simm.s32 $_size_execute0_lowered;
	s1 =	sadd.s32 s1, s4;
	[dreg:$0x0] =	wrdreg $0x0  }
0x20: {  	s4 =	sshll.u32 s28, $0x1;
	[dreg:$0x2] =	wrdreg s1  }
0x21: {  	[dreg:$0x3] =	wrdreg s4  }
0x22: {  	[dreg:$0x4] =	wrdreg $0xC0  }
0x23: {  	_ =	task [dreg:s6], $0x5FFFF  }
0x24: {  	[dreg:$0x1] =	wrdreg $0xFFFFFFFF  }
0x25: {  	[dreg:$0x0] =	wrdreg $0x60  }
0x26: {  	[dreg:$0x2] =	wrdreg s25  }
0x27: {  	[dreg:$0x3] =	wrdreg $0x9  }
0x28: {  	_ =	task.clear_ibuf [dreg:s6], $0x4FFFF;
	_ =	strace $0x90000052  }
0x29: {  	s29 =	simm.s32 $0x9;
	_ =	strace $0x80000054  }
0x2a: {  	_ =	swait.ge [sflag:s29], $0x1  }
0x2b: {  	[sflag:s29] =	ssyncadd.s32 $0xFFFFFFFF  }
0x2c: {  	_ =	strace $0x90000054  }
0x2d: {  	_ =	sfence  }
0x2e: {  	s30 =	sld [smem:$0x0];
	_ =	sdelay $0x2  }
0x2f: {  	s31 =	sshll.u32 s3, $0xD;
	s3 =	sshrl.u32 s3, $0x2  }
0x30: {  	s2 =	sand.u32 $0x4000, s31;
	s1 =	sadd.s32 s3, s30  }
0x31: {  	s0 =	sor.u32 s2, s0;
	s1 =	sshll.u32 s1, $0x11  }
0x32: {  	s0 =	sor.u32 s1, s0  }
0x33: {  	s0 =	sadd.s32 $0x8F2B, s0  }
0x34: {  	[sflag:s0] =	ssyncadd.remote.s32 $0x1  }
0x35: {  	_ =	sfence.sel $0xFFFF  }
0x36: {  	[dreg:$0x0] =	wrdreg $0xFFFFFFFF;
	(pc) =	sbr.abs _section_cstart, $3  }
0x37: {  	[dreg:$0x1] =	wrdreg $0xFFFFFFFF  }
0x38: {  	_ =	task.clear_ibuf [dreg:s6], $0x2FFFF;
	_ =	strace $0x9FFFFFFF  }
0x39: {  	(tm) =	ssettm $0x7FFFFFFF  }
tec
execute0_lowered:
.L_overlay_start_1:
0x0: {  	(tag) =	ssettag $0x1  }
0x1: {  	s0 =	srdreg.scid  }
0x2: {  	s6 =	rddreg [dreg:$0x0];
	s7 =	simm.s32 $0x1;
	s1 =	sshll.u32 s0, $0x4  }
0x3: {  	s8 =	simm.s32 $0x2;
	s0 =	stileid.u32;
	s1 =	sand.u32 $0x10, s1  }
0x4: {  	s13 =	simm.s32 $0x0;
	s12 =	simm.s32 $0x0;
	s1 =	sor.u32 s0, s1  }
0x5: {  	s10 =	simm.s32 $0x0;
	s11 =	simm.s32 $0x0;
	s2 =	sshll.u32 s1, $0x8  }
0x6: {  	s3 =	sadd.s32 $0x5AC00, s6;
	s6 =	sadd.s32 $0x2E4C00, s6;
	s5 =	ssub.s32 $0x28000, s2  }
.Ltmp0:
0x7: {  	s1 =	rddreg [dreg:$0x1];
	s4 =	sand.u32 $0x1F00, s5;
	(pc) =	sbr.rel .LBB1_1-.Ltmp0, $4  }
0x8: {  	_ =	strace $0x80000053;
	s9 =	smov.u32 s2;
	p0 =	sne.s32 s4, $0x0  }
0x9: {  	s5 =	sshrl.u32 s5, $0xD;
	s4 =	simm.s32 $0x1;
	s7 =	simm.s32 @!p0 $0x0  }
0xa: {  	[sflag:s4] =	ssyncpa.u1 $0x0;
	p0 =	por $0x0, $0x0;
	s5 =	sadd.s32 s7, s5  }
0xb: {  	[sflag:s8] =	ssyncpa.u1 $0x0;
	s8 =	simm.s32 $0x80;
	s7 =	sadd.s32 $0x1, s5  }
.LBB1_4:
0xc: {  	_ =	sdelay $0x3  }
0xd: {  	s21 =	sor.u32 s24, s23;
	v47 =	vld.idx.msk [tilespmem:v0+s16+$0x470 ss:$0x1], $0xffff  }
0xe: {  	v57 =	vld.idx.msk [tilespmem:v0+s21+$0x410 ss:$0x1], $0xffff  }
0xf: {  	v58 =	vld.idx.msk [tilespmem:v0+s21+$0x420 ss:$0x1], $0xffff  }
0x10: {  	[tilespmem:s18+$0x1860 ss:$0x41] =	vst.msk $0xffff, v8;
	v59 =	vld.idx.msk [tilespmem:v0+s21+$0x430 ss:$0x1], $0xffff  }
0x11: {  	[tilespmem:s18+$0x1C70 ss:$0x41] =	vst.msk $0xffff, v7;
	v60 =	vld.idx.msk [tilespmem:v0+s21+$0x440 ss:$0x1], $0xffff  }
0x12: {  	[tilespmem:s18+$0x2490 ss:$0x41] =	vst.msk $0xffff, v1;
	s22 =	sand.u32 $0x3B00, s21;
	v61 =	vld.idx.msk [tilespmem:v0+s21+$0x450 ss:$0x1], $0xffff  }
0x13: {  	s20 =	sand.u32 $0x80, s20;
	[tilespmem:s18+$0x28A0 ss:$0x41] =	vst.msk $0xffff, v2;
	v62 =	vld.idx.msk [tilespmem:v0+s21+$0x460 ss:$0x1], $0xffff;
	s15 =	sadd.s32 s22, s15  }
0x14: {  	[tilespmem:s18+$0x2CB0 ss:$0x41] =	vst.msk $0xffff, v3;
	v63 =	vld.idx.msk [tilespmem:v0+s21+$0x470 ss:$0x1], $0xffff;
	s15 =	sadd.s32 s20, s15  }
0x15: {  	[tilespmem:s18+$0x30C0 ss:$0x41] =	vst.msk $0xffff, v4;
	v48 =	vld [tilespmem:s15+$0x400]  }
0x16: {  	[tilespmem:s18+$0x34D0 ss:$0x41] =	vst.msk $0xffff, v5;
	v49 =	vld [tilespmem:s15+$0x0]  }
0x17: {  	s25 =	sshra.s32 s19, $0x2;
	[tilespmem:s18+$0x38E0 ss:$0x41] =	vst.msk $0xffff, v6;
	v50 =	vld [tilespmem:s15+$0x10]  }
0x18: {  	s16 =	sadd.s32 s25, s17;
	v51 =	vld [tilespmem:s15+$0x20];
	[tilespmem:s18+$0x3CF0 ss:$0x41] =	vst.msk $0xffff, v47  }
0x19: {  	v52 =	vld [tilespmem:s15+$0x30];
	[tilespmem:s16+$0x2490 ss:$0x41] =	vst.msk $0xffff, v57  }
0x1a: {  	v53 =	vld [tilespmem:s15+$0x40];
	[tilespmem:s16+$0x28A0 ss:$0x41] =	vst.msk $0xffff, v58  }
0x1b: {  	v54 =	vld [tilespmem:s15+$0x50];
	[tilespmem:s16+$0x2CB0 ss:$0x41] =	vst.msk $0xffff, v59  }
0x1c: {  	s13 =	sshll.u32 s13, $0x7;
	s26 =	sshll.u32 s12, $0x3;
	v55 =	vld [tilespmem:s15+$0x60];
	[tilespmem:s16+$0x30C0 ss:$0x41] =	vst.msk $0xffff, v60  }
0x1d: {  	s27 =	sand.u32 $0xFFFFFC00, s13;
	v56 =	vld [tilespmem:s15+$0x70];
	s15 =	sand.u32 $0xFFFFFC00, s26;
	[tilespmem:s16+$0x34D0 ss:$0x41] =	vst.msk $0xffff, v61  }
0x1e: {  	s13 =	sand.u32 $0x380, s13;
	s15 =	sadd.s32 s15, s27;
	[tilespmem:s16+$0x38E0 ss:$0x41] =	vst.msk $0xffff, v62  }
0x1f: {  	s13 =	sor.u32 s13, s15;
	[tilespmem:s16+$0x3CF0 ss:$0x41] =	vst.msk $0xffff, v63  }
0x20: {  	s13 =	sshrl.u32 s13, $0x7;
	[tilespmem:s16+$0x2080 ss:$0x41] =	vst.msk $0xffff, v48  }
0x21: {  	s28 =	smulhi.u32 $0xCCCCCD, s13;
	[tilespmem:s16+$0x0 ss:$0x41] =	vst.msk $0xffff, v49  }
0x22: {  	[tilespmem:s16+$0x410 ss:$0x41] =	vst.msk $0xffff, v50  }
0x23: {  	[tilespmem:s16+$0x820 ss:$0x41] =	vst.msk $0xffff, v51;
	s15 =	sshrl.u32 s28, $0x9  }
0x24: {  	[tilespmem:s16+$0xC30 ss:$0x41] =	vst.msk $0xffff, v52;
	s15 =	smul.u32 $0x28000, s15  }
0x25: {  	s29 =	sshrl.u32 s12, $0x3;
	[tilespmem:s16+$0x1040 ss:$0x41] =	vst.msk $0xffff, v53  }
0x26: {  	s31 =	sand.u32 $0x7, s12;
	s30 =	sand.u32 $0xF, s29;
	[tilespmem:s16+$0x1450 ss:$0x41] =	vst.msk $0xffff, v54;
	s13 =	ssub.s32 s13, s15  }
0x27: {  	s12 =	sshll.u32 s31, $0x12;
	[tilespmem:s16+$0x1860 ss:$0x41] =	vst.msk $0xffff, v55;
	s15 =	sadd.s32 s6, s30;
	s13 =	sshll.u32 s13, $0x4  }
0x28: {  	s12 =	sor.u32 $0x40, s12;
	[tilespmem:s16+$0x1C70 ss:$0x41] =	vst.msk $0xffff, v56;
	s13 =	sadd.s32 s13, s15  }
0x29: {  	[hbm4b:s13+s12] =	stream.strided.scatter [tilespmem:s14], [sflag:$0x2], $0x4000, s8, s12, $0x18;
	[tilespmem:$0x10200] =	vst v63  }
.LBB1_5:
0x2a: {  	s14 =	sadd.s32 $0x2000, s9  }
0x2b: {  	s12 =	sadd.s32 $0x40, s10;
	s16 =	smov.u32 s10;
	p2 =	sgt.s32 s14, $0x27FFF  }
0x2c: {  	s16 =	smov.u32 @p2 s12  }
0x2d: {  	s14 =	smov.u32 @p2 s2;
	p2 =	sgt.s32 s16, $0x3F  }
0x2e: {  	s16 =	simm.s32 @p2 $0x0;
	p2 =	sne.s32 s11, s7  }
.Ltmp1:
0x2f: {  	p1 =	slt.u32 s11, $0x2;
	(pc) =	sbr.rel @!p2 .LBB1_6-.Ltmp1, $4  }
0x30: {  	s15 =	simm.s32 @!p1 $0x2  }
0x31: {  	s13 =	smov.u32 s9;
	p0 =	por !p0, !p0;
	_ =	swait.ge @!p1 [sflag:s15], $0x4000  }
0x32: {  	s12 =	smov.u32 s10;
	[sflag:s15] =	ssyncset.done @!p1 $0x0;
	s9 =	smov.u32 s14  }
0x33: {  	s11 =	sadd.s32 $0x1, s11;
	[sflag:s15] =	ssyncadd.s32 @!p1 $0xFFFFC000;
	s10 =	smov.u32 s16  }
.LBB1_1:
0x34: {  	p1 =	sge.u32 s11, s5  }
0x35: {  	s14 =	sshrl.u32 @!p1 s10, $0x3  }
0x36: {  	s15 =	sshll.u32 @!p1 s9, $0x3;
	s16 =	sshll.u32 @!p1 s10, $0x7;
	s14 =	smul.u32 @!p1 $0x140000, s14  }
0x37: {  	s17 =	sand.u32 @!p1 $0x7F, s9;
	s15 =	sand.u32 @!p1 $0xFFFFFC00, s15;
	s16 =	sand.u32 @!p1 $0x380, s16  }
0x38: {  	s14 =	sadd.s32 @!p1 s14, s15;
	s15 =	sor.u32 @!p1 s17, s16  }
0x39: {  	s15 =	sor.u32 @!p1 s14, s15  }
0x3a: {  	s16 =	smulhi.u32 @!p1 $0xCCCCCCCD, s15;
	_ =	sdelay $0x1  }
0x3b: {  	s14 =	smulhi.u32 @!p1 $0xCCCCCCCD, s14;
	s16 =	sshrl.u32 @!p1 s16, $0x11  }
0x3c: {  	s16 =	smul.u32 @!p1 $0x28000, s16  }
0x3d: {  	s31 =	sadd.s32 $0xFFFFFFFF, s11;
	s17 =	sxor.u32 @!p1 $0xFFFFFFFF, s11;
	s14 =	sshrl.u32 @!p1 s14, $0x11  }
0x3e: {  	s17 =	sshll.u32 @!p1 s17, $0xE;
	s14 =	sand.u32 @!p1 $0x3F, s14;
	s15 =	ssub.s32 @!p1 s15, s16  }
0x3f: {  	s14 =	smul.u32 @!p1 $0x5000, s14;
	s16 =	sshrl.u32 @!p1 s15, $0x3;
	s15 =	sand.u32 @!p1 $0x7, s15  }
0x40: {  	s17 =	sand.u32 @!p1 $0x4000, s17;
	s16 =	sadd.s32 @!p1 s3, s16;
	s15 =	sshll.u32 @!p1 s15, $0x12  }
0x41: {  	s14 =	sadd.s32 @!p1 s14, s16;
	s15 =	sor.u32 @!p1 $0x800, s15;
	s16 =	simm.s32 @!p1 $0x140000  }
0x42: {  	[tilespmem:s17], [sflag:$0x1] =	stream.strided.gather @!p1 [hbm4b:s14+s15], $0x4000, s16, s15, $0x38;
	[tilespmem:$0x10200] =	vst v63  }
0x43: {  	p1 =	sge.u32 s31, s5  }
.Ltmp2:
0x44: {  	_ = 	snop;
	(pc) =	sbr.rel @p1 .LBB1_5-.Ltmp2, $1  }
0x45: {  	_ =	sdelay $0x3  }
0x46: {  	s17 =	simm.s32 $0x0  }
0x47: {  	s16 =	sand.u32 $0x3800, s17;
	s18 =	sand.u32 $0x380, s17  }
0x48: {  	s14 =	sand.u32 $0x1, s11;
	s16 =	sor.u32 s18, s16  }
0x49: {  	_ =	swait.ge [sflag:s4], $0x4000;
	s15 =	sshll.u32 s14, $0xE;
	s18 =	sand.u32 $0x3B00, s16  }
0x4a: {  	[sflag:s4] =	ssyncset.done $0x0;
	s17 =	sand.u32 $0x80, s17;
	s18 =	sadd.s32 s18, s15  }
0x4b: {  	[sflag:s4] =	ssyncadd.s32 $0xFFFFC000;
	s20 =	sadd.s32 s17, s18  }
0x4c: {  	v4 =	vld [tilespmem:s20+$0x400]  }
0x4d: {  	s19 =	simm.s32 $0x1;
	v5 =	vld [tilespmem:s20+$0x0]  }
0x4e: {  	s19 =	simm.s32 @!p0 $0x0;
	v6 =	vld [tilespmem:s20+$0x10]  }
0x4f: {  	v0 =	vmov s15;
	s31 =	smul.u32 $0x10400, s19;
	v7 =	vld [tilespmem:s20+$0x20]  }
0x50: {  	v9 =	vld [tilespmem:s20+$0x30]  }
0x51: {  	s17 =	sshrl.u32 s31, $0x2;
	v10 =	vld [tilespmem:s20+$0x40]  }
0x52: {  	s17 =	sor.u32 $0x8000, s17;
	v11 =	vld [tilespmem:s20+$0x50]  }
0x53: {  	v8 =	vld [tilespmem:s20+$0x60];
	s18 =	sadd.s32 $0x0, s17  }
0x54: {  	v1 =	vld.idx.msk [tilespmem:v0+s16+$0x410 ss:$0x1], $0xffff;
	[tilespmem:s18+$0x2080 ss:$0x41] =	vst.msk $0xffff, v4  }
0x55: {  	v2 =	vld.idx.msk [tilespmem:v0+s16+$0x420 ss:$0x1], $0xffff;
	[tilespmem:s18+$0x0 ss:$0x41] =	vst.msk $0xffff, v5  }
0x56: {  	v3 =	vld.idx.msk [tilespmem:v0+s16+$0x430 ss:$0x1], $0xffff;
	[tilespmem:s18+$0x410 ss:$0x41] =	vst.msk $0xffff, v6  }
0x57: {  	s14 =	smul.u32 $0x10400, s14;
	[tilespmem:s18+$0x820 ss:$0x41] =	vst.msk $0xffff, v7;
	v7 =	vld [tilespmem:s20+$0x70]  }
0x58: {  	s21 =	simm.s32 $0x100;
	s22 =	simm.s32 $0x8;
	[tilespmem:s18+$0xC30 ss:$0x41] =	vst.msk $0xffff, v9;
	v4 =	vld.idx.msk [tilespmem:v0+s16+$0x440 ss:$0x1], $0xffff  }
0x59: {  	s23 =	sand.u32 $0x3800, s21;
	s14 =	sshrl.u32 s14, $0x2;
	[tilespmem:s18+$0x1040 ss:$0x41] =	vst.msk $0xffff, v10;
	v5 =	vld.idx.msk [tilespmem:v0+s16+$0x450 ss:$0x1], $0xffff;
	s20 =	simm.s32 $0x80  }
0x5a: {  	s19 =	simm.s32 $0x4;
	s14 =	sor.u32 $0x8000, s14;
	[tilespmem:s18+$0x1450 ss:$0x41] =	vst.msk $0xffff, v11;
	v6 =	vld.idx.msk [tilespmem:v0+s16+$0x460 ss:$0x1], $0xffff;
	s24 =	sand.u32 $0x380, s20  }
.LBB1_3:
0x5b: {  	p1 =	sne.s32 s22, $0xFC;
	[tilespmem:s18+$0x1860 ss:$0x41] =	vst.msk $0xffff, v8;
	v8 =	vld.idx.msk [tilespmem:v0+s16+$0x470 ss:$0x1], $0xffff;
	s16 =	sor.u32 s24, s23  }
0x5c: {  	s23 =	sand.u32 $0x3B00, s16;
	v9 =	vld.idx.msk [tilespmem:v0+s16+$0x410 ss:$0x1], $0xffff;
	[tilespmem:s18+$0x1C70 ss:$0x41] =	vst.msk $0xffff, v7  }
0x5d: {  	s24 =	sand.u32 $0x80, s20;
	s23 =	sadd.s32 s23, s15;
	v7 =	vld.idx.msk [tilespmem:v0+s16+$0x420 ss:$0x1], $0xffff;
	[tilespmem:s18+$0x2490 ss:$0x41] =	vst.msk $0xffff, v1  }
0x5e: {  	s23 =	sadd.s32 s24, s23;
	v10 =	vld.idx.msk [tilespmem:v0+s16+$0x430 ss:$0x1], $0xffff;
	[tilespmem:s18+$0x28A0 ss:$0x41] =	vst.msk $0xffff, v2  }
0x5f: {  	v11 =	vld [tilespmem:s23+$0x400];
	[tilespmem:s18+$0x2CB0 ss:$0x41] =	vst.msk $0xffff, v3  }
0x60: {  	v12 =	vld [tilespmem:s23+$0x0];
	[tilespmem:s18+$0x30C0 ss:$0x41] =	vst.msk $0xffff, v4  }
0x61: {  	v4 =	vld [tilespmem:s23+$0x10];
	[tilespmem:s18+$0x34D0 ss:$0x41] =	vst.msk $0xffff, v5  }
0x62: {  	s24 =	sshra.s32 s19, $0x2;
	s19 =	smov.u32 s22;
	v1 =	vmov v9;
	v5 =	vld [tilespmem:s23+$0x20];
	[tilespmem:s18+$0x38E0 ss:$0x41] =	vst.msk $0xffff, v6  }
0x63: {  	v2 =	vmov v7;
	v6 =	vld [tilespmem:s23+$0x30];
	[tilespmem:s18+$0x3CF0 ss:$0x41] =	vst.msk $0xffff, v8;
	s18 =	sadd.s32 s24, s17  }
0x64: {  	v3 =	vmov v10;
	v9 =	vld [tilespmem:s23+$0x40];
	[tilespmem:s18+$0x2080 ss:$0x41] =	vst.msk $0xffff, v11  }
0x65: {  	[tilespmem:s18+$0x0 ss:$0x41] =	vst.msk $0xffff, v12;
	v10 =	vld [tilespmem:s23+$0x50]  }
.Ltmp3:
0x66: {  	[tilespmem:s18+$0x410 ss:$0x41] =	vst.msk $0xffff, v4;
	v8 =	vld [tilespmem:s23+$0x60];
	(pc) =	sbr.rel @p1 .LBB1_3-.Ltmp3, $4  }
0x67: {  	[tilespmem:s18+$0x820 ss:$0x41] =	vst.msk $0xffff, v5;
	v7 =	vld [tilespmem:s23+$0x70]  }
0x68: {  	[tilespmem:s18+$0xC30 ss:$0x41] =	vst.msk $0xffff, v6;
	v4 =	vld.idx.msk [tilespmem:v0+s16+$0x440 ss:$0x1], $0xffff  }
0x69: {  	s20 =	sadd.s32 $0x80, s20;
	s21 =	sadd.s32 $0x100, s21;
	[tilespmem:s18+$0x1040 ss:$0x41] =	vst.msk $0xffff, v9;
	v5 =	vld.idx.msk [tilespmem:v0+s16+$0x450 ss:$0x1], $0xffff  }
0x6a: {  	s22 =	sadd.s32 $0x4, s22;
	s24 =	sand.u32 $0x380, s20;
	s23 =	sand.u32 $0x3800, s21;
	[tilespmem:s18+$0x1450 ss:$0x41] =	vst.msk $0xffff, v10;
	v6 =	vld.idx.msk [tilespmem:v0+s16+$0x460 ss:$0x1], $0xffff  }
.Ltmp4:
0x6b: {  	_ = 	snop;
	(pc) =	sbr.rel .LBB1_4-.Ltmp4, $1  }
0x6c: {  	_ =	sdelay $0x3  }
.LBB1_6:
0x6d: {  	_ =	sfence.sel $0x180000  }
0x6e: {  	s2 =	simm.s32 $0x1;
	[bflag:$0x0] =	sbarrier.arrive $0xFFFF  }
0x6f: {  	s31 =	simm.s32 $0x2;
	[sflag:s2] =	ssyncpa.u1 $0x1  }
0x70: {  	[sflag:s31] =	ssyncpa.u1 $0x1  }
0x71: {  	p0 =	sne.s32 s0, $0x0;
	_ =	strace $0x90000053  }
0x72: {  	s0 =	sadd.s32 @!p0 $0x100000, s1;
	[bflag:$0x2] =	sbarrier.arrive $0xFFFF  }
0x73: {  	[sflag:s0] =	ssyncadd.tile.s32 @!p0 $0x1;
	_ =	shalt  }
.Lfunc_end1:
_tile_overlayer_lowered:
.L_overlay_start_2:
0x74: {  	(tag) =	ssettag $0x2  }
0x75: {  	s0 =	rddreg [dreg:$0x0];
	s2 =	stileid.u32  }
0x76: {  	s1 =	rddreg [dreg:$0x1];
	p0 =	sne.s32 s2, $0x0  }
0x77: {  	s3 =	rddreg [dreg:$0x2];
	[bflag:$0x3] =	sbarrier.arrive $0xFFFF;
	s2 =	simm.s32 @!p0 $0x1C01  }
0x78: {  	[timem:s3], [sflag:s2] =	dma.local @!p0 [hbm:s0], s1  }
0x79: {  	s0 =	simm.s32 @!p0 $0x1  }
0x7a: {  	_ =	swait.ge @!p0 [sflag:s0], s1  }
0x7b: {  	s1 =	ssub.s32 @!p0 $0x0, s1;
	[sflag:s0] =	ssyncset.done @!p0 $0x0  }
0x7c: {  	[sflag:s0] =	ssyncadd.s32 @!p0 s1  }
0x7d: {  	[bflag:$0x3] =	sbarrier.arrive $0xFFFF  }
0x7e: {  	_ =	shalt  }

</sc_bundles>
